<compile_context>
chip_gen: v7x
topology: tpu7x:2x2x1
jax: 0.10.2.dev20260603
libtpu: 0.0.44.dev20260713+nightly
codegen_flags: <defaults>
</compile_context>

<pallas_src>
import functools

import jax
import jax.numpy as jnp
from jax import lax
from jax.experimental import pallas as pl
from jax.experimental.pallas import tpu as pltpu
from jax.experimental.pallas import tpu_sc as plsc

NN = 10000
NP = 10240
EE = 320000
GG = 64
BR = 512
NB = NP // BR
BN_EPS = 1e-5
MAXLOGSTD = 10.0

NCORES = 2
NSUB = 16
NTILES = NCORES * NSUB
CH = 128
EPT = EE // NTILES
NCHUNK = -(-EPT // CH)
EPAD = NTILES * NCHUNK * CH
RPS = NP // NSUB

@functools.cache
def _get_mesh():
    return plsc.VectorSubcoreMesh(core_axis_name="c", subcore_axis_name="s")


@functools.cache
def _get_sc_deg():
    @functools.partial(
        pl.kernel,
        out_type=jax.ShapeDtypeStruct((NCORES, NP), jnp.float32),
        mesh=_get_mesh(),
        scratch_types=[
            pltpu.VMEM((NCHUNK, CH), jnp.int32),
            pltpu.VMEM((CH,), jnp.float32),
            pltpu.VMEM((RPS,), jnp.float32),
            pltpu.VMEM_SHARED((NP,), jnp.float32),
        ],
    )
    def _sc_deg(dst3, deg_out, idx_v, ones_v, zv, acc):
        c = lax.axis_index("c")
        s = lax.axis_index("s")
        wid = c * NSUB + s

        def fill_ones(i, carry):
            ones_v[pl.ds(i * 16, 16)] = jnp.full((16,), 1.0, jnp.float32)
            return carry

        lax.fori_loop(0, CH // 16, fill_ones, 0)

        def fill_zero(i, carry):
            zv[pl.ds(i * 16, 16)] = jnp.zeros((16,), jnp.float32)
            return carry

        lax.fori_loop(0, RPS // 16, fill_zero, 0)
        pltpu.sync_copy(zv, acc.at[pl.ds(s * RPS, RPS)])
        plsc.subcore_barrier()

        pltpu.sync_copy(dst3.at[wid], idx_v)

        def scat(j, carry):
            pltpu.sync_copy(ones_v, acc.at[idx_v.at[j]], add=True)
            return carry

        lax.fori_loop(0, NCHUNK, scat, 0)
        plsc.subcore_barrier()
        pltpu.sync_copy(
            acc.at[pl.ds(s * RPS, RPS)], deg_out.at[c, pl.ds(s * RPS, RPS)]
        )

    return _sc_deg


@functools.cache
def _get_sc_scatter(dout):
    @functools.partial(
        pl.kernel,
        out_type=jax.ShapeDtypeStruct((NCORES, NP, dout), jnp.float32),
        mesh=_get_mesh(),
        scratch_types=[
            pltpu.VMEM((NCHUNK, CH), jnp.int32),
            pltpu.VMEM((NCHUNK, CH), jnp.int32),
            pltpu.VMEM((CH, dout), jnp.float32),
            pltpu.VMEM_SHARED((NP, dout), jnp.float32),
            pltpu.SemaphoreType.DMA,
        ],
        compiler_params=pltpu.CompilerParams(use_tc_tiling_on_sc=False),
    )
    def sc_scatter(tmp_hbm, src3, dst3, part_out, src_v, dst_v, rows_v, acc, sem):
        c = lax.axis_index("c")
        s = lax.axis_index("s")
        wid = c * NSUB + s
        kk = dout // 16

        def fill_zero(i, carry):
            rows_v[i // kk, pl.ds((i % kk) * 16, 16)] = jnp.zeros((16,), jnp.float32)
            return carry

        lax.fori_loop(0, CH * kk, fill_zero, 0)

        def zero_acc(t, carry):
            pltpu.sync_copy(rows_v, acc.at[pl.ds(s * RPS + t * CH, CH)])
            return carry

        lax.fori_loop(0, RPS // CH, zero_acc, 0)
        plsc.subcore_barrier()

        pltpu.sync_copy(src3.at[wid], src_v)
        pltpu.sync_copy(dst3.at[wid], dst_v)

        def body(j, carry):
            pltpu.async_copy(tmp_hbm.at[src_v.at[j]], rows_v, sem).wait()
            pltpu.sync_copy(rows_v, acc.at[dst_v.at[j]], add=True)
            return carry

        lax.fori_loop(0, NCHUNK, body, 0)
        plsc.subcore_barrier()

        def copy_out(t, carry):
            sl = pl.ds(s * RPS + t * CH, CH)
            pltpu.sync_copy(acc.at[sl], part_out.at[c, sl])
            return carry

        lax.fori_loop(0, RPS // CH, copy_out, 0)

    return sc_scatter


def _entry_call(deg3, x_p, W1):
    dout = W1.shape[1]

    def body(deg_ref, x_ref, w_ref, tmp_ref, dinv_ref):
        deg = deg_ref[0] + deg_ref[1]
        dinv = lax.rsqrt(1.0 + deg)
        hw = jnp.dot(x_ref[...], w_ref[...], preferred_element_type=jnp.float32)
        tmp_ref[...] = hw * dinv
        dinv_ref[...] = dinv

    return pl.pallas_call(
        body,
        grid=(NB,),
        in_specs=[
            pl.BlockSpec((2, BR, 1), lambda i: (0, i, 0)),
            pl.BlockSpec((BR, x_p.shape[1]), lambda i: (i, 0)),
            pl.BlockSpec(W1.shape, lambda i: (0, 0)),
        ],
        out_specs=[
            pl.BlockSpec((BR, dout), lambda i: (i, 0)),
            pl.BlockSpec((BR, 1), lambda i: (i, 0)),
        ],
        out_shape=[
            jax.ShapeDtypeStruct((NP, dout), jnp.float32),
            jax.ShapeDtypeStruct((NP, 1), jnp.float32),
        ],
    )(deg3, x_p, W1)


def _finish_call(part, tmp, dinv, b, g, bt, Wn):
    dout = tmp.shape[1]
    last = Wn is None
    dnext = dout if last else Wn.shape[1]

    def body(p_ref, tmp_ref, dinv_ref, b_ref, g_ref, bt_ref, w_ref, out_ref, h_s, stat_s):
        ph = pl.program_id(0)
        i = pl.program_id(1)

        @pl.when(ph == 0)
        def _():
            h = (p_ref[0] + p_ref[1] + tmp_ref[...]) * dinv_ref[...] + b_ref[...]
            rid = lax.broadcasted_iota(jnp.int32, (BR, 1), 0) + i * BR
            hm = jnp.where(rid < NN, h, 0.0)

            @pl.when(i == 0)
            def _():
                stat_s[...] = jnp.zeros_like(stat_s)

            stat_s[0:1, :] += jnp.sum(hm, axis=0, keepdims=True)
            h_s[pl.ds(i * BR, BR), :] = h

        @pl.when(ph == 1)
        def _():
            m = stat_s[0:1, :] / NN
            h = h_s[pl.ds(i * BR, BR), :]
            rid = lax.broadcasted_iota(jnp.int32, (BR, 1), 0) + i * BR
            hc = jnp.where(rid < NN, h - m, 0.0)
            stat_s[1:2, :] += jnp.sum(hc * hc, axis=0, keepdims=True)

        @pl.when(ph == 2)
        def _():
            m = stat_s[0:1, :] / NN
            var = stat_s[1:2, :] / NN
            h = h_s[pl.ds(i * BR, BR), :]
            hn = (h - m) * lax.rsqrt(var + BN_EPS) * g_ref[...] + bt_ref[...]
            hn = jnp.maximum(hn, 0.0)
            if last:
                out_ref[...] = hn
            else:
                out_ref[...] = (
                    jnp.dot(hn, w_ref[...], preferred_element_type=jnp.float32)
                    * dinv_ref[...]
                )

    wn = jnp.zeros((dout, dnext), jnp.float32) if last else Wn
    return pl.pallas_call(
        body,
        grid=(3, NB),
        in_specs=[
            pl.BlockSpec((2, BR, dout), lambda p, i: (0, i, 0)),
            pl.BlockSpec((BR, dout), lambda p, i: (i, 0)),
            pl.BlockSpec((BR, 1), lambda p, i: (i, 0)),
            pl.BlockSpec((1, dout), lambda p, i: (0, 0)),
            pl.BlockSpec((1, dout), lambda p, i: (0, 0)),
            pl.BlockSpec((1, dout), lambda p, i: (0, 0)),
            pl.BlockSpec((dout, dnext), lambda p, i: (0, 0)),
        ],
        out_specs=pl.BlockSpec((BR, dnext), lambda p, i: (i, 0)),
        out_shape=jax.ShapeDtypeStruct((NP, dnext), jnp.float32),
        scratch_shapes=[
            pltpu.VMEM((NP, dout), jnp.float32),
            pltpu.VMEM((8, dout), jnp.float32),
        ],
    )(part, tmp, dinv, b.reshape(1, dout), g.reshape(1, dout), bt.reshape(1, dout), wn)


def _pool_call(h5, batch_p):
    F = h5.shape[1]

    def body(h_ref, b_ref, zt_ref, z_s):
        i = pl.program_id(0)

        @pl.when(i == 0)
        def _():
            z_s[...] = jnp.full((F, GG), -jnp.inf, jnp.float32)

        onehot = b_ref[...] == lax.broadcasted_iota(jnp.int32, (BR, GG), 1)
        h = h_ref[...]
        for f in range(F):
            masked = jnp.where(onehot, h[:, f : f + 1], -jnp.inf)
            z_s[f : f + 1, :] = jnp.maximum(
                z_s[f : f + 1, :], jnp.max(masked, axis=0, keepdims=True)
            )

        @pl.when(i == NB - 1)
        def _():
            zt_ref[...] = z_s[...]

    return pl.pallas_call(
        body,
        grid=(NB,),
        in_specs=[
            pl.BlockSpec((BR, F), lambda i: (i, 0)),
            pl.BlockSpec((BR, 1), lambda i: (i, 0)),
        ],
        out_specs=pl.BlockSpec((F, GG), lambda i: (0, 0)),
        out_shape=jax.ShapeDtypeStruct((F, GG), jnp.float32),
        scratch_shapes=[pltpu.VMEM((F, GG), jnp.float32)],
    )(h5, batch_p)


def _heads_call(z, mu_W, mu_b, mu_g, mu_bt, ls_W, ls_b, ls_g, ls_bt, eps):
    L = len(mu_W)
    n_out = mu_W[-1].shape[1]

    def mlp(h, Ws, bs, gs, bts):
        for i in range(L):
            h = jnp.dot(h, Ws[i], preferred_element_type=jnp.float32) + bs[i]
            if i < L - 1:
                m = jnp.mean(h, axis=0, keepdims=True)
                v = jnp.mean((h - m) ** 2, axis=0, keepdims=True)
                h = (h - m) * lax.rsqrt(v + BN_EPS) * gs[i] + bts[i]
                h = jnp.maximum(h, 0.0)
        return h

    def body(*refs):
        vals = [r[...] for r in refs[:-1]]
        out_ref = refs[-1]
        zz = vals[0]
        idx = 1
        groups = []
        for _ in range(2):
            Ws = vals[idx : idx + L]; idx += L
            bs = vals[idx : idx + L]; idx += L
            gs = vals[idx : idx + L - 1]; idx += L - 1
            bts = vals[idx : idx + L - 1]; idx += L - 1
            groups.append((Ws, bs, gs, bts))
        ev = vals[idx]
        mu = mlp(zz, *groups[0])
        ls = jnp.minimum(mlp(zz, *groups[1]), MAXLOGSTD)
        out_ref[...] = mu + ev * jnp.exp(ls)

    args = (
        [z]
        + list(mu_W) + [b.reshape(1, -1) for b in mu_b]
        + [g.reshape(1, -1) for g in mu_g] + [b.reshape(1, -1) for b in mu_bt]
        + list(ls_W) + [b.reshape(1, -1) for b in ls_b]
        + [g.reshape(1, -1) for g in ls_g] + [b.reshape(1, -1) for b in ls_bt]
        + [eps]
    )
    return pl.pallas_call(
        body,
        out_shape=jax.ShapeDtypeStruct((GG, n_out), jnp.float32),
    )(*args)


def kernel(x, edge_index, batch_indeces, gcn_W, gcn_b, gcn_gamma, gcn_beta,
           mu_W, mu_b, mu_gamma, mu_beta, ls_W, ls_b, ls_gamma, ls_beta):
    x_p = jnp.pad(x, ((0, NP - NN), (0, 0)))
    src = edge_index[0]
    dst = edge_index[1]
    epad = jnp.full((EPAD - EE,), NN, jnp.int32)
    src3 = jnp.concatenate([src, epad]).reshape(NTILES, NCHUNK, CH)
    dst3 = jnp.concatenate([dst, epad]).reshape(NTILES, NCHUNK, CH)
    batch_p = jnp.concatenate(
        [batch_indeces, jnp.full((NP - NN,), GG, jnp.int32)]
    ).reshape(NP, 1)
    n_out = mu_W[-1].shape[1]
    eps = jax.random.normal(jax.random.key(42), (GG, n_out), jnp.float32)

    degp = _get_sc_deg()(dst3)
    deg3 = degp.reshape(NCORES, NP, 1)
    tmp, dinv = _entry_call(deg3, x_p, gcn_W[0])

    L = len(gcn_W)
    h5 = None
    for l in range(L):
        dout = gcn_W[l].shape[1]
        part = _get_sc_scatter(dout)(tmp, src3, dst3)
        wn = gcn_W[l + 1] if l + 1 < L else None
        res = _finish_call(part, tmp, dinv, gcn_b[l], gcn_gamma[l], gcn_beta[l], wn)
        if l + 1 < L:
            tmp = res
        else:
            h5 = res

    zt = _pool_call(h5, batch_p)
    z = zt.T[:GG]
    out = _heads_call(z, mu_W, mu_b, mu_gamma, mu_beta,
                      ls_W, ls_b, ls_gamma, ls_beta, eps)
    return (out, z)

# --- scband reference (transcript-rebuilt; emitter-appended) ---
"""Pipeline reference for scband-vgaeencoder-2396591751511 (READ-ONLY COPY).

The authoritative reference and input builder live on the scoring server;
editing this copy changes nothing except your own understanding.
"""

import jax, jax.numpy as jnp
import numpy as np

N = 10000
E = 320000
F_IN = 128
NUM_GRAPHS = 64
HIDDEN = 64
GCN_DIMS = [(128, 128), (128, 16), (16, 32), (32, 64), (64, 32)]
MLP_CH = [32, 18, 38, 121, 18, 75, 32, 56, 64]
MAX_LOGSTD = 10.0
EPS = 1e-5


def _glorot(key, din, dout):
    s = float(np.sqrt(6.0 / (din + dout)))
    return jax.random.uniform(key, (din, dout), jnp.float32, -s, s)


def setup_inputs(seed: int = 0):
    key = jax.random.key(seed)
    ks = iter(jax.random.split(key, 64))
    x = jax.random.normal(next(ks), (N, F_IN), dtype=jnp.float32)
    edge_index = jax.random.randint(next(ks), (2, E), 0, N, dtype=jnp.int32)
    batch_indeces = jnp.sort(jax.random.randint(next(ks), (N,), 0, NUM_GRAPHS, dtype=jnp.int32))
    gcn_W = [_glorot(next(ks), di, do) for di, do in GCN_DIMS]
    gcn_b = [jnp.zeros((do,), jnp.float32) for _, do in GCN_DIMS]
    gcn_gamma = [jnp.ones((do,), jnp.float32) for _, do in GCN_DIMS]
    gcn_beta = [jnp.zeros((do,), jnp.float32) for _, do in GCN_DIMS]

    def mk_mlp():
        Ws = [_glorot(next(ks), MLP_CH[i], MLP_CH[i + 1]) for i in range(len(MLP_CH) - 1)]
        bs = [jnp.zeros((MLP_CH[i + 1],), jnp.float32) for i in range(len(MLP_CH) - 1)]
        gs = [jnp.ones((MLP_CH[i + 1],), jnp.float32) for i in range(len(MLP_CH) - 2)]
        bt = [jnp.zeros((MLP_CH[i + 1],), jnp.float32) for i in range(len(MLP_CH) - 2)]
        return Ws, bs, gs, bt

    mu_W, mu_b, mu_gamma, mu_beta = mk_mlp()
    ls_W, ls_b, ls_gamma, ls_beta = mk_mlp()
    return {"x": x, "edge_index": edge_index, "batch_indeces": batch_indeces,
            "gcn_W": gcn_W, "gcn_b": gcn_b, "gcn_gamma": gcn_gamma, "gcn_beta": gcn_beta,
            "mu_W": mu_W, "mu_b": mu_b, "mu_gamma": mu_gamma, "mu_beta": mu_beta,
            "ls_W": ls_W, "ls_b": ls_b, "ls_gamma": ls_gamma, "ls_beta": ls_beta}


def _batch_norm(h, g, b):
    m = jnp.mean(h, axis=0)
    v = jnp.var(h, axis=0)
    return (h - m) / jnp.sqrt(v + EPS) * g + b


def _gcn_conv(h, src, dst, W, b, n):
    loop = jnp.arange(n, dtype=src.dtype)
    s = jnp.concatenate([src, loop])
    d = jnp.concatenate([dst, loop])
    deg = jnp.zeros((n,), h.dtype).at[d].add(1.0)
    dinv = jnp.where(deg > 0, 1.0 / jnp.sqrt(jnp.maximum(deg, 1.0)), 0.0)
    norm = dinv[s] * dinv[d]
    hw = h @ W
    msg = hw[s] * norm[:, None]
    out = jax.ops.segment_sum(msg, d, num_segments=n)
    return out + b


def _mlp(z, Ws, bs, gs, bts):
    h = z
    L = len(Ws)
    for i in range(L):
        h = h @ Ws[i] + bs[i]
        if i < L - 1:
            h = _batch_norm(h, gs[i], bts[i])
            h = jax.nn.relu(h)
    return h


def reference(x, edge_index, batch_indeces, gcn_W, gcn_b, gcn_gamma, gcn_beta,
              mu_W, mu_b, mu_gamma, mu_beta, ls_W, ls_b, ls_gamma, ls_beta):
    n = x.shape[0]
    src = edge_index[0]
    dst = edge_index[1]
    h = x
    for W, b, g, bt in zip(gcn_W, gcn_b, gcn_gamma, gcn_beta):
        h = _gcn_conv(h, src, dst, W, b, n)
        h = _batch_norm(h, g, bt)
        h = jax.nn.relu(h)
    z = jax.ops.segment_max(h, batch_indeces, num_segments=NUM_GRAPHS)
    mu = _mlp(z, mu_W, mu_b, mu_gamma, mu_beta)
    logstd = jnp.minimum(_mlp(z, ls_W, ls_b, ls_gamma, ls_beta), MAX_LOGSTD)
    eps = jax.random.normal(jax.random.key(42), mu.shape, dtype=mu.dtype)
    out = mu + eps * jnp.exp(logstd)
    return (out, z)


if False:  # reference __main__ guard neutralized (emitter)
    inp = setup_inputs()
    o, z = reference(**inp)
    print(o.shape, z.shape)

if __name__ == "__main__":
    import jax
    _d = setup_inputs()
    print(jax.jit(kernel)(*tuple(_d.values())))

</pallas_src>

<mosaic_0001>
#map = affine_map<(d0, d1) -> (0, 0)>
#map1 = affine_map<(d0, d1) -> (0, 0, 0)>
module attributes {stable_mosaic.version = 14 : i64} {
  func.func @sc_scatter(%arg0: i32, %arg1: i32, %arg2: memref<10240x32xf32, #tpu.memory_space<hbm>>, %arg3: memref<32x79x128xi32, #tpu.memory_space<hbm>>, %arg4: memref<32x79x128xi32, #tpu.memory_space<hbm>>, %arg5: memref<2x10240x32xf32, #tpu.memory_space<hbm>>, %arg6: memref<79x128xi32, #tpu.memory_space<vmem>>, %arg7: memref<79x128xi32, #tpu.memory_space<vmem>>, %arg8: memref<128x32xf32, #tpu.memory_space<vmem>>, %arg9: memref<10240x32xf32, #tpu.memory_space<vmem_shared>>, %arg10: memref<!tpu.dma_semaphore, #tpu.memory_space<semaphore_mem>>) attributes {dimension_semantics = [#tpu.dimension_semantics<core_parallel>, #tpu.dimension_semantics<subcore_parallel>], iteration_bounds = array<i64: 2, 16>, scalar_prefetch = 0 : i64, scratch_operands = 5 : i64, tpu.core_type = #tpu.core_type<sc_vector_subcore>, window_params = [{transform_indices = #map}, {transform_indices = #map1}, {transform_indices = #map1}, {transform_indices = #map1}]} {
    %mul3A = arith.constant 16 : i32
    %mul3A_0 = arith.muli %arg0, %mul3A : i32
    %add3A = arith.addi %mul3A_0, %arg1 : i32
    %scan3A = arith.constant 0 : i32
    %scan3A_1 = arith.constant 0 : i32
    %scan3A_2 = arith.constant 256 : i32
    %scan3A_3 = arith.addi %scan3A_1, %scan3A_2 : i32
    %scan3A_4 = arith.constant 1 : i32
    scf.for %scan3A_25 = %scan3A_1 to %scan3A_3 step %scan3A_4  : i32 {
      %broadcast_in_dim3A = arith.constant 0.000000e+00 : f32
      %broadcast_in_dim3A_26 = vector.broadcast %broadcast_in_dim3A : f32 to vector<16xf32>
      %jit3A = arith.constant 2 : i32
      %div3A = arith.divsi %scan3A_25, %jit3A : i32
      %sign3A = arith.constant 0 : i32
      %sign3A_27 = arith.cmpi sgt, %scan3A_25, %sign3A : i32
      %sign3A_28 = arith.extui %sign3A_27 : i1 to i32
      %sign3A_29 = arith.constant 0 : i32
      %sign3A_30 = arith.cmpi slt, %scan3A_25, %sign3A_29 : i32
      %sign3A_31 = arith.extui %sign3A_30 : i1 to i32
      %sign3A_32 = arith.subi %sign3A_28, %sign3A_31 : i32
      %sign3A_33 = arith.constant 0 : i32
      %sign3A_34 = arith.cmpi sgt, %jit3A, %sign3A_33 : i32
      %sign3A_35 = arith.extui %sign3A_34 : i1 to i32
      %sign3A_36 = arith.constant 0 : i32
      %sign3A_37 = arith.cmpi slt, %jit3A, %sign3A_36 : i32
      %sign3A_38 = arith.extui %sign3A_37 : i1 to i32
      %sign3A_39 = arith.subi %sign3A_35, %sign3A_38 : i32
      %ne3A = arith.cmpi ne, %sign3A_32, %sign3A_39 : i32
      %rem3A = arith.remsi %scan3A_25, %jit3A : i32
      %ne3A_40 = arith.constant 0 : i32
      %ne3A_41 = arith.cmpi ne, %rem3A, %ne3A_40 : i32
      %and3A = arith.andi %ne3A, %ne3A_41 : i1
      %sub3A = arith.constant 1 : i32
      %sub3A_42 = arith.subi %div3A, %sub3A : i32
      %select_n3A = arith.select %and3A, %sub3A_42, %div3A : i32
      %jit3A_43 = arith.constant 2 : i32
      %eq3A = arith.constant 0 : i32
      %eq3A_44 = arith.cmpi eq, %jit3A_43, %eq3A : i32
      %jit3A_45 = arith.constant 1 : i32
      %select_n3A_46 = arith.select %eq3A_44, %jit3A_45, %jit3A_43 : i32
      %rem3A_47 = arith.remsi %scan3A_25, %select_n3A_46 : i32
      %ne3A_48 = arith.constant 0 : i32
      %ne3A_49 = arith.cmpi ne, %rem3A_47, %ne3A_48 : i32
      %lt3A = arith.constant 0 : i32
      %lt3A_50 = arith.cmpi slt, %rem3A_47, %lt3A : i32
      %lt3A_51 = arith.constant 0 : i32
      %lt3A_52 = arith.cmpi slt, %select_n3A_46, %lt3A_51 : i32
      %ne3A_53 = arith.xori %lt3A_50, %lt3A_52 : i1
      %and3A_54 = arith.andi %ne3A_53, %ne3A_49 : i1
      %add3A_55 = arith.addi %rem3A_47, %select_n3A_46 : i32
      %select_n3A_56 = arith.select %and3A_54, %add3A_55, %rem3A_47 : i32
      %mul3A_57 = arith.constant 16 : i32
      %mul3A_58 = arith.muli %select_n3A_56, %mul3A_57 : i32
      %swap3A = arith.index_cast %select_n3A : i32 to index
      %swap3A_59 = arith.index_cast %mul3A_58 : i32 to index
      %swap3A_60 = tpu.vector_load %arg8[%swap3A, %swap3A_59] {strides = array<i32>} : memref<128x32xf32, #tpu.memory_space<vmem>>, vector<1x16xf32>,
      %swap3A_61 = vector.shape_cast %swap3A_60 : vector<1x16xf32> to vector<16xf32>
      %swap3A_62 = vector.shape_cast %broadcast_in_dim3A_26 : vector<16xf32> to vector<1x16xf32>
      tpu.vector_store %arg8[%swap3A, %swap3A_59], %swap3A_62 {strides = array<i32>} : memref<128x32xf32, #tpu.memory_space<vmem>>, vector<1x16xf32>,
    }
    %scan3A_5 = arith.constant 256 : i32
    %scan3A_6 = arith.constant 0 : i32
    %scan3A_7 = arith.constant 0 : i32
    %scan3A_8 = arith.constant 5 : i32
    %scan3A_9 = arith.addi %scan3A_7, %scan3A_8 : i32
    %scan3A_10 = arith.constant 1 : i32
    scf.for %scan3A_25 = %scan3A_7 to %scan3A_9 step %scan3A_10  : i32 {
      %mul3A_26 = arith.constant 640 : i32
      %mul3A_27 = arith.muli %arg1, %mul3A_26 : i32
      %mul3A_28 = arith.constant 128 : i32
      %mul3A_29 = arith.muli %scan3A_25, %mul3A_28 : i32
      %add3A_30 = arith.addi %mul3A_27, %mul3A_29 : i32
      "tpu.region"() ({
        %run_scoped3A = tpu.sem_alloc : memref<!tpu.dma_semaphore, #tpu.memory_space<semaphore_mem>>
        %dma_start3A = arith.constant 0 : i32
        %dma_start3A_31 = tpu.memref_slice %arg9[%add3A_30, %dma_start3A] : memref<10240x32xf32, #tpu.memory_space<vmem_shared>> -> memref<128x32xf32, #tpu.memory_space<vmem_shared>>
        %dma_start3A_32 = arith.constant 0 : i32
        %dma_start3A_33 = tpu.memref_slice %arg9[%add3A_30, %dma_start3A_32] : memref<10240x32xf32, #tpu.memory_space<vmem_shared>> -> memref<128x32xf32, #tpu.memory_space<vmem_shared>>
        tpu.enqueue_dma source(%arg8 : memref<128x32xf32, #tpu.memory_space<vmem>>) target(%dma_start3A_33 : memref<128x32xf32, #tpu.memory_space<vmem_shared>>) target_semaphore(%run_scoped3A : memref<!tpu.dma_semaphore, #tpu.memory_space<semaphore_mem>>)
        %dma_wait3A = arith.constant 0 : i32
        %dma_wait3A_34 = tpu.memref_slice %arg9[%add3A_30, %dma_wait3A] : memref<10240x32xf32, #tpu.memory_space<vmem_shared>> -> memref<128x32xf32, #tpu.memory_space<vmem_shared>>
        %dma_wait3A_35 = arith.constant 0 : i32
        %dma_wait3A_36 = tpu.memref_slice %arg9[%add3A_30, %dma_wait3A_35] : memref<10240x32xf32, #tpu.memory_space<vmem_shared>> -> memref<128x32xf32, #tpu.memory_space<vmem_shared>>
        tpu.wait_dma2 semaphore(%run_scoped3A : memref<!tpu.dma_semaphore, #tpu.memory_space<semaphore_mem>>) src(%arg8 : memref<128x32xf32, #tpu.memory_space<vmem>>) dst(%dma_wait3A_36 : memref<128x32xf32, #tpu.memory_space<vmem_shared>>)
        tpu.yield
      }) : () -> ()
    }
    %scan3A_11 = arith.constant 5 : i32
    %barrier3A = arith.constant 0 : index
    tpu.barrier barrier_id(%barrier3A)
    "tpu.region"() ({
      %run_scoped3A = tpu.sem_alloc : memref<!tpu.dma_semaphore, #tpu.memory_space<semaphore_mem>>
      %dma_start3A = arith.constant 0 : i32
      %dma_start3A_25 = arith.constant 0 : i32
      %dma_start3A_26 = tpu.memref_slice %arg3[%add3A, %dma_start3A, %dma_start3A_25] : memref<32x79x128xi32, #tpu.memory_space<hbm>> -> memref<1x79x128xi32, #tpu.memory_space<hbm>>
      %dma_start3A_27 = tpu.memref_squeeze %dma_start3A_26 : memref<1x79x128xi32, #tpu.memory_space<hbm>> -> memref<79x128xi32, #tpu.memory_space<hbm>>
      %dma_start3A_28 = arith.constant 0 : i32
      %dma_start3A_29 = arith.constant 0 : i32
      %dma_start3A_30 = tpu.memref_slice %arg3[%add3A, %dma_start3A_28, %dma_start3A_29] : memref<32x79x128xi32, #tpu.memory_space<hbm>> -> memref<1x79x128xi32, #tpu.memory_space<hbm>>
      %dma_start3A_31 = tpu.memref_squeeze %dma_start3A_30 : memref<1x79x128xi32, #tpu.memory_space<hbm>> -> memref<79x128xi32, #tpu.memory_space<hbm>>
      tpu.enqueue_dma source(%dma_start3A_31 : memref<79x128xi32, #tpu.memory_space<hbm>>) target(%arg6 : memref<79x128xi32, #tpu.memory_space<vmem>>) target_semaphore(%run_scoped3A : memref<!tpu.dma_semaphore, #tpu.memory_space<semaphore_mem>>)
      %dma_wait3A = arith.constant 0 : i32
      %dma_wait3A_32 = arith.constant 0 : i32
      %dma_wait3A_33 = tpu.memref_slice %arg3[%add3A, %dma_wait3A, %dma_wait3A_32] : memref<32x79x128xi32, #tpu.memory_space<hbm>> -> memref<1x79x128xi32, #tpu.memory_space<hbm>>
      %dma_wait3A_34 = tpu.memref_squeeze %dma_wait3A_33 : memref<1x79x128xi32, #tpu.memory_space<hbm>> -> memref<79x128xi32, #tpu.memory_space<hbm>>
      %dma_wait3A_35 = arith.constant 0 : i32
      %dma_wait3A_36 = arith.constant 0 : i32
      %dma_wait3A_37 = tpu.memref_slice %arg3[%add3A, %dma_wait3A_35, %dma_wait3A_36] : memref<32x79x128xi32, #tpu.memory_space<hbm>> -> memref<1x79x128xi32, #tpu.memory_space<hbm>>
      %dma_wait3A_38 = tpu.memref_squeeze %dma_wait3A_37 : memref<1x79x128xi32, #tpu.memory_space<hbm>> -> memref<79x128xi32, #tpu.memory_space<hbm>>
      tpu.wait_dma2 semaphore(%run_scoped3A : memref<!tpu.dma_semaphore, #tpu.memory_space<semaphore_mem>>) src(%dma_wait3A_38 : memref<79x128xi32, #tpu.memory_space<hbm>>) dst(%arg6 : memref<79x128xi32, #tpu.memory_space<vmem>>)
      tpu.yield
    }) : () -> ()
    "tpu.region"() ({
      %run_scoped3A = tpu.sem_alloc : memref<!tpu.dma_semaphore, #tpu.memory_space<semaphore_mem>>
      %dma_start3A = arith.constant 0 : i32
      %dma_start3A_25 = arith.constant 0 : i32
      %dma_start3A_26 = tpu.memref_slice %arg4[%add3A, %dma_start3A, %dma_start3A_25] : memref<32x79x128xi32, #tpu.memory_space<hbm>> -> memref<1x79x128xi32, #tpu.memory_space<hbm>>
      %dma_start3A_27 = tpu.memref_squeeze %dma_start3A_26 : memref<1x79x128xi32, #tpu.memory_space<hbm>> -> memref<79x128xi32, #tpu.memory_space<hbm>>
      %dma_start3A_28 = arith.constant 0 : i32
      %dma_start3A_29 = arith.constant 0 : i32
      %dma_start3A_30 = tpu.memref_slice %arg4[%add3A, %dma_start3A_28, %dma_start3A_29] : memref<32x79x128xi32, #tpu.memory_space<hbm>> -> memref<1x79x128xi32, #tpu.memory_space<hbm>>
      %dma_start3A_31 = tpu.memref_squeeze %dma_start3A_30 : memref<1x79x128xi32, #tpu.memory_space<hbm>> -> memref<79x128xi32, #tpu.memory_space<hbm>>
      tpu.enqueue_dma source(%dma_start3A_31 : memref<79x128xi32, #tpu.memory_space<hbm>>) target(%arg7 : memref<79x128xi32, #tpu.memory_space<vmem>>) target_semaphore(%run_scoped3A : memref<!tpu.dma_semaphore, #tpu.memory_space<semaphore_mem>>)
      %dma_wait3A = arith.constant 0 : i32
      %dma_wait3A_32 = arith.constant 0 : i32
      %dma_wait3A_33 = tpu.memref_slice %arg4[%add3A, %dma_wait3A, %dma_wait3A_32] : memref<32x79x128xi32, #tpu.memory_space<hbm>> -> memref<1x79x128xi32, #tpu.memory_space<hbm>>
      %dma_wait3A_34 = tpu.memref_squeeze %dma_wait3A_33 : memref<1x79x128xi32, #tpu.memory_space<hbm>> -> memref<79x128xi32, #tpu.memory_space<hbm>>
      %dma_wait3A_35 = arith.constant 0 : i32
      %dma_wait3A_36 = arith.constant 0 : i32
      %dma_wait3A_37 = tpu.memref_slice %arg4[%add3A, %dma_wait3A_35, %dma_wait3A_36] : memref<32x79x128xi32, #tpu.memory_space<hbm>> -> memref<1x79x128xi32, #tpu.memory_space<hbm>>
      %dma_wait3A_38 = tpu.memref_squeeze %dma_wait3A_37 : memref<1x79x128xi32, #tpu.memory_space<hbm>> -> memref<79x128xi32, #tpu.memory_space<hbm>>
      tpu.wait_dma2 semaphore(%run_scoped3A : memref<!tpu.dma_semaphore, #tpu.memory_space<semaphore_mem>>) src(%dma_wait3A_38 : memref<79x128xi32, #tpu.memory_space<hbm>>) dst(%arg7 : memref<79x128xi32, #tpu.memory_space<vmem>>)
      tpu.yield
    }) : () -> ()
    %scan3A_12 = arith.constant 0 : i32
    %scan3A_13 = arith.constant 0 : i32
    %scan3A_14 = arith.constant 79 : i32
    %scan3A_15 = arith.addi %scan3A_13, %scan3A_14 : i32
    %scan3A_16 = arith.constant 1 : i32
    scf.for %scan3A_25 = %scan3A_13 to %scan3A_15 step %scan3A_16  : i32 {
      %dma_start3A = arith.constant 0 : i32
      %dma_start3A_26 = tpu.memref_slice %arg6[%scan3A_25, %dma_start3A] : memref<79x128xi32, #tpu.memory_space<vmem>> -> memref<1x128xi32, #tpu.memory_space<vmem>>
      %dma_start3A_27 = tpu.memref_squeeze %dma_start3A_26 : memref<1x128xi32, #tpu.memory_space<vmem>> -> memref<128xi32, #tpu.memory_space<vmem>>
      %dma_start3A_28 = arith.constant 0 : i32
      %dma_start3A_29 = arith.constant 0 : i32
      %dma_start3A_30 = tpu.memref_slice %arg2[%dma_start3A_28, %dma_start3A_29] : memref<10240x32xf32, #tpu.memory_space<hbm>> -> memref<10240x32xf32, #tpu.memory_space<hbm>>
      tpu.enqueue_indirect_dma source(%dma_start3A_30 : memref<10240x32xf32, #tpu.memory_space<hbm>>) target(%arg8 : memref<128x32xf32, #tpu.memory_space<vmem>>) offsets(%dma_start3A_27 : memref<128xi32, #tpu.memory_space<vmem>>) semaphore(%arg10 : memref<!tpu.dma_semaphore, #tpu.memory_space<semaphore_mem>>)
      %dma_wait3A = arith.constant 0 : i32
      %dma_wait3A_31 = tpu.memref_slice %arg6[%scan3A_25, %dma_wait3A] : memref<79x128xi32, #tpu.memory_space<vmem>> -> memref<1x128xi32, #tpu.memory_space<vmem>>
      %dma_wait3A_32 = tpu.memref_squeeze %dma_wait3A_31 : memref<1x128xi32, #tpu.memory_space<vmem>> -> memref<128xi32, #tpu.memory_space<vmem>>
      %dma_wait3A_33 = arith.constant 0 : i32
      %dma_wait3A_34 = arith.constant 0 : i32
      %dma_wait3A_35 = tpu.memref_slice %arg2[%dma_wait3A_33, %dma_wait3A_34] : memref<10240x32xf32, #tpu.memory_space<hbm>> -> memref<10240x32xf32, #tpu.memory_space<hbm>>
      tpu.wait_indirect_dma semaphore(%arg10 : memref<!tpu.dma_semaphore, #tpu.memory_space<semaphore_mem>>) src(%dma_wait3A_35 : memref<10240x32xf32, #tpu.memory_space<hbm>>) dst(%arg8 : memref<128x32xf32, #tpu.memory_space<vmem>>)
      "tpu.region"() ({
        %run_scoped3A = tpu.sem_alloc : memref<!tpu.dma_semaphore, #tpu.memory_space<semaphore_mem>>
        %dma_start3A_36 = arith.constant 0 : i32
        %dma_start3A_37 = tpu.memref_slice %arg7[%scan3A_25, %dma_start3A_36] : memref<79x128xi32, #tpu.memory_space<vmem>> -> memref<1x128xi32, #tpu.memory_space<vmem>>
        %dma_start3A_38 = tpu.memref_squeeze %dma_start3A_37 : memref<1x128xi32, #tpu.memory_space<vmem>> -> memref<128xi32, #tpu.memory_space<vmem>>
        %dma_start3A_39 = arith.constant 0 : i32
        %dma_start3A_40 = arith.constant 0 : i32
        %dma_start3A_41 = tpu.memref_slice %arg9[%dma_start3A_39, %dma_start3A_40] : memref<10240x32xf32, #tpu.memory_space<vmem_shared>> -> memref<10240x32xf32, #tpu.memory_space<vmem_shared>>
        tpu.enqueue_indirect_dma source(%arg8 : memref<128x32xf32, #tpu.memory_space<vmem>>) target(%dma_start3A_41 : memref<10240x32xf32, #tpu.memory_space<vmem_shared>>) offsets(%dma_start3A_38 : memref<128xi32, #tpu.memory_space<vmem>>) semaphore(%run_scoped3A : memref<!tpu.dma_semaphore, #tpu.memory_space<semaphore_mem>>) {add = true}
        %dma_wait3A_42 = arith.constant 0 : i32
        %dma_wait3A_43 = tpu.memref_slice %arg7[%scan3A_25, %dma_wait3A_42] : memref<79x128xi32, #tpu.memory_space<vmem>> -> memref<1x128xi32, #tpu.memory_space<vmem>>
        %dma_wait3A_44 = tpu.memref_squeeze %dma_wait3A_43 : memref<1x128xi32, #tpu.memory_space<vmem>> -> memref<128xi32, #tpu.memory_space<vmem>>
        %dma_wait3A_45 = arith.constant 0 : i32
        %dma_wait3A_46 = arith.constant 0 : i32
        %dma_wait3A_47 = tpu.memref_slice %arg9[%dma_wait3A_45, %dma_wait3A_46] : memref<10240x32xf32, #tpu.memory_space<vmem_shared>> -> memref<10240x32xf32, #tpu.memory_space<vmem_shared>>
        tpu.wait_indirect_dma semaphore(%run_scoped3A : memref<!tpu.dma_semaphore, #tpu.memory_space<semaphore_mem>>) src(%arg8 : memref<128x32xf32, #tpu.memory_space<vmem>>) dst(%dma_wait3A_47 : memref<10240x32xf32, #tpu.memory_space<vmem_shared>>)
        tpu.yield
      }) : () -> ()
    }
    %scan3A_17 = arith.constant 79 : i32
    %barrier3A_18 = arith.constant 0 : index
    tpu.barrier barrier_id(%barrier3A_18)
    %scan3A_19 = arith.constant 0 : i32
    %scan3A_20 = arith.constant 0 : i32
    %scan3A_21 = arith.constant 5 : i32
    %scan3A_22 = arith.addi %scan3A_20, %scan3A_21 : i32
    %scan3A_23 = arith.constant 1 : i32
    scf.for %scan3A_25 = %scan3A_20 to %scan3A_22 step %scan3A_23  : i32 {
      %mul3A_26 = arith.constant 640 : i32
      %mul3A_27 = arith.muli %arg1, %mul3A_26 : i32
      %mul3A_28 = arith.constant 128 : i32
      %mul3A_29 = arith.muli %scan3A_25, %mul3A_28 : i32
      %add3A_30 = arith.addi %mul3A_27, %mul3A_29 : i32
      "tpu.region"() ({
        %run_scoped3A = tpu.sem_alloc : memref<!tpu.dma_semaphore, #tpu.memory_space<semaphore_mem>>
        %dma_start3A = arith.constant 0 : i32
        %dma_start3A_31 = tpu.memref_slice %arg5[%arg0, %add3A_30, %dma_start3A] : memref<2x10240x32xf32, #tpu.memory_space<hbm>> -> memref<1x128x32xf32, #tpu.memory_space<hbm>>
        %dma_start3A_32 = tpu.memref_squeeze %dma_start3A_31 : memref<1x128x32xf32, #tpu.memory_space<hbm>> -> memref<128x32xf32, #tpu.memory_space<hbm>>
        %dma_start3A_33 = arith.constant 0 : i32
        %dma_start3A_34 = tpu.memref_slice %arg9[%add3A_30, %dma_start3A_33] : memref<10240x32xf32, #tpu.memory_space<vmem_shared>> -> memref<128x32xf32, #tpu.memory_space<vmem_shared>>
        tpu.enqueue_dma source(%dma_start3A_34 : memref<128x32xf32, #tpu.memory_space<vmem_shared>>) target(%dma_start3A_32 : memref<128x32xf32, #tpu.memory_space<hbm>>) target_semaphore(%run_scoped3A : memref<!tpu.dma_semaphore, #tpu.memory_space<semaphore_mem>>)
        %dma_wait3A = arith.constant 0 : i32
        %dma_wait3A_35 = tpu.memref_slice %arg5[%arg0, %add3A_30, %dma_wait3A] : memref<2x10240x32xf32, #tpu.memory_space<hbm>> -> memref<1x128x32xf32, #tpu.memory_space<hbm>>
        %dma_wait3A_36 = tpu.memref_squeeze %dma_wait3A_35 : memref<1x128x32xf32, #tpu.memory_space<hbm>> -> memref<128x32xf32, #tpu.memory_space<hbm>>
        %dma_wait3A_37 = arith.constant 0 : i32
        %dma_wait3A_38 = tpu.memref_slice %arg9[%add3A_30, %dma_wait3A_37] : memref<10240x32xf32, #tpu.memory_space<vmem_shared>> -> memref<128x32xf32, #tpu.memory_space<vmem_shared>>
        tpu.wait_dma2 semaphore(%run_scoped3A : memref<!tpu.dma_semaphore, #tpu.memory_space<semaphore_mem>>) src(%dma_wait3A_38 : memref<128x32xf32, #tpu.memory_space<vmem_shared>>) dst(%dma_wait3A_36 : memref<128x32xf32, #tpu.memory_space<hbm>>)
        tpu.yield
      }) : () -> ()
    }
    %scan3A_24 = arith.constant 5 : i32
    return
  }
}

#map = affine_map<(d0, d1) -> (0, 0)>
#map1 = affine_map<(d0, d1) -> (0, 0, 0)>
module attributes {stable_mosaic.version = 14 : i64} {
  func.func @sc_scatter(%arg0: i32, %arg1: i32, %arg2: memref<10240x128xf32, #tpu.memory_space<hbm>>, %arg3: memref<32x79x128xi32, #tpu.memory_space<hbm>>, %arg4: memref<32x79x128xi32, #tpu.memory_space<hbm>>, %arg5: memref<2x10240x128xf32, #tpu.memory_space<hbm>>, %arg6: memref<79x128xi32, #tpu.memory_space<vmem>>, %arg7: memref<79x128xi32, #tpu.memory_space<vmem>>, %arg8: memref<128x128xf32, #tpu.memory_space<vmem>>, %arg9: memref<10240x128xf32, #tpu.memory_space<vmem_shared>>, %arg10: memref<!tpu.dma_semaphore, #tpu.memory_space<semaphore_mem>>) attributes {dimension_semantics = [#tpu.dimension_semantics<core_parallel>, #tpu.dimension_semantics<subcore_parallel>], iteration_bounds = array<i64: 2, 16>, scalar_prefetch = 0 : i64, scratch_operands = 5 : i64, tpu.core_type = #tpu.core_type<sc_vector_subcore>, window_params = [{transform_indices = #map}, {transform_indices = #map1}, {transform_indices = #map1}, {transform_indices = #map1}]} {
    %mul3A = arith.constant 16 : i32
    %mul3A_0 = arith.muli %arg0, %mul3A : i32
    %add3A = arith.addi %mul3A_0, %arg1 : i32
    %scan3A = arith.constant 0 : i32
    %scan3A_1 = arith.constant 0 : i32
    %scan3A_2 = arith.constant 1024 : i32
    %scan3A_3 = arith.addi %scan3A_1, %scan3A_2 : i32
    %scan3A_4 = arith.constant 1 : i32
    scf.for %scan3A_25 = %scan3A_1 to %scan3A_3 step %scan3A_4  : i32 {
      %broadcast_in_dim3A = arith.constant 0.000000e+00 : f32
      %broadcast_in_dim3A_26 = vector.broadcast %broadcast_in_dim3A : f32 to vector<16xf32>
      %jit3A = arith.constant 8 : i32
      %div3A = arith.divsi %scan3A_25, %jit3A : i32
      %sign3A = arith.constant 0 : i32
      %sign3A_27 = arith.cmpi sgt, %scan3A_25, %sign3A : i32
      %sign3A_28 = arith.extui %sign3A_27 : i1 to i32
      %sign3A_29 = arith.constant 0 : i32
      %sign3A_30 = arith.cmpi slt, %scan3A_25, %sign3A_29 : i32
      %sign3A_31 = arith.extui %sign3A_30 : i1 to i32
      %sign3A_32 = arith.subi %sign3A_28, %sign3A_31 : i32
      %sign3A_33 = arith.constant 0 : i32
      %sign3A_34 = arith.cmpi sgt, %jit3A, %sign3A_33 : i32
      %sign3A_35 = arith.extui %sign3A_34 : i1 to i32
      %sign3A_36 = arith.constant 0 : i32
      %sign3A_37 = arith.cmpi slt, %jit3A, %sign3A_36 : i32
      %sign3A_38 = arith.extui %sign3A_37 : i1 to i32
      %sign3A_39 = arith.subi %sign3A_35, %sign3A_38 : i32
      %ne3A = arith.cmpi ne, %sign3A_32, %sign3A_39 : i32
      %rem3A = arith.remsi %scan3A_25, %jit3A : i32
      %ne3A_40 = arith.constant 0 : i32
      %ne3A_41 = arith.cmpi ne, %rem3A, %ne3A_40 : i32
      %and3A = arith.andi %ne3A, %ne3A_41 : i1
      %sub3A = arith.constant 1 : i32
      %sub3A_42 = arith.subi %div3A, %sub3A : i32
      %select_n3A = arith.select %and3A, %sub3A_42, %div3A : i32
      %jit3A_43 = arith.constant 8 : i32
      %eq3A = arith.constant 0 : i32
      %eq3A_44 = arith.cmpi eq, %jit3A_43, %eq3A : i32
      %jit3A_45 = arith.constant 1 : i32
      %select_n3A_46 = arith.select %eq3A_44, %jit3A_45, %jit3A_43 : i32
      %rem3A_47 = arith.remsi %scan3A_25, %select_n3A_46 : i32
      %ne3A_48 = arith.constant 0 : i32
      %ne3A_49 = arith.cmpi ne, %rem3A_47, %ne3A_48 : i32
      %lt3A = arith.constant 0 : i32
      %lt3A_50 = arith.cmpi slt, %rem3A_47, %lt3A : i32
      %lt3A_51 = arith.constant 0 : i32
      %lt3A_52 = arith.cmpi slt, %select_n3A_46, %lt3A_51 : i32
      %ne3A_53 = arith.xori %lt3A_50, %lt3A_52 : i1
      %and3A_54 = arith.andi %ne3A_53, %ne3A_49 : i1
      %add3A_55 = arith.addi %rem3A_47, %select_n3A_46 : i32
      %select_n3A_56 = arith.select %and3A_54, %add3A_55, %rem3A_47 : i32
      %mul3A_57 = arith.constant 16 : i32
      %mul3A_58 = arith.muli %select_n3A_56, %mul3A_57 : i32
      %swap3A = arith.index_cast %select_n3A : i32 to index
      %swap3A_59 = arith.index_cast %mul3A_58 : i32 to index
      %swap3A_60 = tpu.vector_load %arg8[%swap3A, %swap3A_59] {strides = array<i32>} : memref<128x128xf32, #tpu.memory_space<vmem>>, vector<1x16xf32>,
      %swap3A_61 = vector.shape_cast %swap3A_60 : vector<1x16xf32> to vector<16xf32>
      %swap3A_62 = vector.shape_cast %broadcast_in_dim3A_26 : vector<16xf32> to vector<1x16xf32>
      tpu.vector_store %arg8[%swap3A, %swap3A_59], %swap3A_62 {strides = array<i32>} : memref<128x128xf32, #tpu.memory_space<vmem>>, vector<1x16xf32>,
    }
    %scan3A_5 = arith.constant 1024 : i32
    %scan3A_6 = arith.constant 0 : i32
    %scan3A_7 = arith.constant 0 : i32
    %scan3A_8 = arith.constant 5 : i32
    %scan3A_9 = arith.addi %scan3A_7, %scan3A_8 : i32
    %scan3A_10 = arith.constant 1 : i32
    scf.for %scan3A_25 = %scan3A_7 to %scan3A_9 step %scan3A_10  : i32 {
      %mul3A_26 = arith.constant 640 : i32
      %mul3A_27 = arith.muli %arg1, %mul3A_26 : i32
      %mul3A_28 = arith.constant 128 : i32
      %mul3A_29 = arith.muli %scan3A_25, %mul3A_28 : i32
      %add3A_30 = arith.addi %mul3A_27, %mul3A_29 : i32
      "tpu.region"() ({
        %run_scoped3A = tpu.sem_alloc : memref<!tpu.dma_semaphore, #tpu.memory_space<semaphore_mem>>
        %dma_start3A = arith.constant 0 : i32
        %dma_start3A_31 = tpu.memref_slice %arg9[%add3A_30, %dma_start3A] : memref<10240x128xf32, #tpu.memory_space<vmem_shared>> -> memref<128x128xf32, #tpu.memory_space<vmem_shared>>
        %dma_start3A_32 = arith.constant 0 : i32
        %dma_start3A_33 = tpu.memref_slice %arg9[%add3A_30, %dma_start3A_32] : memref<10240x128xf32, #tpu.memory_space<vmem_shared>> -> memref<128x128xf32, #tpu.memory_space<vmem_shared>>
        tpu.enqueue_dma source(%arg8 : memref<128x128xf32, #tpu.memory_space<vmem>>) target(%dma_start3A_33 : memref<128x128xf32, #tpu.memory_space<vmem_shared>>) target_semaphore(%run_scoped3A : memref<!tpu.dma_semaphore, #tpu.memory_space<semaphore_mem>>)
        %dma_wait3A = arith.constant 0 : i32
        %dma_wait3A_34 = tpu.memref_slice %arg9[%add3A_30, %dma_wait3A] : memref<10240x128xf32, #tpu.memory_space<vmem_shared>> -> memref<128x128xf32, #tpu.memory_space<vmem_shared>>
        %dma_wait3A_35 = arith.constant 0 : i32
        %dma_wait3A_36 = tpu.memref_slice %arg9[%add3A_30, %dma_wait3A_35] : memref<10240x128xf32, #tpu.memory_space<vmem_shared>> -> memref<128x128xf32, #tpu.memory_space<vmem_shared>>
        tpu.wait_dma2 semaphore(%run_scoped3A : memref<!tpu.dma_semaphore, #tpu.memory_space<semaphore_mem>>) src(%arg8 : memref<128x128xf32, #tpu.memory_space<vmem>>) dst(%dma_wait3A_36 : memref<128x128xf32, #tpu.memory_space<vmem_shared>>)
        tpu.yield
      }) : () -> ()
    }
    %scan3A_11 = arith.constant 5 : i32
    %barrier3A = arith.constant 0 : index
    tpu.barrier barrier_id(%barrier3A)
    "tpu.region"() ({
      %run_scoped3A = tpu.sem_alloc : memref<!tpu.dma_semaphore, #tpu.memory_space<semaphore_mem>>
      %dma_start3A = arith.constant 0 : i32
      %dma_start3A_25 = arith.constant 0 : i32
      %dma_start3A_26 = tpu.memref_slice %arg3[%add3A, %dma_start3A, %dma_start3A_25] : memref<32x79x128xi32, #tpu.memory_space<hbm>> -> memref<1x79x128xi32, #tpu.memory_space<hbm>>
      %dma_start3A_27 = tpu.memref_squeeze %dma_start3A_26 : memref<1x79x128xi32, #tpu.memory_space<hbm>> -> memref<79x128xi32, #tpu.memory_space<hbm>>
      %dma_start3A_28 = arith.constant 0 : i32
      %dma_start3A_29 = arith.constant 0 : i32
      %dma_start3A_30 = tpu.memref_slice %arg3[%add3A, %dma_start3A_28, %dma_start3A_29] : memref<32x79x128xi32, #tpu.memory_space<hbm>> -> memref<1x79x128xi32, #tpu.memory_space<hbm>>
      %dma_start3A_31 = tpu.memref_squeeze %dma_start3A_30 : memref<1x79x128xi32, #tpu.memory_space<hbm>> -> memref<79x128xi32, #tpu.memory_space<hbm>>
      tpu.enqueue_dma source(%dma_start3A_31 : memref<79x128xi32, #tpu.memory_space<hbm>>) target(%arg6 : memref<79x128xi32, #tpu.memory_space<vmem>>) target_semaphore(%run_scoped3A : memref<!tpu.dma_semaphore, #tpu.memory_space<semaphore_mem>>)
      %dma_wait3A = arith.constant 0 : i32
      %dma_wait3A_32 = arith.constant 0 : i32
      %dma_wait3A_33 = tpu.memref_slice %arg3[%add3A, %dma_wait3A, %dma_wait3A_32] : memref<32x79x128xi32, #tpu.memory_space<hbm>> -> memref<1x79x128xi32, #tpu.memory_space<hbm>>
      %dma_wait3A_34 = tpu.memref_squeeze %dma_wait3A_33 : memref<1x79x128xi32, #tpu.memory_space<hbm>> -> memref<79x128xi32, #tpu.memory_space<hbm>>
      %dma_wait3A_35 = arith.constant 0 : i32
      %dma_wait3A_36 = arith.constant 0 : i32
      %dma_wait3A_37 = tpu.memref_slice %arg3[%add3A, %dma_wait3A_35, %dma_wait3A_36] : memref<32x79x128xi32, #tpu.memory_space<hbm>> -> memref<1x79x128xi32, #tpu.memory_space<hbm>>
      %dma_wait3A_38 = tpu.memref_squeeze %dma_wait3A_37 : memref<1x79x128xi32, #tpu.memory_space<hbm>> -> memref<79x128xi32, #tpu.memory_space<hbm>>
      tpu.wait_dma2 semaphore(%run_scoped3A : memref<!tpu.dma_semaphore, #tpu.memory_space<semaphore_mem>>) src(%dma_wait3A_38 : memref<79x128xi32, #tpu.memory_space<hbm>>) dst(%arg6 : memref<79x128xi32, #tpu.memory_space<vmem>>)
      tpu.yield
    }) : () -> ()
    "tpu.region"() ({
      %run_scoped3A = tpu.sem_alloc : memref<!tpu.dma_semaphore, #tpu.memory_space<semaphore_mem>>
      %dma_start3A = arith.constant 0 : i32
      %dma_start3A_25 = arith.constant 0 : i32
      %dma_start3A_26 = tpu.memref_slice %arg4[%add3A, %dma_start3A, %dma_start3A_25] : memref<32x79x128xi32, #tpu.memory_space<hbm>> -> memref<1x79x128xi32, #tpu.memory_space<hbm>>
      %dma_start3A_27 = tpu.memref_squeeze %dma_start3A_26 : memref<1x79x128xi32, #tpu.memory_space<hbm>> -> memref<79x128xi32, #tpu.memory_space<hbm>>
      %dma_start3A_28 = arith.constant 0 : i32
      %dma_start3A_29 = arith.constant 0 : i32
      %dma_start3A_30 = tpu.memref_slice %arg4[%add3A, %dma_start3A_28, %dma_start3A_29] : memref<32x79x128xi32, #tpu.memory_space<hbm>> -> memref<1x79x128xi32, #tpu.memory_space<hbm>>
      %dma_start3A_31 = tpu.memref_squeeze %dma_start3A_30 : memref<1x79x128xi32, #tpu.memory_space<hbm>> -> memref<79x128xi32, #tpu.memory_space<hbm>>
      tpu.enqueue_dma source(%dma_start3A_31 : memref<79x128xi32, #tpu.memory_space<hbm>>) target(%arg7 : memref<79x128xi32, #tpu.memory_space<vmem>>) target_semaphore(%run_scoped3A : memref<!tpu.dma_semaphore, #tpu.memory_space<semaphore_mem>>)
      %dma_wait3A = arith.constant 0 : i32
      %dma_wait3A_32 = arith.constant 0 : i32
      %dma_wait3A_33 = tpu.memref_slice %arg4[%add3A, %dma_wait3A, %dma_wait3A_32] : memref<32x79x128xi32, #tpu.memory_space<hbm>> -> memref<1x79x128xi32, #tpu.memory_space<hbm>>
      %dma_wait3A_34 = tpu.memref_squeeze %dma_wait3A_33 : memref<1x79x128xi32, #tpu.memory_space<hbm>> -> memref<79x128xi32, #tpu.memory_space<hbm>>
      %dma_wait3A_35 = arith.constant 0 : i32
      %dma_wait3A_36 = arith.constant 0 : i32
      %dma_wait3A_37 = tpu.memref_slice %arg4[%add3A, %dma_wait3A_35, %dma_wait3A_36] : memref<32x79x128xi32, #tpu.memory_space<hbm>> -> memref<1x79x128xi32, #tpu.memory_space<hbm>>
      %dma_wait3A_38 = tpu.memref_squeeze %dma_wait3A_37 : memref<1x79x128xi32, #tpu.memory_space<hbm>> -> memref<79x128xi32, #tpu.memory_space<hbm>>
      tpu.wait_dma2 semaphore(%run_scoped3A : memref<!tpu.dma_semaphore, #tpu.memory_space<semaphore_mem>>) src(%dma_wait3A_38 : memref<79x128xi32, #tpu.memory_space<hbm>>) dst(%arg7 : memref<79x128xi32, #tpu.memory_space<vmem>>)
      tpu.yield
    }) : () -> ()
    %scan3A_12 = arith.constant 0 : i32
    %scan3A_13 = arith.constant 0 : i32
    %scan3A_14 = arith.constant 79 : i32
    %scan3A_15 = arith.addi %scan3A_13, %scan3A_14 : i32
    %scan3A_16 = arith.constant 1 : i32
    scf.for %scan3A_25 = %scan3A_13 to %scan3A_15 step %scan3A_16  : i32 {
      %dma_start3A = arith.constant 0 : i32
      %dma_start3A_26 = tpu.memref_slice %arg6[%scan3A_25, %dma_start3A] : memref<79x128xi32, #tpu.memory_space<vmem>> -> memref<1x128xi32, #tpu.memory_space<vmem>>
      %dma_start3A_27 = tpu.memref_squeeze %dma_start3A_26 : memref<1x128xi32, #tpu.memory_space<vmem>> -> memref<128xi32, #tpu.memory_space<vmem>>
      %dma_start3A_28 = arith.constant 0 : i32
      %dma_start3A_29 = arith.constant 0 : i32
      %dma_start3A_30 = tpu.memref_slice %arg2[%dma_start3A_28, %dma_start3A_29] : memref<10240x128xf32, #tpu.memory_space<hbm>> -> memref<10240x128xf32, #tpu.memory_space<hbm>>
      tpu.enqueue_indirect_dma source(%dma_start3A_30 : memref<10240x128xf32, #tpu.memory_space<hbm>>) target(%arg8 : memref<128x128xf32, #tpu.memory_space<vmem>>) offsets(%dma_start3A_27 : memref<128xi32, #tpu.memory_space<vmem>>) semaphore(%arg10 : memref<!tpu.dma_semaphore, #tpu.memory_space<semaphore_mem>>)
      %dma_wait3A = arith.constant 0 : i32
      %dma_wait3A_31 = tpu.memref_slice %arg6[%scan3A_25, %dma_wait3A] : memref<79x128xi32, #tpu.memory_space<vmem>> -> memref<1x128xi32, #tpu.memory_space<vmem>>
      %dma_wait3A_32 = tpu.memref_squeeze %dma_wait3A_31 : memref<1x128xi32, #tpu.memory_space<vmem>> -> memref<128xi32, #tpu.memory_space<vmem>>
      %dma_wait3A_33 = arith.constant 0 : i32
      %dma_wait3A_34 = arith.constant 0 : i32
      %dma_wait3A_35 = tpu.memref_slice %arg2[%dma_wait3A_33, %dma_wait3A_34] : memref<10240x128xf32, #tpu.memory_space<hbm>> -> memref<10240x128xf32, #tpu.memory_space<hbm>>
      tpu.wait_indirect_dma semaphore(%arg10 : memref<!tpu.dma_semaphore, #tpu.memory_space<semaphore_mem>>) src(%dma_wait3A_35 : memref<10240x128xf32, #tpu.memory_space<hbm>>) dst(%arg8 : memref<128x128xf32, #tpu.memory_space<vmem>>)
      "tpu.region"() ({
        %run_scoped3A = tpu.sem_alloc : memref<!tpu.dma_semaphore, #tpu.memory_space<semaphore_mem>>
        %dma_start3A_36 = arith.constant 0 : i32
        %dma_start3A_37 = tpu.memref_slice %arg7[%scan3A_25, %dma_start3A_36] : memref<79x128xi32, #tpu.memory_space<vmem>> -> memref<1x128xi32, #tpu.memory_space<vmem>>
        %dma_start3A_38 = tpu.memref_squeeze %dma_start3A_37 : memref<1x128xi32, #tpu.memory_space<vmem>> -> memref<128xi32, #tpu.memory_space<vmem>>
        %dma_start3A_39 = arith.constant 0 : i32
        %dma_start3A_40 = arith.constant 0 : i32
        %dma_start3A_41 = tpu.memref_slice %arg9[%dma_start3A_39, %dma_start3A_40] : memref<10240x128xf32, #tpu.memory_space<vmem_shared>> -> memref<10240x128xf32, #tpu.memory_space<vmem_shared>>
        tpu.enqueue_indirect_dma source(%arg8 : memref<128x128xf32, #tpu.memory_space<vmem>>) target(%dma_start3A_41 : memref<10240x128xf32, #tpu.memory_space<vmem_shared>>) offsets(%dma_start3A_38 : memref<128xi32, #tpu.memory_space<vmem>>) semaphore(%run_scoped3A : memref<!tpu.dma_semaphore, #tpu.memory_space<semaphore_mem>>) {add = true}
        %dma_wait3A_42 = arith.constant 0 : i32
        %dma_wait3A_43 = tpu.memref_slice %arg7[%scan3A_25, %dma_wait3A_42] : memref<79x128xi32, #tpu.memory_space<vmem>> -> memref<1x128xi32, #tpu.memory_space<vmem>>
        %dma_wait3A_44 = tpu.memref_squeeze %dma_wait3A_43 : memref<1x128xi32, #tpu.memory_space<vmem>> -> memref<128xi32, #tpu.memory_space<vmem>>
        %dma_wait3A_45 = arith.constant 0 : i32
        %dma_wait3A_46 = arith.constant 0 : i32
        %dma_wait3A_47 = tpu.memref_slice %arg9[%dma_wait3A_45, %dma_wait3A_46] : memref<10240x128xf32, #tpu.memory_space<vmem_shared>> -> memref<10240x128xf32, #tpu.memory_space<vmem_shared>>
        tpu.wait_indirect_dma semaphore(%run_scoped3A : memref<!tpu.dma_semaphore, #tpu.memory_space<semaphore_mem>>) src(%arg8 : memref<128x128xf32, #tpu.memory_space<vmem>>) dst(%dma_wait3A_47 : memref<10240x128xf32, #tpu.memory_space<vmem_shared>>)
        tpu.yield
      }) : () -> ()
    }
    %scan3A_17 = arith.constant 79 : i32
    %barrier3A_18 = arith.constant 0 : index
    tpu.barrier barrier_id(%barrier3A_18)
    %scan3A_19 = arith.constant 0 : i32
    %scan3A_20 = arith.constant 0 : i32
    %scan3A_21 = arith.constant 5 : i32
    %scan3A_22 = arith.addi %scan3A_20, %scan3A_21 : i32
    %scan3A_23 = arith.constant 1 : i32
    scf.for %scan3A_25 = %scan3A_20 to %scan3A_22 step %scan3A_23  : i32 {
      %mul3A_26 = arith.constant 640 : i32
      %mul3A_27 = arith.muli %arg1, %mul3A_26 : i32
      %mul3A_28 = arith.constant 128 : i32
      %mul3A_29 = arith.muli %scan3A_25, %mul3A_28 : i32
      %add3A_30 = arith.addi %mul3A_27, %mul3A_29 : i32
      "tpu.region"() ({
        %run_scoped3A = tpu.sem_alloc : memref<!tpu.dma_semaphore, #tpu.memory_space<semaphore_mem>>
        %dma_start3A = arith.constant 0 : i32
        %dma_start3A_31 = tpu.memref_slice %arg5[%arg0, %add3A_30, %dma_start3A] : memref<2x10240x128xf32, #tpu.memory_space<hbm>> -> memref<1x128x128xf32, #tpu.memory_space<hbm>>
        %dma_start3A_32 = tpu.memref_squeeze %dma_start3A_31 : memref<1x128x128xf32, #tpu.memory_space<hbm>> -> memref<128x128xf32, #tpu.memory_space<hbm>>
        %dma_start3A_33 = arith.constant 0 : i32
        %dma_start3A_34 = tpu.memref_slice %arg9[%add3A_30, %dma_start3A_33] : memref<10240x128xf32, #tpu.memory_space<vmem_shared>> -> memref<128x128xf32, #tpu.memory_space<vmem_shared>>
        tpu.enqueue_dma source(%dma_start3A_34 : memref<128x128xf32, #tpu.memory_space<vmem_shared>>) target(%dma_start3A_32 : memref<128x128xf32, #tpu.memory_space<hbm>>) target_semaphore(%run_scoped3A : memref<!tpu.dma_semaphore, #tpu.memory_space<semaphore_mem>>)
        %dma_wait3A = arith.constant 0 : i32
        %dma_wait3A_35 = tpu.memref_slice %arg5[%arg0, %add3A_30, %dma_wait3A] : memref<2x10240x128xf32, #tpu.memory_space<hbm>> -> memref<1x128x128xf32, #tpu.memory_space<hbm>>
        %dma_wait3A_36 = tpu.memref_squeeze %dma_wait3A_35 : memref<1x128x128xf32, #tpu.memory_space<hbm>> -> memref<128x128xf32, #tpu.memory_space<hbm>>
        %dma_wait3A_37 = arith.constant 0 : i32
        %dma_wait3A_38 = tpu.memref_slice %arg9[%add3A_30, %dma_wait3A_37] : memref<10240x128xf32, #tpu.memory_space<vmem_shared>> -> memref<128x128xf32, #tpu.memory_space<vmem_shared>>
        tpu.wait_dma2 semaphore(%run_scoped3A : memref<!tpu.dma_semaphore, #tpu.memory_space<semaphore_mem>>) src(%dma_wait3A_38 : memref<128x128xf32, #tpu.memory_space<vmem_shared>>) dst(%dma_wait3A_36 : memref<128x128xf32, #tpu.memory_space<hbm>>)
        tpu.yield
      }) : () -> ()
    }
    %scan3A_24 = arith.constant 5 : i32
    return
  }
}

#map = affine_map<(d0, d1) -> (0, 0, 0)>
#map1 = affine_map<(d0, d1) -> (0, 0)>
module attributes {stable_mosaic.version = 14 : i64} {
  func.func @_sc_deg(%arg0: i32, %arg1: i32, %arg2: memref<32x79x128xi32, #tpu.memory_space<hbm>>, %arg3: memref<2x10240xf32, #tpu.memory_space<hbm>>, %arg4: memref<79x128xi32, #tpu.memory_space<vmem>>, %arg5: memref<128xf32, #tpu.memory_space<vmem>>, %arg6: memref<640xf32, #tpu.memory_space<vmem>>, %arg7: memref<10240xf32, #tpu.memory_space<vmem_shared>>) attributes {dimension_semantics = [#tpu.dimension_semantics<core_parallel>, #tpu.dimension_semantics<subcore_parallel>], iteration_bounds = array<i64: 2, 16>, scalar_prefetch = 0 : i64, scratch_operands = 4 : i64, tpu.core_type = #tpu.core_type<sc_vector_subcore>, window_params = [{transform_indices = #map}, {transform_indices = #map1}]} {
    %mul3A = arith.constant 16 : i32
    %mul3A_0 = arith.muli %arg0, %mul3A : i32
    %add3A = arith.addi %mul3A_0, %arg1 : i32
    %scan3A = arith.constant 0 : i32
    %scan3A_1 = arith.constant 0 : i32
    %scan3A_2 = arith.constant 8 : i32
    %scan3A_3 = arith.addi %scan3A_1, %scan3A_2 : i32
    %scan3A_4 = arith.constant 1 : i32
    scf.for %scan3A_25 = %scan3A_1 to %scan3A_3 step %scan3A_4  : i32 {
      %broadcast_in_dim3A = arith.constant 1.000000e+00 : f32
      %broadcast_in_dim3A_26 = vector.broadcast %broadcast_in_dim3A : f32 to vector<16xf32>
      %mul3A_27 = arith.constant 16 : i32
      %mul3A_28 = arith.muli %scan3A_25, %mul3A_27 : i32
      %swap3A = arith.index_cast %mul3A_28 : i32 to index
      %swap3A_29 = tpu.vector_load %arg5[%swap3A] {strides = array<i32>} : memref<128xf32, #tpu.memory_space<vmem>>, vector<16xf32>,
      %swap3A_30 = vector.shape_cast %swap3A_29 : vector<16xf32> to vector<16xf32>
      %swap3A_31 = vector.shape_cast %broadcast_in_dim3A_26 : vector<16xf32> to vector<16xf32>
      tpu.vector_store %arg5[%swap3A], %swap3A_31 {strides = array<i32>} : memref<128xf32, #tpu.memory_space<vmem>>, vector<16xf32>,
    }
    %scan3A_5 = arith.constant 8 : i32
    %scan3A_6 = arith.constant 0 : i32
    %scan3A_7 = arith.constant 0 : i32
    %scan3A_8 = arith.constant 40 : i32
    %scan3A_9 = arith.addi %scan3A_7, %scan3A_8 : i32
    %scan3A_10 = arith.constant 1 : i32
    scf.for %scan3A_25 = %scan3A_7 to %scan3A_9 step %scan3A_10  : i32 {
      %broadcast_in_dim3A = arith.constant 0.000000e+00 : f32
      %broadcast_in_dim3A_26 = vector.broadcast %broadcast_in_dim3A : f32 to vector<16xf32>
      %mul3A_27 = arith.constant 16 : i32
      %mul3A_28 = arith.muli %scan3A_25, %mul3A_27 : i32
      %swap3A = arith.index_cast %mul3A_28 : i32 to index
      %swap3A_29 = tpu.vector_load %arg6[%swap3A] {strides = array<i32>} : memref<640xf32, #tpu.memory_space<vmem>>, vector<16xf32>,
      %swap3A_30 = vector.shape_cast %swap3A_29 : vector<16xf32> to vector<16xf32>
      %swap3A_31 = vector.shape_cast %broadcast_in_dim3A_26 : vector<16xf32> to vector<16xf32>
      tpu.vector_store %arg6[%swap3A], %swap3A_31 {strides = array<i32>} : memref<640xf32, #tpu.memory_space<vmem>>, vector<16xf32>,
    }
    %scan3A_11 = arith.constant 40 : i32
    %mul3A_12 = arith.constant 640 : i32
    %mul3A_13 = arith.muli %arg1, %mul3A_12 : i32
    "tpu.region"() ({
      %run_scoped3A = tpu.sem_alloc : memref<!tpu.dma_semaphore, #tpu.memory_space<semaphore_mem>>
      %dma_start3A = tpu.memref_slice %arg7[%mul3A_13] : memref<10240xf32, #tpu.memory_space<vmem_shared>> -> memref<640xf32, #tpu.memory_space<vmem_shared>>
      %dma_start3A_25 = tpu.memref_slice %arg7[%mul3A_13] : memref<10240xf32, #tpu.memory_space<vmem_shared>> -> memref<640xf32, #tpu.memory_space<vmem_shared>>
      tpu.enqueue_dma source(%arg6 : memref<640xf32, #tpu.memory_space<vmem>>) target(%dma_start3A_25 : memref<640xf32, #tpu.memory_space<vmem_shared>>) target_semaphore(%run_scoped3A : memref<!tpu.dma_semaphore, #tpu.memory_space<semaphore_mem>>)
      %dma_wait3A = tpu.memref_slice %arg7[%mul3A_13] : memref<10240xf32, #tpu.memory_space<vmem_shared>> -> memref<640xf32, #tpu.memory_space<vmem_shared>>
      %dma_wait3A_26 = tpu.memref_slice %arg7[%mul3A_13] : memref<10240xf32, #tpu.memory_space<vmem_shared>> -> memref<640xf32, #tpu.memory_space<vmem_shared>>
      tpu.wait_dma2 semaphore(%run_scoped3A : memref<!tpu.dma_semaphore, #tpu.memory_space<semaphore_mem>>) src(%arg6 : memref<640xf32, #tpu.memory_space<vmem>>) dst(%dma_wait3A_26 : memref<640xf32, #tpu.memory_space<vmem_shared>>)
      tpu.yield
    }) : () -> ()
    %barrier3A = arith.constant 0 : index
    tpu.barrier barrier_id(%barrier3A)
    "tpu.region"() ({
      %run_scoped3A = tpu.sem_alloc : memref<!tpu.dma_semaphore, #tpu.memory_space<semaphore_mem>>
      %dma_start3A = arith.constant 0 : i32
      %dma_start3A_25 = arith.constant 0 : i32
      %dma_start3A_26 = tpu.memref_slice %arg2[%add3A, %dma_start3A, %dma_start3A_25] : memref<32x79x128xi32, #tpu.memory_space<hbm>> -> memref<1x79x128xi32, #tpu.memory_space<hbm>>
      %dma_start3A_27 = tpu.memref_squeeze %dma_start3A_26 : memref<1x79x128xi32, #tpu.memory_space<hbm>> -> memref<79x128xi32, #tpu.memory_space<hbm>>
      %dma_start3A_28 = arith.constant 0 : i32
      %dma_start3A_29 = arith.constant 0 : i32
      %dma_start3A_30 = tpu.memref_slice %arg2[%add3A, %dma_start3A_28, %dma_start3A_29] : memref<32x79x128xi32, #tpu.memory_space<hbm>> -> memref<1x79x128xi32, #tpu.memory_space<hbm>>
      %dma_start3A_31 = tpu.memref_squeeze %dma_start3A_30 : memref<1x79x128xi32, #tpu.memory_space<hbm>> -> memref<79x128xi32, #tpu.memory_space<hbm>>
      tpu.enqueue_dma source(%dma_start3A_31 : memref<79x128xi32, #tpu.memory_space<hbm>>) target(%arg4 : memref<79x128xi32, #tpu.memory_space<vmem>>) target_semaphore(%run_scoped3A : memref<!tpu.dma_semaphore, #tpu.memory_space<semaphore_mem>>)
      %dma_wait3A = arith.constant 0 : i32
      %dma_wait3A_32 = arith.constant 0 : i32
      %dma_wait3A_33 = tpu.memref_slice %arg2[%add3A, %dma_wait3A, %dma_wait3A_32] : memref<32x79x128xi32, #tpu.memory_space<hbm>> -> memref<1x79x128xi32, #tpu.memory_space<hbm>>
      %dma_wait3A_34 = tpu.memref_squeeze %dma_wait3A_33 : memref<1x79x128xi32, #tpu.memory_space<hbm>> -> memref<79x128xi32, #tpu.memory_space<hbm>>
      %dma_wait3A_35 = arith.constant 0 : i32
      %dma_wait3A_36 = arith.constant 0 : i32
      %dma_wait3A_37 = tpu.memref_slice %arg2[%add3A, %dma_wait3A_35, %dma_wait3A_36] : memref<32x79x128xi32, #tpu.memory_space<hbm>> -> memref<1x79x128xi32, #tpu.memory_space<hbm>>
      %dma_wait3A_38 = tpu.memref_squeeze %dma_wait3A_37 : memref<1x79x128xi32, #tpu.memory_space<hbm>> -> memref<79x128xi32, #tpu.memory_space<hbm>>
      tpu.wait_dma2 semaphore(%run_scoped3A : memref<!tpu.dma_semaphore, #tpu.memory_space<semaphore_mem>>) src(%dma_wait3A_38 : memref<79x128xi32, #tpu.memory_space<hbm>>) dst(%arg4 : memref<79x128xi32, #tpu.memory_space<vmem>>)
      tpu.yield
    }) : () -> ()
    %scan3A_14 = arith.constant 0 : i32
    %scan3A_15 = arith.constant 0 : i32
    %scan3A_16 = arith.constant 79 : i32
    %scan3A_17 = arith.addi %scan3A_15, %scan3A_16 : i32
    %scan3A_18 = arith.constant 1 : i32
    scf.for %scan3A_25 = %scan3A_15 to %scan3A_17 step %scan3A_18  : i32 {
      "tpu.region"() ({
        %run_scoped3A = tpu.sem_alloc : memref<!tpu.dma_semaphore, #tpu.memory_space<semaphore_mem>>
        %dma_start3A = arith.constant 0 : i32
        %dma_start3A_26 = tpu.memref_slice %arg4[%scan3A_25, %dma_start3A] : memref<79x128xi32, #tpu.memory_space<vmem>> -> memref<1x128xi32, #tpu.memory_space<vmem>>
        %dma_start3A_27 = tpu.memref_squeeze %dma_start3A_26 : memref<1x128xi32, #tpu.memory_space<vmem>> -> memref<128xi32, #tpu.memory_space<vmem>>
        %dma_start3A_28 = arith.constant 0 : i32
        %dma_start3A_29 = tpu.memref_slice %arg7[%dma_start3A_28] : memref<10240xf32, #tpu.memory_space<vmem_shared>> -> memref<10240xf32, #tpu.memory_space<vmem_shared>>
        tpu.enqueue_indirect_dma source(%arg5 : memref<128xf32, #tpu.memory_space<vmem>>) target(%dma_start3A_29 : memref<10240xf32, #tpu.memory_space<vmem_shared>>) offsets(%dma_start3A_27 : memref<128xi32, #tpu.memory_space<vmem>>) semaphore(%run_scoped3A : memref<!tpu.dma_semaphore, #tpu.memory_space<semaphore_mem>>) {add = true}
        %dma_wait3A = arith.constant 0 : i32
        %dma_wait3A_30 = tpu.memref_slice %arg4[%scan3A_25, %dma_wait3A] : memref<79x128xi32, #tpu.memory_space<vmem>> -> memref<1x128xi32, #tpu.memory_space<vmem>>
        %dma_wait3A_31 = tpu.memref_squeeze %dma_wait3A_30 : memref<1x128xi32, #tpu.memory_space<vmem>> -> memref<128xi32, #tpu.memory_space<vmem>>
        %dma_wait3A_32 = arith.constant 0 : i32
        %dma_wait3A_33 = tpu.memref_slice %arg7[%dma_wait3A_32] : memref<10240xf32, #tpu.memory_space<vmem_shared>> -> memref<10240xf32, #tpu.memory_space<vmem_shared>>
        tpu.wait_indirect_dma semaphore(%run_scoped3A : memref<!tpu.dma_semaphore, #tpu.memory_space<semaphore_mem>>) src(%arg5 : memref<128xf32, #tpu.memory_space<vmem>>) dst(%dma_wait3A_33 : memref<10240xf32, #tpu.memory_space<vmem_shared>>)
        tpu.yield
      }) : () -> ()
    }
    %scan3A_19 = arith.constant 79 : i32
    %barrier3A_20 = arith.constant 0 : index
    tpu.barrier barrier_id(%barrier3A_20)
    %mul3A_21 = arith.constant 640 : i32
    %mul3A_22 = arith.muli %arg1, %mul3A_21 : i32
    %mul3A_23 = arith.constant 640 : i32
    %mul3A_24 = arith.muli %arg1, %mul3A_23 : i32
    "tpu.region"() ({
      %run_scoped3A = tpu.sem_alloc : memref<!tpu.dma_semaphore, #tpu.memory_space<semaphore_mem>>
      %dma_start3A = tpu.memref_slice %arg3[%arg0, %mul3A_24] : memref<2x10240xf32, #tpu.memory_space<hbm>> -> memref<1x640xf32, #tpu.memory_space<hbm>>
      %dma_start3A_25 = tpu.memref_squeeze %dma_start3A : memref<1x640xf32, #tpu.memory_space<hbm>> -> memref<640xf32, #tpu.memory_space<hbm>>
      %dma_start3A_26 = tpu.memref_slice %arg7[%mul3A_22] : memref<10240xf32, #tpu.memory_space<vmem_shared>> -> memref<640xf32, #tpu.memory_space<vmem_shared>>
      tpu.enqueue_dma source(%dma_start3A_26 : memref<640xf32, #tpu.memory_space<vmem_shared>>) target(%dma_start3A_25 : memref<640xf32, #tpu.memory_space<hbm>>) target_semaphore(%run_scoped3A : memref<!tpu.dma_semaphore, #tpu.memory_space<semaphore_mem>>)
      %dma_wait3A = tpu.memref_slice %arg3[%arg0, %mul3A_24] : memref<2x10240xf32, #tpu.memory_space<hbm>> -> memref<1x640xf32, #tpu.memory_space<hbm>>
      %dma_wait3A_27 = tpu.memref_squeeze %dma_wait3A : memref<1x640xf32, #tpu.memory_space<hbm>> -> memref<640xf32, #tpu.memory_space<hbm>>
      %dma_wait3A_28 = tpu.memref_slice %arg7[%mul3A_22] : memref<10240xf32, #tpu.memory_space<vmem_shared>> -> memref<640xf32, #tpu.memory_space<vmem_shared>>
      tpu.wait_dma2 semaphore(%run_scoped3A : memref<!tpu.dma_semaphore, #tpu.memory_space<semaphore_mem>>) src(%dma_wait3A_28 : memref<640xf32, #tpu.memory_space<vmem_shared>>) dst(%dma_wait3A_27 : memref<640xf32, #tpu.memory_space<hbm>>)
      tpu.yield
    }) : () -> ()
    return
  }
}

#map = affine_map<(d0, d1) -> (0, 0)>
#map1 = affine_map<(d0, d1) -> (0, 0, 0)>
module attributes {stable_mosaic.version = 14 : i64} {
  func.func @sc_scatter(%arg0: i32, %arg1: i32, %arg2: memref<10240x16xf32, #tpu.memory_space<hbm>>, %arg3: memref<32x79x128xi32, #tpu.memory_space<hbm>>, %arg4: memref<32x79x128xi32, #tpu.memory_space<hbm>>, %arg5: memref<2x10240x16xf32, #tpu.memory_space<hbm>>, %arg6: memref<79x128xi32, #tpu.memory_space<vmem>>, %arg7: memref<79x128xi32, #tpu.memory_space<vmem>>, %arg8: memref<128x16xf32, #tpu.memory_space<vmem>>, %arg9: memref<10240x16xf32, #tpu.memory_space<vmem_shared>>, %arg10: memref<!tpu.dma_semaphore, #tpu.memory_space<semaphore_mem>>) attributes {dimension_semantics = [#tpu.dimension_semantics<core_parallel>, #tpu.dimension_semantics<subcore_parallel>], iteration_bounds = array<i64: 2, 16>, scalar_prefetch = 0 : i64, scratch_operands = 5 : i64, tpu.core_type = #tpu.core_type<sc_vector_subcore>, window_params = [{transform_indices = #map}, {transform_indices = #map1}, {transform_indices = #map1}, {transform_indices = #map1}]} {
    %mul3A = arith.constant 16 : i32
    %mul3A_0 = arith.muli %arg0, %mul3A : i32
    %add3A = arith.addi %mul3A_0, %arg1 : i32
    %scan3A = arith.constant 0 : i32
    %scan3A_1 = arith.constant 0 : i32
    %scan3A_2 = arith.constant 128 : i32
    %scan3A_3 = arith.addi %scan3A_1, %scan3A_2 : i32
    %scan3A_4 = arith.constant 1 : i32
    scf.for %scan3A_25 = %scan3A_1 to %scan3A_3 step %scan3A_4  : i32 {
      %broadcast_in_dim3A = arith.constant 0.000000e+00 : f32
      %broadcast_in_dim3A_26 = vector.broadcast %broadcast_in_dim3A : f32 to vector<16xf32>
      %jit3A = arith.constant 1 : i32
      %div3A = arith.divsi %scan3A_25, %jit3A : i32
      %sign3A = arith.constant 0 : i32
      %sign3A_27 = arith.cmpi sgt, %scan3A_25, %sign3A : i32
      %sign3A_28 = arith.extui %sign3A_27 : i1 to i32
      %sign3A_29 = arith.constant 0 : i32
      %sign3A_30 = arith.cmpi slt, %scan3A_25, %sign3A_29 : i32
      %sign3A_31 = arith.extui %sign3A_30 : i1 to i32
      %sign3A_32 = arith.subi %sign3A_28, %sign3A_31 : i32
      %sign3A_33 = arith.constant 0 : i32
      %sign3A_34 = arith.cmpi sgt, %jit3A, %sign3A_33 : i32
      %sign3A_35 = arith.extui %sign3A_34 : i1 to i32
      %sign3A_36 = arith.constant 0 : i32
      %sign3A_37 = arith.cmpi slt, %jit3A, %sign3A_36 : i32
      %sign3A_38 = arith.extui %sign3A_37 : i1 to i32
      %sign3A_39 = arith.subi %sign3A_35, %sign3A_38 : i32
      %ne3A = arith.cmpi ne, %sign3A_32, %sign3A_39 : i32
      %rem3A = arith.remsi %scan3A_25, %jit3A : i32
      %ne3A_40 = arith.constant 0 : i32
      %ne3A_41 = arith.cmpi ne, %rem3A, %ne3A_40 : i32
      %and3A = arith.andi %ne3A, %ne3A_41 : i1
      %sub3A = arith.constant 1 : i32
      %sub3A_42 = arith.subi %div3A, %sub3A : i32
      %select_n3A = arith.select %and3A, %sub3A_42, %div3A : i32
      %jit3A_43 = arith.constant 1 : i32
      %eq3A = arith.constant 0 : i32
      %eq3A_44 = arith.cmpi eq, %jit3A_43, %eq3A : i32
      %jit3A_45 = arith.constant 1 : i32
      %select_n3A_46 = arith.select %eq3A_44, %jit3A_45, %jit3A_43 : i32
      %rem3A_47 = arith.remsi %scan3A_25, %select_n3A_46 : i32
      %ne3A_48 = arith.constant 0 : i32
      %ne3A_49 = arith.cmpi ne, %rem3A_47, %ne3A_48 : i32
      %lt3A = arith.constant 0 : i32
      %lt3A_50 = arith.cmpi slt, %rem3A_47, %lt3A : i32
      %lt3A_51 = arith.constant 0 : i32
      %lt3A_52 = arith.cmpi slt, %select_n3A_46, %lt3A_51 : i32
      %ne3A_53 = arith.xori %lt3A_50, %lt3A_52 : i1
      %and3A_54 = arith.andi %ne3A_53, %ne3A_49 : i1
      %add3A_55 = arith.addi %rem3A_47, %select_n3A_46 : i32
      %select_n3A_56 = arith.select %and3A_54, %add3A_55, %rem3A_47 : i32
      %mul3A_57 = arith.constant 16 : i32
      %mul3A_58 = arith.muli %select_n3A_56, %mul3A_57 : i32
      %swap3A = arith.index_cast %select_n3A : i32 to index
      %swap3A_59 = arith.index_cast %mul3A_58 : i32 to index
      %swap3A_60 = tpu.vector_load %arg8[%swap3A, %swap3A_59] {strides = array<i32>} : memref<128x16xf32, #tpu.memory_space<vmem>>, vector<1x16xf32>,
      %swap3A_61 = vector.shape_cast %swap3A_60 : vector<1x16xf32> to vector<16xf32>
      %swap3A_62 = vector.shape_cast %broadcast_in_dim3A_26 : vector<16xf32> to vector<1x16xf32>
      tpu.vector_store %arg8[%swap3A, %swap3A_59], %swap3A_62 {strides = array<i32>} : memref<128x16xf32, #tpu.memory_space<vmem>>, vector<1x16xf32>,
    }
    %scan3A_5 = arith.constant 128 : i32
    %scan3A_6 = arith.constant 0 : i32
    %scan3A_7 = arith.constant 0 : i32
    %scan3A_8 = arith.constant 5 : i32
    %scan3A_9 = arith.addi %scan3A_7, %scan3A_8 : i32
    %scan3A_10 = arith.constant 1 : i32
    scf.for %scan3A_25 = %scan3A_7 to %scan3A_9 step %scan3A_10  : i32 {
      %mul3A_26 = arith.constant 640 : i32
      %mul3A_27 = arith.muli %arg1, %mul3A_26 : i32
      %mul3A_28 = arith.constant 128 : i32
      %mul3A_29 = arith.muli %scan3A_25, %mul3A_28 : i32
      %add3A_30 = arith.addi %mul3A_27, %mul3A_29 : i32
      "tpu.region"() ({
        %run_scoped3A = tpu.sem_alloc : memref<!tpu.dma_semaphore, #tpu.memory_space<semaphore_mem>>
        %dma_start3A = arith.constant 0 : i32
        %dma_start3A_31 = tpu.memref_slice %arg9[%add3A_30, %dma_start3A] : memref<10240x16xf32, #tpu.memory_space<vmem_shared>> -> memref<128x16xf32, #tpu.memory_space<vmem_shared>>
        %dma_start3A_32 = arith.constant 0 : i32
        %dma_start3A_33 = tpu.memref_slice %arg9[%add3A_30, %dma_start3A_32] : memref<10240x16xf32, #tpu.memory_space<vmem_shared>> -> memref<128x16xf32, #tpu.memory_space<vmem_shared>>
        tpu.enqueue_dma source(%arg8 : memref<128x16xf32, #tpu.memory_space<vmem>>) target(%dma_start3A_33 : memref<128x16xf32, #tpu.memory_space<vmem_shared>>) target_semaphore(%run_scoped3A : memref<!tpu.dma_semaphore, #tpu.memory_space<semaphore_mem>>)
        %dma_wait3A = arith.constant 0 : i32
        %dma_wait3A_34 = tpu.memref_slice %arg9[%add3A_30, %dma_wait3A] : memref<10240x16xf32, #tpu.memory_space<vmem_shared>> -> memref<128x16xf32, #tpu.memory_space<vmem_shared>>
        %dma_wait3A_35 = arith.constant 0 : i32
        %dma_wait3A_36 = tpu.memref_slice %arg9[%add3A_30, %dma_wait3A_35] : memref<10240x16xf32, #tpu.memory_space<vmem_shared>> -> memref<128x16xf32, #tpu.memory_space<vmem_shared>>
        tpu.wait_dma2 semaphore(%run_scoped3A : memref<!tpu.dma_semaphore, #tpu.memory_space<semaphore_mem>>) src(%arg8 : memref<128x16xf32, #tpu.memory_space<vmem>>) dst(%dma_wait3A_36 : memref<128x16xf32, #tpu.memory_space<vmem_shared>>)
        tpu.yield
      }) : () -> ()
    }
    %scan3A_11 = arith.constant 5 : i32
    %barrier3A = arith.constant 0 : index
    tpu.barrier barrier_id(%barrier3A)
    "tpu.region"() ({
      %run_scoped3A = tpu.sem_alloc : memref<!tpu.dma_semaphore, #tpu.memory_space<semaphore_mem>>
      %dma_start3A = arith.constant 0 : i32
      %dma_start3A_25 = arith.constant 0 : i32
      %dma_start3A_26 = tpu.memref_slice %arg3[%add3A, %dma_start3A, %dma_start3A_25] : memref<32x79x128xi32, #tpu.memory_space<hbm>> -> memref<1x79x128xi32, #tpu.memory_space<hbm>>
      %dma_start3A_27 = tpu.memref_squeeze %dma_start3A_26 : memref<1x79x128xi32, #tpu.memory_space<hbm>> -> memref<79x128xi32, #tpu.memory_space<hbm>>
      %dma_start3A_28 = arith.constant 0 : i32
      %dma_start3A_29 = arith.constant 0 : i32
      %dma_start3A_30 = tpu.memref_slice %arg3[%add3A, %dma_start3A_28, %dma_start3A_29] : memref<32x79x128xi32, #tpu.memory_space<hbm>> -> memref<1x79x128xi32, #tpu.memory_space<hbm>>
      %dma_start3A_31 = tpu.memref_squeeze %dma_start3A_30 : memref<1x79x128xi32, #tpu.memory_space<hbm>> -> memref<79x128xi32, #tpu.memory_space<hbm>>
      tpu.enqueue_dma source(%dma_start3A_31 : memref<79x128xi32, #tpu.memory_space<hbm>>) target(%arg6 : memref<79x128xi32, #tpu.memory_space<vmem>>) target_semaphore(%run_scoped3A : memref<!tpu.dma_semaphore, #tpu.memory_space<semaphore_mem>>)
      %dma_wait3A = arith.constant 0 : i32
      %dma_wait3A_32 = arith.constant 0 : i32
      %dma_wait3A_33 = tpu.memref_slice %arg3[%add3A, %dma_wait3A, %dma_wait3A_32] : memref<32x79x128xi32, #tpu.memory_space<hbm>> -> memref<1x79x128xi32, #tpu.memory_space<hbm>>
      %dma_wait3A_34 = tpu.memref_squeeze %dma_wait3A_33 : memref<1x79x128xi32, #tpu.memory_space<hbm>> -> memref<79x128xi32, #tpu.memory_space<hbm>>
      %dma_wait3A_35 = arith.constant 0 : i32
      %dma_wait3A_36 = arith.constant 0 : i32
      %dma_wait3A_37 = tpu.memref_slice %arg3[%add3A, %dma_wait3A_35, %dma_wait3A_36] : memref<32x79x128xi32, #tpu.memory_space<hbm>> -> memref<1x79x128xi32, #tpu.memory_space<hbm>>
      %dma_wait3A_38 = tpu.memref_squeeze %dma_wait3A_37 : memref<1x79x128xi32, #tpu.memory_space<hbm>> -> memref<79x128xi32, #tpu.memory_space<hbm>>
      tpu.wait_dma2 semaphore(%run_scoped3A : memref<!tpu.dma_semaphore, #tpu.memory_space<semaphore_mem>>) src(%dma_wait3A_38 : memref<79x128xi32, #tpu.memory_space<hbm>>) dst(%arg6 : memref<79x128xi32, #tpu.memory_space<vmem>>)
      tpu.yield
    }) : () -> ()
    "tpu.region"() ({
      %run_scoped3A = tpu.sem_alloc : memref<!tpu.dma_semaphore, #tpu.memory_space<semaphore_mem>>
      %dma_start3A = arith.constant 0 : i32
      %dma_start3A_25 = arith.constant 0 : i32
      %dma_start3A_26 = tpu.memref_slice %arg4[%add3A, %dma_start3A, %dma_start3A_25] : memref<32x79x128xi32, #tpu.memory_space<hbm>> -> memref<1x79x128xi32, #tpu.memory_space<hbm>>
      %dma_start3A_27 = tpu.memref_squeeze %dma_start3A_26 : memref<1x79x128xi32, #tpu.memory_space<hbm>> -> memref<79x128xi32, #tpu.memory_space<hbm>>
      %dma_start3A_28 = arith.constant 0 : i32
      %dma_start3A_29 = arith.constant 0 : i32
      %dma_start3A_30 = tpu.memref_slice %arg4[%add3A, %dma_start3A_28, %dma_start3A_29] : memref<32x79x128xi32, #tpu.memory_space<hbm>> -> memref<1x79x128xi32, #tpu.memory_space<hbm>>
      %dma_start3A_31 = tpu.memref_squeeze %dma_start3A_30 : memref<1x79x128xi32, #tpu.memory_space<hbm>> -> memref<79x128xi32, #tpu.memory_space<hbm>>
      tpu.enqueue_dma source(%dma_start3A_31 : memref<79x128xi32, #tpu.memory_space<hbm>>) target(%arg7 : memref<79x128xi32, #tpu.memory_space<vmem>>) target_semaphore(%run_scoped3A : memref<!tpu.dma_semaphore, #tpu.memory_space<semaphore_mem>>)
      %dma_wait3A = arith.constant 0 : i32
      %dma_wait3A_32 = arith.constant 0 : i32
      %dma_wait3A_33 = tpu.memref_slice %arg4[%add3A, %dma_wait3A, %dma_wait3A_32] : memref<32x79x128xi32, #tpu.memory_space<hbm>> -> memref<1x79x128xi32, #tpu.memory_space<hbm>>
      %dma_wait3A_34 = tpu.memref_squeeze %dma_wait3A_33 : memref<1x79x128xi32, #tpu.memory_space<hbm>> -> memref<79x128xi32, #tpu.memory_space<hbm>>
      %dma_wait3A_35 = arith.constant 0 : i32
      %dma_wait3A_36 = arith.constant 0 : i32
      %dma_wait3A_37 = tpu.memref_slice %arg4[%add3A, %dma_wait3A_35, %dma_wait3A_36] : memref<32x79x128xi32, #tpu.memory_space<hbm>> -> memref<1x79x128xi32, #tpu.memory_space<hbm>>
      %dma_wait3A_38 = tpu.memref_squeeze %dma_wait3A_37 : memref<1x79x128xi32, #tpu.memory_space<hbm>> -> memref<79x128xi32, #tpu.memory_space<hbm>>
      tpu.wait_dma2 semaphore(%run_scoped3A : memref<!tpu.dma_semaphore, #tpu.memory_space<semaphore_mem>>) src(%dma_wait3A_38 : memref<79x128xi32, #tpu.memory_space<hbm>>) dst(%arg7 : memref<79x128xi32, #tpu.memory_space<vmem>>)
      tpu.yield
    }) : () -> ()
    %scan3A_12 = arith.constant 0 : i32
    %scan3A_13 = arith.constant 0 : i32
    %scan3A_14 = arith.constant 79 : i32
    %scan3A_15 = arith.addi %scan3A_13, %scan3A_14 : i32
    %scan3A_16 = arith.constant 1 : i32
    scf.for %scan3A_25 = %scan3A_13 to %scan3A_15 step %scan3A_16  : i32 {
      %dma_start3A = arith.constant 0 : i32
      %dma_start3A_26 = tpu.memref_slice %arg6[%scan3A_25, %dma_start3A] : memref<79x128xi32, #tpu.memory_space<vmem>> -> memref<1x128xi32, #tpu.memory_space<vmem>>
      %dma_start3A_27 = tpu.memref_squeeze %dma_start3A_26 : memref<1x128xi32, #tpu.memory_space<vmem>> -> memref<128xi32, #tpu.memory_space<vmem>>
      %dma_start3A_28 = arith.constant 0 : i32
      %dma_start3A_29 = arith.constant 0 : i32
      %dma_start3A_30 = tpu.memref_slice %arg2[%dma_start3A_28, %dma_start3A_29] : memref<10240x16xf32, #tpu.memory_space<hbm>> -> memref<10240x16xf32, #tpu.memory_space<hbm>>
      tpu.enqueue_indirect_dma source(%dma_start3A_30 : memref<10240x16xf32, #tpu.memory_space<hbm>>) target(%arg8 : memref<128x16xf32, #tpu.memory_space<vmem>>) offsets(%dma_start3A_27 : memref<128xi32, #tpu.memory_space<vmem>>) semaphore(%arg10 : memref<!tpu.dma_semaphore, #tpu.memory_space<semaphore_mem>>)
      %dma_wait3A = arith.constant 0 : i32
      %dma_wait3A_31 = tpu.memref_slice %arg6[%scan3A_25, %dma_wait3A] : memref<79x128xi32, #tpu.memory_space<vmem>> -> memref<1x128xi32, #tpu.memory_space<vmem>>
      %dma_wait3A_32 = tpu.memref_squeeze %dma_wait3A_31 : memref<1x128xi32, #tpu.memory_space<vmem>> -> memref<128xi32, #tpu.memory_space<vmem>>
      %dma_wait3A_33 = arith.constant 0 : i32
      %dma_wait3A_34 = arith.constant 0 : i32
      %dma_wait3A_35 = tpu.memref_slice %arg2[%dma_wait3A_33, %dma_wait3A_34] : memref<10240x16xf32, #tpu.memory_space<hbm>> -> memref<10240x16xf32, #tpu.memory_space<hbm>>
      tpu.wait_indirect_dma semaphore(%arg10 : memref<!tpu.dma_semaphore, #tpu.memory_space<semaphore_mem>>) src(%dma_wait3A_35 : memref<10240x16xf32, #tpu.memory_space<hbm>>) dst(%arg8 : memref<128x16xf32, #tpu.memory_space<vmem>>)
      "tpu.region"() ({
        %run_scoped3A = tpu.sem_alloc : memref<!tpu.dma_semaphore, #tpu.memory_space<semaphore_mem>>
        %dma_start3A_36 = arith.constant 0 : i32
        %dma_start3A_37 = tpu.memref_slice %arg7[%scan3A_25, %dma_start3A_36] : memref<79x128xi32, #tpu.memory_space<vmem>> -> memref<1x128xi32, #tpu.memory_space<vmem>>
        %dma_start3A_38 = tpu.memref_squeeze %dma_start3A_37 : memref<1x128xi32, #tpu.memory_space<vmem>> -> memref<128xi32, #tpu.memory_space<vmem>>
        %dma_start3A_39 = arith.constant 0 : i32
        %dma_start3A_40 = arith.constant 0 : i32
        %dma_start3A_41 = tpu.memref_slice %arg9[%dma_start3A_39, %dma_start3A_40] : memref<10240x16xf32, #tpu.memory_space<vmem_shared>> -> memref<10240x16xf32, #tpu.memory_space<vmem_shared>>
        tpu.enqueue_indirect_dma source(%arg8 : memref<128x16xf32, #tpu.memory_space<vmem>>) target(%dma_start3A_41 : memref<10240x16xf32, #tpu.memory_space<vmem_shared>>) offsets(%dma_start3A_38 : memref<128xi32, #tpu.memory_space<vmem>>) semaphore(%run_scoped3A : memref<!tpu.dma_semaphore, #tpu.memory_space<semaphore_mem>>) {add = true}
        %dma_wait3A_42 = arith.constant 0 : i32
        %dma_wait3A_43 = tpu.memref_slice %arg7[%scan3A_25, %dma_wait3A_42] : memref<79x128xi32, #tpu.memory_space<vmem>> -> memref<1x128xi32, #tpu.memory_space<vmem>>
        %dma_wait3A_44 = tpu.memref_squeeze %dma_wait3A_43 : memref<1x128xi32, #tpu.memory_space<vmem>> -> memref<128xi32, #tpu.memory_space<vmem>>
        %dma_wait3A_45 = arith.constant 0 : i32
        %dma_wait3A_46 = arith.constant 0 : i32
        %dma_wait3A_47 = tpu.memref_slice %arg9[%dma_wait3A_45, %dma_wait3A_46] : memref<10240x16xf32, #tpu.memory_space<vmem_shared>> -> memref<10240x16xf32, #tpu.memory_space<vmem_shared>>
        tpu.wait_indirect_dma semaphore(%run_scoped3A : memref<!tpu.dma_semaphore, #tpu.memory_space<semaphore_mem>>) src(%arg8 : memref<128x16xf32, #tpu.memory_space<vmem>>) dst(%dma_wait3A_47 : memref<10240x16xf32, #tpu.memory_space<vmem_shared>>)
        tpu.yield
      }) : () -> ()
    }
    %scan3A_17 = arith.constant 79 : i32
    %barrier3A_18 = arith.constant 0 : index
    tpu.barrier barrier_id(%barrier3A_18)
    %scan3A_19 = arith.constant 0 : i32
    %scan3A_20 = arith.constant 0 : i32
    %scan3A_21 = arith.constant 5 : i32
    %scan3A_22 = arith.addi %scan3A_20, %scan3A_21 : i32
    %scan3A_23 = arith.constant 1 : i32
    scf.for %scan3A_25 = %scan3A_20 to %scan3A_22 step %scan3A_23  : i32 {
      %mul3A_26 = arith.constant 640 : i32
      %mul3A_27 = arith.muli %arg1, %mul3A_26 : i32
      %mul3A_28 = arith.constant 128 : i32
      %mul3A_29 = arith.muli %scan3A_25, %mul3A_28 : i32
      %add3A_30 = arith.addi %mul3A_27, %mul3A_29 : i32
      "tpu.region"() ({
        %run_scoped3A = tpu.sem_alloc : memref<!tpu.dma_semaphore, #tpu.memory_space<semaphore_mem>>
        %dma_start3A = arith.constant 0 : i32
        %dma_start3A_31 = tpu.memref_slice %arg5[%arg0, %add3A_30, %dma_start3A] : memref<2x10240x16xf32, #tpu.memory_space<hbm>> -> memref<1x128x16xf32, #tpu.memory_space<hbm>>
        %dma_start3A_32 = tpu.memref_squeeze %dma_start3A_31 : memref<1x128x16xf32, #tpu.memory_space<hbm>> -> memref<128x16xf32, #tpu.memory_space<hbm>>
        %dma_start3A_33 = arith.constant 0 : i32
        %dma_start3A_34 = tpu.memref_slice %arg9[%add3A_30, %dma_start3A_33] : memref<10240x16xf32, #tpu.memory_space<vmem_shared>> -> memref<128x16xf32, #tpu.memory_space<vmem_shared>>
        tpu.enqueue_dma source(%dma_start3A_34 : memref<128x16xf32, #tpu.memory_space<vmem_shared>>) target(%dma_start3A_32 : memref<128x16xf32, #tpu.memory_space<hbm>>) target_semaphore(%run_scoped3A : memref<!tpu.dma_semaphore, #tpu.memory_space<semaphore_mem>>)
        %dma_wait3A = arith.constant 0 : i32
        %dma_wait3A_35 = tpu.memref_slice %arg5[%arg0, %add3A_30, %dma_wait3A] : memref<2x10240x16xf32, #tpu.memory_space<hbm>> -> memref<1x128x16xf32, #tpu.memory_space<hbm>>
        %dma_wait3A_36 = tpu.memref_squeeze %dma_wait3A_35 : memref<1x128x16xf32, #tpu.memory_space<hbm>> -> memref<128x16xf32, #tpu.memory_space<hbm>>
        %dma_wait3A_37 = arith.constant 0 : i32
        %dma_wait3A_38 = tpu.memref_slice %arg9[%add3A_30, %dma_wait3A_37] : memref<10240x16xf32, #tpu.memory_space<vmem_shared>> -> memref<128x16xf32, #tpu.memory_space<vmem_shared>>
        tpu.wait_dma2 semaphore(%run_scoped3A : memref<!tpu.dma_semaphore, #tpu.memory_space<semaphore_mem>>) src(%dma_wait3A_38 : memref<128x16xf32, #tpu.memory_space<vmem_shared>>) dst(%dma_wait3A_36 : memref<128x16xf32, #tpu.memory_space<hbm>>)
        tpu.yield
      }) : () -> ()
    }
    %scan3A_24 = arith.constant 5 : i32
    return
  }
}

#map = affine_map<(d0, d1) -> (0, 0)>
#map1 = affine_map<(d0, d1) -> (0, 0, 0)>
module attributes {stable_mosaic.version = 14 : i64} {
  func.func @sc_scatter(%arg0: i32, %arg1: i32, %arg2: memref<10240x64xf32, #tpu.memory_space<hbm>>, %arg3: memref<32x79x128xi32, #tpu.memory_space<hbm>>, %arg4: memref<32x79x128xi32, #tpu.memory_space<hbm>>, %arg5: memref<2x10240x64xf32, #tpu.memory_space<hbm>>, %arg6: memref<79x128xi32, #tpu.memory_space<vmem>>, %arg7: memref<79x128xi32, #tpu.memory_space<vmem>>, %arg8: memref<128x64xf32, #tpu.memory_space<vmem>>, %arg9: memref<10240x64xf32, #tpu.memory_space<vmem_shared>>, %arg10: memref<!tpu.dma_semaphore, #tpu.memory_space<semaphore_mem>>) attributes {dimension_semantics = [#tpu.dimension_semantics<core_parallel>, #tpu.dimension_semantics<subcore_parallel>], iteration_bounds = array<i64: 2, 16>, scalar_prefetch = 0 : i64, scratch_operands = 5 : i64, tpu.core_type = #tpu.core_type<sc_vector_subcore>, window_params = [{transform_indices = #map}, {transform_indices = #map1}, {transform_indices = #map1}, {transform_indices = #map1}]} {
    %mul3A = arith.constant 16 : i32
    %mul3A_0 = arith.muli %arg0, %mul3A : i32
    %add3A = arith.addi %mul3A_0, %arg1 : i32
    %scan3A = arith.constant 0 : i32
    %scan3A_1 = arith.constant 0 : i32
    %scan3A_2 = arith.constant 512 : i32
    %scan3A_3 = arith.addi %scan3A_1, %scan3A_2 : i32
    %scan3A_4 = arith.constant 1 : i32
    scf.for %scan3A_25 = %scan3A_1 to %scan3A_3 step %scan3A_4  : i32 {
      %broadcast_in_dim3A = arith.constant 0.000000e+00 : f32
      %broadcast_in_dim3A_26 = vector.broadcast %broadcast_in_dim3A : f32 to vector<16xf32>
      %jit3A = arith.constant 4 : i32
      %div3A = arith.divsi %scan3A_25, %jit3A : i32
      %sign3A = arith.constant 0 : i32
      %sign3A_27 = arith.cmpi sgt, %scan3A_25, %sign3A : i32
      %sign3A_28 = arith.extui %sign3A_27 : i1 to i32
      %sign3A_29 = arith.constant 0 : i32
      %sign3A_30 = arith.cmpi slt, %scan3A_25, %sign3A_29 : i32
      %sign3A_31 = arith.extui %sign3A_30 : i1 to i32
      %sign3A_32 = arith.subi %sign3A_28, %sign3A_31 : i32
      %sign3A_33 = arith.constant 0 : i32
      %sign3A_34 = arith.cmpi sgt, %jit3A, %sign3A_33 : i32
      %sign3A_35 = arith.extui %sign3A_34 : i1 to i32
      %sign3A_36 = arith.constant 0 : i32
      %sign3A_37 = arith.cmpi slt, %jit3A, %sign3A_36 : i32
      %sign3A_38 = arith.extui %sign3A_37 : i1 to i32
      %sign3A_39 = arith.subi %sign3A_35, %sign3A_38 : i32
      %ne3A = arith.cmpi ne, %sign3A_32, %sign3A_39 : i32
      %rem3A = arith.remsi %scan3A_25, %jit3A : i32
      %ne3A_40 = arith.constant 0 : i32
      %ne3A_41 = arith.cmpi ne, %rem3A, %ne3A_40 : i32
      %and3A = arith.andi %ne3A, %ne3A_41 : i1
      %sub3A = arith.constant 1 : i32
      %sub3A_42 = arith.subi %div3A, %sub3A : i32
      %select_n3A = arith.select %and3A, %sub3A_42, %div3A : i32
      %jit3A_43 = arith.constant 4 : i32
      %eq3A = arith.constant 0 : i32
      %eq3A_44 = arith.cmpi eq, %jit3A_43, %eq3A : i32
      %jit3A_45 = arith.constant 1 : i32
      %select_n3A_46 = arith.select %eq3A_44, %jit3A_45, %jit3A_43 : i32
      %rem3A_47 = arith.remsi %scan3A_25, %select_n3A_46 : i32
      %ne3A_48 = arith.constant 0 : i32
      %ne3A_49 = arith.cmpi ne, %rem3A_47, %ne3A_48 : i32
      %lt3A = arith.constant 0 : i32
      %lt3A_50 = arith.cmpi slt, %rem3A_47, %lt3A : i32
      %lt3A_51 = arith.constant 0 : i32
      %lt3A_52 = arith.cmpi slt, %select_n3A_46, %lt3A_51 : i32
      %ne3A_53 = arith.xori %lt3A_50, %lt3A_52 : i1
      %and3A_54 = arith.andi %ne3A_53, %ne3A_49 : i1
      %add3A_55 = arith.addi %rem3A_47, %select_n3A_46 : i32
      %select_n3A_56 = arith.select %and3A_54, %add3A_55, %rem3A_47 : i32
      %mul3A_57 = arith.constant 16 : i32
      %mul3A_58 = arith.muli %select_n3A_56, %mul3A_57 : i32
      %swap3A = arith.index_cast %select_n3A : i32 to index
      %swap3A_59 = arith.index_cast %mul3A_58 : i32 to index
      %swap3A_60 = tpu.vector_load %arg8[%swap3A, %swap3A_59] {strides = array<i32>} : memref<128x64xf32, #tpu.memory_space<vmem>>, vector<1x16xf32>,
      %swap3A_61 = vector.shape_cast %swap3A_60 : vector<1x16xf32> to vector<16xf32>
      %swap3A_62 = vector.shape_cast %broadcast_in_dim3A_26 : vector<16xf32> to vector<1x16xf32>
      tpu.vector_store %arg8[%swap3A, %swap3A_59], %swap3A_62 {strides = array<i32>} : memref<128x64xf32, #tpu.memory_space<vmem>>, vector<1x16xf32>,
    }
    %scan3A_5 = arith.constant 512 : i32
    %scan3A_6 = arith.constant 0 : i32
    %scan3A_7 = arith.constant 0 : i32
    %scan3A_8 = arith.constant 5 : i32
    %scan3A_9 = arith.addi %scan3A_7, %scan3A_8 : i32
    %scan3A_10 = arith.constant 1 : i32
    scf.for %scan3A_25 = %scan3A_7 to %scan3A_9 step %scan3A_10  : i32 {
      %mul3A_26 = arith.constant 640 : i32
      %mul3A_27 = arith.muli %arg1, %mul3A_26 : i32
      %mul3A_28 = arith.constant 128 : i32
      %mul3A_29 = arith.muli %scan3A_25, %mul3A_28 : i32
      %add3A_30 = arith.addi %mul3A_27, %mul3A_29 : i32
      "tpu.region"() ({
        %run_scoped3A = tpu.sem_alloc : memref<!tpu.dma_semaphore, #tpu.memory_space<semaphore_mem>>
        %dma_start3A = arith.constant 0 : i32
        %dma_start3A_31 = tpu.memref_slice %arg9[%add3A_30, %dma_start3A] : memref<10240x64xf32, #tpu.memory_space<vmem_shared>> -> memref<128x64xf32, #tpu.memory_space<vmem_shared>>
        %dma_start3A_32 = arith.constant 0 : i32
        %dma_start3A_33 = tpu.memref_slice %arg9[%add3A_30, %dma_start3A_32] : memref<10240x64xf32, #tpu.memory_space<vmem_shared>> -> memref<128x64xf32, #tpu.memory_space<vmem_shared>>
        tpu.enqueue_dma source(%arg8 : memref<128x64xf32, #tpu.memory_space<vmem>>) target(%dma_start3A_33 : memref<128x64xf32, #tpu.memory_space<vmem_shared>>) target_semaphore(%run_scoped3A : memref<!tpu.dma_semaphore, #tpu.memory_space<semaphore_mem>>)
        %dma_wait3A = arith.constant 0 : i32
        %dma_wait3A_34 = tpu.memref_slice %arg9[%add3A_30, %dma_wait3A] : memref<10240x64xf32, #tpu.memory_space<vmem_shared>> -> memref<128x64xf32, #tpu.memory_space<vmem_shared>>
        %dma_wait3A_35 = arith.constant 0 : i32
        %dma_wait3A_36 = tpu.memref_slice %arg9[%add3A_30, %dma_wait3A_35] : memref<10240x64xf32, #tpu.memory_space<vmem_shared>> -> memref<128x64xf32, #tpu.memory_space<vmem_shared>>
        tpu.wait_dma2 semaphore(%run_scoped3A : memref<!tpu.dma_semaphore, #tpu.memory_space<semaphore_mem>>) src(%arg8 : memref<128x64xf32, #tpu.memory_space<vmem>>) dst(%dma_wait3A_36 : memref<128x64xf32, #tpu.memory_space<vmem_shared>>)
        tpu.yield
      }) : () -> ()
    }
    %scan3A_11 = arith.constant 5 : i32
    %barrier3A = arith.constant 0 : index
    tpu.barrier barrier_id(%barrier3A)
    "tpu.region"() ({
      %run_scoped3A = tpu.sem_alloc : memref<!tpu.dma_semaphore, #tpu.memory_space<semaphore_mem>>
      %dma_start3A = arith.constant 0 : i32
      %dma_start3A_25 = arith.constant 0 : i32
      %dma_start3A_26 = tpu.memref_slice %arg3[%add3A, %dma_start3A, %dma_start3A_25] : memref<32x79x128xi32, #tpu.memory_space<hbm>> -> memref<1x79x128xi32, #tpu.memory_space<hbm>>
      %dma_start3A_27 = tpu.memref_squeeze %dma_start3A_26 : memref<1x79x128xi32, #tpu.memory_space<hbm>> -> memref<79x128xi32, #tpu.memory_space<hbm>>
      %dma_start3A_28 = arith.constant 0 : i32
      %dma_start3A_29 = arith.constant 0 : i32
      %dma_start3A_30 = tpu.memref_slice %arg3[%add3A, %dma_start3A_28, %dma_start3A_29] : memref<32x79x128xi32, #tpu.memory_space<hbm>> -> memref<1x79x128xi32, #tpu.memory_space<hbm>>
      %dma_start3A_31 = tpu.memref_squeeze %dma_start3A_30 : memref<1x79x128xi32, #tpu.memory_space<hbm>> -> memref<79x128xi32, #tpu.memory_space<hbm>>
      tpu.enqueue_dma source(%dma_start3A_31 : memref<79x128xi32, #tpu.memory_space<hbm>>) target(%arg6 : memref<79x128xi32, #tpu.memory_space<vmem>>) target_semaphore(%run_scoped3A : memref<!tpu.dma_semaphore, #tpu.memory_space<semaphore_mem>>)
      %dma_wait3A = arith.constant 0 : i32
      %dma_wait3A_32 = arith.constant 0 : i32
      %dma_wait3A_33 = tpu.memref_slice %arg3[%add3A, %dma_wait3A, %dma_wait3A_32] : memref<32x79x128xi32, #tpu.memory_space<hbm>> -> memref<1x79x128xi32, #tpu.memory_space<hbm>>
      %dma_wait3A_34 = tpu.memref_squeeze %dma_wait3A_33 : memref<1x79x128xi32, #tpu.memory_space<hbm>> -> memref<79x128xi32, #tpu.memory_space<hbm>>
      %dma_wait3A_35 = arith.constant 0 : i32
      %dma_wait3A_36 = arith.constant 0 : i32
      %dma_wait3A_37 = tpu.memref_slice %arg3[%add3A, %dma_wait3A_35, %dma_wait3A_36] : memref<32x79x128xi32, #tpu.memory_space<hbm>> -> memref<1x79x128xi32, #tpu.memory_space<hbm>>
      %dma_wait3A_38 = tpu.memref_squeeze %dma_wait3A_37 : memref<1x79x128xi32, #tpu.memory_space<hbm>> -> memref<79x128xi32, #tpu.memory_space<hbm>>
      tpu.wait_dma2 semaphore(%run_scoped3A : memref<!tpu.dma_semaphore, #tpu.memory_space<semaphore_mem>>) src(%dma_wait3A_38 : memref<79x128xi32, #tpu.memory_space<hbm>>) dst(%arg6 : memref<79x128xi32, #tpu.memory_space<vmem>>)
      tpu.yield
    }) : () -> ()
    "tpu.region"() ({
      %run_scoped3A = tpu.sem_alloc : memref<!tpu.dma_semaphore, #tpu.memory_space<semaphore_mem>>
      %dma_start3A = arith.constant 0 : i32
      %dma_start3A_25 = arith.constant 0 : i32
      %dma_start3A_26 = tpu.memref_slice %arg4[%add3A, %dma_start3A, %dma_start3A_25] : memref<32x79x128xi32, #tpu.memory_space<hbm>> -> memref<1x79x128xi32, #tpu.memory_space<hbm>>
      %dma_start3A_27 = tpu.memref_squeeze %dma_start3A_26 : memref<1x79x128xi32, #tpu.memory_space<hbm>> -> memref<79x128xi32, #tpu.memory_space<hbm>>
      %dma_start3A_28 = arith.constant 0 : i32
      %dma_start3A_29 = arith.constant 0 : i32
      %dma_start3A_30 = tpu.memref_slice %arg4[%add3A, %dma_start3A_28, %dma_start3A_29] : memref<32x79x128xi32, #tpu.memory_space<hbm>> -> memref<1x79x128xi32, #tpu.memory_space<hbm>>
      %dma_start3A_31 = tpu.memref_squeeze %dma_start3A_30 : memref<1x79x128xi32, #tpu.memory_space<hbm>> -> memref<79x128xi32, #tpu.memory_space<hbm>>
      tpu.enqueue_dma source(%dma_start3A_31 : memref<79x128xi32, #tpu.memory_space<hbm>>) target(%arg7 : memref<79x128xi32, #tpu.memory_space<vmem>>) target_semaphore(%run_scoped3A : memref<!tpu.dma_semaphore, #tpu.memory_space<semaphore_mem>>)
      %dma_wait3A = arith.constant 0 : i32
      %dma_wait3A_32 = arith.constant 0 : i32
      %dma_wait3A_33 = tpu.memref_slice %arg4[%add3A, %dma_wait3A, %dma_wait3A_32] : memref<32x79x128xi32, #tpu.memory_space<hbm>> -> memref<1x79x128xi32, #tpu.memory_space<hbm>>
      %dma_wait3A_34 = tpu.memref_squeeze %dma_wait3A_33 : memref<1x79x128xi32, #tpu.memory_space<hbm>> -> memref<79x128xi32, #tpu.memory_space<hbm>>
      %dma_wait3A_35 = arith.constant 0 : i32
      %dma_wait3A_36 = arith.constant 0 : i32
      %dma_wait3A_37 = tpu.memref_slice %arg4[%add3A, %dma_wait3A_35, %dma_wait3A_36] : memref<32x79x128xi32, #tpu.memory_space<hbm>> -> memref<1x79x128xi32, #tpu.memory_space<hbm>>
      %dma_wait3A_38 = tpu.memref_squeeze %dma_wait3A_37 : memref<1x79x128xi32, #tpu.memory_space<hbm>> -> memref<79x128xi32, #tpu.memory_space<hbm>>
      tpu.wait_dma2 semaphore(%run_scoped3A : memref<!tpu.dma_semaphore, #tpu.memory_space<semaphore_mem>>) src(%dma_wait3A_38 : memref<79x128xi32, #tpu.memory_space<hbm>>) dst(%arg7 : memref<79x128xi32, #tpu.memory_space<vmem>>)
      tpu.yield
    }) : () -> ()
    %scan3A_12 = arith.constant 0 : i32
    %scan3A_13 = arith.constant 0 : i32
    %scan3A_14 = arith.constant 79 : i32
    %scan3A_15 = arith.addi %scan3A_13, %scan3A_14 : i32
    %scan3A_16 = arith.constant 1 : i32
    scf.for %scan3A_25 = %scan3A_13 to %scan3A_15 step %scan3A_16  : i32 {
      %dma_start3A = arith.constant 0 : i32
      %dma_start3A_26 = tpu.memref_slice %arg6[%scan3A_25, %dma_start3A] : memref<79x128xi32, #tpu.memory_space<vmem>> -> memref<1x128xi32, #tpu.memory_space<vmem>>
      %dma_start3A_27 = tpu.memref_squeeze %dma_start3A_26 : memref<1x128xi32, #tpu.memory_space<vmem>> -> memref<128xi32, #tpu.memory_space<vmem>>
      %dma_start3A_28 = arith.constant 0 : i32
      %dma_start3A_29 = arith.constant 0 : i32
      %dma_start3A_30 = tpu.memref_slice %arg2[%dma_start3A_28, %dma_start3A_29] : memref<10240x64xf32, #tpu.memory_space<hbm>> -> memref<10240x64xf32, #tpu.memory_space<hbm>>
      tpu.enqueue_indirect_dma source(%dma_start3A_30 : memref<10240x64xf32, #tpu.memory_space<hbm>>) target(%arg8 : memref<128x64xf32, #tpu.memory_space<vmem>>) offsets(%dma_start3A_27 : memref<128xi32, #tpu.memory_space<vmem>>) semaphore(%arg10 : memref<!tpu.dma_semaphore, #tpu.memory_space<semaphore_mem>>)
      %dma_wait3A = arith.constant 0 : i32
      %dma_wait3A_31 = tpu.memref_slice %arg6[%scan3A_25, %dma_wait3A] : memref<79x128xi32, #tpu.memory_space<vmem>> -> memref<1x128xi32, #tpu.memory_space<vmem>>
      %dma_wait3A_32 = tpu.memref_squeeze %dma_wait3A_31 : memref<1x128xi32, #tpu.memory_space<vmem>> -> memref<128xi32, #tpu.memory_space<vmem>>
      %dma_wait3A_33 = arith.constant 0 : i32
      %dma_wait3A_34 = arith.constant 0 : i32
      %dma_wait3A_35 = tpu.memref_slice %arg2[%dma_wait3A_33, %dma_wait3A_34] : memref<10240x64xf32, #tpu.memory_space<hbm>> -> memref<10240x64xf32, #tpu.memory_space<hbm>>
      tpu.wait_indirect_dma semaphore(%arg10 : memref<!tpu.dma_semaphore, #tpu.memory_space<semaphore_mem>>) src(%dma_wait3A_35 : memref<10240x64xf32, #tpu.memory_space<hbm>>) dst(%arg8 : memref<128x64xf32, #tpu.memory_space<vmem>>)
      "tpu.region"() ({
        %run_scoped3A = tpu.sem_alloc : memref<!tpu.dma_semaphore, #tpu.memory_space<semaphore_mem>>
        %dma_start3A_36 = arith.constant 0 : i32
        %dma_start3A_37 = tpu.memref_slice %arg7[%scan3A_25, %dma_start3A_36] : memref<79x128xi32, #tpu.memory_space<vmem>> -> memref<1x128xi32, #tpu.memory_space<vmem>>
        %dma_start3A_38 = tpu.memref_squeeze %dma_start3A_37 : memref<1x128xi32, #tpu.memory_space<vmem>> -> memref<128xi32, #tpu.memory_space<vmem>>
        %dma_start3A_39 = arith.constant 0 : i32
        %dma_start3A_40 = arith.constant 0 : i32
        %dma_start3A_41 = tpu.memref_slice %arg9[%dma_start3A_39, %dma_start3A_40] : memref<10240x64xf32, #tpu.memory_space<vmem_shared>> -> memref<10240x64xf32, #tpu.memory_space<vmem_shared>>
        tpu.enqueue_indirect_dma source(%arg8 : memref<128x64xf32, #tpu.memory_space<vmem>>) target(%dma_start3A_41 : memref<10240x64xf32, #tpu.memory_space<vmem_shared>>) offsets(%dma_start3A_38 : memref<128xi32, #tpu.memory_space<vmem>>) semaphore(%run_scoped3A : memref<!tpu.dma_semaphore, #tpu.memory_space<semaphore_mem>>) {add = true}
        %dma_wait3A_42 = arith.constant 0 : i32
        %dma_wait3A_43 = tpu.memref_slice %arg7[%scan3A_25, %dma_wait3A_42] : memref<79x128xi32, #tpu.memory_space<vmem>> -> memref<1x128xi32, #tpu.memory_space<vmem>>
        %dma_wait3A_44 = tpu.memref_squeeze %dma_wait3A_43 : memref<1x128xi32, #tpu.memory_space<vmem>> -> memref<128xi32, #tpu.memory_space<vmem>>
        %dma_wait3A_45 = arith.constant 0 : i32
        %dma_wait3A_46 = arith.constant 0 : i32
        %dma_wait3A_47 = tpu.memref_slice %arg9[%dma_wait3A_45, %dma_wait3A_46] : memref<10240x64xf32, #tpu.memory_space<vmem_shared>> -> memref<10240x64xf32, #tpu.memory_space<vmem_shared>>
        tpu.wait_indirect_dma semaphore(%run_scoped3A : memref<!tpu.dma_semaphore, #tpu.memory_space<semaphore_mem>>) src(%arg8 : memref<128x64xf32, #tpu.memory_space<vmem>>) dst(%dma_wait3A_47 : memref<10240x64xf32, #tpu.memory_space<vmem_shared>>)
        tpu.yield
      }) : () -> ()
    }
    %scan3A_17 = arith.constant 79 : i32
    %barrier3A_18 = arith.constant 0 : index
    tpu.barrier barrier_id(%barrier3A_18)
    %scan3A_19 = arith.constant 0 : i32
    %scan3A_20 = arith.constant 0 : i32
    %scan3A_21 = arith.constant 5 : i32
    %scan3A_22 = arith.addi %scan3A_20, %scan3A_21 : i32
    %scan3A_23 = arith.constant 1 : i32
    scf.for %scan3A_25 = %scan3A_20 to %scan3A_22 step %scan3A_23  : i32 {
      %mul3A_26 = arith.constant 640 : i32
      %mul3A_27 = arith.muli %arg1, %mul3A_26 : i32
      %mul3A_28 = arith.constant 128 : i32
      %mul3A_29 = arith.muli %scan3A_25, %mul3A_28 : i32
      %add3A_30 = arith.addi %mul3A_27, %mul3A_29 : i32
      "tpu.region"() ({
        %run_scoped3A = tpu.sem_alloc : memref<!tpu.dma_semaphore, #tpu.memory_space<semaphore_mem>>
        %dma_start3A = arith.constant 0 : i32
        %dma_start3A_31 = tpu.memref_slice %arg5[%arg0, %add3A_30, %dma_start3A] : memref<2x10240x64xf32, #tpu.memory_space<hbm>> -> memref<1x128x64xf32, #tpu.memory_space<hbm>>
        %dma_start3A_32 = tpu.memref_squeeze %dma_start3A_31 : memref<1x128x64xf32, #tpu.memory_space<hbm>> -> memref<128x64xf32, #tpu.memory_space<hbm>>
        %dma_start3A_33 = arith.constant 0 : i32
        %dma_start3A_34 = tpu.memref_slice %arg9[%add3A_30, %dma_start3A_33] : memref<10240x64xf32, #tpu.memory_space<vmem_shared>> -> memref<128x64xf32, #tpu.memory_space<vmem_shared>>
        tpu.enqueue_dma source(%dma_start3A_34 : memref<128x64xf32, #tpu.memory_space<vmem_shared>>) target(%dma_start3A_32 : memref<128x64xf32, #tpu.memory_space<hbm>>) target_semaphore(%run_scoped3A : memref<!tpu.dma_semaphore, #tpu.memory_space<semaphore_mem>>)
        %dma_wait3A = arith.constant 0 : i32
        %dma_wait3A_35 = tpu.memref_slice %arg5[%arg0, %add3A_30, %dma_wait3A] : memref<2x10240x64xf32, #tpu.memory_space<hbm>> -> memref<1x128x64xf32, #tpu.memory_space<hbm>>
        %dma_wait3A_36 = tpu.memref_squeeze %dma_wait3A_35 : memref<1x128x64xf32, #tpu.memory_space<hbm>> -> memref<128x64xf32, #tpu.memory_space<hbm>>
        %dma_wait3A_37 = arith.constant 0 : i32
        %dma_wait3A_38 = tpu.memref_slice %arg9[%add3A_30, %dma_wait3A_37] : memref<10240x64xf32, #tpu.memory_space<vmem_shared>> -> memref<128x64xf32, #tpu.memory_space<vmem_shared>>
        tpu.wait_dma2 semaphore(%run_scoped3A : memref<!tpu.dma_semaphore, #tpu.memory_space<semaphore_mem>>) src(%dma_wait3A_38 : memref<128x64xf32, #tpu.memory_space<vmem_shared>>) dst(%dma_wait3A_36 : memref<128x64xf32, #tpu.memory_space<hbm>>)
        tpu.yield
      }) : () -> ()
    }
    %scan3A_24 = arith.constant 5 : i32
    return
  }
}

#map = affine_map<(d0, d1) -> (0, 0)>
#map1 = affine_map<(d0, d1) -> (0, 0, 0)>
module attributes {stable_mosaic.version = 14 : i64} {
  func.func @sc_scatter(%arg0: i32, %arg1: i32, %arg2: memref<10240x32xf32, #tpu.memory_space<hbm>>, %arg3: memref<32x79x128xi32, #tpu.memory_space<hbm>>, %arg4: memref<32x79x128xi32, #tpu.memory_space<hbm>>, %arg5: memref<2x10240x32xf32, #tpu.memory_space<hbm>>, %arg6: memref<79x128xi32, #tpu.memory_space<vmem>>, %arg7: memref<79x128xi32, #tpu.memory_space<vmem>>, %arg8: memref<128x32xf32, #tpu.memory_space<vmem>>, %arg9: memref<10240x32xf32, #tpu.memory_space<vmem_shared>>, %arg10: memref<!tpu.dma_semaphore, #tpu.memory_space<semaphore_mem>>) attributes {dimension_semantics = [#tpu.dimension_semantics<core_parallel>, #tpu.dimension_semantics<subcore_parallel>], iteration_bounds = array<i64: 2, 16>, scalar_prefetch = 0 : i64, scratch_operands = 5 : i64, tpu.core_type = #tpu.core_type<sc_vector_subcore>, window_params = [{transform_indices = #map}, {transform_indices = #map1}, {transform_indices = #map1}, {transform_indices = #map1}]} {
    %mul3A = arith.constant 16 : i32
    %mul3A_0 = arith.muli %arg0, %mul3A : i32
    %add3A = arith.addi %mul3A_0, %arg1 : i32
    %scan3A = arith.constant 0 : i32
    %scan3A_1 = arith.constant 0 : i32
    %scan3A_2 = arith.constant 256 : i32
    %scan3A_3 = arith.addi %scan3A_1, %scan3A_2 : i32
    %scan3A_4 = arith.constant 1 : i32
    scf.for %scan3A_25 = %scan3A_1 to %scan3A_3 step %scan3A_4  : i32 {
      %broadcast_in_dim3A = arith.constant 0.000000e+00 : f32
      %broadcast_in_dim3A_26 = vector.broadcast %broadcast_in_dim3A : f32 to vector<16xf32>
      %jit3A = arith.constant 2 : i32
      %div3A = arith.divsi %scan3A_25, %jit3A : i32
      %sign3A = arith.constant 0 : i32
      %sign3A_27 = arith.cmpi sgt, %scan3A_25, %sign3A : i32
      %sign3A_28 = arith.extui %sign3A_27 : i1 to i32
      %sign3A_29 = arith.constant 0 : i32
      %sign3A_30 = arith.cmpi slt, %scan3A_25, %sign3A_29 : i32
      %sign3A_31 = arith.extui %sign3A_30 : i1 to i32
      %sign3A_32 = arith.subi %sign3A_28, %sign3A_31 : i32
      %sign3A_33 = arith.constant 0 : i32
      %sign3A_34 = arith.cmpi sgt, %jit3A, %sign3A_33 : i32
      %sign3A_35 = arith.extui %sign3A_34 : i1 to i32
      %sign3A_36 = arith.constant 0 : i32
      %sign3A_37 = arith.cmpi slt, %jit3A, %sign3A_36 : i32
      %sign3A_38 = arith.extui %sign3A_37 : i1 to i32
      %sign3A_39 = arith.subi %sign3A_35, %sign3A_38 : i32
      %ne3A = arith.cmpi ne, %sign3A_32, %sign3A_39 : i32
      %rem3A = arith.remsi %scan3A_25, %jit3A : i32
      %ne3A_40 = arith.constant 0 : i32
      %ne3A_41 = arith.cmpi ne, %rem3A, %ne3A_40 : i32
      %and3A = arith.andi %ne3A, %ne3A_41 : i1
      %sub3A = arith.constant 1 : i32
      %sub3A_42 = arith.subi %div3A, %sub3A : i32
      %select_n3A = arith.select %and3A, %sub3A_42, %div3A : i32
      %jit3A_43 = arith.constant 2 : i32
      %eq3A = arith.constant 0 : i32
      %eq3A_44 = arith.cmpi eq, %jit3A_43, %eq3A : i32
      %jit3A_45 = arith.constant 1 : i32
      %select_n3A_46 = arith.select %eq3A_44, %jit3A_45, %jit3A_43 : i32
      %rem3A_47 = arith.remsi %scan3A_25, %select_n3A_46 : i32
      %ne3A_48 = arith.constant 0 : i32
      %ne3A_49 = arith.cmpi ne, %rem3A_47, %ne3A_48 : i32
      %lt3A = arith.constant 0 : i32
      %lt3A_50 = arith.cmpi slt, %rem3A_47, %lt3A : i32
      %lt3A_51 = arith.constant 0 : i32
      %lt3A_52 = arith.cmpi slt, %select_n3A_46, %lt3A_51 : i32
      %ne3A_53 = arith.xori %lt3A_50, %lt3A_52 : i1
      %and3A_54 = arith.andi %ne3A_53, %ne3A_49 : i1
      %add3A_55 = arith.addi %rem3A_47, %select_n3A_46 : i32
      %select_n3A_56 = arith.select %and3A_54, %add3A_55, %rem3A_47 : i32
      %mul3A_57 = arith.constant 16 : i32
      %mul3A_58 = arith.muli %select_n3A_56, %mul3A_57 : i32
      %swap3A = arith.index_cast %select_n3A : i32 to index
      %swap3A_59 = arith.index_cast %mul3A_58 : i32 to index
      %swap3A_60 = tpu.vector_load %arg8[%swap3A, %swap3A_59] {strides = array<i32>} : memref<128x32xf32, #tpu.memory_space<vmem>>, vector<1x16xf32>,
      %swap3A_61 = vector.shape_cast %swap3A_60 : vector<1x16xf32> to vector<16xf32>
      %swap3A_62 = vector.shape_cast %broadcast_in_dim3A_26 : vector<16xf32> to vector<1x16xf32>
      tpu.vector_store %arg8[%swap3A, %swap3A_59], %swap3A_62 {strides = array<i32>} : memref<128x32xf32, #tpu.memory_space<vmem>>, vector<1x16xf32>,
    }
    %scan3A_5 = arith.constant 256 : i32
    %scan3A_6 = arith.constant 0 : i32
    %scan3A_7 = arith.constant 0 : i32
    %scan3A_8 = arith.constant 5 : i32
    %scan3A_9 = arith.addi %scan3A_7, %scan3A_8 : i32
    %scan3A_10 = arith.constant 1 : i32
    scf.for %scan3A_25 = %scan3A_7 to %scan3A_9 step %scan3A_10  : i32 {
      %mul3A_26 = arith.constant 640 : i32
      %mul3A_27 = arith.muli %arg1, %mul3A_26 : i32
      %mul3A_28 = arith.constant 128 : i32
      %mul3A_29 = arith.muli %scan3A_25, %mul3A_28 : i32
      %add3A_30 = arith.addi %mul3A_27, %mul3A_29 : i32
      "tpu.region"() ({
        %run_scoped3A = tpu.sem_alloc : memref<!tpu.dma_semaphore, #tpu.memory_space<semaphore_mem>>
        %dma_start3A = arith.constant 0 : i32
        %dma_start3A_31 = tpu.memref_slice %arg9[%add3A_30, %dma_start3A] : memref<10240x32xf32, #tpu.memory_space<vmem_shared>> -> memref<128x32xf32, #tpu.memory_space<vmem_shared>>
        %dma_start3A_32 = arith.constant 0 : i32
        %dma_start3A_33 = tpu.memref_slice %arg9[%add3A_30, %dma_start3A_32] : memref<10240x32xf32, #tpu.memory_space<vmem_shared>> -> memref<128x32xf32, #tpu.memory_space<vmem_shared>>
        tpu.enqueue_dma source(%arg8 : memref<128x32xf32, #tpu.memory_space<vmem>>) target(%dma_start3A_33 : memref<128x32xf32, #tpu.memory_space<vmem_shared>>) target_semaphore(%run_scoped3A : memref<!tpu.dma_semaphore, #tpu.memory_space<semaphore_mem>>)
        %dma_wait3A = arith.constant 0 : i32
        %dma_wait3A_34 = tpu.memref_slice %arg9[%add3A_30, %dma_wait3A] : memref<10240x32xf32, #tpu.memory_space<vmem_shared>> -> memref<128x32xf32, #tpu.memory_space<vmem_shared>>
        %dma_wait3A_35 = arith.constant 0 : i32
        %dma_wait3A_36 = tpu.memref_slice %arg9[%add3A_30, %dma_wait3A_35] : memref<10240x32xf32, #tpu.memory_space<vmem_shared>> -> memref<128x32xf32, #tpu.memory_space<vmem_shared>>
        tpu.wait_dma2 semaphore(%run_scoped3A : memref<!tpu.dma_semaphore, #tpu.memory_space<semaphore_mem>>) src(%arg8 : memref<128x32xf32, #tpu.memory_space<vmem>>) dst(%dma_wait3A_36 : memref<128x32xf32, #tpu.memory_space<vmem_shared>>)
        tpu.yield
      }) : () -> ()
    }
    %scan3A_11 = arith.constant 5 : i32
    %barrier3A = arith.constant 0 : index
    tpu.barrier barrier_id(%barrier3A)
    "tpu.region"() ({
      %run_scoped3A = tpu.sem_alloc : memref<!tpu.dma_semaphore, #tpu.memory_space<semaphore_mem>>
      %dma_start3A = arith.constant 0 : i32
      %dma_start3A_25 = arith.constant 0 : i32
      %dma_start3A_26 = tpu.memref_slice %arg3[%add3A, %dma_start3A, %dma_start3A_25] : memref<32x79x128xi32, #tpu.memory_space<hbm>> -> memref<1x79x128xi32, #tpu.memory_space<hbm>>
      %dma_start3A_27 = tpu.memref_squeeze %dma_start3A_26 : memref<1x79x128xi32, #tpu.memory_space<hbm>> -> memref<79x128xi32, #tpu.memory_space<hbm>>
      %dma_start3A_28 = arith.constant 0 : i32
      %dma_start3A_29 = arith.constant 0 : i32
      %dma_start3A_30 = tpu.memref_slice %arg3[%add3A, %dma_start3A_28, %dma_start3A_29] : memref<32x79x128xi32, #tpu.memory_space<hbm>> -> memref<1x79x128xi32, #tpu.memory_space<hbm>>
      %dma_start3A_31 = tpu.memref_squeeze %dma_start3A_30 : memref<1x79x128xi32, #tpu.memory_space<hbm>> -> memref<79x128xi32, #tpu.memory_space<hbm>>
      tpu.enqueue_dma source(%dma_start3A_31 : memref<79x128xi32, #tpu.memory_space<hbm>>) target(%arg6 : memref<79x128xi32, #tpu.memory_space<vmem>>) target_semaphore(%run_scoped3A : memref<!tpu.dma_semaphore, #tpu.memory_space<semaphore_mem>>)
      %dma_wait3A = arith.constant 0 : i32
      %dma_wait3A_32 = arith.constant 0 : i32
      %dma_wait3A_33 = tpu.memref_slice %arg3[%add3A, %dma_wait3A, %dma_wait3A_32] : memref<32x79x128xi32, #tpu.memory_space<hbm>> -> memref<1x79x128xi32, #tpu.memory_space<hbm>>
      %dma_wait3A_34 = tpu.memref_squeeze %dma_wait3A_33 : memref<1x79x128xi32, #tpu.memory_space<hbm>> -> memref<79x128xi32, #tpu.memory_space<hbm>>
      %dma_wait3A_35 = arith.constant 0 : i32
      %dma_wait3A_36 = arith.constant 0 : i32
      %dma_wait3A_37 = tpu.memref_slice %arg3[%add3A, %dma_wait3A_35, %dma_wait3A_36] : memref<32x79x128xi32, #tpu.memory_space<hbm>> -> memref<1x79x128xi32, #tpu.memory_space<hbm>>
      %dma_wait3A_38 = tpu.memref_squeeze %dma_wait3A_37 : memref<1x79x128xi32, #tpu.memory_space<hbm>> -> memref<79x128xi32, #tpu.memory_space<hbm>>
      tpu.wait_dma2 semaphore(%run_scoped3A : memref<!tpu.dma_semaphore, #tpu.memory_space<semaphore_mem>>) src(%dma_wait3A_38 : memref<79x128xi32, #tpu.memory_space<hbm>>) dst(%arg6 : memref<79x128xi32, #tpu.memory_space<vmem>>)
      tpu.yield
    }) : () -> ()
    "tpu.region"() ({
      %run_scoped3A = tpu.sem_alloc : memref<!tpu.dma_semaphore, #tpu.memory_space<semaphore_mem>>
      %dma_start3A = arith.constant 0 : i32
      %dma_start3A_25 = arith.constant 0 : i32
      %dma_start3A_26 = tpu.memref_slice %arg4[%add3A, %dma_start3A, %dma_start3A_25] : memref<32x79x128xi32, #tpu.memory_space<hbm>> -> memref<1x79x128xi32, #tpu.memory_space<hbm>>
      %dma_start3A_27 = tpu.memref_squeeze %dma_start3A_26 : memref<1x79x128xi32, #tpu.memory_space<hbm>> -> memref<79x128xi32, #tpu.memory_space<hbm>>
      %dma_start3A_28 = arith.constant 0 : i32
      %dma_start3A_29 = arith.constant 0 : i32
      %dma_start3A_30 = tpu.memref_slice %arg4[%add3A, %dma_start3A_28, %dma_start3A_29] : memref<32x79x128xi32, #tpu.memory_space<hbm>> -> memref<1x79x128xi32, #tpu.memory_space<hbm>>
      %dma_start3A_31 = tpu.memref_squeeze %dma_start3A_30 : memref<1x79x128xi32, #tpu.memory_space<hbm>> -> memref<79x128xi32, #tpu.memory_space<hbm>>
      tpu.enqueue_dma source(%dma_start3A_31 : memref<79x128xi32, #tpu.memory_space<hbm>>) target(%arg7 : memref<79x128xi32, #tpu.memory_space<vmem>>) target_semaphore(%run_scoped3A : memref<!tpu.dma_semaphore, #tpu.memory_space<semaphore_mem>>)
      %dma_wait3A = arith.constant 0 : i32
      %dma_wait3A_32 = arith.constant 0 : i32
      %dma_wait3A_33 = tpu.memref_slice %arg4[%add3A, %dma_wait3A, %dma_wait3A_32] : memref<32x79x128xi32, #tpu.memory_space<hbm>> -> memref<1x79x128xi32, #tpu.memory_space<hbm>>
      %dma_wait3A_34 = tpu.memref_squeeze %dma_wait3A_33 : memref<1x79x128xi32, #tpu.memory_space<hbm>> -> memref<79x128xi32, #tpu.memory_space<hbm>>
      %dma_wait3A_35 = arith.constant 0 : i32
      %dma_wait3A_36 = arith.constant 0 : i32
      %dma_wait3A_37 = tpu.memref_slice %arg4[%add3A, %dma_wait3A_35, %dma_wait3A_36] : memref<32x79x128xi32, #tpu.memory_space<hbm>> -> memref<1x79x128xi32, #tpu.memory_space<hbm>>
      %dma_wait3A_38 = tpu.memref_squeeze %dma_wait3A_37 : memref<1x79x128xi32, #tpu.memory_space<hbm>> -> memref<79x128xi32, #tpu.memory_space<hbm>>
      tpu.wait_dma2 semaphore(%run_scoped3A : memref<!tpu.dma_semaphore, #tpu.memory_space<semaphore_mem>>) src(%dma_wait3A_38 : memref<79x128xi32, #tpu.memory_space<hbm>>) dst(%arg7 : memref<79x128xi32, #tpu.memory_space<vmem>>)
      tpu.yield
    }) : () -> ()
    %scan3A_12 = arith.constant 0 : i32
    %scan3A_13 = arith.constant 0 : i32
    %scan3A_14 = arith.constant 79 : i32
    %scan3A_15 = arith.addi %scan3A_13, %scan3A_14 : i32
    %scan3A_16 = arith.constant 1 : i32
    scf.for %scan3A_25 = %scan3A_13 to %scan3A_15 step %scan3A_16  : i32 {
      %dma_start3A = arith.constant 0 : i32
      %dma_start3A_26 = tpu.memref_slice %arg6[%scan3A_25, %dma_start3A] : memref<79x128xi32, #tpu.memory_space<vmem>> -> memref<1x128xi32, #tpu.memory_space<vmem>>
      %dma_start3A_27 = tpu.memref_squeeze %dma_start3A_26 : memref<1x128xi32, #tpu.memory_space<vmem>> -> memref<128xi32, #tpu.memory_space<vmem>>
      %dma_start3A_28 = arith.constant 0 : i32
      %dma_start3A_29 = arith.constant 0 : i32
      %dma_start3A_30 = tpu.memref_slice %arg2[%dma_start3A_28, %dma_start3A_29] : memref<10240x32xf32, #tpu.memory_space<hbm>> -> memref<10240x32xf32, #tpu.memory_space<hbm>>
      tpu.enqueue_indirect_dma source(%dma_start3A_30 : memref<10240x32xf32, #tpu.memory_space<hbm>>) target(%arg8 : memref<128x32xf32, #tpu.memory_space<vmem>>) offsets(%dma_start3A_27 : memref<128xi32, #tpu.memory_space<vmem>>) semaphore(%arg10 : memref<!tpu.dma_semaphore, #tpu.memory_space<semaphore_mem>>)
      %dma_wait3A = arith.constant 0 : i32
      %dma_wait3A_31 = tpu.memref_slice %arg6[%scan3A_25, %dma_wait3A] : memref<79x128xi32, #tpu.memory_space<vmem>> -> memref<1x128xi32, #tpu.memory_space<vmem>>
      %dma_wait3A_32 = tpu.memref_squeeze %dma_wait3A_31 : memref<1x128xi32, #tpu.memory_space<vmem>> -> memref<128xi32, #tpu.memory_space<vmem>>
      %dma_wait3A_33 = arith.constant 0 : i32
      %dma_wait3A_34 = arith.constant 0 : i32
      %dma_wait3A_35 = tpu.memref_slice %arg2[%dma_wait3A_33, %dma_wait3A_34] : memref<10240x32xf32, #tpu.memory_space<hbm>> -> memref<10240x32xf32, #tpu.memory_space<hbm>>
      tpu.wait_indirect_dma semaphore(%arg10 : memref<!tpu.dma_semaphore, #tpu.memory_space<semaphore_mem>>) src(%dma_wait3A_35 : memref<10240x32xf32, #tpu.memory_space<hbm>>) dst(%arg8 : memref<128x32xf32, #tpu.memory_space<vmem>>)
      "tpu.region"() ({
        %run_scoped3A = tpu.sem_alloc : memref<!tpu.dma_semaphore, #tpu.memory_space<semaphore_mem>>
        %dma_start3A_36 = arith.constant 0 : i32
        %dma_start3A_37 = tpu.memref_slice %arg7[%scan3A_25, %dma_start3A_36] : memref<79x128xi32, #tpu.memory_space<vmem>> -> memref<1x128xi32, #tpu.memory_space<vmem>>
        %dma_start3A_38 = tpu.memref_squeeze %dma_start3A_37 : memref<1x128xi32, #tpu.memory_space<vmem>> -> memref<128xi32, #tpu.memory_space<vmem>>
        %dma_start3A_39 = arith.constant 0 : i32
        %dma_start3A_40 = arith.constant 0 : i32
        %dma_start3A_41 = tpu.memref_slice %arg9[%dma_start3A_39, %dma_start3A_40] : memref<10240x32xf32, #tpu.memory_space<vmem_shared>> -> memref<10240x32xf32, #tpu.memory_space<vmem_shared>>
        tpu.enqueue_indirect_dma source(%arg8 : memref<128x32xf32, #tpu.memory_space<vmem>>) target(%dma_start3A_41 : memref<10240x32xf32, #tpu.memory_space<vmem_shared>>) offsets(%dma_start3A_38 : memref<128xi32, #tpu.memory_space<vmem>>) semaphore(%run_scoped3A : memref<!tpu.dma_semaphore, #tpu.memory_space<semaphore_mem>>) {add = true}
        %dma_wait3A_42 = arith.constant 0 : i32
        %dma_wait3A_43 = tpu.memref_slice %arg7[%scan3A_25, %dma_wait3A_42] : memref<79x128xi32, #tpu.memory_space<vmem>> -> memref<1x128xi32, #tpu.memory_space<vmem>>
        %dma_wait3A_44 = tpu.memref_squeeze %dma_wait3A_43 : memref<1x128xi32, #tpu.memory_space<vmem>> -> memref<128xi32, #tpu.memory_space<vmem>>
        %dma_wait3A_45 = arith.constant 0 : i32
        %dma_wait3A_46 = arith.constant 0 : i32
        %dma_wait3A_47 = tpu.memref_slice %arg9[%dma_wait3A_45, %dma_wait3A_46] : memref<10240x32xf32, #tpu.memory_space<vmem_shared>> -> memref<10240x32xf32, #tpu.memory_space<vmem_shared>>
        tpu.wait_indirect_dma semaphore(%run_scoped3A : memref<!tpu.dma_semaphore, #tpu.memory_space<semaphore_mem>>) src(%arg8 : memref<128x32xf32, #tpu.memory_space<vmem>>) dst(%dma_wait3A_47 : memref<10240x32xf32, #tpu.memory_space<vmem_shared>>)
        tpu.yield
      }) : () -> ()
    }
    %scan3A_17 = arith.constant 79 : i32
    %barrier3A_18 = arith.constant 0 : index
    tpu.barrier barrier_id(%barrier3A_18)
    %scan3A_19 = arith.constant 0 : i32
    %scan3A_20 = arith.constant 0 : i32
    %scan3A_21 = arith.constant 5 : i32
    %scan3A_22 = arith.addi %scan3A_20, %scan3A_21 : i32
    %scan3A_23 = arith.constant 1 : i32
    scf.for %scan3A_25 = %scan3A_20 to %scan3A_22 step %scan3A_23  : i32 {
      %mul3A_26 = arith.constant 640 : i32
      %mul3A_27 = arith.muli %arg1, %mul3A_26 : i32
      %mul3A_28 = arith.constant 128 : i32
      %mul3A_29 = arith.muli %scan3A_25, %mul3A_28 : i32
      %add3A_30 = arith.addi %mul3A_27, %mul3A_29 : i32
      "tpu.region"() ({
        %run_scoped3A = tpu.sem_alloc : memref<!tpu.dma_semaphore, #tpu.memory_space<semaphore_mem>>
        %dma_start3A = arith.constant 0 : i32
        %dma_start3A_31 = tpu.memref_slice %arg5[%arg0, %add3A_30, %dma_start3A] : memref<2x10240x32xf32, #tpu.memory_space<hbm>> -> memref<1x128x32xf32, #tpu.memory_space<hbm>>
        %dma_start3A_32 = tpu.memref_squeeze %dma_start3A_31 : memref<1x128x32xf32, #tpu.memory_space<hbm>> -> memref<128x32xf32, #tpu.memory_space<hbm>>
        %dma_start3A_33 = arith.constant 0 : i32
        %dma_start3A_34 = tpu.memref_slice %arg9[%add3A_30, %dma_start3A_33] : memref<10240x32xf32, #tpu.memory_space<vmem_shared>> -> memref<128x32xf32, #tpu.memory_space<vmem_shared>>
        tpu.enqueue_dma source(%dma_start3A_34 : memref<128x32xf32, #tpu.memory_space<vmem_shared>>) target(%dma_start3A_32 : memref<128x32xf32, #tpu.memory_space<hbm>>) target_semaphore(%run_scoped3A : memref<!tpu.dma_semaphore, #tpu.memory_space<semaphore_mem>>)
        %dma_wait3A = arith.constant 0 : i32
        %dma_wait3A_35 = tpu.memref_slice %arg5[%arg0, %add3A_30, %dma_wait3A] : memref<2x10240x32xf32, #tpu.memory_space<hbm>> -> memref<1x128x32xf32, #tpu.memory_space<hbm>>
        %dma_wait3A_36 = tpu.memref_squeeze %dma_wait3A_35 : memref<1x128x32xf32, #tpu.memory_space<hbm>> -> memref<128x32xf32, #tpu.memory_space<hbm>>
        %dma_wait3A_37 = arith.constant 0 : i32
        %dma_wait3A_38 = tpu.memref_slice %arg9[%add3A_30, %dma_wait3A_37] : memref<10240x32xf32, #tpu.memory_space<vmem_shared>> -> memref<128x32xf32, #tpu.memory_space<vmem_shared>>
        tpu.wait_dma2 semaphore(%run_scoped3A : memref<!tpu.dma_semaphore, #tpu.memory_space<semaphore_mem>>) src(%dma_wait3A_38 : memref<128x32xf32, #tpu.memory_space<vmem_shared>>) dst(%dma_wait3A_36 : memref<128x32xf32, #tpu.memory_space<hbm>>)
        tpu.yield
      }) : () -> ()
    }
    %scan3A_24 = arith.constant 5 : i32
    return
  }
}

module attributes {stable_mosaic.version = 14 : i64} {
  func.func @body(%arg0: i32, %arg1: memref<2x512x1xf32, #tpu.memory_space<vmem>>, %arg2: memref<512x128xf32, #tpu.memory_space<vmem>>, %arg3: memref<128x128xf32, #tpu.memory_space<vmem>>, %arg4: memref<512x128xf32, #tpu.memory_space<vmem>>, %arg5: memref<512x1xf32, #tpu.memory_space<vmem>>) attributes {dimension_semantics = [#tpu.dimension_semantics<arbitrary>], iteration_bounds = array<i64: 20>, scalar_prefetch = 0 : i64, scratch_operands = 0 : i64, tpu.core_type = #tpu.core_type<tc>, window_params = [{transform_indices = @transform_0, window_bounds = array<i64: 2, 512, 1>}, {transform_indices = @transform_1, window_bounds = array<i64: 512, 128>}, {pipeline_mode = #tpu.pipeline_mode<synchronous>, transform_indices = @transform_2, window_bounds = array<i64: 128, 128>}, {transform_indices = @transform_3, window_bounds = array<i64: 512, 128>}, {transform_indices = @transform_4, window_bounds = array<i64: 512, 1>}]} {
    %get3A = arith.constant 0 : index
    %get3A_0 = arith.constant 0 : index
    %get3A_1 = arith.constant 0 : index
    %get3A_2 = vector.load %arg1[%get3A, %get3A_0, %get3A_1] : memref<2x512x1xf32, #tpu.memory_space<vmem>>, vector<1x512x1xf32>
    %get3A_3 = vector.shape_cast %get3A_2 : vector<1x512x1xf32> to vector<512x1xf32>
    %get3A_4 = arith.constant 1 : index
    %get3A_5 = arith.constant 0 : index
    %get3A_6 = arith.constant 0 : index
    %get3A_7 = vector.load %arg1[%get3A_4, %get3A_5, %get3A_6] : memref<2x512x1xf32, #tpu.memory_space<vmem>>, vector<1x512x1xf32>
    %get3A_8 = vector.shape_cast %get3A_7 : vector<1x512x1xf32> to vector<512x1xf32>
    %add3A = arith.addf %get3A_3, %get3A_8 : vector<512x1xf32>
    %add3A_9 = arith.constant 1.000000e+00 : f32
    %add3A_10 = vector.broadcast %add3A_9 : f32 to vector<512x1xf32>
    %add3A_11 = arith.addf %add3A_10, %add3A : vector<512x1xf32>
    %rsqrt3A = math.rsqrt %add3A_11 : vector<512x1xf32>
    %get3A_12 = arith.constant 0 : index
    %get3A_13 = arith.constant 0 : index
    %get3A_14 = vector.load %arg2[%get3A_12, %get3A_13] : memref<512x128xf32, #tpu.memory_space<vmem>>, vector<512x128xf32>
    %get3A_15 = arith.constant 0 : index
    %get3A_16 = arith.constant 0 : index
    %get3A_17 = vector.load %arg3[%get3A_15, %get3A_16] : memref<128x128xf32, #tpu.memory_space<vmem>>, vector<128x128xf32>
    %dot_general3A = arith.constant dense<0.000000e+00> : vector<512x128xf32>
    %dot_general3A_18 = tpu.matmul %get3A_14, %get3A_17, %dot_general3A {dimension_numbers = #tpu.dot_dimension_numbers<[1], [0], [0], [1], [0, 0, 1, 1], [], []>, transpose_lhs_hint = false} : vector<512x128xf32>, vector<128x128xf32>, vector<512x128xf32> -> vector<512x128xf32>
    %mul3A = vector.broadcast %rsqrt3A : vector<512x1xf32> to vector<512x128xf32>
    %mul3A_19 = arith.mulf %dot_general3A_18, %mul3A : vector<512x128xf32>
    %swap3A = arith.constant 0 : index
    %swap3A_20 = arith.constant 0 : index
    %swap3A_21 = vector.load %arg4[%swap3A, %swap3A_20] : memref<512x128xf32, #tpu.memory_space<vmem>>, vector<512x128xf32>
    tpu.vector_store %arg4[%swap3A, %swap3A_20], %mul3A_19 {strides = array<i32>} : memref<512x128xf32, #tpu.memory_space<vmem>>, vector<512x128xf32>,
    %swap3A_22 = arith.constant 0 : index
    %swap3A_23 = arith.constant 0 : index
    %swap3A_24 = vector.load %arg5[%swap3A_22, %swap3A_23] : memref<512x1xf32, #tpu.memory_space<vmem>>, vector<512x1xf32>
    tpu.vector_store %arg5[%swap3A_22, %swap3A_23], %rsqrt3A {strides = array<i32>} : memref<512x1xf32, #tpu.memory_space<vmem>>, vector<512x1xf32>,
    return
  }
  func.func @transform_0(%arg0: i32) -> (i32, i32, i32) {
    %c0_i32 = arith.constant 0 : i32
    %c0_i32_0 = arith.constant 0 : i32
    %c0_i32_1 = arith.constant 0 : i32
    return %c0_i32, %arg0, %c0_i32_0 : i32, i32, i32
  }
  func.func @transform_1(%arg0: i32) -> (i32, i32) {
    %c0_i32 = arith.constant 0 : i32
    %c0_i32_0 = arith.constant 0 : i32
    return %arg0, %c0_i32 : i32, i32
  }
  func.func @transform_2(%arg0: i32) -> (i32, i32) {
    %c0_i32 = arith.constant 0 : i32
    %c0_i32_0 = arith.constant 0 : i32
    %c0_i32_1 = arith.constant 0 : i32
    return %c0_i32, %c0_i32_0 : i32, i32
  }
  func.func @transform_3(%arg0: i32) -> (i32, i32) {
    %c0_i32 = arith.constant 0 : i32
    %c0_i32_0 = arith.constant 0 : i32
    return %arg0, %c0_i32 : i32, i32
  }
  func.func @transform_4(%arg0: i32) -> (i32, i32) {
    %c0_i32 = arith.constant 0 : i32
    %c0_i32_0 = arith.constant 0 : i32
    return %arg0, %c0_i32 : i32, i32
  }
}

module attributes {stable_mosaic.version = 14 : i64} {
  func.func @body(%arg0: i32, %arg1: i32, %arg2: memref<2x512x128xf32, #tpu.memory_space<vmem>>, %arg3: memref<512x128xf32, #tpu.memory_space<vmem>>, %arg4: memref<512x1xf32, #tpu.memory_space<vmem>>, %arg5: memref<1x128xf32, #tpu.memory_space<vmem>>, %arg6: memref<1x128xf32, #tpu.memory_space<vmem>>, %arg7: memref<1x128xf32, #tpu.memory_space<vmem>>, %arg8: memref<128x16xf32, #tpu.memory_space<vmem>>, %arg9: memref<512x16xf32, #tpu.memory_space<vmem>>, %arg10: memref<10240x128xf32, #tpu.memory_space<vmem>>, %arg11: memref<8x128xf32, #tpu.memory_space<vmem>>) attributes {dimension_semantics = [#tpu.dimension_semantics<arbitrary>, #tpu.dimension_semantics<arbitrary>], iteration_bounds = array<i64: 3, 20>, scalar_prefetch = 0 : i64, scratch_operands = 2 : i64, tpu.core_type = #tpu.core_type<tc>, window_params = [{transform_indices = @transform_0, window_bounds = array<i64: 2, 512, 128>}, {transform_indices = @transform_1, window_bounds = array<i64: 512, 128>}, {transform_indices = @transform_2, window_bounds = array<i64: 512, 1>}, {pipeline_mode = #tpu.pipeline_mode<synchronous>, transform_indices = @transform_3, window_bounds = array<i64: 1, 128>}, {pipeline_mode = #tpu.pipeline_mode<synchronous>, transform_indices = @transform_4, window_bounds = array<i64: 1, 128>}, {pipeline_mode = #tpu.pipeline_mode<synchronous>, transform_indices = @transform_5, window_bounds = array<i64: 1, 128>}, {pipeline_mode = #tpu.pipeline_mode<synchronous>, transform_indices = @transform_6, window_bounds = array<i64: 128, 16>}, {transform_indices = @transform_7, window_bounds = array<i64: 512, 16>}]} {
    %eq3A = arith.constant 0 : i32
    %eq3A_0 = arith.cmpi eq, %arg0, %eq3A : i32
    %convert_element_type3A = arith.extui %eq3A_0 : i1 to i32
    %cond3A = arith.constant 0 : i32
    %cond3A_1 = arith.cmpi ne, %convert_element_type3A, %cond3A : i32
    scf.if %cond3A_1 {
      %get3A = arith.constant 0 : index
      %get3A_12 = arith.constant 0 : index
      %get3A_13 = arith.constant 0 : index
      %get3A_14 = vector.load %arg2[%get3A, %get3A_12, %get3A_13] : memref<2x512x128xf32, #tpu.memory_space<vmem>>, vector<1x512x128xf32>
      %get3A_15 = vector.shape_cast %get3A_14 : vector<1x512x128xf32> to vector<512x128xf32>
      %get3A_16 = arith.constant 1 : index
      %get3A_17 = arith.constant 0 : index
      %get3A_18 = arith.constant 0 : index
      %get3A_19 = vector.load %arg2[%get3A_16, %get3A_17, %get3A_18] : memref<2x512x128xf32, #tpu.memory_space<vmem>>, vector<1x512x128xf32>
      %get3A_20 = vector.shape_cast %get3A_19 : vector<1x512x128xf32> to vector<512x128xf32>
      %add3A = arith.addf %get3A_15, %get3A_20 : vector<512x128xf32>
      %get3A_21 = arith.constant 0 : index
      %get3A_22 = arith.constant 0 : index
      %get3A_23 = vector.load %arg3[%get3A_21, %get3A_22] : memref<512x128xf32, #tpu.memory_space<vmem>>, vector<512x128xf32>
      %add3A_24 = arith.addf %add3A, %get3A_23 : vector<512x128xf32>
      %get3A_25 = arith.constant 0 : index
      %get3A_26 = arith.constant 0 : index
      %get3A_27 = vector.load %arg4[%get3A_25, %get3A_26] : memref<512x1xf32, #tpu.memory_space<vmem>>, vector<512x1xf32>
      %mul3A = vector.broadcast %get3A_27 : vector<512x1xf32> to vector<512x128xf32>
      %mul3A_28 = arith.mulf %add3A_24, %mul3A : vector<512x128xf32>
      %get3A_29 = arith.constant 0 : index
      %get3A_30 = arith.constant 0 : index
      %get3A_31 = vector.load %arg5[%get3A_29, %get3A_30] : memref<1x128xf32, #tpu.memory_space<vmem>>, vector<1x128xf32>
      %add3A_32 = vector.broadcast %get3A_31 : vector<1x128xf32> to vector<512x128xf32>
      %add3A_33 = arith.addf %mul3A_28, %add3A_32 : vector<512x128xf32>
      %iota3A = tpu.iota {dimensions = array<i32: 0>} : vector<512x1xi32>
      %mul3A_34 = arith.constant 512 : i32
      %mul3A_35 = arith.muli %arg1, %mul3A_34 : i32
      %add3A_36 = vector.broadcast %mul3A_35 : i32 to vector<512x1xi32>
      %add3A_37 = arith.addi %iota3A, %add3A_36 : vector<512x1xi32>
      %lt3A = arith.constant 10000 : i32
      %lt3A_38 = vector.broadcast %lt3A : i32 to vector<512x1xi32>
      %lt3A_39 = arith.cmpi slt, %add3A_37, %lt3A_38 : vector<512x1xi32>
      %jit3A = arith.constant 0.000000e+00 : f32
      %broadcast_in_dim3A = vector.shape_cast %lt3A_39 : vector<512x1xi1> to vector<512x1xi1>
      %broadcast_in_dim3A_40 = vector.broadcast %broadcast_in_dim3A : vector<512x1xi1> to vector<512x128xi1>
      %broadcast_in_dim3A_41 = vector.broadcast %jit3A : f32 to vector<512x128xf32>
      %select_n3A = arith.select %broadcast_in_dim3A_40, %add3A_33, %broadcast_in_dim3A_41 : vector<512x128xi1>, vector<512x128xf32>
      %eq3A_42 = arith.constant 0 : i32
      %eq3A_43 = arith.cmpi eq, %arg1, %eq3A_42 : i32
      %convert_element_type3A_44 = arith.extui %eq3A_43 : i1 to i32
      %cond3A_45 = arith.constant 0 : i32
      %cond3A_46 = arith.cmpi ne, %convert_element_type3A_44, %cond3A_45 : i32
      scf.if %cond3A_46 {
        %broadcast_in_dim3A_60 = arith.constant 0.000000e+00 : f32
        %broadcast_in_dim3A_61 = vector.broadcast %broadcast_in_dim3A_60 : f32 to vector<8x128xf32>
        %swap3A_62 = arith.constant 0 : index
        %swap3A_63 = arith.constant 0 : index
        %swap3A_64 = vector.load %arg11[%swap3A_62, %swap3A_63] : memref<8x128xf32, #tpu.memory_space<vmem>>, vector<8x128xf32>
        tpu.vector_store %arg11[%swap3A_62, %swap3A_63], %broadcast_in_dim3A_61 {strides = array<i32>} : memref<8x128xf32, #tpu.memory_space<vmem>>, vector<8x128xf32>,
      } else {
      }
      %get3A_47 = arith.constant 0 : index
      %get3A_48 = arith.constant 0 : index
      %get3A_49 = vector.load %arg11[%get3A_47, %get3A_48] : memref<8x128xf32, #tpu.memory_space<vmem>>, vector<1x128xf32>
      %reduce_sum3A = arith.constant dense<0.000000e+00> : vector<128xf32>
      %reduce_sum3A_50 = vector.multi_reduction <add>, %select_n3A, %reduce_sum3A [0] : vector<512x128xf32> to vector<128xf32>
      %broadcast_in_dim3A_51 = vector.shape_cast %reduce_sum3A_50 : vector<128xf32> to vector<1x128xf32>
      %add3A_52 = arith.addf %get3A_49, %broadcast_in_dim3A_51 : vector<1x128xf32>
      %swap3A = arith.constant 0 : index
      %swap3A_53 = arith.constant 0 : index
      %swap3A_54 = vector.load %arg11[%swap3A, %swap3A_53] : memref<8x128xf32, #tpu.memory_space<vmem>>, vector<1x128xf32>
      tpu.vector_store %arg11[%swap3A, %swap3A_53], %add3A_52 {strides = array<i32>} : memref<8x128xf32, #tpu.memory_space<vmem>>, vector<1x128xf32>,
      %mul3A_55 = arith.constant 512 : i32
      %mul3A_56 = arith.muli %arg1, %mul3A_55 : i32
      %swap3A_57 = arith.index_cast %mul3A_56 : i32 to index
      %swap3A_58 = arith.constant 0 : index
      %swap3A_59 = vector.load %arg10[%swap3A_57, %swap3A_58] : memref<10240x128xf32, #tpu.memory_space<vmem>>, vector<512x128xf32>
      tpu.vector_store %arg10[%swap3A_57, %swap3A_58], %add3A_33 {strides = array<i32>} : memref<10240x128xf32, #tpu.memory_space<vmem>>, vector<512x128xf32>,
    } else {
    }
    %eq3A_2 = arith.constant 1 : i32
    %eq3A_3 = arith.cmpi eq, %arg0, %eq3A_2 : i32
    %convert_element_type3A_4 = arith.extui %eq3A_3 : i1 to i32
    %cond3A_5 = arith.constant 0 : i32
    %cond3A_6 = arith.cmpi ne, %convert_element_type3A_4, %cond3A_5 : i32
    scf.if %cond3A_6 {
      %get3A = arith.constant 0 : index
      %get3A_12 = arith.constant 0 : index
      %get3A_13 = vector.load %arg11[%get3A, %get3A_12] : memref<8x128xf32, #tpu.memory_space<vmem>>, vector<1x128xf32>
      %div3A = arith.constant 1.000000e+04 : f32
      %div3A_14 = vector.broadcast %div3A : f32 to vector<1x128xf32>
      %div3A_15 = arith.divf %get3A_13, %div3A_14 : vector<1x128xf32>
      %mul3A = arith.constant 512 : i32
      %mul3A_16 = arith.muli %arg1, %mul3A : i32
      %get3A_17 = arith.index_cast %mul3A_16 : i32 to index
      %get3A_18 = arith.constant 0 : index
      %get3A_19 = vector.load %arg10[%get3A_17, %get3A_18] : memref<10240x128xf32, #tpu.memory_space<vmem>>, vector<512x128xf32>
      %iota3A = tpu.iota {dimensions = array<i32: 0>} : vector<512x1xi32>
      %mul3A_20 = arith.constant 512 : i32
      %mul3A_21 = arith.muli %arg1, %mul3A_20 : i32
      %add3A = vector.broadcast %mul3A_21 : i32 to vector<512x1xi32>
      %add3A_22 = arith.addi %iota3A, %add3A : vector<512x1xi32>
      %lt3A = arith.constant 10000 : i32
      %lt3A_23 = vector.broadcast %lt3A : i32 to vector<512x1xi32>
      %lt3A_24 = arith.cmpi slt, %add3A_22, %lt3A_23 : vector<512x1xi32>
      %sub3A = vector.broadcast %div3A_15 : vector<1x128xf32> to vector<512x128xf32>
      %sub3A_25 = arith.subf %get3A_19, %sub3A : vector<512x128xf32>
      %jit3A = arith.constant 0.000000e+00 : f32
      %broadcast_in_dim3A = vector.shape_cast %lt3A_24 : vector<512x1xi1> to vector<512x1xi1>
      %broadcast_in_dim3A_26 = vector.broadcast %broadcast_in_dim3A : vector<512x1xi1> to vector<512x128xi1>
      %broadcast_in_dim3A_27 = vector.broadcast %jit3A : f32 to vector<512x128xf32>
      %select_n3A = arith.select %broadcast_in_dim3A_26, %sub3A_25, %broadcast_in_dim3A_27 : vector<512x128xi1>, vector<512x128xf32>
      %get3A_28 = arith.constant 1 : index
      %get3A_29 = arith.constant 0 : index
      %get3A_30 = vector.load %arg11[%get3A_28, %get3A_29] : memref<8x128xf32, #tpu.memory_space<vmem>>, vector<1x128xf32>
      %mul3A_31 = arith.mulf %select_n3A, %select_n3A : vector<512x128xf32>
      %reduce_sum3A = arith.constant dense<0.000000e+00> : vector<128xf32>
      %reduce_sum3A_32 = vector.multi_reduction <add>, %mul3A_31, %reduce_sum3A [0] : vector<512x128xf32> to vector<128xf32>
      %broadcast_in_dim3A_33 = vector.shape_cast %reduce_sum3A_32 : vector<128xf32> to vector<1x128xf32>
      %add3A_34 = arith.addf %get3A_30, %broadcast_in_dim3A_33 : vector<1x128xf32>
      %swap3A = arith.constant 1 : index
      %swap3A_35 = arith.constant 0 : index
      %swap3A_36 = vector.load %arg11[%swap3A, %swap3A_35] : memref<8x128xf32, #tpu.memory_space<vmem>>, vector<1x128xf32>
      tpu.vector_store %arg11[%swap3A, %swap3A_35], %add3A_34 {strides = array<i32>} : memref<8x128xf32, #tpu.memory_space<vmem>>, vector<1x128xf32>,
    } else {
    }
    %eq3A_7 = arith.constant 2 : i32
    %eq3A_8 = arith.cmpi eq, %arg0, %eq3A_7 : i32
    %convert_element_type3A_9 = arith.extui %eq3A_8 : i1 to i32
    %cond3A_10 = arith.constant 0 : i32
    %cond3A_11 = arith.cmpi ne, %convert_element_type3A_9, %cond3A_10 : i32
    scf.if %cond3A_11 {
      %get3A = arith.constant 0 : index
      %get3A_12 = arith.constant 0 : index
      %get3A_13 = vector.load %arg11[%get3A, %get3A_12] : memref<8x128xf32, #tpu.memory_space<vmem>>, vector<1x128xf32>
      %div3A = arith.constant 1.000000e+04 : f32
      %div3A_14 = vector.broadcast %div3A : f32 to vector<1x128xf32>
      %div3A_15 = arith.divf %get3A_13, %div3A_14 : vector<1x128xf32>
      %get3A_16 = arith.constant 1 : index
      %get3A_17 = arith.constant 0 : index
      %get3A_18 = vector.load %arg11[%get3A_16, %get3A_17] : memref<8x128xf32, #tpu.memory_space<vmem>>, vector<1x128xf32>
      %div3A_19 = arith.constant 1.000000e+04 : f32
      %div3A_20 = vector.broadcast %div3A_19 : f32 to vector<1x128xf32>
      %div3A_21 = arith.divf %get3A_18, %div3A_20 : vector<1x128xf32>
      %mul3A = arith.constant 512 : i32
      %mul3A_22 = arith.muli %arg1, %mul3A : i32
      %get3A_23 = arith.index_cast %mul3A_22 : i32 to index
      %get3A_24 = arith.constant 0 : index
      %get3A_25 = vector.load %arg10[%get3A_23, %get3A_24] : memref<10240x128xf32, #tpu.memory_space<vmem>>, vector<512x128xf32>
      %sub3A = vector.broadcast %div3A_15 : vector<1x128xf32> to vector<512x128xf32>
      %sub3A_26 = arith.subf %get3A_25, %sub3A : vector<512x128xf32>
      %add3A = arith.constant 9.99999974E-6 : f32
      %add3A_27 = vector.broadcast %add3A : f32 to vector<1x128xf32>
      %add3A_28 = arith.addf %div3A_21, %add3A_27 : vector<1x128xf32>
      %rsqrt3A = math.rsqrt %add3A_28 : vector<1x128xf32>
      %mul3A_29 = vector.broadcast %rsqrt3A : vector<1x128xf32> to vector<512x128xf32>
      %mul3A_30 = arith.mulf %sub3A_26, %mul3A_29 : vector<512x128xf32>
      %get3A_31 = arith.constant 0 : index
      %get3A_32 = arith.constant 0 : index
      %get3A_33 = vector.load %arg6[%get3A_31, %get3A_32] : memref<1x128xf32, #tpu.memory_space<vmem>>, vector<1x128xf32>
      %mul3A_34 = vector.broadcast %get3A_33 : vector<1x128xf32> to vector<512x128xf32>
      %mul3A_35 = arith.mulf %mul3A_30, %mul3A_34 : vector<512x128xf32>
      %get3A_36 = arith.constant 0 : index
      %get3A_37 = arith.constant 0 : index
      %get3A_38 = vector.load %arg7[%get3A_36, %get3A_37] : memref<1x128xf32, #tpu.memory_space<vmem>>, vector<1x128xf32>
      %add3A_39 = vector.broadcast %get3A_38 : vector<1x128xf32> to vector<512x128xf32>
      %add3A_40 = arith.addf %mul3A_35, %add3A_39 : vector<512x128xf32>
      %max3A = arith.constant 0.000000e+00 : f32
      %max3A_41 = vector.broadcast %max3A : f32 to vector<512x128xf32>
      %max3A_42 = arith.maximumf %add3A_40, %max3A_41 : vector<512x128xf32>
      %get3A_43 = arith.constant 0 : index
      %get3A_44 = arith.constant 0 : index
      %get3A_45 = vector.load %arg8[%get3A_43, %get3A_44] : memref<128x16xf32, #tpu.memory_space<vmem>>, vector<128x16xf32>
      %dot_general3A = arith.constant dense<0.000000e+00> : vector<512x16xf32>
      %dot_general3A_46 = tpu.matmul %max3A_42, %get3A_45, %dot_general3A {dimension_numbers = #tpu.dot_dimension_numbers<[1], [0], [0], [1], [0, 0, 1, 1], [], []>, transpose_lhs_hint = false} : vector<512x128xf32>, vector<128x16xf32>, vector<512x16xf32> -> vector<512x16xf32>
      %get3A_47 = arith.constant 0 : index
      %get3A_48 = arith.constant 0 : index
      %get3A_49 = vector.load %arg4[%get3A_47, %get3A_48] : memref<512x1xf32, #tpu.memory_space<vmem>>, vector<512x1xf32>
      %mul3A_50 = vector.broadcast %get3A_49 : vector<512x1xf32> to vector<512x16xf32>
      %mul3A_51 = arith.mulf %dot_general3A_46, %mul3A_50 : vector<512x16xf32>
      %swap3A = arith.constant 0 : index
      %swap3A_52 = arith.constant 0 : index
      %swap3A_53 = vector.load %arg9[%swap3A, %swap3A_52] : memref<512x16xf32, #tpu.memory_space<vmem>>, vector<512x16xf32>
      tpu.vector_store %arg9[%swap3A, %swap3A_52], %mul3A_51 {strides = array<i32>} : memref<512x16xf32, #tpu.memory_space<vmem>>, vector<512x16xf32>,
    } else {
    }
    return
  }
  func.func @transform_0(%arg0: i32, %arg1: i32) -> (i32, i32, i32) {
    %c0_i32 = arith.constant 0 : i32
    %c0_i32_0 = arith.constant 0 : i32
    %c0_i32_1 = arith.constant 0 : i32
    return %c0_i32, %arg1, %c0_i32_0 : i32, i32, i32
  }
  func.func @transform_1(%arg0: i32, %arg1: i32) -> (i32, i32) {
    %c0_i32 = arith.constant 0 : i32
    %c0_i32_0 = arith.constant 0 : i32
    return %arg1, %c0_i32 : i32, i32
  }
  func.func @transform_2(%arg0: i32, %arg1: i32) -> (i32, i32) {
    %c0_i32 = arith.constant 0 : i32
    %c0_i32_0 = arith.constant 0 : i32
    return %arg1, %c0_i32 : i32, i32
  }
  func.func @transform_3(%arg0: i32, %arg1: i32) -> (i32, i32) {
    %c0_i32 = arith.constant 0 : i32
    %c0_i32_0 = arith.constant 0 : i32
    %c0_i32_1 = arith.constant 0 : i32
    return %c0_i32, %c0_i32_0 : i32, i32
  }
  func.func @transform_4(%arg0: i32, %arg1: i32) -> (i32, i32) {
    %c0_i32 = arith.constant 0 : i32
    %c0_i32_0 = arith.constant 0 : i32
    %c0_i32_1 = arith.constant 0 : i32
    return %c0_i32, %c0_i32_0 : i32, i32
  }
  func.func @transform_5(%arg0: i32, %arg1: i32) -> (i32, i32) {
    %c0_i32 = arith.constant 0 : i32
    %c0_i32_0 = arith.constant 0 : i32
    %c0_i32_1 = arith.constant 0 : i32
    return %c0_i32, %c0_i32_0 : i32, i32
  }
  func.func @transform_6(%arg0: i32, %arg1: i32) -> (i32, i32) {
    %c0_i32 = arith.constant 0 : i32
    %c0_i32_0 = arith.constant 0 : i32
    %c0_i32_1 = arith.constant 0 : i32
    return %c0_i32, %c0_i32_0 : i32, i32
  }
  func.func @transform_7(%arg0: i32, %arg1: i32) -> (i32, i32) {
    %c0_i32 = arith.constant 0 : i32
    %c0_i32_0 = arith.constant 0 : i32
    return %arg1, %c0_i32 : i32, i32
  }
}

module attributes {stable_mosaic.version = 14 : i64} {
  func.func @body(%arg0: i32, %arg1: i32, %arg2: memref<2x512x16xf32, #tpu.memory_space<vmem>>, %arg3: memref<512x16xf32, #tpu.memory_space<vmem>>, %arg4: memref<512x1xf32, #tpu.memory_space<vmem>>, %arg5: memref<1x16xf32, #tpu.memory_space<vmem>>, %arg6: memref<1x16xf32, #tpu.memory_space<vmem>>, %arg7: memref<1x16xf32, #tpu.memory_space<vmem>>, %arg8: memref<16x32xf32, #tpu.memory_space<vmem>>, %arg9: memref<512x32xf32, #tpu.memory_space<vmem>>, %arg10: memref<10240x16xf32, #tpu.memory_space<vmem>>, %arg11: memref<8x16xf32, #tpu.memory_space<vmem>>) attributes {dimension_semantics = [#tpu.dimension_semantics<arbitrary>, #tpu.dimension_semantics<arbitrary>], iteration_bounds = array<i64: 3, 20>, scalar_prefetch = 0 : i64, scratch_operands = 2 : i64, tpu.core_type = #tpu.core_type<tc>, window_params = [{transform_indices = @transform_0, window_bounds = array<i64: 2, 512, 16>}, {transform_indices = @transform_1, window_bounds = array<i64: 512, 16>}, {transform_indices = @transform_2, window_bounds = array<i64: 512, 1>}, {pipeline_mode = #tpu.pipeline_mode<synchronous>, transform_indices = @transform_3, window_bounds = array<i64: 1, 16>}, {pipeline_mode = #tpu.pipeline_mode<synchronous>, transform_indices = @transform_4, window_bounds = array<i64: 1, 16>}, {pipeline_mode = #tpu.pipeline_mode<synchronous>, transform_indices = @transform_5, window_bounds = array<i64: 1, 16>}, {pipeline_mode = #tpu.pipeline_mode<synchronous>, transform_indices = @transform_6, window_bounds = array<i64: 16, 32>}, {transform_indices = @transform_7, window_bounds = array<i64: 512, 32>}]} {
    %eq3A = arith.constant 0 : i32
    %eq3A_0 = arith.cmpi eq, %arg0, %eq3A : i32
    %convert_element_type3A = arith.extui %eq3A_0 : i1 to i32
    %cond3A = arith.constant 0 : i32
    %cond3A_1 = arith.cmpi ne, %convert_element_type3A, %cond3A : i32
    scf.if %cond3A_1 {
      %get3A = arith.constant 0 : index
      %get3A_12 = arith.constant 0 : index
      %get3A_13 = arith.constant 0 : index
      %get3A_14 = vector.load %arg2[%get3A, %get3A_12, %get3A_13] : memref<2x512x16xf32, #tpu.memory_space<vmem>>, vector<1x512x16xf32>
      %get3A_15 = vector.shape_cast %get3A_14 : vector<1x512x16xf32> to vector<512x16xf32>
      %get3A_16 = arith.constant 1 : index
      %get3A_17 = arith.constant 0 : index
      %get3A_18 = arith.constant 0 : index
      %get3A_19 = vector.load %arg2[%get3A_16, %get3A_17, %get3A_18] : memref<2x512x16xf32, #tpu.memory_space<vmem>>, vector<1x512x16xf32>
      %get3A_20 = vector.shape_cast %get3A_19 : vector<1x512x16xf32> to vector<512x16xf32>
      %add3A = arith.addf %get3A_15, %get3A_20 : vector<512x16xf32>
      %get3A_21 = arith.constant 0 : index
      %get3A_22 = arith.constant 0 : index
      %get3A_23 = vector.load %arg3[%get3A_21, %get3A_22] : memref<512x16xf32, #tpu.memory_space<vmem>>, vector<512x16xf32>
      %add3A_24 = arith.addf %add3A, %get3A_23 : vector<512x16xf32>
      %get3A_25 = arith.constant 0 : index
      %get3A_26 = arith.constant 0 : index
      %get3A_27 = vector.load %arg4[%get3A_25, %get3A_26] : memref<512x1xf32, #tpu.memory_space<vmem>>, vector<512x1xf32>
      %mul3A = vector.broadcast %get3A_27 : vector<512x1xf32> to vector<512x16xf32>
      %mul3A_28 = arith.mulf %add3A_24, %mul3A : vector<512x16xf32>
      %get3A_29 = arith.constant 0 : index
      %get3A_30 = arith.constant 0 : index
      %get3A_31 = vector.load %arg5[%get3A_29, %get3A_30] : memref<1x16xf32, #tpu.memory_space<vmem>>, vector<1x16xf32>
      %add3A_32 = vector.broadcast %get3A_31 : vector<1x16xf32> to vector<512x16xf32>
      %add3A_33 = arith.addf %mul3A_28, %add3A_32 : vector<512x16xf32>
      %iota3A = tpu.iota {dimensions = array<i32: 0>} : vector<512x1xi32>
      %mul3A_34 = arith.constant 512 : i32
      %mul3A_35 = arith.muli %arg1, %mul3A_34 : i32
      %add3A_36 = vector.broadcast %mul3A_35 : i32 to vector<512x1xi32>
      %add3A_37 = arith.addi %iota3A, %add3A_36 : vector<512x1xi32>
      %lt3A = arith.constant 10000 : i32
      %lt3A_38 = vector.broadcast %lt3A : i32 to vector<512x1xi32>
      %lt3A_39 = arith.cmpi slt, %add3A_37, %lt3A_38 : vector<512x1xi32>
      %jit3A = arith.constant 0.000000e+00 : f32
      %broadcast_in_dim3A = vector.shape_cast %lt3A_39 : vector<512x1xi1> to vector<512x1xi1>
      %broadcast_in_dim3A_40 = vector.broadcast %broadcast_in_dim3A : vector<512x1xi1> to vector<512x16xi1>
      %broadcast_in_dim3A_41 = vector.broadcast %jit3A : f32 to vector<512x16xf32>
      %select_n3A = arith.select %broadcast_in_dim3A_40, %add3A_33, %broadcast_in_dim3A_41 : vector<512x16xi1>, vector<512x16xf32>
      %eq3A_42 = arith.constant 0 : i32
      %eq3A_43 = arith.cmpi eq, %arg1, %eq3A_42 : i32
      %convert_element_type3A_44 = arith.extui %eq3A_43 : i1 to i32
      %cond3A_45 = arith.constant 0 : i32
      %cond3A_46 = arith.cmpi ne, %convert_element_type3A_44, %cond3A_45 : i32
      scf.if %cond3A_46 {
        %broadcast_in_dim3A_60 = arith.constant 0.000000e+00 : f32
        %broadcast_in_dim3A_61 = vector.broadcast %broadcast_in_dim3A_60 : f32 to vector<8x16xf32>
        %swap3A_62 = arith.constant 0 : index
        %swap3A_63 = arith.constant 0 : index
        %swap3A_64 = vector.load %arg11[%swap3A_62, %swap3A_63] : memref<8x16xf32, #tpu.memory_space<vmem>>, vector<8x16xf32>
        tpu.vector_store %arg11[%swap3A_62, %swap3A_63], %broadcast_in_dim3A_61 {strides = array<i32>} : memref<8x16xf32, #tpu.memory_space<vmem>>, vector<8x16xf32>,
      } else {
      }
      %get3A_47 = arith.constant 0 : index
      %get3A_48 = arith.constant 0 : index
      %get3A_49 = vector.load %arg11[%get3A_47, %get3A_48] : memref<8x16xf32, #tpu.memory_space<vmem>>, vector<1x16xf32>
      %reduce_sum3A = arith.constant dense<0.000000e+00> : vector<16xf32>
      %reduce_sum3A_50 = vector.multi_reduction <add>, %select_n3A, %reduce_sum3A [0] : vector<512x16xf32> to vector<16xf32>
      %broadcast_in_dim3A_51 = vector.shape_cast %reduce_sum3A_50 : vector<16xf32> to vector<1x16xf32>
      %add3A_52 = arith.addf %get3A_49, %broadcast_in_dim3A_51 : vector<1x16xf32>
      %swap3A = arith.constant 0 : index
      %swap3A_53 = arith.constant 0 : index
      %swap3A_54 = vector.load %arg11[%swap3A, %swap3A_53] : memref<8x16xf32, #tpu.memory_space<vmem>>, vector<1x16xf32>
      tpu.vector_store %arg11[%swap3A, %swap3A_53], %add3A_52 {strides = array<i32>} : memref<8x16xf32, #tpu.memory_space<vmem>>, vector<1x16xf32>,
      %mul3A_55 = arith.constant 512 : i32
      %mul3A_56 = arith.muli %arg1, %mul3A_55 : i32
      %swap3A_57 = arith.index_cast %mul3A_56 : i32 to index
      %swap3A_58 = arith.constant 0 : index
      %swap3A_59 = vector.load %arg10[%swap3A_57, %swap3A_58] : memref<10240x16xf32, #tpu.memory_space<vmem>>, vector<512x16xf32>
      tpu.vector_store %arg10[%swap3A_57, %swap3A_58], %add3A_33 {strides = array<i32>} : memref<10240x16xf32, #tpu.memory_space<vmem>>, vector<512x16xf32>,
    } else {
    }
    %eq3A_2 = arith.constant 1 : i32
    %eq3A_3 = arith.cmpi eq, %arg0, %eq3A_2 : i32
    %convert_element_type3A_4 = arith.extui %eq3A_3 : i1 to i32
    %cond3A_5 = arith.constant 0 : i32
    %cond3A_6 = arith.cmpi ne, %convert_element_type3A_4, %cond3A_5 : i32
    scf.if %cond3A_6 {
      %get3A = arith.constant 0 : index
      %get3A_12 = arith.constant 0 : index
      %get3A_13 = vector.load %arg11[%get3A, %get3A_12] : memref<8x16xf32, #tpu.memory_space<vmem>>, vector<1x16xf32>
      %div3A = arith.constant 1.000000e+04 : f32
      %div3A_14 = vector.broadcast %div3A : f32 to vector<1x16xf32>
      %div3A_15 = arith.divf %get3A_13, %div3A_14 : vector<1x16xf32>
      %mul3A = arith.constant 512 : i32
      %mul3A_16 = arith.muli %arg1, %mul3A : i32
      %get3A_17 = arith.index_cast %mul3A_16 : i32 to index
      %get3A_18 = arith.constant 0 : index
      %get3A_19 = vector.load %arg10[%get3A_17, %get3A_18] : memref<10240x16xf32, #tpu.memory_space<vmem>>, vector<512x16xf32>
      %iota3A = tpu.iota {dimensions = array<i32: 0>} : vector<512x1xi32>
      %mul3A_20 = arith.constant 512 : i32
      %mul3A_21 = arith.muli %arg1, %mul3A_20 : i32
      %add3A = vector.broadcast %mul3A_21 : i32 to vector<512x1xi32>
      %add3A_22 = arith.addi %iota3A, %add3A : vector<512x1xi32>
      %lt3A = arith.constant 10000 : i32
      %lt3A_23 = vector.broadcast %lt3A : i32 to vector<512x1xi32>
      %lt3A_24 = arith.cmpi slt, %add3A_22, %lt3A_23 : vector<512x1xi32>
      %sub3A = vector.broadcast %div3A_15 : vector<1x16xf32> to vector<512x16xf32>
      %sub3A_25 = arith.subf %get3A_19, %sub3A : vector<512x16xf32>
      %jit3A = arith.constant 0.000000e+00 : f32
      %broadcast_in_dim3A = vector.shape_cast %lt3A_24 : vector<512x1xi1> to vector<512x1xi1>
      %broadcast_in_dim3A_26 = vector.broadcast %broadcast_in_dim3A : vector<512x1xi1> to vector<512x16xi1>
      %broadcast_in_dim3A_27 = vector.broadcast %jit3A : f32 to vector<512x16xf32>
      %select_n3A = arith.select %broadcast_in_dim3A_26, %sub3A_25, %broadcast_in_dim3A_27 : vector<512x16xi1>, vector<512x16xf32>
      %get3A_28 = arith.constant 1 : index
      %get3A_29 = arith.constant 0 : index
      %get3A_30 = vector.load %arg11[%get3A_28, %get3A_29] : memref<8x16xf32, #tpu.memory_space<vmem>>, vector<1x16xf32>
      %mul3A_31 = arith.mulf %select_n3A, %select_n3A : vector<512x16xf32>
      %reduce_sum3A = arith.constant dense<0.000000e+00> : vector<16xf32>
      %reduce_sum3A_32 = vector.multi_reduction <add>, %mul3A_31, %reduce_sum3A [0] : vector<512x16xf32> to vector<16xf32>
      %broadcast_in_dim3A_33 = vector.shape_cast %reduce_sum3A_32 : vector<16xf32> to vector<1x16xf32>
      %add3A_34 = arith.addf %get3A_30, %broadcast_in_dim3A_33 : vector<1x16xf32>
      %swap3A = arith.constant 1 : index
      %swap3A_35 = arith.constant 0 : index
      %swap3A_36 = vector.load %arg11[%swap3A, %swap3A_35] : memref<8x16xf32, #tpu.memory_space<vmem>>, vector<1x16xf32>
      tpu.vector_store %arg11[%swap3A, %swap3A_35], %add3A_34 {strides = array<i32>} : memref<8x16xf32, #tpu.memory_space<vmem>>, vector<1x16xf32>,
    } else {
    }
    %eq3A_7 = arith.constant 2 : i32
    %eq3A_8 = arith.cmpi eq, %arg0, %eq3A_7 : i32
    %convert_element_type3A_9 = arith.extui %eq3A_8 : i1 to i32
    %cond3A_10 = arith.constant 0 : i32
    %cond3A_11 = arith.cmpi ne, %convert_element_type3A_9, %cond3A_10 : i32
    scf.if %cond3A_11 {
      %get3A = arith.constant 0 : index
      %get3A_12 = arith.constant 0 : index
      %get3A_13 = vector.load %arg11[%get3A, %get3A_12] : memref<8x16xf32, #tpu.memory_space<vmem>>, vector<1x16xf32>
      %div3A = arith.constant 1.000000e+04 : f32
      %div3A_14 = vector.broadcast %div3A : f32 to vector<1x16xf32>
      %div3A_15 = arith.divf %get3A_13, %div3A_14 : vector<1x16xf32>
      %get3A_16 = arith.constant 1 : index
      %get3A_17 = arith.constant 0 : index
      %get3A_18 = vector.load %arg11[%get3A_16, %get3A_17] : memref<8x16xf32, #tpu.memory_space<vmem>>, vector<1x16xf32>
      %div3A_19 = arith.constant 1.000000e+04 : f32
      %div3A_20 = vector.broadcast %div3A_19 : f32 to vector<1x16xf32>
      %div3A_21 = arith.divf %get3A_18, %div3A_20 : vector<1x16xf32>
      %mul3A = arith.constant 512 : i32
      %mul3A_22 = arith.muli %arg1, %mul3A : i32
      %get3A_23 = arith.index_cast %mul3A_22 : i32 to index
      %get3A_24 = arith.constant 0 : index
      %get3A_25 = vector.load %arg10[%get3A_23, %get3A_24] : memref<10240x16xf32, #tpu.memory_space<vmem>>, vector<512x16xf32>
      %sub3A = vector.broadcast %div3A_15 : vector<1x16xf32> to vector<512x16xf32>
      %sub3A_26 = arith.subf %get3A_25, %sub3A : vector<512x16xf32>
      %add3A = arith.constant 9.99999974E-6 : f32
      %add3A_27 = vector.broadcast %add3A : f32 to vector<1x16xf32>
      %add3A_28 = arith.addf %div3A_21, %add3A_27 : vector<1x16xf32>
      %rsqrt3A = math.rsqrt %add3A_28 : vector<1x16xf32>
      %mul3A_29 = vector.broadcast %rsqrt3A : vector<1x16xf32> to vector<512x16xf32>
      %mul3A_30 = arith.mulf %sub3A_26, %mul3A_29 : vector<512x16xf32>
      %get3A_31 = arith.constant 0 : index
      %get3A_32 = arith.constant 0 : index
      %get3A_33 = vector.load %arg6[%get3A_31, %get3A_32] : memref<1x16xf32, #tpu.memory_space<vmem>>, vector<1x16xf32>
      %mul3A_34 = vector.broadcast %get3A_33 : vector<1x16xf32> to vector<512x16xf32>
      %mul3A_35 = arith.mulf %mul3A_30, %mul3A_34 : vector<512x16xf32>
      %get3A_36 = arith.constant 0 : index
      %get3A_37 = arith.constant 0 : index
      %get3A_38 = vector.load %arg7[%get3A_36, %get3A_37] : memref<1x16xf32, #tpu.memory_space<vmem>>, vector<1x16xf32>
      %add3A_39 = vector.broadcast %get3A_38 : vector<1x16xf32> to vector<512x16xf32>
      %add3A_40 = arith.addf %mul3A_35, %add3A_39 : vector<512x16xf32>
      %max3A = arith.constant 0.000000e+00 : f32
      %max3A_41 = vector.broadcast %max3A : f32 to vector<512x16xf32>
      %max3A_42 = arith.maximumf %add3A_40, %max3A_41 : vector<512x16xf32>
      %get3A_43 = arith.constant 0 : index
      %get3A_44 = arith.constant 0 : index
      %get3A_45 = vector.load %arg8[%get3A_43, %get3A_44] : memref<16x32xf32, #tpu.memory_space<vmem>>, vector<16x32xf32>
      %dot_general3A = arith.constant dense<0.000000e+00> : vector<512x32xf32>
      %dot_general3A_46 = tpu.matmul %max3A_42, %get3A_45, %dot_general3A {dimension_numbers = #tpu.dot_dimension_numbers<[1], [0], [0], [1], [0, 0, 1, 1], [], []>, transpose_lhs_hint = false} : vector<512x16xf32>, vector<16x32xf32>, vector<512x32xf32> -> vector<512x32xf32>
      %get3A_47 = arith.constant 0 : index
      %get3A_48 = arith.constant 0 : index
      %get3A_49 = vector.load %arg4[%get3A_47, %get3A_48] : memref<512x1xf32, #tpu.memory_space<vmem>>, vector<512x1xf32>
      %mul3A_50 = vector.broadcast %get3A_49 : vector<512x1xf32> to vector<512x32xf32>
      %mul3A_51 = arith.mulf %dot_general3A_46, %mul3A_50 : vector<512x32xf32>
      %swap3A = arith.constant 0 : index
      %swap3A_52 = arith.constant 0 : index
      %swap3A_53 = vector.load %arg9[%swap3A, %swap3A_52] : memref<512x32xf32, #tpu.memory_space<vmem>>, vector<512x32xf32>
      tpu.vector_store %arg9[%swap3A, %swap3A_52], %mul3A_51 {strides = array<i32>} : memref<512x32xf32, #tpu.memory_space<vmem>>, vector<512x32xf32>,
    } else {
    }
    return
  }
  func.func @transform_0(%arg0: i32, %arg1: i32) -> (i32, i32, i32) {
    %c0_i32 = arith.constant 0 : i32
    %c0_i32_0 = arith.constant 0 : i32
    %c0_i32_1 = arith.constant 0 : i32
    return %c0_i32, %arg1, %c0_i32_0 : i32, i32, i32
  }
  func.func @transform_1(%arg0: i32, %arg1: i32) -> (i32, i32) {
    %c0_i32 = arith.constant 0 : i32
    %c0_i32_0 = arith.constant 0 : i32
    return %arg1, %c0_i32 : i32, i32
  }
  func.func @transform_2(%arg0: i32, %arg1: i32) -> (i32, i32) {
    %c0_i32 = arith.constant 0 : i32
    %c0_i32_0 = arith.constant 0 : i32
    return %arg1, %c0_i32 : i32, i32
  }
  func.func @transform_3(%arg0: i32, %arg1: i32) -> (i32, i32) {
    %c0_i32 = arith.constant 0 : i32
    %c0_i32_0 = arith.constant 0 : i32
    %c0_i32_1 = arith.constant 0 : i32
    return %c0_i32, %c0_i32_0 : i32, i32
  }
  func.func @transform_4(%arg0: i32, %arg1: i32) -> (i32, i32) {
    %c0_i32 = arith.constant 0 : i32
    %c0_i32_0 = arith.constant 0 : i32
    %c0_i32_1 = arith.constant 0 : i32
    return %c0_i32, %c0_i32_0 : i32, i32
  }
  func.func @transform_5(%arg0: i32, %arg1: i32) -> (i32, i32) {
    %c0_i32 = arith.constant 0 : i32
    %c0_i32_0 = arith.constant 0 : i32
    %c0_i32_1 = arith.constant 0 : i32
    return %c0_i32, %c0_i32_0 : i32, i32
  }
  func.func @transform_6(%arg0: i32, %arg1: i32) -> (i32, i32) {
    %c0_i32 = arith.constant 0 : i32
    %c0_i32_0 = arith.constant 0 : i32
    %c0_i32_1 = arith.constant 0 : i32
    return %c0_i32, %c0_i32_0 : i32, i32
  }
  func.func @transform_7(%arg0: i32, %arg1: i32) -> (i32, i32) {
    %c0_i32 = arith.constant 0 : i32
    %c0_i32_0 = arith.constant 0 : i32
    return %arg1, %c0_i32 : i32, i32
  }
}

module attributes {stable_mosaic.version = 14 : i64} {
  func.func @body(%arg0: i32, %arg1: i32, %arg2: memref<2x512x32xf32, #tpu.memory_space<vmem>>, %arg3: memref<512x32xf32, #tpu.memory_space<vmem>>, %arg4: memref<512x1xf32, #tpu.memory_space<vmem>>, %arg5: memref<1x32xf32, #tpu.memory_space<vmem>>, %arg6: memref<1x32xf32, #tpu.memory_space<vmem>>, %arg7: memref<1x32xf32, #tpu.memory_space<vmem>>, %arg8: memref<32x64xf32, #tpu.memory_space<vmem>>, %arg9: memref<512x64xf32, #tpu.memory_space<vmem>>, %arg10: memref<10240x32xf32, #tpu.memory_space<vmem>>, %arg11: memref<8x32xf32, #tpu.memory_space<vmem>>) attributes {dimension_semantics = [#tpu.dimension_semantics<arbitrary>, #tpu.dimension_semantics<arbitrary>], iteration_bounds = array<i64: 3, 20>, scalar_prefetch = 0 : i64, scratch_operands = 2 : i64, tpu.core_type = #tpu.core_type<tc>, window_params = [{transform_indices = @transform_0, window_bounds = array<i64: 2, 512, 32>}, {transform_indices = @transform_1, window_bounds = array<i64: 512, 32>}, {transform_indices = @transform_2, window_bounds = array<i64: 512, 1>}, {pipeline_mode = #tpu.pipeline_mode<synchronous>, transform_indices = @transform_3, window_bounds = array<i64: 1, 32>}, {pipeline_mode = #tpu.pipeline_mode<synchronous>, transform_indices = @transform_4, window_bounds = array<i64: 1, 32>}, {pipeline_mode = #tpu.pipeline_mode<synchronous>, transform_indices = @transform_5, window_bounds = array<i64: 1, 32>}, {pipeline_mode = #tpu.pipeline_mode<synchronous>, transform_indices = @transform_6, window_bounds = array<i64: 32, 64>}, {transform_indices = @transform_7, window_bounds = array<i64: 512, 64>}]} {
    %eq3A = arith.constant 0 : i32
    %eq3A_0 = arith.cmpi eq, %arg0, %eq3A : i32
    %convert_element_type3A = arith.extui %eq3A_0 : i1 to i32
    %cond3A = arith.constant 0 : i32
    %cond3A_1 = arith.cmpi ne, %convert_element_type3A, %cond3A : i32
    scf.if %cond3A_1 {
      %get3A = arith.constant 0 : index
      %get3A_12 = arith.constant 0 : index
      %get3A_13 = arith.constant 0 : index
      %get3A_14 = vector.load %arg2[%get3A, %get3A_12, %get3A_13] : memref<2x512x32xf32, #tpu.memory_space<vmem>>, vector<1x512x32xf32>
      %get3A_15 = vector.shape_cast %get3A_14 : vector<1x512x32xf32> to vector<512x32xf32>
      %get3A_16 = arith.constant 1 : index
      %get3A_17 = arith.constant 0 : index
      %get3A_18 = arith.constant 0 : index
      %get3A_19 = vector.load %arg2[%get3A_16, %get3A_17, %get3A_18] : memref<2x512x32xf32, #tpu.memory_space<vmem>>, vector<1x512x32xf32>
      %get3A_20 = vector.shape_cast %get3A_19 : vector<1x512x32xf32> to vector<512x32xf32>
      %add3A = arith.addf %get3A_15, %get3A_20 : vector<512x32xf32>
      %get3A_21 = arith.constant 0 : index
      %get3A_22 = arith.constant 0 : index
      %get3A_23 = vector.load %arg3[%get3A_21, %get3A_22] : memref<512x32xf32, #tpu.memory_space<vmem>>, vector<512x32xf32>
      %add3A_24 = arith.addf %add3A, %get3A_23 : vector<512x32xf32>
      %get3A_25 = arith.constant 0 : index
      %get3A_26 = arith.constant 0 : index
      %get3A_27 = vector.load %arg4[%get3A_25, %get3A_26] : memref<512x1xf32, #tpu.memory_space<vmem>>, vector<512x1xf32>
      %mul3A = vector.broadcast %get3A_27 : vector<512x1xf32> to vector<512x32xf32>
      %mul3A_28 = arith.mulf %add3A_24, %mul3A : vector<512x32xf32>
      %get3A_29 = arith.constant 0 : index
      %get3A_30 = arith.constant 0 : index
      %get3A_31 = vector.load %arg5[%get3A_29, %get3A_30] : memref<1x32xf32, #tpu.memory_space<vmem>>, vector<1x32xf32>
      %add3A_32 = vector.broadcast %get3A_31 : vector<1x32xf32> to vector<512x32xf32>
      %add3A_33 = arith.addf %mul3A_28, %add3A_32 : vector<512x32xf32>
      %iota3A = tpu.iota {dimensions = array<i32: 0>} : vector<512x1xi32>
      %mul3A_34 = arith.constant 512 : i32
      %mul3A_35 = arith.muli %arg1, %mul3A_34 : i32
      %add3A_36 = vector.broadcast %mul3A_35 : i32 to vector<512x1xi32>
      %add3A_37 = arith.addi %iota3A, %add3A_36 : vector<512x1xi32>
      %lt3A = arith.constant 10000 : i32
      %lt3A_38 = vector.broadcast %lt3A : i32 to vector<512x1xi32>
      %lt3A_39 = arith.cmpi slt, %add3A_37, %lt3A_38 : vector<512x1xi32>
      %jit3A = arith.constant 0.000000e+00 : f32
      %broadcast_in_dim3A = vector.shape_cast %lt3A_39 : vector<512x1xi1> to vector<512x1xi1>
      %broadcast_in_dim3A_40 = vector.broadcast %broadcast_in_dim3A : vector<512x1xi1> to vector<512x32xi1>
      %broadcast_in_dim3A_41 = vector.broadcast %jit3A : f32 to vector<512x32xf32>
      %select_n3A = arith.select %broadcast_in_dim3A_40, %add3A_33, %broadcast_in_dim3A_41 : vector<512x32xi1>, vector<512x32xf32>
      %eq3A_42 = arith.constant 0 : i32
      %eq3A_43 = arith.cmpi eq, %arg1, %eq3A_42 : i32
      %convert_element_type3A_44 = arith.extui %eq3A_43 : i1 to i32
      %cond3A_45 = arith.constant 0 : i32
      %cond3A_46 = arith.cmpi ne, %convert_element_type3A_44, %cond3A_45 : i32
      scf.if %cond3A_46 {
        %broadcast_in_dim3A_60 = arith.constant 0.000000e+00 : f32
        %broadcast_in_dim3A_61 = vector.broadcast %broadcast_in_dim3A_60 : f32 to vector<8x32xf32>
        %swap3A_62 = arith.constant 0 : index
        %swap3A_63 = arith.constant 0 : index
        %swap3A_64 = vector.load %arg11[%swap3A_62, %swap3A_63] : memref<8x32xf32, #tpu.memory_space<vmem>>, vector<8x32xf32>
        tpu.vector_store %arg11[%swap3A_62, %swap3A_63], %broadcast_in_dim3A_61 {strides = array<i32>} : memref<8x32xf32, #tpu.memory_space<vmem>>, vector<8x32xf32>,
      } else {
      }
      %get3A_47 = arith.constant 0 : index
      %get3A_48 = arith.constant 0 : index
      %get3A_49 = vector.load %arg11[%get3A_47, %get3A_48] : memref<8x32xf32, #tpu.memory_space<vmem>>, vector<1x32xf32>
      %reduce_sum3A = arith.constant dense<0.000000e+00> : vector<32xf32>
      %reduce_sum3A_50 = vector.multi_reduction <add>, %select_n3A, %reduce_sum3A [0] : vector<512x32xf32> to vector<32xf32>
      %broadcast_in_dim3A_51 = vector.shape_cast %reduce_sum3A_50 : vector<32xf32> to vector<1x32xf32>
      %add3A_52 = arith.addf %get3A_49, %broadcast_in_dim3A_51 : vector<1x32xf32>
      %swap3A = arith.constant 0 : index
      %swap3A_53 = arith.constant 0 : index
      %swap3A_54 = vector.load %arg11[%swap3A, %swap3A_53] : memref<8x32xf32, #tpu.memory_space<vmem>>, vector<1x32xf32>
      tpu.vector_store %arg11[%swap3A, %swap3A_53], %add3A_52 {strides = array<i32>} : memref<8x32xf32, #tpu.memory_space<vmem>>, vector<1x32xf32>,
      %mul3A_55 = arith.constant 512 : i32
      %mul3A_56 = arith.muli %arg1, %mul3A_55 : i32
      %swap3A_57 = arith.index_cast %mul3A_56 : i32 to index
      %swap3A_58 = arith.constant 0 : index
      %swap3A_59 = vector.load %arg10[%swap3A_57, %swap3A_58] : memref<10240x32xf32, #tpu.memory_space<vmem>>, vector<512x32xf32>
      tpu.vector_store %arg10[%swap3A_57, %swap3A_58], %add3A_33 {strides = array<i32>} : memref<10240x32xf32, #tpu.memory_space<vmem>>, vector<512x32xf32>,
    } else {
    }
    %eq3A_2 = arith.constant 1 : i32
    %eq3A_3 = arith.cmpi eq, %arg0, %eq3A_2 : i32
    %convert_element_type3A_4 = arith.extui %eq3A_3 : i1 to i32
    %cond3A_5 = arith.constant 0 : i32
    %cond3A_6 = arith.cmpi ne, %convert_element_type3A_4, %cond3A_5 : i32
    scf.if %cond3A_6 {
      %get3A = arith.constant 0 : index
      %get3A_12 = arith.constant 0 : index
      %get3A_13 = vector.load %arg11[%get3A, %get3A_12] : memref<8x32xf32, #tpu.memory_space<vmem>>, vector<1x32xf32>
      %div3A = arith.constant 1.000000e+04 : f32
      %div3A_14 = vector.broadcast %div3A : f32 to vector<1x32xf32>
      %div3A_15 = arith.divf %get3A_13, %div3A_14 : vector<1x32xf32>
      %mul3A = arith.constant 512 : i32
      %mul3A_16 = arith.muli %arg1, %mul3A : i32
      %get3A_17 = arith.index_cast %mul3A_16 : i32 to index
      %get3A_18 = arith.constant 0 : index
      %get3A_19 = vector.load %arg10[%get3A_17, %get3A_18] : memref<10240x32xf32, #tpu.memory_space<vmem>>, vector<512x32xf32>
      %iota3A = tpu.iota {dimensions = array<i32: 0>} : vector<512x1xi32>
      %mul3A_20 = arith.constant 512 : i32
      %mul3A_21 = arith.muli %arg1, %mul3A_20 : i32
      %add3A = vector.broadcast %mul3A_21 : i32 to vector<512x1xi32>
      %add3A_22 = arith.addi %iota3A, %add3A : vector<512x1xi32>
      %lt3A = arith.constant 10000 : i32
      %lt3A_23 = vector.broadcast %lt3A : i32 to vector<512x1xi32>
      %lt3A_24 = arith.cmpi slt, %add3A_22, %lt3A_23 : vector<512x1xi32>
      %sub3A = vector.broadcast %div3A_15 : vector<1x32xf32> to vector<512x32xf32>
      %sub3A_25 = arith.subf %get3A_19, %sub3A : vector<512x32xf32>
      %jit3A = arith.constant 0.000000e+00 : f32
      %broadcast_in_dim3A = vector.shape_cast %lt3A_24 : vector<512x1xi1> to vector<512x1xi1>
      %broadcast_in_dim3A_26 = vector.broadcast %broadcast_in_dim3A : vector<512x1xi1> to vector<512x32xi1>
      %broadcast_in_dim3A_27 = vector.broadcast %jit3A : f32 to vector<512x32xf32>
      %select_n3A = arith.select %broadcast_in_dim3A_26, %sub3A_25, %broadcast_in_dim3A_27 : vector<512x32xi1>, vector<512x32xf32>
      %get3A_28 = arith.constant 1 : index
      %get3A_29 = arith.constant 0 : index
      %get3A_30 = vector.load %arg11[%get3A_28, %get3A_29] : memref<8x32xf32, #tpu.memory_space<vmem>>, vector<1x32xf32>
      %mul3A_31 = arith.mulf %select_n3A, %select_n3A : vector<512x32xf32>
      %reduce_sum3A = arith.constant dense<0.000000e+00> : vector<32xf32>
      %reduce_sum3A_32 = vector.multi_reduction <add>, %mul3A_31, %reduce_sum3A [0] : vector<512x32xf32> to vector<32xf32>
      %broadcast_in_dim3A_33 = vector.shape_cast %reduce_sum3A_32 : vector<32xf32> to vector<1x32xf32>
      %add3A_34 = arith.addf %get3A_30, %broadcast_in_dim3A_33 : vector<1x32xf32>
      %swap3A = arith.constant 1 : index
      %swap3A_35 = arith.constant 0 : index
      %swap3A_36 = vector.load %arg11[%swap3A, %swap3A_35] : memref<8x32xf32, #tpu.memory_space<vmem>>, vector<1x32xf32>
      tpu.vector_store %arg11[%swap3A, %swap3A_35], %add3A_34 {strides = array<i32>} : memref<8x32xf32, #tpu.memory_space<vmem>>, vector<1x32xf32>,
    } else {
    }
    %eq3A_7 = arith.constant 2 : i32
    %eq3A_8 = arith.cmpi eq, %arg0, %eq3A_7 : i32
    %convert_element_type3A_9 = arith.extui %eq3A_8 : i1 to i32
    %cond3A_10 = arith.constant 0 : i32
    %cond3A_11 = arith.cmpi ne, %convert_element_type3A_9, %cond3A_10 : i32
    scf.if %cond3A_11 {
      %get3A = arith.constant 0 : index
      %get3A_12 = arith.constant 0 : index
      %get3A_13 = vector.load %arg11[%get3A, %get3A_12] : memref<8x32xf32, #tpu.memory_space<vmem>>, vector<1x32xf32>
      %div3A = arith.constant 1.000000e+04 : f32
      %div3A_14 = vector.broadcast %div3A : f32 to vector<1x32xf32>
      %div3A_15 = arith.divf %get3A_13, %div3A_14 : vector<1x32xf32>
      %get3A_16 = arith.constant 1 : index
      %get3A_17 = arith.constant 0 : index
      %get3A_18 = vector.load %arg11[%get3A_16, %get3A_17] : memref<8x32xf32, #tpu.memory_space<vmem>>, vector<1x32xf32>
      %div3A_19 = arith.constant 1.000000e+04 : f32
      %div3A_20 = vector.broadcast %div3A_19 : f32 to vector<1x32xf32>
      %div3A_21 = arith.divf %get3A_18, %div3A_20 : vector<1x32xf32>
      %mul3A = arith.constant 512 : i32
      %mul3A_22 = arith.muli %arg1, %mul3A : i32
      %get3A_23 = arith.index_cast %mul3A_22 : i32 to index
      %get3A_24 = arith.constant 0 : index
      %get3A_25 = vector.load %arg10[%get3A_23, %get3A_24] : memref<10240x32xf32, #tpu.memory_space<vmem>>, vector<512x32xf32>
      %sub3A = vector.broadcast %div3A_15 : vector<1x32xf32> to vector<512x32xf32>
      %sub3A_26 = arith.subf %get3A_25, %sub3A : vector<512x32xf32>
      %add3A = arith.constant 9.99999974E-6 : f32
      %add3A_27 = vector.broadcast %add3A : f32 to vector<1x32xf32>
      %add3A_28 = arith.addf %div3A_21, %add3A_27 : vector<1x32xf32>
      %rsqrt3A = math.rsqrt %add3A_28 : vector<1x32xf32>
      %mul3A_29 = vector.broadcast %rsqrt3A : vector<1x32xf32> to vector<512x32xf32>
      %mul3A_30 = arith.mulf %sub3A_26, %mul3A_29 : vector<512x32xf32>
      %get3A_31 = arith.constant 0 : index
      %get3A_32 = arith.constant 0 : index
      %get3A_33 = vector.load %arg6[%get3A_31, %get3A_32] : memref<1x32xf32, #tpu.memory_space<vmem>>, vector<1x32xf32>
      %mul3A_34 = vector.broadcast %get3A_33 : vector<1x32xf32> to vector<512x32xf32>
      %mul3A_35 = arith.mulf %mul3A_30, %mul3A_34 : vector<512x32xf32>
      %get3A_36 = arith.constant 0 : index
      %get3A_37 = arith.constant 0 : index
      %get3A_38 = vector.load %arg7[%get3A_36, %get3A_37] : memref<1x32xf32, #tpu.memory_space<vmem>>, vector<1x32xf32>
      %add3A_39 = vector.broadcast %get3A_38 : vector<1x32xf32> to vector<512x32xf32>
      %add3A_40 = arith.addf %mul3A_35, %add3A_39 : vector<512x32xf32>
      %max3A = arith.constant 0.000000e+00 : f32
      %max3A_41 = vector.broadcast %max3A : f32 to vector<512x32xf32>
      %max3A_42 = arith.maximumf %add3A_40, %max3A_41 : vector<512x32xf32>
      %get3A_43 = arith.constant 0 : index
      %get3A_44 = arith.constant 0 : index
      %get3A_45 = vector.load %arg8[%get3A_43, %get3A_44] : memref<32x64xf32, #tpu.memory_space<vmem>>, vector<32x64xf32>
      %dot_general3A = arith.constant dense<0.000000e+00> : vector<512x64xf32>
      %dot_general3A_46 = tpu.matmul %max3A_42, %get3A_45, %dot_general3A {dimension_numbers = #tpu.dot_dimension_numbers<[1], [0], [0], [1], [0, 0, 1, 1], [], []>, transpose_lhs_hint = false} : vector<512x32xf32>, vector<32x64xf32>, vector<512x64xf32> -> vector<512x64xf32>
      %get3A_47 = arith.constant 0 : index
      %get3A_48 = arith.constant 0 : index
      %get3A_49 = vector.load %arg4[%get3A_47, %get3A_48] : memref<512x1xf32, #tpu.memory_space<vmem>>, vector<512x1xf32>
      %mul3A_50 = vector.broadcast %get3A_49 : vector<512x1xf32> to vector<512x64xf32>
      %mul3A_51 = arith.mulf %dot_general3A_46, %mul3A_50 : vector<512x64xf32>
      %swap3A = arith.constant 0 : index
      %swap3A_52 = arith.constant 0 : index
      %swap3A_53 = vector.load %arg9[%swap3A, %swap3A_52] : memref<512x64xf32, #tpu.memory_space<vmem>>, vector<512x64xf32>
      tpu.vector_store %arg9[%swap3A, %swap3A_52], %mul3A_51 {strides = array<i32>} : memref<512x64xf32, #tpu.memory_space<vmem>>, vector<512x64xf32>,
    } else {
    }
    return
  }
  func.func @transform_0(%arg0: i32, %arg1: i32) -> (i32, i32, i32) {
    %c0_i32 = arith.constant 0 : i32
    %c0_i32_0 = arith.constant 0 : i32
    %c0_i32_1 = arith.constant 0 : i32
    return %c0_i32, %arg1, %c0_i32_0 : i32, i32, i32
  }
  func.func @transform_1(%arg0: i32, %arg1: i32) -> (i32, i32) {
    %c0_i32 = arith.constant 0 : i32
    %c0_i32_0 = arith.constant 0 : i32
    return %arg1, %c0_i32 : i32, i32
  }
  func.func @transform_2(%arg0: i32, %arg1: i32) -> (i32, i32) {
    %c0_i32 = arith.constant 0 : i32
    %c0_i32_0 = arith.constant 0 : i32
    return %arg1, %c0_i32 : i32, i32
  }
  func.func @transform_3(%arg0: i32, %arg1: i32) -> (i32, i32) {
    %c0_i32 = arith.constant 0 : i32
    %c0_i32_0 = arith.constant 0 : i32
    %c0_i32_1 = arith.constant 0 : i32
    return %c0_i32, %c0_i32_0 : i32, i32
  }
  func.func @transform_4(%arg0: i32, %arg1: i32) -> (i32, i32) {
    %c0_i32 = arith.constant 0 : i32
    %c0_i32_0 = arith.constant 0 : i32
    %c0_i32_1 = arith.constant 0 : i32
    return %c0_i32, %c0_i32_0 : i32, i32
  }
  func.func @transform_5(%arg0: i32, %arg1: i32) -> (i32, i32) {
    %c0_i32 = arith.constant 0 : i32
    %c0_i32_0 = arith.constant 0 : i32
    %c0_i32_1 = arith.constant 0 : i32
    return %c0_i32, %c0_i32_0 : i32, i32
  }
  func.func @transform_6(%arg0: i32, %arg1: i32) -> (i32, i32) {
    %c0_i32 = arith.constant 0 : i32
    %c0_i32_0 = arith.constant 0 : i32
    %c0_i32_1 = arith.constant 0 : i32
    return %c0_i32, %c0_i32_0 : i32, i32
  }
  func.func @transform_7(%arg0: i32, %arg1: i32) -> (i32, i32) {
    %c0_i32 = arith.constant 0 : i32
    %c0_i32_0 = arith.constant 0 : i32
    return %arg1, %c0_i32 : i32, i32
  }
}

module attributes {stable_mosaic.version = 14 : i64} {
  func.func @body(%arg0: i32, %arg1: i32, %arg2: memref<2x512x64xf32, #tpu.memory_space<vmem>>, %arg3: memref<512x64xf32, #tpu.memory_space<vmem>>, %arg4: memref<512x1xf32, #tpu.memory_space<vmem>>, %arg5: memref<1x64xf32, #tpu.memory_space<vmem>>, %arg6: memref<1x64xf32, #tpu.memory_space<vmem>>, %arg7: memref<1x64xf32, #tpu.memory_space<vmem>>, %arg8: memref<64x32xf32, #tpu.memory_space<vmem>>, %arg9: memref<512x32xf32, #tpu.memory_space<vmem>>, %arg10: memref<10240x64xf32, #tpu.memory_space<vmem>>, %arg11: memref<8x64xf32, #tpu.memory_space<vmem>>) attributes {dimension_semantics = [#tpu.dimension_semantics<arbitrary>, #tpu.dimension_semantics<arbitrary>], iteration_bounds = array<i64: 3, 20>, scalar_prefetch = 0 : i64, scratch_operands = 2 : i64, tpu.core_type = #tpu.core_type<tc>, window_params = [{transform_indices = @transform_0, window_bounds = array<i64: 2, 512, 64>}, {transform_indices = @transform_1, window_bounds = array<i64: 512, 64>}, {transform_indices = @transform_2, window_bounds = array<i64: 512, 1>}, {pipeline_mode = #tpu.pipeline_mode<synchronous>, transform_indices = @transform_3, window_bounds = array<i64: 1, 64>}, {pipeline_mode = #tpu.pipeline_mode<synchronous>, transform_indices = @transform_4, window_bounds = array<i64: 1, 64>}, {pipeline_mode = #tpu.pipeline_mode<synchronous>, transform_indices = @transform_5, window_bounds = array<i64: 1, 64>}, {pipeline_mode = #tpu.pipeline_mode<synchronous>, transform_indices = @transform_6, window_bounds = array<i64: 64, 32>}, {transform_indices = @transform_7, window_bounds = array<i64: 512, 32>}]} {
    %eq3A = arith.constant 0 : i32
    %eq3A_0 = arith.cmpi eq, %arg0, %eq3A : i32
    %convert_element_type3A = arith.extui %eq3A_0 : i1 to i32
    %cond3A = arith.constant 0 : i32
    %cond3A_1 = arith.cmpi ne, %convert_element_type3A, %cond3A : i32
    scf.if %cond3A_1 {
      %get3A = arith.constant 0 : index
      %get3A_12 = arith.constant 0 : index
      %get3A_13 = arith.constant 0 : index
      %get3A_14 = vector.load %arg2[%get3A, %get3A_12, %get3A_13] : memref<2x512x64xf32, #tpu.memory_space<vmem>>, vector<1x512x64xf32>
      %get3A_15 = vector.shape_cast %get3A_14 : vector<1x512x64xf32> to vector<512x64xf32>
      %get3A_16 = arith.constant 1 : index
      %get3A_17 = arith.constant 0 : index
      %get3A_18 = arith.constant 0 : index
      %get3A_19 = vector.load %arg2[%get3A_16, %get3A_17, %get3A_18] : memref<2x512x64xf32, #tpu.memory_space<vmem>>, vector<1x512x64xf32>
      %get3A_20 = vector.shape_cast %get3A_19 : vector<1x512x64xf32> to vector<512x64xf32>
      %add3A = arith.addf %get3A_15, %get3A_20 : vector<512x64xf32>
      %get3A_21 = arith.constant 0 : index
      %get3A_22 = arith.constant 0 : index
      %get3A_23 = vector.load %arg3[%get3A_21, %get3A_22] : memref<512x64xf32, #tpu.memory_space<vmem>>, vector<512x64xf32>
      %add3A_24 = arith.addf %add3A, %get3A_23 : vector<512x64xf32>
      %get3A_25 = arith.constant 0 : index
      %get3A_26 = arith.constant 0 : index
      %get3A_27 = vector.load %arg4[%get3A_25, %get3A_26] : memref<512x1xf32, #tpu.memory_space<vmem>>, vector<512x1xf32>
      %mul3A = vector.broadcast %get3A_27 : vector<512x1xf32> to vector<512x64xf32>
      %mul3A_28 = arith.mulf %add3A_24, %mul3A : vector<512x64xf32>
      %get3A_29 = arith.constant 0 : index
      %get3A_30 = arith.constant 0 : index
      %get3A_31 = vector.load %arg5[%get3A_29, %get3A_30] : memref<1x64xf32, #tpu.memory_space<vmem>>, vector<1x64xf32>
      %add3A_32 = vector.broadcast %get3A_31 : vector<1x64xf32> to vector<512x64xf32>
      %add3A_33 = arith.addf %mul3A_28, %add3A_32 : vector<512x64xf32>
      %iota3A = tpu.iota {dimensions = array<i32: 0>} : vector<512x1xi32>
      %mul3A_34 = arith.constant 512 : i32
      %mul3A_35 = arith.muli %arg1, %mul3A_34 : i32
      %add3A_36 = vector.broadcast %mul3A_35 : i32 to vector<512x1xi32>
      %add3A_37 = arith.addi %iota3A, %add3A_36 : vector<512x1xi32>
      %lt3A = arith.constant 10000 : i32
      %lt3A_38 = vector.broadcast %lt3A : i32 to vector<512x1xi32>
      %lt3A_39 = arith.cmpi slt, %add3A_37, %lt3A_38 : vector<512x1xi32>
      %jit3A = arith.constant 0.000000e+00 : f32
      %broadcast_in_dim3A = vector.shape_cast %lt3A_39 : vector<512x1xi1> to vector<512x1xi1>
      %broadcast_in_dim3A_40 = vector.broadcast %broadcast_in_dim3A : vector<512x1xi1> to vector<512x64xi1>
      %broadcast_in_dim3A_41 = vector.broadcast %jit3A : f32 to vector<512x64xf32>
      %select_n3A = arith.select %broadcast_in_dim3A_40, %add3A_33, %broadcast_in_dim3A_41 : vector<512x64xi1>, vector<512x64xf32>
      %eq3A_42 = arith.constant 0 : i32
      %eq3A_43 = arith.cmpi eq, %arg1, %eq3A_42 : i32
      %convert_element_type3A_44 = arith.extui %eq3A_43 : i1 to i32
      %cond3A_45 = arith.constant 0 : i32
      %cond3A_46 = arith.cmpi ne, %convert_element_type3A_44, %cond3A_45 : i32
      scf.if %cond3A_46 {
        %broadcast_in_dim3A_60 = arith.constant 0.000000e+00 : f32
        %broadcast_in_dim3A_61 = vector.broadcast %broadcast_in_dim3A_60 : f32 to vector<8x64xf32>
        %swap3A_62 = arith.constant 0 : index
        %swap3A_63 = arith.constant 0 : index
        %swap3A_64 = vector.load %arg11[%swap3A_62, %swap3A_63] : memref<8x64xf32, #tpu.memory_space<vmem>>, vector<8x64xf32>
        tpu.vector_store %arg11[%swap3A_62, %swap3A_63], %broadcast_in_dim3A_61 {strides = array<i32>} : memref<8x64xf32, #tpu.memory_space<vmem>>, vector<8x64xf32>,
      } else {
      }
      %get3A_47 = arith.constant 0 : index
      %get3A_48 = arith.constant 0 : index
      %get3A_49 = vector.load %arg11[%get3A_47, %get3A_48] : memref<8x64xf32, #tpu.memory_space<vmem>>, vector<1x64xf32>
      %reduce_sum3A = arith.constant dense<0.000000e+00> : vector<64xf32>
      %reduce_sum3A_50 = vector.multi_reduction <add>, %select_n3A, %reduce_sum3A [0] : vector<512x64xf32> to vector<64xf32>
      %broadcast_in_dim3A_51 = vector.shape_cast %reduce_sum3A_50 : vector<64xf32> to vector<1x64xf32>
      %add3A_52 = arith.addf %get3A_49, %broadcast_in_dim3A_51 : vector<1x64xf32>
      %swap3A = arith.constant 0 : index
      %swap3A_53 = arith.constant 0 : index
      %swap3A_54 = vector.load %arg11[%swap3A, %swap3A_53] : memref<8x64xf32, #tpu.memory_space<vmem>>, vector<1x64xf32>
      tpu.vector_store %arg11[%swap3A, %swap3A_53], %add3A_52 {strides = array<i32>} : memref<8x64xf32, #tpu.memory_space<vmem>>, vector<1x64xf32>,
      %mul3A_55 = arith.constant 512 : i32
      %mul3A_56 = arith.muli %arg1, %mul3A_55 : i32
      %swap3A_57 = arith.index_cast %mul3A_56 : i32 to index
      %swap3A_58 = arith.constant 0 : index
      %swap3A_59 = vector.load %arg10[%swap3A_57, %swap3A_58] : memref<10240x64xf32, #tpu.memory_space<vmem>>, vector<512x64xf32>
      tpu.vector_store %arg10[%swap3A_57, %swap3A_58], %add3A_33 {strides = array<i32>} : memref<10240x64xf32, #tpu.memory_space<vmem>>, vector<512x64xf32>,
    } else {
    }
    %eq3A_2 = arith.constant 1 : i32
    %eq3A_3 = arith.cmpi eq, %arg0, %eq3A_2 : i32
    %convert_element_type3A_4 = arith.extui %eq3A_3 : i1 to i32
    %cond3A_5 = arith.constant 0 : i32
    %cond3A_6 = arith.cmpi ne, %convert_element_type3A_4, %cond3A_5 : i32
    scf.if %cond3A_6 {
      %get3A = arith.constant 0 : index
      %get3A_12 = arith.constant 0 : index
      %get3A_13 = vector.load %arg11[%get3A, %get3A_12] : memref<8x64xf32, #tpu.memory_space<vmem>>, vector<1x64xf32>
      %div3A = arith.constant 1.000000e+04 : f32
      %div3A_14 = vector.broadcast %div3A : f32 to vector<1x64xf32>
      %div3A_15 = arith.divf %get3A_13, %div3A_14 : vector<1x64xf32>
      %mul3A = arith.constant 512 : i32
      %mul3A_16 = arith.muli %arg1, %mul3A : i32
      %get3A_17 = arith.index_cast %mul3A_16 : i32 to index
      %get3A_18 = arith.constant 0 : index
      %get3A_19 = vector.load %arg10[%get3A_17, %get3A_18] : memref<10240x64xf32, #tpu.memory_space<vmem>>, vector<512x64xf32>
      %iota3A = tpu.iota {dimensions = array<i32: 0>} : vector<512x1xi32>
      %mul3A_20 = arith.constant 512 : i32
      %mul3A_21 = arith.muli %arg1, %mul3A_20 : i32
      %add3A = vector.broadcast %mul3A_21 : i32 to vector<512x1xi32>
      %add3A_22 = arith.addi %iota3A, %add3A : vector<512x1xi32>
      %lt3A = arith.constant 10000 : i32
      %lt3A_23 = vector.broadcast %lt3A : i32 to vector<512x1xi32>
      %lt3A_24 = arith.cmpi slt, %add3A_22, %lt3A_23 : vector<512x1xi32>
      %sub3A = vector.broadcast %div3A_15 : vector<1x64xf32> to vector<512x64xf32>
      %sub3A_25 = arith.subf %get3A_19, %sub3A : vector<512x64xf32>
      %jit3A = arith.constant 0.000000e+00 : f32
      %broadcast_in_dim3A = vector.shape_cast %lt3A_24 : vector<512x1xi1> to vector<512x1xi1>
      %broadcast_in_dim3A_26 = vector.broadcast %broadcast_in_dim3A : vector<512x1xi1> to vector<512x64xi1>
      %broadcast_in_dim3A_27 = vector.broadcast %jit3A : f32 to vector<512x64xf32>
      %select_n3A = arith.select %broadcast_in_dim3A_26, %sub3A_25, %broadcast_in_dim3A_27 : vector<512x64xi1>, vector<512x64xf32>
      %get3A_28 = arith.constant 1 : index
      %get3A_29 = arith.constant 0 : index
      %get3A_30 = vector.load %arg11[%get3A_28, %get3A_29] : memref<8x64xf32, #tpu.memory_space<vmem>>, vector<1x64xf32>
      %mul3A_31 = arith.mulf %select_n3A, %select_n3A : vector<512x64xf32>
      %reduce_sum3A = arith.constant dense<0.000000e+00> : vector<64xf32>
      %reduce_sum3A_32 = vector.multi_reduction <add>, %mul3A_31, %reduce_sum3A [0] : vector<512x64xf32> to vector<64xf32>
      %broadcast_in_dim3A_33 = vector.shape_cast %reduce_sum3A_32 : vector<64xf32> to vector<1x64xf32>
      %add3A_34 = arith.addf %get3A_30, %broadcast_in_dim3A_33 : vector<1x64xf32>
      %swap3A = arith.constant 1 : index
      %swap3A_35 = arith.constant 0 : index
      %swap3A_36 = vector.load %arg11[%swap3A, %swap3A_35] : memref<8x64xf32, #tpu.memory_space<vmem>>, vector<1x64xf32>
      tpu.vector_store %arg11[%swap3A, %swap3A_35], %add3A_34 {strides = array<i32>} : memref<8x64xf32, #tpu.memory_space<vmem>>, vector<1x64xf32>,
    } else {
    }
    %eq3A_7 = arith.constant 2 : i32
    %eq3A_8 = arith.cmpi eq, %arg0, %eq3A_7 : i32
    %convert_element_type3A_9 = arith.extui %eq3A_8 : i1 to i32
    %cond3A_10 = arith.constant 0 : i32
    %cond3A_11 = arith.cmpi ne, %convert_element_type3A_9, %cond3A_10 : i32
    scf.if %cond3A_11 {
      %get3A = arith.constant 0 : index
      %get3A_12 = arith.constant 0 : index
      %get3A_13 = vector.load %arg11[%get3A, %get3A_12] : memref<8x64xf32, #tpu.memory_space<vmem>>, vector<1x64xf32>
      %div3A = arith.constant 1.000000e+04 : f32
      %div3A_14 = vector.broadcast %div3A : f32 to vector<1x64xf32>
      %div3A_15 = arith.divf %get3A_13, %div3A_14 : vector<1x64xf32>
      %get3A_16 = arith.constant 1 : index
      %get3A_17 = arith.constant 0 : index
      %get3A_18 = vector.load %arg11[%get3A_16, %get3A_17] : memref<8x64xf32, #tpu.memory_space<vmem>>, vector<1x64xf32>
      %div3A_19 = arith.constant 1.000000e+04 : f32
      %div3A_20 = vector.broadcast %div3A_19 : f32 to vector<1x64xf32>
      %div3A_21 = arith.divf %get3A_18, %div3A_20 : vector<1x64xf32>
      %mul3A = arith.constant 512 : i32
      %mul3A_22 = arith.muli %arg1, %mul3A : i32
      %get3A_23 = arith.index_cast %mul3A_22 : i32 to index
      %get3A_24 = arith.constant 0 : index
      %get3A_25 = vector.load %arg10[%get3A_23, %get3A_24] : memref<10240x64xf32, #tpu.memory_space<vmem>>, vector<512x64xf32>
      %sub3A = vector.broadcast %div3A_15 : vector<1x64xf32> to vector<512x64xf32>
      %sub3A_26 = arith.subf %get3A_25, %sub3A : vector<512x64xf32>
      %add3A = arith.constant 9.99999974E-6 : f32
      %add3A_27 = vector.broadcast %add3A : f32 to vector<1x64xf32>
      %add3A_28 = arith.addf %div3A_21, %add3A_27 : vector<1x64xf32>
      %rsqrt3A = math.rsqrt %add3A_28 : vector<1x64xf32>
      %mul3A_29 = vector.broadcast %rsqrt3A : vector<1x64xf32> to vector<512x64xf32>
      %mul3A_30 = arith.mulf %sub3A_26, %mul3A_29 : vector<512x64xf32>
      %get3A_31 = arith.constant 0 : index
      %get3A_32 = arith.constant 0 : index
      %get3A_33 = vector.load %arg6[%get3A_31, %get3A_32] : memref<1x64xf32, #tpu.memory_space<vmem>>, vector<1x64xf32>
      %mul3A_34 = vector.broadcast %get3A_33 : vector<1x64xf32> to vector<512x64xf32>
      %mul3A_35 = arith.mulf %mul3A_30, %mul3A_34 : vector<512x64xf32>
      %get3A_36 = arith.constant 0 : index
      %get3A_37 = arith.constant 0 : index
      %get3A_38 = vector.load %arg7[%get3A_36, %get3A_37] : memref<1x64xf32, #tpu.memory_space<vmem>>, vector<1x64xf32>
      %add3A_39 = vector.broadcast %get3A_38 : vector<1x64xf32> to vector<512x64xf32>
      %add3A_40 = arith.addf %mul3A_35, %add3A_39 : vector<512x64xf32>
      %max3A = arith.constant 0.000000e+00 : f32
      %max3A_41 = vector.broadcast %max3A : f32 to vector<512x64xf32>
      %max3A_42 = arith.maximumf %add3A_40, %max3A_41 : vector<512x64xf32>
      %get3A_43 = arith.constant 0 : index
      %get3A_44 = arith.constant 0 : index
      %get3A_45 = vector.load %arg8[%get3A_43, %get3A_44] : memref<64x32xf32, #tpu.memory_space<vmem>>, vector<64x32xf32>
      %dot_general3A = arith.constant dense<0.000000e+00> : vector<512x32xf32>
      %dot_general3A_46 = tpu.matmul %max3A_42, %get3A_45, %dot_general3A {dimension_numbers = #tpu.dot_dimension_numbers<[1], [0], [0], [1], [0, 0, 1, 1], [], []>, transpose_lhs_hint = false} : vector<512x64xf32>, vector<64x32xf32>, vector<512x32xf32> -> vector<512x32xf32>
      %get3A_47 = arith.constant 0 : index
      %get3A_48 = arith.constant 0 : index
      %get3A_49 = vector.load %arg4[%get3A_47, %get3A_48] : memref<512x1xf32, #tpu.memory_space<vmem>>, vector<512x1xf32>
      %mul3A_50 = vector.broadcast %get3A_49 : vector<512x1xf32> to vector<512x32xf32>
      %mul3A_51 = arith.mulf %dot_general3A_46, %mul3A_50 : vector<512x32xf32>
      %swap3A = arith.constant 0 : index
      %swap3A_52 = arith.constant 0 : index
      %swap3A_53 = vector.load %arg9[%swap3A, %swap3A_52] : memref<512x32xf32, #tpu.memory_space<vmem>>, vector<512x32xf32>
      tpu.vector_store %arg9[%swap3A, %swap3A_52], %mul3A_51 {strides = array<i32>} : memref<512x32xf32, #tpu.memory_space<vmem>>, vector<512x32xf32>,
    } else {
    }
    return
  }
  func.func @transform_0(%arg0: i32, %arg1: i32) -> (i32, i32, i32) {
    %c0_i32 = arith.constant 0 : i32
    %c0_i32_0 = arith.constant 0 : i32
    %c0_i32_1 = arith.constant 0 : i32
    return %c0_i32, %arg1, %c0_i32_0 : i32, i32, i32
  }
  func.func @transform_1(%arg0: i32, %arg1: i32) -> (i32, i32) {
    %c0_i32 = arith.constant 0 : i32
    %c0_i32_0 = arith.constant 0 : i32
    return %arg1, %c0_i32 : i32, i32
  }
  func.func @transform_2(%arg0: i32, %arg1: i32) -> (i32, i32) {
    %c0_i32 = arith.constant 0 : i32
    %c0_i32_0 = arith.constant 0 : i32
    return %arg1, %c0_i32 : i32, i32
  }
  func.func @transform_3(%arg0: i32, %arg1: i32) -> (i32, i32) {
    %c0_i32 = arith.constant 0 : i32
    %c0_i32_0 = arith.constant 0 : i32
    %c0_i32_1 = arith.constant 0 : i32
    return %c0_i32, %c0_i32_0 : i32, i32
  }
  func.func @transform_4(%arg0: i32, %arg1: i32) -> (i32, i32) {
    %c0_i32 = arith.constant 0 : i32
    %c0_i32_0 = arith.constant 0 : i32
    %c0_i32_1 = arith.constant 0 : i32
    return %c0_i32, %c0_i32_0 : i32, i32
  }
  func.func @transform_5(%arg0: i32, %arg1: i32) -> (i32, i32) {
    %c0_i32 = arith.constant 0 : i32
    %c0_i32_0 = arith.constant 0 : i32
    %c0_i32_1 = arith.constant 0 : i32
    return %c0_i32, %c0_i32_0 : i32, i32
  }
  func.func @transform_6(%arg0: i32, %arg1: i32) -> (i32, i32) {
    %c0_i32 = arith.constant 0 : i32
    %c0_i32_0 = arith.constant 0 : i32
    %c0_i32_1 = arith.constant 0 : i32
    return %c0_i32, %c0_i32_0 : i32, i32
  }
  func.func @transform_7(%arg0: i32, %arg1: i32) -> (i32, i32) {
    %c0_i32 = arith.constant 0 : i32
    %c0_i32_0 = arith.constant 0 : i32
    return %arg1, %c0_i32 : i32, i32
  }
}

module attributes {stable_mosaic.version = 14 : i64} {
  func.func @body(%arg0: i32, %arg1: i32, %arg2: memref<2x512x32xf32, #tpu.memory_space<vmem>>, %arg3: memref<512x32xf32, #tpu.memory_space<vmem>>, %arg4: memref<512x1xf32, #tpu.memory_space<vmem>>, %arg5: memref<1x32xf32, #tpu.memory_space<vmem>>, %arg6: memref<1x32xf32, #tpu.memory_space<vmem>>, %arg7: memref<1x32xf32, #tpu.memory_space<vmem>>, %arg8: memref<32x32xf32, #tpu.memory_space<vmem>>, %arg9: memref<512x32xf32, #tpu.memory_space<vmem>>, %arg10: memref<10240x32xf32, #tpu.memory_space<vmem>>, %arg11: memref<8x32xf32, #tpu.memory_space<vmem>>) attributes {dimension_semantics = [#tpu.dimension_semantics<arbitrary>, #tpu.dimension_semantics<arbitrary>], iteration_bounds = array<i64: 3, 20>, scalar_prefetch = 0 : i64, scratch_operands = 2 : i64, tpu.core_type = #tpu.core_type<tc>, window_params = [{transform_indices = @transform_0, window_bounds = array<i64: 2, 512, 32>}, {transform_indices = @transform_1, window_bounds = array<i64: 512, 32>}, {transform_indices = @transform_2, window_bounds = array<i64: 512, 1>}, {pipeline_mode = #tpu.pipeline_mode<synchronous>, transform_indices = @transform_3, window_bounds = array<i64: 1, 32>}, {pipeline_mode = #tpu.pipeline_mode<synchronous>, transform_indices = @transform_4, window_bounds = array<i64: 1, 32>}, {pipeline_mode = #tpu.pipeline_mode<synchronous>, transform_indices = @transform_5, window_bounds = array<i64: 1, 32>}, {pipeline_mode = #tpu.pipeline_mode<synchronous>, transform_indices = @transform_6, window_bounds = array<i64: 32, 32>}, {transform_indices = @transform_7, window_bounds = array<i64: 512, 32>}]} {
    %eq3A = arith.constant 0 : i32
    %eq3A_0 = arith.cmpi eq, %arg0, %eq3A : i32
    %convert_element_type3A = arith.extui %eq3A_0 : i1 to i32
    %cond3A = arith.constant 0 : i32
    %cond3A_1 = arith.cmpi ne, %convert_element_type3A, %cond3A : i32
    scf.if %cond3A_1 {
      %get3A = arith.constant 0 : index
      %get3A_12 = arith.constant 0 : index
      %get3A_13 = arith.constant 0 : index
      %get3A_14 = vector.load %arg2[%get3A, %get3A_12, %get3A_13] : memref<2x512x32xf32, #tpu.memory_space<vmem>>, vector<1x512x32xf32>
      %get3A_15 = vector.shape_cast %get3A_14 : vector<1x512x32xf32> to vector<512x32xf32>
      %get3A_16 = arith.constant 1 : index
      %get3A_17 = arith.constant 0 : index
      %get3A_18 = arith.constant 0 : index
      %get3A_19 = vector.load %arg2[%get3A_16, %get3A_17, %get3A_18] : memref<2x512x32xf32, #tpu.memory_space<vmem>>, vector<1x512x32xf32>
      %get3A_20 = vector.shape_cast %get3A_19 : vector<1x512x32xf32> to vector<512x32xf32>
      %add3A = arith.addf %get3A_15, %get3A_20 : vector<512x32xf32>
      %get3A_21 = arith.constant 0 : index
      %get3A_22 = arith.constant 0 : index
      %get3A_23 = vector.load %arg3[%get3A_21, %get3A_22] : memref<512x32xf32, #tpu.memory_space<vmem>>, vector<512x32xf32>
      %add3A_24 = arith.addf %add3A, %get3A_23 : vector<512x32xf32>
      %get3A_25 = arith.constant 0 : index
      %get3A_26 = arith.constant 0 : index
      %get3A_27 = vector.load %arg4[%get3A_25, %get3A_26] : memref<512x1xf32, #tpu.memory_space<vmem>>, vector<512x1xf32>
      %mul3A = vector.broadcast %get3A_27 : vector<512x1xf32> to vector<512x32xf32>
      %mul3A_28 = arith.mulf %add3A_24, %mul3A : vector<512x32xf32>
      %get3A_29 = arith.constant 0 : index
      %get3A_30 = arith.constant 0 : index
      %get3A_31 = vector.load %arg5[%get3A_29, %get3A_30] : memref<1x32xf32, #tpu.memory_space<vmem>>, vector<1x32xf32>
      %add3A_32 = vector.broadcast %get3A_31 : vector<1x32xf32> to vector<512x32xf32>
      %add3A_33 = arith.addf %mul3A_28, %add3A_32 : vector<512x32xf32>
      %iota3A = tpu.iota {dimensions = array<i32: 0>} : vector<512x1xi32>
      %mul3A_34 = arith.constant 512 : i32
      %mul3A_35 = arith.muli %arg1, %mul3A_34 : i32
      %add3A_36 = vector.broadcast %mul3A_35 : i32 to vector<512x1xi32>
      %add3A_37 = arith.addi %iota3A, %add3A_36 : vector<512x1xi32>
      %lt3A = arith.constant 10000 : i32
      %lt3A_38 = vector.broadcast %lt3A : i32 to vector<512x1xi32>
      %lt3A_39 = arith.cmpi slt, %add3A_37, %lt3A_38 : vector<512x1xi32>
      %jit3A = arith.constant 0.000000e+00 : f32
      %broadcast_in_dim3A = vector.shape_cast %lt3A_39 : vector<512x1xi1> to vector<512x1xi1>
      %broadcast_in_dim3A_40 = vector.broadcast %broadcast_in_dim3A : vector<512x1xi1> to vector<512x32xi1>
      %broadcast_in_dim3A_41 = vector.broadcast %jit3A : f32 to vector<512x32xf32>
      %select_n3A = arith.select %broadcast_in_dim3A_40, %add3A_33, %broadcast_in_dim3A_41 : vector<512x32xi1>, vector<512x32xf32>
      %eq3A_42 = arith.constant 0 : i32
      %eq3A_43 = arith.cmpi eq, %arg1, %eq3A_42 : i32
      %convert_element_type3A_44 = arith.extui %eq3A_43 : i1 to i32
      %cond3A_45 = arith.constant 0 : i32
      %cond3A_46 = arith.cmpi ne, %convert_element_type3A_44, %cond3A_45 : i32
      scf.if %cond3A_46 {
        %broadcast_in_dim3A_60 = arith.constant 0.000000e+00 : f32
        %broadcast_in_dim3A_61 = vector.broadcast %broadcast_in_dim3A_60 : f32 to vector<8x32xf32>
        %swap3A_62 = arith.constant 0 : index
        %swap3A_63 = arith.constant 0 : index
        %swap3A_64 = vector.load %arg11[%swap3A_62, %swap3A_63] : memref<8x32xf32, #tpu.memory_space<vmem>>, vector<8x32xf32>
        tpu.vector_store %arg11[%swap3A_62, %swap3A_63], %broadcast_in_dim3A_61 {strides = array<i32>} : memref<8x32xf32, #tpu.memory_space<vmem>>, vector<8x32xf32>,
      } else {
      }
      %get3A_47 = arith.constant 0 : index
      %get3A_48 = arith.constant 0 : index
      %get3A_49 = vector.load %arg11[%get3A_47, %get3A_48] : memref<8x32xf32, #tpu.memory_space<vmem>>, vector<1x32xf32>
      %reduce_sum3A = arith.constant dense<0.000000e+00> : vector<32xf32>
      %reduce_sum3A_50 = vector.multi_reduction <add>, %select_n3A, %reduce_sum3A [0] : vector<512x32xf32> to vector<32xf32>
      %broadcast_in_dim3A_51 = vector.shape_cast %reduce_sum3A_50 : vector<32xf32> to vector<1x32xf32>
      %add3A_52 = arith.addf %get3A_49, %broadcast_in_dim3A_51 : vector<1x32xf32>
      %swap3A = arith.constant 0 : index
      %swap3A_53 = arith.constant 0 : index
      %swap3A_54 = vector.load %arg11[%swap3A, %swap3A_53] : memref<8x32xf32, #tpu.memory_space<vmem>>, vector<1x32xf32>
      tpu.vector_store %arg11[%swap3A, %swap3A_53], %add3A_52 {strides = array<i32>} : memref<8x32xf32, #tpu.memory_space<vmem>>, vector<1x32xf32>,
      %mul3A_55 = arith.constant 512 : i32
      %mul3A_56 = arith.muli %arg1, %mul3A_55 : i32
      %swap3A_57 = arith.index_cast %mul3A_56 : i32 to index
      %swap3A_58 = arith.constant 0 : index
      %swap3A_59 = vector.load %arg10[%swap3A_57, %swap3A_58] : memref<10240x32xf32, #tpu.memory_space<vmem>>, vector<512x32xf32>
      tpu.vector_store %arg10[%swap3A_57, %swap3A_58], %add3A_33 {strides = array<i32>} : memref<10240x32xf32, #tpu.memory_space<vmem>>, vector<512x32xf32>,
    } else {
    }
    %eq3A_2 = arith.constant 1 : i32
    %eq3A_3 = arith.cmpi eq, %arg0, %eq3A_2 : i32
    %convert_element_type3A_4 = arith.extui %eq3A_3 : i1 to i32
    %cond3A_5 = arith.constant 0 : i32
    %cond3A_6 = arith.cmpi ne, %convert_element_type3A_4, %cond3A_5 : i32
    scf.if %cond3A_6 {
      %get3A = arith.constant 0 : index
      %get3A_12 = arith.constant 0 : index
      %get3A_13 = vector.load %arg11[%get3A, %get3A_12] : memref<8x32xf32, #tpu.memory_space<vmem>>, vector<1x32xf32>
      %div3A = arith.constant 1.000000e+04 : f32
      %div3A_14 = vector.broadcast %div3A : f32 to vector<1x32xf32>
      %div3A_15 = arith.divf %get3A_13, %div3A_14 : vector<1x32xf32>
      %mul3A = arith.constant 512 : i32
      %mul3A_16 = arith.muli %arg1, %mul3A : i32
      %get3A_17 = arith.index_cast %mul3A_16 : i32 to index
      %get3A_18 = arith.constant 0 : index
      %get3A_19 = vector.load %arg10[%get3A_17, %get3A_18] : memref<10240x32xf32, #tpu.memory_space<vmem>>, vector<512x32xf32>
      %iota3A = tpu.iota {dimensions = array<i32: 0>} : vector<512x1xi32>
      %mul3A_20 = arith.constant 512 : i32
      %mul3A_21 = arith.muli %arg1, %mul3A_20 : i32
      %add3A = vector.broadcast %mul3A_21 : i32 to vector<512x1xi32>
      %add3A_22 = arith.addi %iota3A, %add3A : vector<512x1xi32>
      %lt3A = arith.constant 10000 : i32
      %lt3A_23 = vector.broadcast %lt3A : i32 to vector<512x1xi32>
      %lt3A_24 = arith.cmpi slt, %add3A_22, %lt3A_23 : vector<512x1xi32>
      %sub3A = vector.broadcast %div3A_15 : vector<1x32xf32> to vector<512x32xf32>
      %sub3A_25 = arith.subf %get3A_19, %sub3A : vector<512x32xf32>
      %jit3A = arith.constant 0.000000e+00 : f32
      %broadcast_in_dim3A = vector.shape_cast %lt3A_24 : vector<512x1xi1> to vector<512x1xi1>
      %broadcast_in_dim3A_26 = vector.broadcast %broadcast_in_dim3A : vector<512x1xi1> to vector<512x32xi1>
      %broadcast_in_dim3A_27 = vector.broadcast %jit3A : f32 to vector<512x32xf32>
      %select_n3A = arith.select %broadcast_in_dim3A_26, %sub3A_25, %broadcast_in_dim3A_27 : vector<512x32xi1>, vector<512x32xf32>
      %get3A_28 = arith.constant 1 : index
      %get3A_29 = arith.constant 0 : index
      %get3A_30 = vector.load %arg11[%get3A_28, %get3A_29] : memref<8x32xf32, #tpu.memory_space<vmem>>, vector<1x32xf32>
      %mul3A_31 = arith.mulf %select_n3A, %select_n3A : vector<512x32xf32>
      %reduce_sum3A = arith.constant dense<0.000000e+00> : vector<32xf32>
      %reduce_sum3A_32 = vector.multi_reduction <add>, %mul3A_31, %reduce_sum3A [0] : vector<512x32xf32> to vector<32xf32>
      %broadcast_in_dim3A_33 = vector.shape_cast %reduce_sum3A_32 : vector<32xf32> to vector<1x32xf32>
      %add3A_34 = arith.addf %get3A_30, %broadcast_in_dim3A_33 : vector<1x32xf32>
      %swap3A = arith.constant 1 : index
      %swap3A_35 = arith.constant 0 : index
      %swap3A_36 = vector.load %arg11[%swap3A, %swap3A_35] : memref<8x32xf32, #tpu.memory_space<vmem>>, vector<1x32xf32>
      tpu.vector_store %arg11[%swap3A, %swap3A_35], %add3A_34 {strides = array<i32>} : memref<8x32xf32, #tpu.memory_space<vmem>>, vector<1x32xf32>,
    } else {
    }
    %eq3A_7 = arith.constant 2 : i32
    %eq3A_8 = arith.cmpi eq, %arg0, %eq3A_7 : i32
    %convert_element_type3A_9 = arith.extui %eq3A_8 : i1 to i32
    %cond3A_10 = arith.constant 0 : i32
    %cond3A_11 = arith.cmpi ne, %convert_element_type3A_9, %cond3A_10 : i32
    scf.if %cond3A_11 {
      %get3A = arith.constant 0 : index
      %get3A_12 = arith.constant 0 : index
      %get3A_13 = vector.load %arg11[%get3A, %get3A_12] : memref<8x32xf32, #tpu.memory_space<vmem>>, vector<1x32xf32>
      %div3A = arith.constant 1.000000e+04 : f32
      %div3A_14 = vector.broadcast %div3A : f32 to vector<1x32xf32>
      %div3A_15 = arith.divf %get3A_13, %div3A_14 : vector<1x32xf32>
      %get3A_16 = arith.constant 1 : index
      %get3A_17 = arith.constant 0 : index
      %get3A_18 = vector.load %arg11[%get3A_16, %get3A_17] : memref<8x32xf32, #tpu.memory_space<vmem>>, vector<1x32xf32>
      %div3A_19 = arith.constant 1.000000e+04 : f32
      %div3A_20 = vector.broadcast %div3A_19 : f32 to vector<1x32xf32>
      %div3A_21 = arith.divf %get3A_18, %div3A_20 : vector<1x32xf32>
      %mul3A = arith.constant 512 : i32
      %mul3A_22 = arith.muli %arg1, %mul3A : i32
      %get3A_23 = arith.index_cast %mul3A_22 : i32 to index
      %get3A_24 = arith.constant 0 : index
      %get3A_25 = vector.load %arg10[%get3A_23, %get3A_24] : memref<10240x32xf32, #tpu.memory_space<vmem>>, vector<512x32xf32>
      %sub3A = vector.broadcast %div3A_15 : vector<1x32xf32> to vector<512x32xf32>
      %sub3A_26 = arith.subf %get3A_25, %sub3A : vector<512x32xf32>
      %add3A = arith.constant 9.99999974E-6 : f32
      %add3A_27 = vector.broadcast %add3A : f32 to vector<1x32xf32>
      %add3A_28 = arith.addf %div3A_21, %add3A_27 : vector<1x32xf32>
      %rsqrt3A = math.rsqrt %add3A_28 : vector<1x32xf32>
      %mul3A_29 = vector.broadcast %rsqrt3A : vector<1x32xf32> to vector<512x32xf32>
      %mul3A_30 = arith.mulf %sub3A_26, %mul3A_29 : vector<512x32xf32>
      %get3A_31 = arith.constant 0 : index
      %get3A_32 = arith.constant 0 : index
      %get3A_33 = vector.load %arg6[%get3A_31, %get3A_32] : memref<1x32xf32, #tpu.memory_space<vmem>>, vector<1x32xf32>
      %mul3A_34 = vector.broadcast %get3A_33 : vector<1x32xf32> to vector<512x32xf32>
      %mul3A_35 = arith.mulf %mul3A_30, %mul3A_34 : vector<512x32xf32>
      %get3A_36 = arith.constant 0 : index
      %get3A_37 = arith.constant 0 : index
      %get3A_38 = vector.load %arg7[%get3A_36, %get3A_37] : memref<1x32xf32, #tpu.memory_space<vmem>>, vector<1x32xf32>
      %add3A_39 = vector.broadcast %get3A_38 : vector<1x32xf32> to vector<512x32xf32>
      %add3A_40 = arith.addf %mul3A_35, %add3A_39 : vector<512x32xf32>
      %max3A = arith.constant 0.000000e+00 : f32
      %max3A_41 = vector.broadcast %max3A : f32 to vector<512x32xf32>
      %max3A_42 = arith.maximumf %add3A_40, %max3A_41 : vector<512x32xf32>
      %swap3A = arith.constant 0 : index
      %swap3A_43 = arith.constant 0 : index
      %swap3A_44 = vector.load %arg9[%swap3A, %swap3A_43] : memref<512x32xf32, #tpu.memory_space<vmem>>, vector<512x32xf32>
      tpu.vector_store %arg9[%swap3A, %swap3A_43], %max3A_42 {strides = array<i32>} : memref<512x32xf32, #tpu.memory_space<vmem>>, vector<512x32xf32>,
    } else {
    }
    return
  }
  func.func @transform_0(%arg0: i32, %arg1: i32) -> (i32, i32, i32) {
    %c0_i32 = arith.constant 0 : i32
    %c0_i32_0 = arith.constant 0 : i32
    %c0_i32_1 = arith.constant 0 : i32
    return %c0_i32, %arg1, %c0_i32_0 : i32, i32, i32
  }
  func.func @transform_1(%arg0: i32, %arg1: i32) -> (i32, i32) {
    %c0_i32 = arith.constant 0 : i32
    %c0_i32_0 = arith.constant 0 : i32
    return %arg1, %c0_i32 : i32, i32
  }
  func.func @transform_2(%arg0: i32, %arg1: i32) -> (i32, i32) {
    %c0_i32 = arith.constant 0 : i32
    %c0_i32_0 = arith.constant 0 : i32
    return %arg1, %c0_i32 : i32, i32
  }
  func.func @transform_3(%arg0: i32, %arg1: i32) -> (i32, i32) {
    %c0_i32 = arith.constant 0 : i32
    %c0_i32_0 = arith.constant 0 : i32
    %c0_i32_1 = arith.constant 0 : i32
    return %c0_i32, %c0_i32_0 : i32, i32
  }
  func.func @transform_4(%arg0: i32, %arg1: i32) -> (i32, i32) {
    %c0_i32 = arith.constant 0 : i32
    %c0_i32_0 = arith.constant 0 : i32
    %c0_i32_1 = arith.constant 0 : i32
    return %c0_i32, %c0_i32_0 : i32, i32
  }
  func.func @transform_5(%arg0: i32, %arg1: i32) -> (i32, i32) {
    %c0_i32 = arith.constant 0 : i32
    %c0_i32_0 = arith.constant 0 : i32
    %c0_i32_1 = arith.constant 0 : i32
    return %c0_i32, %c0_i32_0 : i32, i32
  }
  func.func @transform_6(%arg0: i32, %arg1: i32) -> (i32, i32) {
    %c0_i32 = arith.constant 0 : i32
    %c0_i32_0 = arith.constant 0 : i32
    %c0_i32_1 = arith.constant 0 : i32
    return %c0_i32, %c0_i32_0 : i32, i32
  }
  func.func @transform_7(%arg0: i32, %arg1: i32) -> (i32, i32) {
    %c0_i32 = arith.constant 0 : i32
    %c0_i32_0 = arith.constant 0 : i32
    return %arg1, %c0_i32 : i32, i32
  }
}

module attributes {stable_mosaic.version = 14 : i64} {
  func.func @body(%arg0: i32, %arg1: memref<512x32xf32, #tpu.memory_space<vmem>>, %arg2: memref<512x1xi32, #tpu.memory_space<vmem>>, %arg3: memref<32x64xf32, #tpu.memory_space<vmem>>, %arg4: memref<32x64xf32, #tpu.memory_space<vmem>>) attributes {dimension_semantics = [#tpu.dimension_semantics<arbitrary>], iteration_bounds = array<i64: 20>, scalar_prefetch = 0 : i64, scratch_operands = 1 : i64, tpu.core_type = #tpu.core_type<tc>, window_params = [{transform_indices = @transform_0, window_bounds = array<i64: 512, 32>}, {transform_indices = @transform_1, window_bounds = array<i64: 512, 1>}, {pipeline_mode = #tpu.pipeline_mode<synchronous>, transform_indices = @transform_2, window_bounds = array<i64: 32, 64>}]} {
    %eq3A = arith.constant 0 : i32
    %eq3A_0 = arith.cmpi eq, %arg0, %eq3A : i32
    %convert_element_type3A = arith.extui %eq3A_0 : i1 to i32
    %cond3A = arith.constant 0 : i32
    %cond3A_1 = arith.cmpi ne, %convert_element_type3A, %cond3A : i32
    scf.if %cond3A_1 {
      %broadcast_in_dim3A_519 = arith.constant 0xFF800000 : f32
      %broadcast_in_dim3A_520 = vector.broadcast %broadcast_in_dim3A_519 : f32 to vector<32x64xf32>
      %swap3A_521 = arith.constant 0 : index
      %swap3A_522 = arith.constant 0 : index
      %swap3A_523 = vector.load %arg4[%swap3A_521, %swap3A_522] : memref<32x64xf32, #tpu.memory_space<vmem>>, vector<32x64xf32>
      tpu.vector_store %arg4[%swap3A_521, %swap3A_522], %broadcast_in_dim3A_520 {strides = array<i32>} : memref<32x64xf32, #tpu.memory_space<vmem>>, vector<32x64xf32>,
    } else {
    }
    %get3A = arith.constant 0 : index
    %get3A_2 = arith.constant 0 : index
    %get3A_3 = vector.load %arg2[%get3A, %get3A_2] : memref<512x1xi32, #tpu.memory_space<vmem>>, vector<512x1xi32>
    %iota3A = tpu.iota {dimensions = array<i32: 1>} : vector<512x64xi32>
    %eq3A_4 = vector.broadcast %get3A_3 : vector<512x1xi32> to vector<512x64xi32>
    %eq3A_5 = arith.cmpi eq, %eq3A_4, %iota3A : vector<512x64xi32>
    %get3A_6 = arith.constant 0 : index
    %get3A_7 = arith.constant 0 : index
    %get3A_8 = vector.load %arg1[%get3A_6, %get3A_7] : memref<512x32xf32, #tpu.memory_space<vmem>>, vector<512x32xf32>
    %slice3A = vector.extract_strided_slice %get3A_8 {offsets = [0, 0], sizes = [512, 1], strides = [1, 1]} : vector<512x32xf32> to vector<512x1xf32>
    %jit3A = arith.constant 0xFF800000 : f32
    %broadcast_in_dim3A = vector.shape_cast %slice3A : vector<512x1xf32> to vector<512x1xf32>
    %broadcast_in_dim3A_9 = vector.broadcast %broadcast_in_dim3A : vector<512x1xf32> to vector<512x64xf32>
    %broadcast_in_dim3A_10 = vector.broadcast %jit3A : f32 to vector<512x64xf32>
    %select_n3A = arith.select %eq3A_5, %broadcast_in_dim3A_9, %broadcast_in_dim3A_10 : vector<512x64xi1>, vector<512x64xf32>
    %get3A_11 = arith.constant 0 : index
    %get3A_12 = arith.constant 0 : index
    %get3A_13 = vector.load %arg4[%get3A_11, %get3A_12] : memref<32x64xf32, #tpu.memory_space<vmem>>, vector<1x64xf32>
    %reduce_max3A = arith.constant dense<0xFF800000> : vector<64xf32>
    %reduce_max3A_14 = vector.multi_reduction <maximumf>, %select_n3A, %reduce_max3A [0] : vector<512x64xf32> to vector<64xf32>
    %broadcast_in_dim3A_15 = vector.shape_cast %reduce_max3A_14 : vector<64xf32> to vector<1x64xf32>
    %max3A = arith.maximumf %get3A_13, %broadcast_in_dim3A_15 : vector<1x64xf32>
    %swap3A = arith.constant 0 : index
    %swap3A_16 = arith.constant 0 : index
    %swap3A_17 = vector.load %arg4[%swap3A, %swap3A_16] : memref<32x64xf32, #tpu.memory_space<vmem>>, vector<1x64xf32>
    tpu.vector_store %arg4[%swap3A, %swap3A_16], %max3A {strides = array<i32>} : memref<32x64xf32, #tpu.memory_space<vmem>>, vector<1x64xf32>,
    %slice3A_18 = vector.extract_strided_slice %get3A_8 {offsets = [0, 1], sizes = [512, 1], strides = [1, 1]} : vector<512x32xf32> to vector<512x1xf32>
    %jit3A_19 = arith.constant 0xFF800000 : f32
    %broadcast_in_dim3A_20 = vector.shape_cast %slice3A_18 : vector<512x1xf32> to vector<512x1xf32>
    %broadcast_in_dim3A_21 = vector.broadcast %broadcast_in_dim3A_20 : vector<512x1xf32> to vector<512x64xf32>
    %broadcast_in_dim3A_22 = vector.broadcast %jit3A_19 : f32 to vector<512x64xf32>
    %select_n3A_23 = arith.select %eq3A_5, %broadcast_in_dim3A_21, %broadcast_in_dim3A_22 : vector<512x64xi1>, vector<512x64xf32>
    %get3A_24 = arith.constant 1 : index
    %get3A_25 = arith.constant 0 : index
    %get3A_26 = vector.load %arg4[%get3A_24, %get3A_25] : memref<32x64xf32, #tpu.memory_space<vmem>>, vector<1x64xf32>
    %reduce_max3A_27 = arith.constant dense<0xFF800000> : vector<64xf32>
    %reduce_max3A_28 = vector.multi_reduction <maximumf>, %select_n3A_23, %reduce_max3A_27 [0] : vector<512x64xf32> to vector<64xf32>
    %broadcast_in_dim3A_29 = vector.shape_cast %reduce_max3A_28 : vector<64xf32> to vector<1x64xf32>
    %max3A_30 = arith.maximumf %get3A_26, %broadcast_in_dim3A_29 : vector<1x64xf32>
    %swap3A_31 = arith.constant 1 : index
    %swap3A_32 = arith.constant 0 : index
    %swap3A_33 = vector.load %arg4[%swap3A_31, %swap3A_32] : memref<32x64xf32, #tpu.memory_space<vmem>>, vector<1x64xf32>
    tpu.vector_store %arg4[%swap3A_31, %swap3A_32], %max3A_30 {strides = array<i32>} : memref<32x64xf32, #tpu.memory_space<vmem>>, vector<1x64xf32>,
    %slice3A_34 = vector.extract_strided_slice %get3A_8 {offsets = [0, 2], sizes = [512, 1], strides = [1, 1]} : vector<512x32xf32> to vector<512x1xf32>
    %jit3A_35 = arith.constant 0xFF800000 : f32
    %broadcast_in_dim3A_36 = vector.shape_cast %slice3A_34 : vector<512x1xf32> to vector<512x1xf32>
    %broadcast_in_dim3A_37 = vector.broadcast %broadcast_in_dim3A_36 : vector<512x1xf32> to vector<512x64xf32>
    %broadcast_in_dim3A_38 = vector.broadcast %jit3A_35 : f32 to vector<512x64xf32>
    %select_n3A_39 = arith.select %eq3A_5, %broadcast_in_dim3A_37, %broadcast_in_dim3A_38 : vector<512x64xi1>, vector<512x64xf32>
    %get3A_40 = arith.constant 2 : index
    %get3A_41 = arith.constant 0 : index
    %get3A_42 = vector.load %arg4[%get3A_40, %get3A_41] : memref<32x64xf32, #tpu.memory_space<vmem>>, vector<1x64xf32>
    %reduce_max3A_43 = arith.constant dense<0xFF800000> : vector<64xf32>
    %reduce_max3A_44 = vector.multi_reduction <maximumf>, %select_n3A_39, %reduce_max3A_43 [0] : vector<512x64xf32> to vector<64xf32>
    %broadcast_in_dim3A_45 = vector.shape_cast %reduce_max3A_44 : vector<64xf32> to vector<1x64xf32>
    %max3A_46 = arith.maximumf %get3A_42, %broadcast_in_dim3A_45 : vector<1x64xf32>
    %swap3A_47 = arith.constant 2 : index
    %swap3A_48 = arith.constant 0 : index
    %swap3A_49 = vector.load %arg4[%swap3A_47, %swap3A_48] : memref<32x64xf32, #tpu.memory_space<vmem>>, vector<1x64xf32>
    tpu.vector_store %arg4[%swap3A_47, %swap3A_48], %max3A_46 {strides = array<i32>} : memref<32x64xf32, #tpu.memory_space<vmem>>, vector<1x64xf32>,
    %slice3A_50 = vector.extract_strided_slice %get3A_8 {offsets = [0, 3], sizes = [512, 1], strides = [1, 1]} : vector<512x32xf32> to vector<512x1xf32>
    %jit3A_51 = arith.constant 0xFF800000 : f32
    %broadcast_in_dim3A_52 = vector.shape_cast %slice3A_50 : vector<512x1xf32> to vector<512x1xf32>
    %broadcast_in_dim3A_53 = vector.broadcast %broadcast_in_dim3A_52 : vector<512x1xf32> to vector<512x64xf32>
    %broadcast_in_dim3A_54 = vector.broadcast %jit3A_51 : f32 to vector<512x64xf32>
    %select_n3A_55 = arith.select %eq3A_5, %broadcast_in_dim3A_53, %broadcast_in_dim3A_54 : vector<512x64xi1>, vector<512x64xf32>
    %get3A_56 = arith.constant 3 : index
    %get3A_57 = arith.constant 0 : index
    %get3A_58 = vector.load %arg4[%get3A_56, %get3A_57] : memref<32x64xf32, #tpu.memory_space<vmem>>, vector<1x64xf32>
    %reduce_max3A_59 = arith.constant dense<0xFF800000> : vector<64xf32>
    %reduce_max3A_60 = vector.multi_reduction <maximumf>, %select_n3A_55, %reduce_max3A_59 [0] : vector<512x64xf32> to vector<64xf32>
    %broadcast_in_dim3A_61 = vector.shape_cast %reduce_max3A_60 : vector<64xf32> to vector<1x64xf32>
    %max3A_62 = arith.maximumf %get3A_58, %broadcast_in_dim3A_61 : vector<1x64xf32>
    %swap3A_63 = arith.constant 3 : index
    %swap3A_64 = arith.constant 0 : index
    %swap3A_65 = vector.load %arg4[%swap3A_63, %swap3A_64] : memref<32x64xf32, #tpu.memory_space<vmem>>, vector<1x64xf32>
    tpu.vector_store %arg4[%swap3A_63, %swap3A_64], %max3A_62 {strides = array<i32>} : memref<32x64xf32, #tpu.memory_space<vmem>>, vector<1x64xf32>,
    %slice3A_66 = vector.extract_strided_slice %get3A_8 {offsets = [0, 4], sizes = [512, 1], strides = [1, 1]} : vector<512x32xf32> to vector<512x1xf32>
    %jit3A_67 = arith.constant 0xFF800000 : f32
    %broadcast_in_dim3A_68 = vector.shape_cast %slice3A_66 : vector<512x1xf32> to vector<512x1xf32>
    %broadcast_in_dim3A_69 = vector.broadcast %broadcast_in_dim3A_68 : vector<512x1xf32> to vector<512x64xf32>
    %broadcast_in_dim3A_70 = vector.broadcast %jit3A_67 : f32 to vector<512x64xf32>
    %select_n3A_71 = arith.select %eq3A_5, %broadcast_in_dim3A_69, %broadcast_in_dim3A_70 : vector<512x64xi1>, vector<512x64xf32>
    %get3A_72 = arith.constant 4 : index
    %get3A_73 = arith.constant 0 : index
    %get3A_74 = vector.load %arg4[%get3A_72, %get3A_73] : memref<32x64xf32, #tpu.memory_space<vmem>>, vector<1x64xf32>
    %reduce_max3A_75 = arith.constant dense<0xFF800000> : vector<64xf32>
    %reduce_max3A_76 = vector.multi_reduction <maximumf>, %select_n3A_71, %reduce_max3A_75 [0] : vector<512x64xf32> to vector<64xf32>
    %broadcast_in_dim3A_77 = vector.shape_cast %reduce_max3A_76 : vector<64xf32> to vector<1x64xf32>
    %max3A_78 = arith.maximumf %get3A_74, %broadcast_in_dim3A_77 : vector<1x64xf32>
    %swap3A_79 = arith.constant 4 : index
    %swap3A_80 = arith.constant 0 : index
    %swap3A_81 = vector.load %arg4[%swap3A_79, %swap3A_80] : memref<32x64xf32, #tpu.memory_space<vmem>>, vector<1x64xf32>
    tpu.vector_store %arg4[%swap3A_79, %swap3A_80], %max3A_78 {strides = array<i32>} : memref<32x64xf32, #tpu.memory_space<vmem>>, vector<1x64xf32>,
    %slice3A_82 = vector.extract_strided_slice %get3A_8 {offsets = [0, 5], sizes = [512, 1], strides = [1, 1]} : vector<512x32xf32> to vector<512x1xf32>
    %jit3A_83 = arith.constant 0xFF800000 : f32
    %broadcast_in_dim3A_84 = vector.shape_cast %slice3A_82 : vector<512x1xf32> to vector<512x1xf32>
    %broadcast_in_dim3A_85 = vector.broadcast %broadcast_in_dim3A_84 : vector<512x1xf32> to vector<512x64xf32>
    %broadcast_in_dim3A_86 = vector.broadcast %jit3A_83 : f32 to vector<512x64xf32>
    %select_n3A_87 = arith.select %eq3A_5, %broadcast_in_dim3A_85, %broadcast_in_dim3A_86 : vector<512x64xi1>, vector<512x64xf32>
    %get3A_88 = arith.constant 5 : index
    %get3A_89 = arith.constant 0 : index
    %get3A_90 = vector.load %arg4[%get3A_88, %get3A_89] : memref<32x64xf32, #tpu.memory_space<vmem>>, vector<1x64xf32>
    %reduce_max3A_91 = arith.constant dense<0xFF800000> : vector<64xf32>
    %reduce_max3A_92 = vector.multi_reduction <maximumf>, %select_n3A_87, %reduce_max3A_91 [0] : vector<512x64xf32> to vector<64xf32>
    %broadcast_in_dim3A_93 = vector.shape_cast %reduce_max3A_92 : vector<64xf32> to vector<1x64xf32>
    %max3A_94 = arith.maximumf %get3A_90, %broadcast_in_dim3A_93 : vector<1x64xf32>
    %swap3A_95 = arith.constant 5 : index
    %swap3A_96 = arith.constant 0 : index
    %swap3A_97 = vector.load %arg4[%swap3A_95, %swap3A_96] : memref<32x64xf32, #tpu.memory_space<vmem>>, vector<1x64xf32>
    tpu.vector_store %arg4[%swap3A_95, %swap3A_96], %max3A_94 {strides = array<i32>} : memref<32x64xf32, #tpu.memory_space<vmem>>, vector<1x64xf32>,
    %slice3A_98 = vector.extract_strided_slice %get3A_8 {offsets = [0, 6], sizes = [512, 1], strides = [1, 1]} : vector<512x32xf32> to vector<512x1xf32>
    %jit3A_99 = arith.constant 0xFF800000 : f32
    %broadcast_in_dim3A_100 = vector.shape_cast %slice3A_98 : vector<512x1xf32> to vector<512x1xf32>
    %broadcast_in_dim3A_101 = vector.broadcast %broadcast_in_dim3A_100 : vector<512x1xf32> to vector<512x64xf32>
    %broadcast_in_dim3A_102 = vector.broadcast %jit3A_99 : f32 to vector<512x64xf32>
    %select_n3A_103 = arith.select %eq3A_5, %broadcast_in_dim3A_101, %broadcast_in_dim3A_102 : vector<512x64xi1>, vector<512x64xf32>
    %get3A_104 = arith.constant 6 : index
    %get3A_105 = arith.constant 0 : index
    %get3A_106 = vector.load %arg4[%get3A_104, %get3A_105] : memref<32x64xf32, #tpu.memory_space<vmem>>, vector<1x64xf32>
    %reduce_max3A_107 = arith.constant dense<0xFF800000> : vector<64xf32>
    %reduce_max3A_108 = vector.multi_reduction <maximumf>, %select_n3A_103, %reduce_max3A_107 [0] : vector<512x64xf32> to vector<64xf32>
    %broadcast_in_dim3A_109 = vector.shape_cast %reduce_max3A_108 : vector<64xf32> to vector<1x64xf32>
    %max3A_110 = arith.maximumf %get3A_106, %broadcast_in_dim3A_109 : vector<1x64xf32>
    %swap3A_111 = arith.constant 6 : index
    %swap3A_112 = arith.constant 0 : index
    %swap3A_113 = vector.load %arg4[%swap3A_111, %swap3A_112] : memref<32x64xf32, #tpu.memory_space<vmem>>, vector<1x64xf32>
    tpu.vector_store %arg4[%swap3A_111, %swap3A_112], %max3A_110 {strides = array<i32>} : memref<32x64xf32, #tpu.memory_space<vmem>>, vector<1x64xf32>,
    %slice3A_114 = vector.extract_strided_slice %get3A_8 {offsets = [0, 7], sizes = [512, 1], strides = [1, 1]} : vector<512x32xf32> to vector<512x1xf32>
    %jit3A_115 = arith.constant 0xFF800000 : f32
    %broadcast_in_dim3A_116 = vector.shape_cast %slice3A_114 : vector<512x1xf32> to vector<512x1xf32>
    %broadcast_in_dim3A_117 = vector.broadcast %broadcast_in_dim3A_116 : vector<512x1xf32> to vector<512x64xf32>
    %broadcast_in_dim3A_118 = vector.broadcast %jit3A_115 : f32 to vector<512x64xf32>
    %select_n3A_119 = arith.select %eq3A_5, %broadcast_in_dim3A_117, %broadcast_in_dim3A_118 : vector<512x64xi1>, vector<512x64xf32>
    %get3A_120 = arith.constant 7 : index
    %get3A_121 = arith.constant 0 : index
    %get3A_122 = vector.load %arg4[%get3A_120, %get3A_121] : memref<32x64xf32, #tpu.memory_space<vmem>>, vector<1x64xf32>
    %reduce_max3A_123 = arith.constant dense<0xFF800000> : vector<64xf32>
    %reduce_max3A_124 = vector.multi_reduction <maximumf>, %select_n3A_119, %reduce_max3A_123 [0] : vector<512x64xf32> to vector<64xf32>
    %broadcast_in_dim3A_125 = vector.shape_cast %reduce_max3A_124 : vector<64xf32> to vector<1x64xf32>
    %max3A_126 = arith.maximumf %get3A_122, %broadcast_in_dim3A_125 : vector<1x64xf32>
    %swap3A_127 = arith.constant 7 : index
    %swap3A_128 = arith.constant 0 : index
    %swap3A_129 = vector.load %arg4[%swap3A_127, %swap3A_128] : memref<32x64xf32, #tpu.memory_space<vmem>>, vector<1x64xf32>
    tpu.vector_store %arg4[%swap3A_127, %swap3A_128], %max3A_126 {strides = array<i32>} : memref<32x64xf32, #tpu.memory_space<vmem>>, vector<1x64xf32>,
    %slice3A_130 = vector.extract_strided_slice %get3A_8 {offsets = [0, 8], sizes = [512, 1], strides = [1, 1]} : vector<512x32xf32> to vector<512x1xf32>
    %jit3A_131 = arith.constant 0xFF800000 : f32
    %broadcast_in_dim3A_132 = vector.shape_cast %slice3A_130 : vector<512x1xf32> to vector<512x1xf32>
    %broadcast_in_dim3A_133 = vector.broadcast %broadcast_in_dim3A_132 : vector<512x1xf32> to vector<512x64xf32>
    %broadcast_in_dim3A_134 = vector.broadcast %jit3A_131 : f32 to vector<512x64xf32>
    %select_n3A_135 = arith.select %eq3A_5, %broadcast_in_dim3A_133, %broadcast_in_dim3A_134 : vector<512x64xi1>, vector<512x64xf32>
    %get3A_136 = arith.constant 8 : index
    %get3A_137 = arith.constant 0 : index
    %get3A_138 = vector.load %arg4[%get3A_136, %get3A_137] : memref<32x64xf32, #tpu.memory_space<vmem>>, vector<1x64xf32>
    %reduce_max3A_139 = arith.constant dense<0xFF800000> : vector<64xf32>
    %reduce_max3A_140 = vector.multi_reduction <maximumf>, %select_n3A_135, %reduce_max3A_139 [0] : vector<512x64xf32> to vector<64xf32>
    %broadcast_in_dim3A_141 = vector.shape_cast %reduce_max3A_140 : vector<64xf32> to vector<1x64xf32>
    %max3A_142 = arith.maximumf %get3A_138, %broadcast_in_dim3A_141 : vector<1x64xf32>
    %swap3A_143 = arith.constant 8 : index
    %swap3A_144 = arith.constant 0 : index
    %swap3A_145 = vector.load %arg4[%swap3A_143, %swap3A_144] : memref<32x64xf32, #tpu.memory_space<vmem>>, vector<1x64xf32>
    tpu.vector_store %arg4[%swap3A_143, %swap3A_144], %max3A_142 {strides = array<i32>} : memref<32x64xf32, #tpu.memory_space<vmem>>, vector<1x64xf32>,
    %slice3A_146 = vector.extract_strided_slice %get3A_8 {offsets = [0, 9], sizes = [512, 1], strides = [1, 1]} : vector<512x32xf32> to vector<512x1xf32>
    %jit3A_147 = arith.constant 0xFF800000 : f32
    %broadcast_in_dim3A_148 = vector.shape_cast %slice3A_146 : vector<512x1xf32> to vector<512x1xf32>
    %broadcast_in_dim3A_149 = vector.broadcast %broadcast_in_dim3A_148 : vector<512x1xf32> to vector<512x64xf32>
    %broadcast_in_dim3A_150 = vector.broadcast %jit3A_147 : f32 to vector<512x64xf32>
    %select_n3A_151 = arith.select %eq3A_5, %broadcast_in_dim3A_149, %broadcast_in_dim3A_150 : vector<512x64xi1>, vector<512x64xf32>
    %get3A_152 = arith.constant 9 : index
    %get3A_153 = arith.constant 0 : index
    %get3A_154 = vector.load %arg4[%get3A_152, %get3A_153] : memref<32x64xf32, #tpu.memory_space<vmem>>, vector<1x64xf32>
    %reduce_max3A_155 = arith.constant dense<0xFF800000> : vector<64xf32>
    %reduce_max3A_156 = vector.multi_reduction <maximumf>, %select_n3A_151, %reduce_max3A_155 [0] : vector<512x64xf32> to vector<64xf32>
    %broadcast_in_dim3A_157 = vector.shape_cast %reduce_max3A_156 : vector<64xf32> to vector<1x64xf32>
    %max3A_158 = arith.maximumf %get3A_154, %broadcast_in_dim3A_157 : vector<1x64xf32>
    %swap3A_159 = arith.constant 9 : index
    %swap3A_160 = arith.constant 0 : index
    %swap3A_161 = vector.load %arg4[%swap3A_159, %swap3A_160] : memref<32x64xf32, #tpu.memory_space<vmem>>, vector<1x64xf32>
    tpu.vector_store %arg4[%swap3A_159, %swap3A_160], %max3A_158 {strides = array<i32>} : memref<32x64xf32, #tpu.memory_space<vmem>>, vector<1x64xf32>,
    %slice3A_162 = vector.extract_strided_slice %get3A_8 {offsets = [0, 10], sizes = [512, 1], strides = [1, 1]} : vector<512x32xf32> to vector<512x1xf32>
    %jit3A_163 = arith.constant 0xFF800000 : f32
    %broadcast_in_dim3A_164 = vector.shape_cast %slice3A_162 : vector<512x1xf32> to vector<512x1xf32>
    %broadcast_in_dim3A_165 = vector.broadcast %broadcast_in_dim3A_164 : vector<512x1xf32> to vector<512x64xf32>
    %broadcast_in_dim3A_166 = vector.broadcast %jit3A_163 : f32 to vector<512x64xf32>
    %select_n3A_167 = arith.select %eq3A_5, %broadcast_in_dim3A_165, %broadcast_in_dim3A_166 : vector<512x64xi1>, vector<512x64xf32>
    %get3A_168 = arith.constant 10 : index
    %get3A_169 = arith.constant 0 : index
    %get3A_170 = vector.load %arg4[%get3A_168, %get3A_169] : memref<32x64xf32, #tpu.memory_space<vmem>>, vector<1x64xf32>
    %reduce_max3A_171 = arith.constant dense<0xFF800000> : vector<64xf32>
    %reduce_max3A_172 = vector.multi_reduction <maximumf>, %select_n3A_167, %reduce_max3A_171 [0] : vector<512x64xf32> to vector<64xf32>
    %broadcast_in_dim3A_173 = vector.shape_cast %reduce_max3A_172 : vector<64xf32> to vector<1x64xf32>
    %max3A_174 = arith.maximumf %get3A_170, %broadcast_in_dim3A_173 : vector<1x64xf32>
    %swap3A_175 = arith.constant 10 : index
    %swap3A_176 = arith.constant 0 : index
    %swap3A_177 = vector.load %arg4[%swap3A_175, %swap3A_176] : memref<32x64xf32, #tpu.memory_space<vmem>>, vector<1x64xf32>
    tpu.vector_store %arg4[%swap3A_175, %swap3A_176], %max3A_174 {strides = array<i32>} : memref<32x64xf32, #tpu.memory_space<vmem>>, vector<1x64xf32>,
    %slice3A_178 = vector.extract_strided_slice %get3A_8 {offsets = [0, 11], sizes = [512, 1], strides = [1, 1]} : vector<512x32xf32> to vector<512x1xf32>
    %jit3A_179 = arith.constant 0xFF800000 : f32
    %broadcast_in_dim3A_180 = vector.shape_cast %slice3A_178 : vector<512x1xf32> to vector<512x1xf32>
    %broadcast_in_dim3A_181 = vector.broadcast %broadcast_in_dim3A_180 : vector<512x1xf32> to vector<512x64xf32>
    %broadcast_in_dim3A_182 = vector.broadcast %jit3A_179 : f32 to vector<512x64xf32>
    %select_n3A_183 = arith.select %eq3A_5, %broadcast_in_dim3A_181, %broadcast_in_dim3A_182 : vector<512x64xi1>, vector<512x64xf32>
    %get3A_184 = arith.constant 11 : index
    %get3A_185 = arith.constant 0 : index
    %get3A_186 = vector.load %arg4[%get3A_184, %get3A_185] : memref<32x64xf32, #tpu.memory_space<vmem>>, vector<1x64xf32>
    %reduce_max3A_187 = arith.constant dense<0xFF800000> : vector<64xf32>
    %reduce_max3A_188 = vector.multi_reduction <maximumf>, %select_n3A_183, %reduce_max3A_187 [0] : vector<512x64xf32> to vector<64xf32>
    %broadcast_in_dim3A_189 = vector.shape_cast %reduce_max3A_188 : vector<64xf32> to vector<1x64xf32>
    %max3A_190 = arith.maximumf %get3A_186, %broadcast_in_dim3A_189 : vector<1x64xf32>
    %swap3A_191 = arith.constant 11 : index
    %swap3A_192 = arith.constant 0 : index
    %swap3A_193 = vector.load %arg4[%swap3A_191, %swap3A_192] : memref<32x64xf32, #tpu.memory_space<vmem>>, vector<1x64xf32>
    tpu.vector_store %arg4[%swap3A_191, %swap3A_192], %max3A_190 {strides = array<i32>} : memref<32x64xf32, #tpu.memory_space<vmem>>, vector<1x64xf32>,
    %slice3A_194 = vector.extract_strided_slice %get3A_8 {offsets = [0, 12], sizes = [512, 1], strides = [1, 1]} : vector<512x32xf32> to vector<512x1xf32>
    %jit3A_195 = arith.constant 0xFF800000 : f32
    %broadcast_in_dim3A_196 = vector.shape_cast %slice3A_194 : vector<512x1xf32> to vector<512x1xf32>
    %broadcast_in_dim3A_197 = vector.broadcast %broadcast_in_dim3A_196 : vector<512x1xf32> to vector<512x64xf32>
    %broadcast_in_dim3A_198 = vector.broadcast %jit3A_195 : f32 to vector<512x64xf32>
    %select_n3A_199 = arith.select %eq3A_5, %broadcast_in_dim3A_197, %broadcast_in_dim3A_198 : vector<512x64xi1>, vector<512x64xf32>
    %get3A_200 = arith.constant 12 : index
    %get3A_201 = arith.constant 0 : index
    %get3A_202 = vector.load %arg4[%get3A_200, %get3A_201] : memref<32x64xf32, #tpu.memory_space<vmem>>, vector<1x64xf32>
    %reduce_max3A_203 = arith.constant dense<0xFF800000> : vector<64xf32>
    %reduce_max3A_204 = vector.multi_reduction <maximumf>, %select_n3A_199, %reduce_max3A_203 [0] : vector<512x64xf32> to vector<64xf32>
    %broadcast_in_dim3A_205 = vector.shape_cast %reduce_max3A_204 : vector<64xf32> to vector<1x64xf32>
    %max3A_206 = arith.maximumf %get3A_202, %broadcast_in_dim3A_205 : vector<1x64xf32>
    %swap3A_207 = arith.constant 12 : index
    %swap3A_208 = arith.constant 0 : index
    %swap3A_209 = vector.load %arg4[%swap3A_207, %swap3A_208] : memref<32x64xf32, #tpu.memory_space<vmem>>, vector<1x64xf32>
    tpu.vector_store %arg4[%swap3A_207, %swap3A_208], %max3A_206 {strides = array<i32>} : memref<32x64xf32, #tpu.memory_space<vmem>>, vector<1x64xf32>,
    %slice3A_210 = vector.extract_strided_slice %get3A_8 {offsets = [0, 13], sizes = [512, 1], strides = [1, 1]} : vector<512x32xf32> to vector<512x1xf32>
    %jit3A_211 = arith.constant 0xFF800000 : f32
    %broadcast_in_dim3A_212 = vector.shape_cast %slice3A_210 : vector<512x1xf32> to vector<512x1xf32>
    %broadcast_in_dim3A_213 = vector.broadcast %broadcast_in_dim3A_212 : vector<512x1xf32> to vector<512x64xf32>
    %broadcast_in_dim3A_214 = vector.broadcast %jit3A_211 : f32 to vector<512x64xf32>
    %select_n3A_215 = arith.select %eq3A_5, %broadcast_in_dim3A_213, %broadcast_in_dim3A_214 : vector<512x64xi1>, vector<512x64xf32>
    %get3A_216 = arith.constant 13 : index
    %get3A_217 = arith.constant 0 : index
    %get3A_218 = vector.load %arg4[%get3A_216, %get3A_217] : memref<32x64xf32, #tpu.memory_space<vmem>>, vector<1x64xf32>
    %reduce_max3A_219 = arith.constant dense<0xFF800000> : vector<64xf32>
    %reduce_max3A_220 = vector.multi_reduction <maximumf>, %select_n3A_215, %reduce_max3A_219 [0] : vector<512x64xf32> to vector<64xf32>
    %broadcast_in_dim3A_221 = vector.shape_cast %reduce_max3A_220 : vector<64xf32> to vector<1x64xf32>
    %max3A_222 = arith.maximumf %get3A_218, %broadcast_in_dim3A_221 : vector<1x64xf32>
    %swap3A_223 = arith.constant 13 : index
    %swap3A_224 = arith.constant 0 : index
    %swap3A_225 = vector.load %arg4[%swap3A_223, %swap3A_224] : memref<32x64xf32, #tpu.memory_space<vmem>>, vector<1x64xf32>
    tpu.vector_store %arg4[%swap3A_223, %swap3A_224], %max3A_222 {strides = array<i32>} : memref<32x64xf32, #tpu.memory_space<vmem>>, vector<1x64xf32>,
    %slice3A_226 = vector.extract_strided_slice %get3A_8 {offsets = [0, 14], sizes = [512, 1], strides = [1, 1]} : vector<512x32xf32> to vector<512x1xf32>
    %jit3A_227 = arith.constant 0xFF800000 : f32
    %broadcast_in_dim3A_228 = vector.shape_cast %slice3A_226 : vector<512x1xf32> to vector<512x1xf32>
    %broadcast_in_dim3A_229 = vector.broadcast %broadcast_in_dim3A_228 : vector<512x1xf32> to vector<512x64xf32>
    %broadcast_in_dim3A_230 = vector.broadcast %jit3A_227 : f32 to vector<512x64xf32>
    %select_n3A_231 = arith.select %eq3A_5, %broadcast_in_dim3A_229, %broadcast_in_dim3A_230 : vector<512x64xi1>, vector<512x64xf32>
    %get3A_232 = arith.constant 14 : index
    %get3A_233 = arith.constant 0 : index
    %get3A_234 = vector.load %arg4[%get3A_232, %get3A_233] : memref<32x64xf32, #tpu.memory_space<vmem>>, vector<1x64xf32>
    %reduce_max3A_235 = arith.constant dense<0xFF800000> : vector<64xf32>
    %reduce_max3A_236 = vector.multi_reduction <maximumf>, %select_n3A_231, %reduce_max3A_235 [0] : vector<512x64xf32> to vector<64xf32>
    %broadcast_in_dim3A_237 = vector.shape_cast %reduce_max3A_236 : vector<64xf32> to vector<1x64xf32>
    %max3A_238 = arith.maximumf %get3A_234, %broadcast_in_dim3A_237 : vector<1x64xf32>
    %swap3A_239 = arith.constant 14 : index
    %swap3A_240 = arith.constant 0 : index
    %swap3A_241 = vector.load %arg4[%swap3A_239, %swap3A_240] : memref<32x64xf32, #tpu.memory_space<vmem>>, vector<1x64xf32>
    tpu.vector_store %arg4[%swap3A_239, %swap3A_240], %max3A_238 {strides = array<i32>} : memref<32x64xf32, #tpu.memory_space<vmem>>, vector<1x64xf32>,
    %slice3A_242 = vector.extract_strided_slice %get3A_8 {offsets = [0, 15], sizes = [512, 1], strides = [1, 1]} : vector<512x32xf32> to vector<512x1xf32>
    %jit3A_243 = arith.constant 0xFF800000 : f32
    %broadcast_in_dim3A_244 = vector.shape_cast %slice3A_242 : vector<512x1xf32> to vector<512x1xf32>
    %broadcast_in_dim3A_245 = vector.broadcast %broadcast_in_dim3A_244 : vector<512x1xf32> to vector<512x64xf32>
    %broadcast_in_dim3A_246 = vector.broadcast %jit3A_243 : f32 to vector<512x64xf32>
    %select_n3A_247 = arith.select %eq3A_5, %broadcast_in_dim3A_245, %broadcast_in_dim3A_246 : vector<512x64xi1>, vector<512x64xf32>
    %get3A_248 = arith.constant 15 : index
    %get3A_249 = arith.constant 0 : index
    %get3A_250 = vector.load %arg4[%get3A_248, %get3A_249] : memref<32x64xf32, #tpu.memory_space<vmem>>, vector<1x64xf32>
    %reduce_max3A_251 = arith.constant dense<0xFF800000> : vector<64xf32>
    %reduce_max3A_252 = vector.multi_reduction <maximumf>, %select_n3A_247, %reduce_max3A_251 [0] : vector<512x64xf32> to vector<64xf32>
    %broadcast_in_dim3A_253 = vector.shape_cast %reduce_max3A_252 : vector<64xf32> to vector<1x64xf32>
    %max3A_254 = arith.maximumf %get3A_250, %broadcast_in_dim3A_253 : vector<1x64xf32>
    %swap3A_255 = arith.constant 15 : index
    %swap3A_256 = arith.constant 0 : index
    %swap3A_257 = vector.load %arg4[%swap3A_255, %swap3A_256] : memref<32x64xf32, #tpu.memory_space<vmem>>, vector<1x64xf32>
    tpu.vector_store %arg4[%swap3A_255, %swap3A_256], %max3A_254 {strides = array<i32>} : memref<32x64xf32, #tpu.memory_space<vmem>>, vector<1x64xf32>,
    %slice3A_258 = vector.extract_strided_slice %get3A_8 {offsets = [0, 16], sizes = [512, 1], strides = [1, 1]} : vector<512x32xf32> to vector<512x1xf32>
    %jit3A_259 = arith.constant 0xFF800000 : f32
    %broadcast_in_dim3A_260 = vector.shape_cast %slice3A_258 : vector<512x1xf32> to vector<512x1xf32>
    %broadcast_in_dim3A_261 = vector.broadcast %broadcast_in_dim3A_260 : vector<512x1xf32> to vector<512x64xf32>
    %broadcast_in_dim3A_262 = vector.broadcast %jit3A_259 : f32 to vector<512x64xf32>
    %select_n3A_263 = arith.select %eq3A_5, %broadcast_in_dim3A_261, %broadcast_in_dim3A_262 : vector<512x64xi1>, vector<512x64xf32>
    %get3A_264 = arith.constant 16 : index
    %get3A_265 = arith.constant 0 : index
    %get3A_266 = vector.load %arg4[%get3A_264, %get3A_265] : memref<32x64xf32, #tpu.memory_space<vmem>>, vector<1x64xf32>
    %reduce_max3A_267 = arith.constant dense<0xFF800000> : vector<64xf32>
    %reduce_max3A_268 = vector.multi_reduction <maximumf>, %select_n3A_263, %reduce_max3A_267 [0] : vector<512x64xf32> to vector<64xf32>
    %broadcast_in_dim3A_269 = vector.shape_cast %reduce_max3A_268 : vector<64xf32> to vector<1x64xf32>
    %max3A_270 = arith.maximumf %get3A_266, %broadcast_in_dim3A_269 : vector<1x64xf32>
    %swap3A_271 = arith.constant 16 : index
    %swap3A_272 = arith.constant 0 : index
    %swap3A_273 = vector.load %arg4[%swap3A_271, %swap3A_272] : memref<32x64xf32, #tpu.memory_space<vmem>>, vector<1x64xf32>
    tpu.vector_store %arg4[%swap3A_271, %swap3A_272], %max3A_270 {strides = array<i32>} : memref<32x64xf32, #tpu.memory_space<vmem>>, vector<1x64xf32>,
    %slice3A_274 = vector.extract_strided_slice %get3A_8 {offsets = [0, 17], sizes = [512, 1], strides = [1, 1]} : vector<512x32xf32> to vector<512x1xf32>
    %jit3A_275 = arith.constant 0xFF800000 : f32
    %broadcast_in_dim3A_276 = vector.shape_cast %slice3A_274 : vector<512x1xf32> to vector<512x1xf32>
    %broadcast_in_dim3A_277 = vector.broadcast %broadcast_in_dim3A_276 : vector<512x1xf32> to vector<512x64xf32>
    %broadcast_in_dim3A_278 = vector.broadcast %jit3A_275 : f32 to vector<512x64xf32>
    %select_n3A_279 = arith.select %eq3A_5, %broadcast_in_dim3A_277, %broadcast_in_dim3A_278 : vector<512x64xi1>, vector<512x64xf32>
    %get3A_280 = arith.constant 17 : index
    %get3A_281 = arith.constant 0 : index
    %get3A_282 = vector.load %arg4[%get3A_280, %get3A_281] : memref<32x64xf32, #tpu.memory_space<vmem>>, vector<1x64xf32>
    %reduce_max3A_283 = arith.constant dense<0xFF800000> : vector<64xf32>
    %reduce_max3A_284 = vector.multi_reduction <maximumf>, %select_n3A_279, %reduce_max3A_283 [0] : vector<512x64xf32> to vector<64xf32>
    %broadcast_in_dim3A_285 = vector.shape_cast %reduce_max3A_284 : vector<64xf32> to vector<1x64xf32>
    %max3A_286 = arith.maximumf %get3A_282, %broadcast_in_dim3A_285 : vector<1x64xf32>
    %swap3A_287 = arith.constant 17 : index
    %swap3A_288 = arith.constant 0 : index
    %swap3A_289 = vector.load %arg4[%swap3A_287, %swap3A_288] : memref<32x64xf32, #tpu.memory_space<vmem>>, vector<1x64xf32>
    tpu.vector_store %arg4[%swap3A_287, %swap3A_288], %max3A_286 {strides = array<i32>} : memref<32x64xf32, #tpu.memory_space<vmem>>, vector<1x64xf32>,
    %slice3A_290 = vector.extract_strided_slice %get3A_8 {offsets = [0, 18], sizes = [512, 1], strides = [1, 1]} : vector<512x32xf32> to vector<512x1xf32>
    %jit3A_291 = arith.constant 0xFF800000 : f32
    %broadcast_in_dim3A_292 = vector.shape_cast %slice3A_290 : vector<512x1xf32> to vector<512x1xf32>
    %broadcast_in_dim3A_293 = vector.broadcast %broadcast_in_dim3A_292 : vector<512x1xf32> to vector<512x64xf32>
    %broadcast_in_dim3A_294 = vector.broadcast %jit3A_291 : f32 to vector<512x64xf32>
    %select_n3A_295 = arith.select %eq3A_5, %broadcast_in_dim3A_293, %broadcast_in_dim3A_294 : vector<512x64xi1>, vector<512x64xf32>
    %get3A_296 = arith.constant 18 : index
    %get3A_297 = arith.constant 0 : index
    %get3A_298 = vector.load %arg4[%get3A_296, %get3A_297] : memref<32x64xf32, #tpu.memory_space<vmem>>, vector<1x64xf32>
    %reduce_max3A_299 = arith.constant dense<0xFF800000> : vector<64xf32>
    %reduce_max3A_300 = vector.multi_reduction <maximumf>, %select_n3A_295, %reduce_max3A_299 [0] : vector<512x64xf32> to vector<64xf32>
    %broadcast_in_dim3A_301 = vector.shape_cast %reduce_max3A_300 : vector<64xf32> to vector<1x64xf32>
    %max3A_302 = arith.maximumf %get3A_298, %broadcast_in_dim3A_301 : vector<1x64xf32>
    %swap3A_303 = arith.constant 18 : index
    %swap3A_304 = arith.constant 0 : index
    %swap3A_305 = vector.load %arg4[%swap3A_303, %swap3A_304] : memref<32x64xf32, #tpu.memory_space<vmem>>, vector<1x64xf32>
    tpu.vector_store %arg4[%swap3A_303, %swap3A_304], %max3A_302 {strides = array<i32>} : memref<32x64xf32, #tpu.memory_space<vmem>>, vector<1x64xf32>,
    %slice3A_306 = vector.extract_strided_slice %get3A_8 {offsets = [0, 19], sizes = [512, 1], strides = [1, 1]} : vector<512x32xf32> to vector<512x1xf32>
    %jit3A_307 = arith.constant 0xFF800000 : f32
    %broadcast_in_dim3A_308 = vector.shape_cast %slice3A_306 : vector<512x1xf32> to vector<512x1xf32>
    %broadcast_in_dim3A_309 = vector.broadcast %broadcast_in_dim3A_308 : vector<512x1xf32> to vector<512x64xf32>
    %broadcast_in_dim3A_310 = vector.broadcast %jit3A_307 : f32 to vector<512x64xf32>
    %select_n3A_311 = arith.select %eq3A_5, %broadcast_in_dim3A_309, %broadcast_in_dim3A_310 : vector<512x64xi1>, vector<512x64xf32>
    %get3A_312 = arith.constant 19 : index
    %get3A_313 = arith.constant 0 : index
    %get3A_314 = vector.load %arg4[%get3A_312, %get3A_313] : memref<32x64xf32, #tpu.memory_space<vmem>>, vector<1x64xf32>
    %reduce_max3A_315 = arith.constant dense<0xFF800000> : vector<64xf32>
    %reduce_max3A_316 = vector.multi_reduction <maximumf>, %select_n3A_311, %reduce_max3A_315 [0] : vector<512x64xf32> to vector<64xf32>
    %broadcast_in_dim3A_317 = vector.shape_cast %reduce_max3A_316 : vector<64xf32> to vector<1x64xf32>
    %max3A_318 = arith.maximumf %get3A_314, %broadcast_in_dim3A_317 : vector<1x64xf32>
    %swap3A_319 = arith.constant 19 : index
    %swap3A_320 = arith.constant 0 : index
    %swap3A_321 = vector.load %arg4[%swap3A_319, %swap3A_320] : memref<32x64xf32, #tpu.memory_space<vmem>>, vector<1x64xf32>
    tpu.vector_store %arg4[%swap3A_319, %swap3A_320], %max3A_318 {strides = array<i32>} : memref<32x64xf32, #tpu.memory_space<vmem>>, vector<1x64xf32>,
    %slice3A_322 = vector.extract_strided_slice %get3A_8 {offsets = [0, 20], sizes = [512, 1], strides = [1, 1]} : vector<512x32xf32> to vector<512x1xf32>
    %jit3A_323 = arith.constant 0xFF800000 : f32
    %broadcast_in_dim3A_324 = vector.shape_cast %slice3A_322 : vector<512x1xf32> to vector<512x1xf32>
    %broadcast_in_dim3A_325 = vector.broadcast %broadcast_in_dim3A_324 : vector<512x1xf32> to vector<512x64xf32>
    %broadcast_in_dim3A_326 = vector.broadcast %jit3A_323 : f32 to vector<512x64xf32>
    %select_n3A_327 = arith.select %eq3A_5, %broadcast_in_dim3A_325, %broadcast_in_dim3A_326 : vector<512x64xi1>, vector<512x64xf32>
    %get3A_328 = arith.constant 20 : index
    %get3A_329 = arith.constant 0 : index
    %get3A_330 = vector.load %arg4[%get3A_328, %get3A_329] : memref<32x64xf32, #tpu.memory_space<vmem>>, vector<1x64xf32>
    %reduce_max3A_331 = arith.constant dense<0xFF800000> : vector<64xf32>
    %reduce_max3A_332 = vector.multi_reduction <maximumf>, %select_n3A_327, %reduce_max3A_331 [0] : vector<512x64xf32> to vector<64xf32>
    %broadcast_in_dim3A_333 = vector.shape_cast %reduce_max3A_332 : vector<64xf32> to vector<1x64xf32>
    %max3A_334 = arith.maximumf %get3A_330, %broadcast_in_dim3A_333 : vector<1x64xf32>
    %swap3A_335 = arith.constant 20 : index
    %swap3A_336 = arith.constant 0 : index
    %swap3A_337 = vector.load %arg4[%swap3A_335, %swap3A_336] : memref<32x64xf32, #tpu.memory_space<vmem>>, vector<1x64xf32>
    tpu.vector_store %arg4[%swap3A_335, %swap3A_336], %max3A_334 {strides = array<i32>} : memref<32x64xf32, #tpu.memory_space<vmem>>, vector<1x64xf32>,
    %slice3A_338 = vector.extract_strided_slice %get3A_8 {offsets = [0, 21], sizes = [512, 1], strides = [1, 1]} : vector<512x32xf32> to vector<512x1xf32>
    %jit3A_339 = arith.constant 0xFF800000 : f32
    %broadcast_in_dim3A_340 = vector.shape_cast %slice3A_338 : vector<512x1xf32> to vector<512x1xf32>
    %broadcast_in_dim3A_341 = vector.broadcast %broadcast_in_dim3A_340 : vector<512x1xf32> to vector<512x64xf32>
    %broadcast_in_dim3A_342 = vector.broadcast %jit3A_339 : f32 to vector<512x64xf32>
    %select_n3A_343 = arith.select %eq3A_5, %broadcast_in_dim3A_341, %broadcast_in_dim3A_342 : vector<512x64xi1>, vector<512x64xf32>
    %get3A_344 = arith.constant 21 : index
    %get3A_345 = arith.constant 0 : index
    %get3A_346 = vector.load %arg4[%get3A_344, %get3A_345] : memref<32x64xf32, #tpu.memory_space<vmem>>, vector<1x64xf32>
    %reduce_max3A_347 = arith.constant dense<0xFF800000> : vector<64xf32>
    %reduce_max3A_348 = vector.multi_reduction <maximumf>, %select_n3A_343, %reduce_max3A_347 [0] : vector<512x64xf32> to vector<64xf32>
    %broadcast_in_dim3A_349 = vector.shape_cast %reduce_max3A_348 : vector<64xf32> to vector<1x64xf32>
    %max3A_350 = arith.maximumf %get3A_346, %broadcast_in_dim3A_349 : vector<1x64xf32>
    %swap3A_351 = arith.constant 21 : index
    %swap3A_352 = arith.constant 0 : index
    %swap3A_353 = vector.load %arg4[%swap3A_351, %swap3A_352] : memref<32x64xf32, #tpu.memory_space<vmem>>, vector<1x64xf32>
    tpu.vector_store %arg4[%swap3A_351, %swap3A_352], %max3A_350 {strides = array<i32>} : memref<32x64xf32, #tpu.memory_space<vmem>>, vector<1x64xf32>,
    %slice3A_354 = vector.extract_strided_slice %get3A_8 {offsets = [0, 22], sizes = [512, 1], strides = [1, 1]} : vector<512x32xf32> to vector<512x1xf32>
    %jit3A_355 = arith.constant 0xFF800000 : f32
    %broadcast_in_dim3A_356 = vector.shape_cast %slice3A_354 : vector<512x1xf32> to vector<512x1xf32>
    %broadcast_in_dim3A_357 = vector.broadcast %broadcast_in_dim3A_356 : vector<512x1xf32> to vector<512x64xf32>
    %broadcast_in_dim3A_358 = vector.broadcast %jit3A_355 : f32 to vector<512x64xf32>
    %select_n3A_359 = arith.select %eq3A_5, %broadcast_in_dim3A_357, %broadcast_in_dim3A_358 : vector<512x64xi1>, vector<512x64xf32>
    %get3A_360 = arith.constant 22 : index
    %get3A_361 = arith.constant 0 : index
    %get3A_362 = vector.load %arg4[%get3A_360, %get3A_361] : memref<32x64xf32, #tpu.memory_space<vmem>>, vector<1x64xf32>
    %reduce_max3A_363 = arith.constant dense<0xFF800000> : vector<64xf32>
    %reduce_max3A_364 = vector.multi_reduction <maximumf>, %select_n3A_359, %reduce_max3A_363 [0] : vector<512x64xf32> to vector<64xf32>
    %broadcast_in_dim3A_365 = vector.shape_cast %reduce_max3A_364 : vector<64xf32> to vector<1x64xf32>
    %max3A_366 = arith.maximumf %get3A_362, %broadcast_in_dim3A_365 : vector<1x64xf32>
    %swap3A_367 = arith.constant 22 : index
    %swap3A_368 = arith.constant 0 : index
    %swap3A_369 = vector.load %arg4[%swap3A_367, %swap3A_368] : memref<32x64xf32, #tpu.memory_space<vmem>>, vector<1x64xf32>
    tpu.vector_store %arg4[%swap3A_367, %swap3A_368], %max3A_366 {strides = array<i32>} : memref<32x64xf32, #tpu.memory_space<vmem>>, vector<1x64xf32>,
    %slice3A_370 = vector.extract_strided_slice %get3A_8 {offsets = [0, 23], sizes = [512, 1], strides = [1, 1]} : vector<512x32xf32> to vector<512x1xf32>
    %jit3A_371 = arith.constant 0xFF800000 : f32
    %broadcast_in_dim3A_372 = vector.shape_cast %slice3A_370 : vector<512x1xf32> to vector<512x1xf32>
    %broadcast_in_dim3A_373 = vector.broadcast %broadcast_in_dim3A_372 : vector<512x1xf32> to vector<512x64xf32>
    %broadcast_in_dim3A_374 = vector.broadcast %jit3A_371 : f32 to vector<512x64xf32>
    %select_n3A_375 = arith.select %eq3A_5, %broadcast_in_dim3A_373, %broadcast_in_dim3A_374 : vector<512x64xi1>, vector<512x64xf32>
    %get3A_376 = arith.constant 23 : index
    %get3A_377 = arith.constant 0 : index
    %get3A_378 = vector.load %arg4[%get3A_376, %get3A_377] : memref<32x64xf32, #tpu.memory_space<vmem>>, vector<1x64xf32>
    %reduce_max3A_379 = arith.constant dense<0xFF800000> : vector<64xf32>
    %reduce_max3A_380 = vector.multi_reduction <maximumf>, %select_n3A_375, %reduce_max3A_379 [0] : vector<512x64xf32> to vector<64xf32>
    %broadcast_in_dim3A_381 = vector.shape_cast %reduce_max3A_380 : vector<64xf32> to vector<1x64xf32>
    %max3A_382 = arith.maximumf %get3A_378, %broadcast_in_dim3A_381 : vector<1x64xf32>
    %swap3A_383 = arith.constant 23 : index
    %swap3A_384 = arith.constant 0 : index
    %swap3A_385 = vector.load %arg4[%swap3A_383, %swap3A_384] : memref<32x64xf32, #tpu.memory_space<vmem>>, vector<1x64xf32>
    tpu.vector_store %arg4[%swap3A_383, %swap3A_384], %max3A_382 {strides = array<i32>} : memref<32x64xf32, #tpu.memory_space<vmem>>, vector<1x64xf32>,
    %slice3A_386 = vector.extract_strided_slice %get3A_8 {offsets = [0, 24], sizes = [512, 1], strides = [1, 1]} : vector<512x32xf32> to vector<512x1xf32>
    %jit3A_387 = arith.constant 0xFF800000 : f32
    %broadcast_in_dim3A_388 = vector.shape_cast %slice3A_386 : vector<512x1xf32> to vector<512x1xf32>
    %broadcast_in_dim3A_389 = vector.broadcast %broadcast_in_dim3A_388 : vector<512x1xf32> to vector<512x64xf32>
    %broadcast_in_dim3A_390 = vector.broadcast %jit3A_387 : f32 to vector<512x64xf32>
    %select_n3A_391 = arith.select %eq3A_5, %broadcast_in_dim3A_389, %broadcast_in_dim3A_390 : vector<512x64xi1>, vector<512x64xf32>
    %get3A_392 = arith.constant 24 : index
    %get3A_393 = arith.constant 0 : index
    %get3A_394 = vector.load %arg4[%get3A_392, %get3A_393] : memref<32x64xf32, #tpu.memory_space<vmem>>, vector<1x64xf32>
    %reduce_max3A_395 = arith.constant dense<0xFF800000> : vector<64xf32>
    %reduce_max3A_396 = vector.multi_reduction <maximumf>, %select_n3A_391, %reduce_max3A_395 [0] : vector<512x64xf32> to vector<64xf32>
    %broadcast_in_dim3A_397 = vector.shape_cast %reduce_max3A_396 : vector<64xf32> to vector<1x64xf32>
    %max3A_398 = arith.maximumf %get3A_394, %broadcast_in_dim3A_397 : vector<1x64xf32>
    %swap3A_399 = arith.constant 24 : index
    %swap3A_400 = arith.constant 0 : index
    %swap3A_401 = vector.load %arg4[%swap3A_399, %swap3A_400] : memref<32x64xf32, #tpu.memory_space<vmem>>, vector<1x64xf32>
    tpu.vector_store %arg4[%swap3A_399, %swap3A_400], %max3A_398 {strides = array<i32>} : memref<32x64xf32, #tpu.memory_space<vmem>>, vector<1x64xf32>,
    %slice3A_402 = vector.extract_strided_slice %get3A_8 {offsets = [0, 25], sizes = [512, 1], strides = [1, 1]} : vector<512x32xf32> to vector<512x1xf32>
    %jit3A_403 = arith.constant 0xFF800000 : f32
    %broadcast_in_dim3A_404 = vector.shape_cast %slice3A_402 : vector<512x1xf32> to vector<512x1xf32>
    %broadcast_in_dim3A_405 = vector.broadcast %broadcast_in_dim3A_404 : vector<512x1xf32> to vector<512x64xf32>
    %broadcast_in_dim3A_406 = vector.broadcast %jit3A_403 : f32 to vector<512x64xf32>
    %select_n3A_407 = arith.select %eq3A_5, %broadcast_in_dim3A_405, %broadcast_in_dim3A_406 : vector<512x64xi1>, vector<512x64xf32>
    %get3A_408 = arith.constant 25 : index
    %get3A_409 = arith.constant 0 : index
    %get3A_410 = vector.load %arg4[%get3A_408, %get3A_409] : memref<32x64xf32, #tpu.memory_space<vmem>>, vector<1x64xf32>
    %reduce_max3A_411 = arith.constant dense<0xFF800000> : vector<64xf32>
    %reduce_max3A_412 = vector.multi_reduction <maximumf>, %select_n3A_407, %reduce_max3A_411 [0] : vector<512x64xf32> to vector<64xf32>
    %broadcast_in_dim3A_413 = vector.shape_cast %reduce_max3A_412 : vector<64xf32> to vector<1x64xf32>
    %max3A_414 = arith.maximumf %get3A_410, %broadcast_in_dim3A_413 : vector<1x64xf32>
    %swap3A_415 = arith.constant 25 : index
    %swap3A_416 = arith.constant 0 : index
    %swap3A_417 = vector.load %arg4[%swap3A_415, %swap3A_416] : memref<32x64xf32, #tpu.memory_space<vmem>>, vector<1x64xf32>
    tpu.vector_store %arg4[%swap3A_415, %swap3A_416], %max3A_414 {strides = array<i32>} : memref<32x64xf32, #tpu.memory_space<vmem>>, vector<1x64xf32>,
    %slice3A_418 = vector.extract_strided_slice %get3A_8 {offsets = [0, 26], sizes = [512, 1], strides = [1, 1]} : vector<512x32xf32> to vector<512x1xf32>
    %jit3A_419 = arith.constant 0xFF800000 : f32
    %broadcast_in_dim3A_420 = vector.shape_cast %slice3A_418 : vector<512x1xf32> to vector<512x1xf32>
    %broadcast_in_dim3A_421 = vector.broadcast %broadcast_in_dim3A_420 : vector<512x1xf32> to vector<512x64xf32>
    %broadcast_in_dim3A_422 = vector.broadcast %jit3A_419 : f32 to vector<512x64xf32>
    %select_n3A_423 = arith.select %eq3A_5, %broadcast_in_dim3A_421, %broadcast_in_dim3A_422 : vector<512x64xi1>, vector<512x64xf32>
    %get3A_424 = arith.constant 26 : index
    %get3A_425 = arith.constant 0 : index
    %get3A_426 = vector.load %arg4[%get3A_424, %get3A_425] : memref<32x64xf32, #tpu.memory_space<vmem>>, vector<1x64xf32>
    %reduce_max3A_427 = arith.constant dense<0xFF800000> : vector<64xf32>
    %reduce_max3A_428 = vector.multi_reduction <maximumf>, %select_n3A_423, %reduce_max3A_427 [0] : vector<512x64xf32> to vector<64xf32>
    %broadcast_in_dim3A_429 = vector.shape_cast %reduce_max3A_428 : vector<64xf32> to vector<1x64xf32>
    %max3A_430 = arith.maximumf %get3A_426, %broadcast_in_dim3A_429 : vector<1x64xf32>
    %swap3A_431 = arith.constant 26 : index
    %swap3A_432 = arith.constant 0 : index
    %swap3A_433 = vector.load %arg4[%swap3A_431, %swap3A_432] : memref<32x64xf32, #tpu.memory_space<vmem>>, vector<1x64xf32>
    tpu.vector_store %arg4[%swap3A_431, %swap3A_432], %max3A_430 {strides = array<i32>} : memref<32x64xf32, #tpu.memory_space<vmem>>, vector<1x64xf32>,
    %slice3A_434 = vector.extract_strided_slice %get3A_8 {offsets = [0, 27], sizes = [512, 1], strides = [1, 1]} : vector<512x32xf32> to vector<512x1xf32>
    %jit3A_435 = arith.constant 0xFF800000 : f32
    %broadcast_in_dim3A_436 = vector.shape_cast %slice3A_434 : vector<512x1xf32> to vector<512x1xf32>
    %broadcast_in_dim3A_437 = vector.broadcast %broadcast_in_dim3A_436 : vector<512x1xf32> to vector<512x64xf32>
    %broadcast_in_dim3A_438 = vector.broadcast %jit3A_435 : f32 to vector<512x64xf32>
    %select_n3A_439 = arith.select %eq3A_5, %broadcast_in_dim3A_437, %broadcast_in_dim3A_438 : vector<512x64xi1>, vector<512x64xf32>
    %get3A_440 = arith.constant 27 : index
    %get3A_441 = arith.constant 0 : index
    %get3A_442 = vector.load %arg4[%get3A_440, %get3A_441] : memref<32x64xf32, #tpu.memory_space<vmem>>, vector<1x64xf32>
    %reduce_max3A_443 = arith.constant dense<0xFF800000> : vector<64xf32>
    %reduce_max3A_444 = vector.multi_reduction <maximumf>, %select_n3A_439, %reduce_max3A_443 [0] : vector<512x64xf32> to vector<64xf32>
    %broadcast_in_dim3A_445 = vector.shape_cast %reduce_max3A_444 : vector<64xf32> to vector<1x64xf32>
    %max3A_446 = arith.maximumf %get3A_442, %broadcast_in_dim3A_445 : vector<1x64xf32>
    %swap3A_447 = arith.constant 27 : index
    %swap3A_448 = arith.constant 0 : index
    %swap3A_449 = vector.load %arg4[%swap3A_447, %swap3A_448] : memref<32x64xf32, #tpu.memory_space<vmem>>, vector<1x64xf32>
    tpu.vector_store %arg4[%swap3A_447, %swap3A_448], %max3A_446 {strides = array<i32>} : memref<32x64xf32, #tpu.memory_space<vmem>>, vector<1x64xf32>,
    %slice3A_450 = vector.extract_strided_slice %get3A_8 {offsets = [0, 28], sizes = [512, 1], strides = [1, 1]} : vector<512x32xf32> to vector<512x1xf32>
    %jit3A_451 = arith.constant 0xFF800000 : f32
    %broadcast_in_dim3A_452 = vector.shape_cast %slice3A_450 : vector<512x1xf32> to vector<512x1xf32>
    %broadcast_in_dim3A_453 = vector.broadcast %broadcast_in_dim3A_452 : vector<512x1xf32> to vector<512x64xf32>
    %broadcast_in_dim3A_454 = vector.broadcast %jit3A_451 : f32 to vector<512x64xf32>
    %select_n3A_455 = arith.select %eq3A_5, %broadcast_in_dim3A_453, %broadcast_in_dim3A_454 : vector<512x64xi1>, vector<512x64xf32>
    %get3A_456 = arith.constant 28 : index
    %get3A_457 = arith.constant 0 : index
    %get3A_458 = vector.load %arg4[%get3A_456, %get3A_457] : memref<32x64xf32, #tpu.memory_space<vmem>>, vector<1x64xf32>
    %reduce_max3A_459 = arith.constant dense<0xFF800000> : vector<64xf32>
    %reduce_max3A_460 = vector.multi_reduction <maximumf>, %select_n3A_455, %reduce_max3A_459 [0] : vector<512x64xf32> to vector<64xf32>
    %broadcast_in_dim3A_461 = vector.shape_cast %reduce_max3A_460 : vector<64xf32> to vector<1x64xf32>
    %max3A_462 = arith.maximumf %get3A_458, %broadcast_in_dim3A_461 : vector<1x64xf32>
    %swap3A_463 = arith.constant 28 : index
    %swap3A_464 = arith.constant 0 : index
    %swap3A_465 = vector.load %arg4[%swap3A_463, %swap3A_464] : memref<32x64xf32, #tpu.memory_space<vmem>>, vector<1x64xf32>
    tpu.vector_store %arg4[%swap3A_463, %swap3A_464], %max3A_462 {strides = array<i32>} : memref<32x64xf32, #tpu.memory_space<vmem>>, vector<1x64xf32>,
    %slice3A_466 = vector.extract_strided_slice %get3A_8 {offsets = [0, 29], sizes = [512, 1], strides = [1, 1]} : vector<512x32xf32> to vector<512x1xf32>
    %jit3A_467 = arith.constant 0xFF800000 : f32
    %broadcast_in_dim3A_468 = vector.shape_cast %slice3A_466 : vector<512x1xf32> to vector<512x1xf32>
    %broadcast_in_dim3A_469 = vector.broadcast %broadcast_in_dim3A_468 : vector<512x1xf32> to vector<512x64xf32>
    %broadcast_in_dim3A_470 = vector.broadcast %jit3A_467 : f32 to vector<512x64xf32>
    %select_n3A_471 = arith.select %eq3A_5, %broadcast_in_dim3A_469, %broadcast_in_dim3A_470 : vector<512x64xi1>, vector<512x64xf32>
    %get3A_472 = arith.constant 29 : index
    %get3A_473 = arith.constant 0 : index
    %get3A_474 = vector.load %arg4[%get3A_472, %get3A_473] : memref<32x64xf32, #tpu.memory_space<vmem>>, vector<1x64xf32>
    %reduce_max3A_475 = arith.constant dense<0xFF800000> : vector<64xf32>
    %reduce_max3A_476 = vector.multi_reduction <maximumf>, %select_n3A_471, %reduce_max3A_475 [0] : vector<512x64xf32> to vector<64xf32>
    %broadcast_in_dim3A_477 = vector.shape_cast %reduce_max3A_476 : vector<64xf32> to vector<1x64xf32>
    %max3A_478 = arith.maximumf %get3A_474, %broadcast_in_dim3A_477 : vector<1x64xf32>
    %swap3A_479 = arith.constant 29 : index
    %swap3A_480 = arith.constant 0 : index
    %swap3A_481 = vector.load %arg4[%swap3A_479, %swap3A_480] : memref<32x64xf32, #tpu.memory_space<vmem>>, vector<1x64xf32>
    tpu.vector_store %arg4[%swap3A_479, %swap3A_480], %max3A_478 {strides = array<i32>} : memref<32x64xf32, #tpu.memory_space<vmem>>, vector<1x64xf32>,
    %slice3A_482 = vector.extract_strided_slice %get3A_8 {offsets = [0, 30], sizes = [512, 1], strides = [1, 1]} : vector<512x32xf32> to vector<512x1xf32>
    %jit3A_483 = arith.constant 0xFF800000 : f32
    %broadcast_in_dim3A_484 = vector.shape_cast %slice3A_482 : vector<512x1xf32> to vector<512x1xf32>
    %broadcast_in_dim3A_485 = vector.broadcast %broadcast_in_dim3A_484 : vector<512x1xf32> to vector<512x64xf32>
    %broadcast_in_dim3A_486 = vector.broadcast %jit3A_483 : f32 to vector<512x64xf32>
    %select_n3A_487 = arith.select %eq3A_5, %broadcast_in_dim3A_485, %broadcast_in_dim3A_486 : vector<512x64xi1>, vector<512x64xf32>
    %get3A_488 = arith.constant 30 : index
    %get3A_489 = arith.constant 0 : index
    %get3A_490 = vector.load %arg4[%get3A_488, %get3A_489] : memref<32x64xf32, #tpu.memory_space<vmem>>, vector<1x64xf32>
    %reduce_max3A_491 = arith.constant dense<0xFF800000> : vector<64xf32>
    %reduce_max3A_492 = vector.multi_reduction <maximumf>, %select_n3A_487, %reduce_max3A_491 [0] : vector<512x64xf32> to vector<64xf32>
    %broadcast_in_dim3A_493 = vector.shape_cast %reduce_max3A_492 : vector<64xf32> to vector<1x64xf32>
    %max3A_494 = arith.maximumf %get3A_490, %broadcast_in_dim3A_493 : vector<1x64xf32>
    %swap3A_495 = arith.constant 30 : index
    %swap3A_496 = arith.constant 0 : index
    %swap3A_497 = vector.load %arg4[%swap3A_495, %swap3A_496] : memref<32x64xf32, #tpu.memory_space<vmem>>, vector<1x64xf32>
    tpu.vector_store %arg4[%swap3A_495, %swap3A_496], %max3A_494 {strides = array<i32>} : memref<32x64xf32, #tpu.memory_space<vmem>>, vector<1x64xf32>,
    %slice3A_498 = vector.extract_strided_slice %get3A_8 {offsets = [0, 31], sizes = [512, 1], strides = [1, 1]} : vector<512x32xf32> to vector<512x1xf32>
    %jit3A_499 = arith.constant 0xFF800000 : f32
    %broadcast_in_dim3A_500 = vector.shape_cast %slice3A_498 : vector<512x1xf32> to vector<512x1xf32>
    %broadcast_in_dim3A_501 = vector.broadcast %broadcast_in_dim3A_500 : vector<512x1xf32> to vector<512x64xf32>
    %broadcast_in_dim3A_502 = vector.broadcast %jit3A_499 : f32 to vector<512x64xf32>
    %select_n3A_503 = arith.select %eq3A_5, %broadcast_in_dim3A_501, %broadcast_in_dim3A_502 : vector<512x64xi1>, vector<512x64xf32>
    %get3A_504 = arith.constant 31 : index
    %get3A_505 = arith.constant 0 : index
    %get3A_506 = vector.load %arg4[%get3A_504, %get3A_505] : memref<32x64xf32, #tpu.memory_space<vmem>>, vector<1x64xf32>
    %reduce_max3A_507 = arith.constant dense<0xFF800000> : vector<64xf32>
    %reduce_max3A_508 = vector.multi_reduction <maximumf>, %select_n3A_503, %reduce_max3A_507 [0] : vector<512x64xf32> to vector<64xf32>
    %broadcast_in_dim3A_509 = vector.shape_cast %reduce_max3A_508 : vector<64xf32> to vector<1x64xf32>
    %max3A_510 = arith.maximumf %get3A_506, %broadcast_in_dim3A_509 : vector<1x64xf32>
    %swap3A_511 = arith.constant 31 : index
    %swap3A_512 = arith.constant 0 : index
    %swap3A_513 = vector.load %arg4[%swap3A_511, %swap3A_512] : memref<32x64xf32, #tpu.memory_space<vmem>>, vector<1x64xf32>
    tpu.vector_store %arg4[%swap3A_511, %swap3A_512], %max3A_510 {strides = array<i32>} : memref<32x64xf32, #tpu.memory_space<vmem>>, vector<1x64xf32>,
    %eq3A_514 = arith.constant 19 : i32
    %eq3A_515 = arith.cmpi eq, %arg0, %eq3A_514 : i32
    %convert_element_type3A_516 = arith.extui %eq3A_515 : i1 to i32
    %cond3A_517 = arith.constant 0 : i32
    %cond3A_518 = arith.cmpi ne, %convert_element_type3A_516, %cond3A_517 : i32
    scf.if %cond3A_518 {
      %get3A_519 = arith.constant 0 : index
      %get3A_520 = arith.constant 0 : index
      %get3A_521 = vector.load %arg4[%get3A_519, %get3A_520] : memref<32x64xf32, #tpu.memory_space<vmem>>, vector<32x64xf32>
      %swap3A_522 = arith.constant 0 : index
      %swap3A_523 = arith.constant 0 : index
      %swap3A_524 = vector.load %arg3[%swap3A_522, %swap3A_523] : memref<32x64xf32, #tpu.memory_space<vmem>>, vector<32x64xf32>
      tpu.vector_store %arg3[%swap3A_522, %swap3A_523], %get3A_521 {strides = array<i32>} : memref<32x64xf32, #tpu.memory_space<vmem>>, vector<32x64xf32>,
    } else {
    }
    return
  }
  func.func @transform_0(%arg0: i32) -> (i32, i32) {
    %c0_i32 = arith.constant 0 : i32
    %c0_i32_0 = arith.constant 0 : i32
    return %arg0, %c0_i32 : i32, i32
  }
  func.func @transform_1(%arg0: i32) -> (i32, i32) {
    %c0_i32 = arith.constant 0 : i32
    %c0_i32_0 = arith.constant 0 : i32
    return %arg0, %c0_i32 : i32, i32
  }
  func.func @transform_2(%arg0: i32) -> (i32, i32) {
    %c0_i32 = arith.constant 0 : i32
    %c0_i32_0 = arith.constant 0 : i32
    %c0_i32_1 = arith.constant 0 : i32
    return %c0_i32, %c0_i32_0 : i32, i32
  }
}

module attributes {stable_mosaic.version = 14 : i64} {
  func.func @body(%arg0: memref<64x32xf32, #tpu.memory_space<vmem>>, %arg1: memref<32x18xf32, #tpu.memory_space<vmem>>, %arg2: memref<18x38xf32, #tpu.memory_space<vmem>>, %arg3: memref<38x121xf32, #tpu.memory_space<vmem>>, %arg4: memref<121x18xf32, #tpu.memory_space<vmem>>, %arg5: memref<18x75xf32, #tpu.memory_space<vmem>>, %arg6: memref<75x32xf32, #tpu.memory_space<vmem>>, %arg7: memref<32x56xf32, #tpu.memory_space<vmem>>, %arg8: memref<56x64xf32, #tpu.memory_space<vmem>>, %arg9: memref<1x18xf32, #tpu.memory_space<vmem>>, %arg10: memref<1x38xf32, #tpu.memory_space<vmem>>, %arg11: memref<1x121xf32, #tpu.memory_space<vmem>>, %arg12: memref<1x18xf32, #tpu.memory_space<vmem>>, %arg13: memref<1x75xf32, #tpu.memory_space<vmem>>, %arg14: memref<1x32xf32, #tpu.memory_space<vmem>>, %arg15: memref<1x56xf32, #tpu.memory_space<vmem>>, %arg16: memref<1x64xf32, #tpu.memory_space<vmem>>, %arg17: memref<1x18xf32, #tpu.memory_space<vmem>>, %arg18: memref<1x38xf32, #tpu.memory_space<vmem>>, %arg19: memref<1x121xf32, #tpu.memory_space<vmem>>, %arg20: memref<1x18xf32, #tpu.memory_space<vmem>>, %arg21: memref<1x75xf32, #tpu.memory_space<vmem>>, %arg22: memref<1x32xf32, #tpu.memory_space<vmem>>, %arg23: memref<1x56xf32, #tpu.memory_space<vmem>>, %arg24: memref<1x18xf32, #tpu.memory_space<vmem>>, %arg25: memref<1x38xf32, #tpu.memory_space<vmem>>, %arg26: memref<1x121xf32, #tpu.memory_space<vmem>>, %arg27: memref<1x18xf32, #tpu.memory_space<vmem>>, %arg28: memref<1x75xf32, #tpu.memory_space<vmem>>, %arg29: memref<1x32xf32, #tpu.memory_space<vmem>>, %arg30: memref<1x56xf32, #tpu.memory_space<vmem>>, %arg31: memref<32x18xf32, #tpu.memory_space<vmem>>, %arg32: memref<18x38xf32, #tpu.memory_space<vmem>>, %arg33: memref<38x121xf32, #tpu.memory_space<vmem>>, %arg34: memref<121x18xf32, #tpu.memory_space<vmem>>, %arg35: memref<18x75xf32, #tpu.memory_space<vmem>>, %arg36: memref<75x32xf32, #tpu.memory_space<vmem>>, %arg37: memref<32x56xf32, #tpu.memory_space<vmem>>, %arg38: memref<56x64xf32, #tpu.memory_space<vmem>>, %arg39: memref<1x18xf32, #tpu.memory_space<vmem>>, %arg40: memref<1x38xf32, #tpu.memory_space<vmem>>, %arg41: memref<1x121xf32, #tpu.memory_space<vmem>>, %arg42: memref<1x18xf32, #tpu.memory_space<vmem>>, %arg43: memref<1x75xf32, #tpu.memory_space<vmem>>, %arg44: memref<1x32xf32, #tpu.memory_space<vmem>>, %arg45: memref<1x56xf32, #tpu.memory_space<vmem>>, %arg46: memref<1x64xf32, #tpu.memory_space<vmem>>, %arg47: memref<1x18xf32, #tpu.memory_space<vmem>>, %arg48: memref<1x38xf32, #tpu.memory_space<vmem>>, %arg49: memref<1x121xf32, #tpu.memory_space<vmem>>, %arg50: memref<1x18xf32, #tpu.memory_space<vmem>>, %arg51: memref<1x75xf32, #tpu.memory_space<vmem>>, %arg52: memref<1x32xf32, #tpu.memory_space<vmem>>, %arg53: memref<1x56xf32, #tpu.memory_space<vmem>>, %arg54: memref<1x18xf32, #tpu.memory_space<vmem>>, %arg55: memref<1x38xf32, #tpu.memory_space<vmem>>, %arg56: memref<1x121xf32, #tpu.memory_space<vmem>>, %arg57: memref<1x18xf32, #tpu.memory_space<vmem>>, %arg58: memref<1x75xf32, #tpu.memory_space<vmem>>, %arg59: memref<1x32xf32, #tpu.memory_space<vmem>>, %arg60: memref<1x56xf32, #tpu.memory_space<vmem>>, %arg61: memref<64x64xf32, #tpu.memory_space<vmem>>, %arg62: memref<64x64xf32, #tpu.memory_space<vmem>>) attributes {dimension_semantics = [], scalar_prefetch = 0 : i64, scratch_operands = 0 : i64, tpu.core_type = #tpu.core_type<tc>} {
    %get3A = arith.constant 0 : index
    %get3A_0 = arith.constant 0 : index
    %get3A_1 = vector.load %arg0[%get3A, %get3A_0] : memref<64x32xf32, #tpu.memory_space<vmem>>, vector<64x32xf32>
    %get3A_2 = arith.constant 0 : index
    %get3A_3 = arith.constant 0 : index
    %get3A_4 = vector.load %arg1[%get3A_2, %get3A_3] : memref<32x18xf32, #tpu.memory_space<vmem>>, vector<32x18xf32>
    %get3A_5 = arith.constant 0 : index
    %get3A_6 = arith.constant 0 : index
    %get3A_7 = vector.load %arg2[%get3A_5, %get3A_6] : memref<18x38xf32, #tpu.memory_space<vmem>>, vector<18x38xf32>
    %get3A_8 = arith.constant 0 : index
    %get3A_9 = arith.constant 0 : index
    %get3A_10 = vector.load %arg3[%get3A_8, %get3A_9] : memref<38x121xf32, #tpu.memory_space<vmem>>, vector<38x121xf32>
    %get3A_11 = arith.constant 0 : index
    %get3A_12 = arith.constant 0 : index
    %get3A_13 = vector.load %arg4[%get3A_11, %get3A_12] : memref<121x18xf32, #tpu.memory_space<vmem>>, vector<121x18xf32>
    %get3A_14 = arith.constant 0 : index
    %get3A_15 = arith.constant 0 : index
    %get3A_16 = vector.load %arg5[%get3A_14, %get3A_15] : memref<18x75xf32, #tpu.memory_space<vmem>>, vector<18x75xf32>
    %get3A_17 = arith.constant 0 : index
    %get3A_18 = arith.constant 0 : index
    %get3A_19 = vector.load %arg6[%get3A_17, %get3A_18] : memref<75x32xf32, #tpu.memory_space<vmem>>, vector<75x32xf32>
    %get3A_20 = arith.constant 0 : index
    %get3A_21 = arith.constant 0 : index
    %get3A_22 = vector.load %arg7[%get3A_20, %get3A_21] : memref<32x56xf32, #tpu.memory_space<vmem>>, vector<32x56xf32>
    %get3A_23 = arith.constant 0 : index
    %get3A_24 = arith.constant 0 : index
    %get3A_25 = vector.load %arg8[%get3A_23, %get3A_24] : memref<56x64xf32, #tpu.memory_space<vmem>>, vector<56x64xf32>
    %get3A_26 = arith.constant 0 : index
    %get3A_27 = arith.constant 0 : index
    %get3A_28 = vector.load %arg9[%get3A_26, %get3A_27] : memref<1x18xf32, #tpu.memory_space<vmem>>, vector<1x18xf32>
    %get3A_29 = arith.constant 0 : index
    %get3A_30 = arith.constant 0 : index
    %get3A_31 = vector.load %arg10[%get3A_29, %get3A_30] : memref<1x38xf32, #tpu.memory_space<vmem>>, vector<1x38xf32>
    %get3A_32 = arith.constant 0 : index
    %get3A_33 = arith.constant 0 : index
    %get3A_34 = vector.load %arg11[%get3A_32, %get3A_33] : memref<1x121xf32, #tpu.memory_space<vmem>>, vector<1x121xf32>
    %get3A_35 = arith.constant 0 : index
    %get3A_36 = arith.constant 0 : index
    %get3A_37 = vector.load %arg12[%get3A_35, %get3A_36] : memref<1x18xf32, #tpu.memory_space<vmem>>, vector<1x18xf32>
    %get3A_38 = arith.constant 0 : index
    %get3A_39 = arith.constant 0 : index
    %get3A_40 = vector.load %arg13[%get3A_38, %get3A_39] : memref<1x75xf32, #tpu.memory_space<vmem>>, vector<1x75xf32>
    %get3A_41 = arith.constant 0 : index
    %get3A_42 = arith.constant 0 : index
    %get3A_43 = vector.load %arg14[%get3A_41, %get3A_42] : memref<1x32xf32, #tpu.memory_space<vmem>>, vector<1x32xf32>
    %get3A_44 = arith.constant 0 : index
    %get3A_45 = arith.constant 0 : index
    %get3A_46 = vector.load %arg15[%get3A_44, %get3A_45] : memref<1x56xf32, #tpu.memory_space<vmem>>, vector<1x56xf32>
    %get3A_47 = arith.constant 0 : index
    %get3A_48 = arith.constant 0 : index
    %get3A_49 = vector.load %arg16[%get3A_47, %get3A_48] : memref<1x64xf32, #tpu.memory_space<vmem>>, vector<1x64xf32>
    %get3A_50 = arith.constant 0 : index
    %get3A_51 = arith.constant 0 : index
    %get3A_52 = vector.load %arg17[%get3A_50, %get3A_51] : memref<1x18xf32, #tpu.memory_space<vmem>>, vector<1x18xf32>
    %get3A_53 = arith.constant 0 : index
    %get3A_54 = arith.constant 0 : index
    %get3A_55 = vector.load %arg18[%get3A_53, %get3A_54] : memref<1x38xf32, #tpu.memory_space<vmem>>, vector<1x38xf32>
    %get3A_56 = arith.constant 0 : index
    %get3A_57 = arith.constant 0 : index
    %get3A_58 = vector.load %arg19[%get3A_56, %get3A_57] : memref<1x121xf32, #tpu.memory_space<vmem>>, vector<1x121xf32>
    %get3A_59 = arith.constant 0 : index
    %get3A_60 = arith.constant 0 : index
    %get3A_61 = vector.load %arg20[%get3A_59, %get3A_60] : memref<1x18xf32, #tpu.memory_space<vmem>>, vector<1x18xf32>
    %get3A_62 = arith.constant 0 : index
    %get3A_63 = arith.constant 0 : index
    %get3A_64 = vector.load %arg21[%get3A_62, %get3A_63] : memref<1x75xf32, #tpu.memory_space<vmem>>, vector<1x75xf32>
    %get3A_65 = arith.constant 0 : index
    %get3A_66 = arith.constant 0 : index
    %get3A_67 = vector.load %arg22[%get3A_65, %get3A_66] : memref<1x32xf32, #tpu.memory_space<vmem>>, vector<1x32xf32>
    %get3A_68 = arith.constant 0 : index
    %get3A_69 = arith.constant 0 : index
    %get3A_70 = vector.load %arg23[%get3A_68, %get3A_69] : memref<1x56xf32, #tpu.memory_space<vmem>>, vector<1x56xf32>
    %get3A_71 = arith.constant 0 : index
    %get3A_72 = arith.constant 0 : index
    %get3A_73 = vector.load %arg24[%get3A_71, %get3A_72] : memref<1x18xf32, #tpu.memory_space<vmem>>, vector<1x18xf32>
    %get3A_74 = arith.constant 0 : index
    %get3A_75 = arith.constant 0 : index
    %get3A_76 = vector.load %arg25[%get3A_74, %get3A_75] : memref<1x38xf32, #tpu.memory_space<vmem>>, vector<1x38xf32>
    %get3A_77 = arith.constant 0 : index
    %get3A_78 = arith.constant 0 : index
    %get3A_79 = vector.load %arg26[%get3A_77, %get3A_78] : memref<1x121xf32, #tpu.memory_space<vmem>>, vector<1x121xf32>
    %get3A_80 = arith.constant 0 : index
    %get3A_81 = arith.constant 0 : index
    %get3A_82 = vector.load %arg27[%get3A_80, %get3A_81] : memref<1x18xf32, #tpu.memory_space<vmem>>, vector<1x18xf32>
    %get3A_83 = arith.constant 0 : index
    %get3A_84 = arith.constant 0 : index
    %get3A_85 = vector.load %arg28[%get3A_83, %get3A_84] : memref<1x75xf32, #tpu.memory_space<vmem>>, vector<1x75xf32>
    %get3A_86 = arith.constant 0 : index
    %get3A_87 = arith.constant 0 : index
    %get3A_88 = vector.load %arg29[%get3A_86, %get3A_87] : memref<1x32xf32, #tpu.memory_space<vmem>>, vector<1x32xf32>
    %get3A_89 = arith.constant 0 : index
    %get3A_90 = arith.constant 0 : index
    %get3A_91 = vector.load %arg30[%get3A_89, %get3A_90] : memref<1x56xf32, #tpu.memory_space<vmem>>, vector<1x56xf32>
    %get3A_92 = arith.constant 0 : index
    %get3A_93 = arith.constant 0 : index
    %get3A_94 = vector.load %arg31[%get3A_92, %get3A_93] : memref<32x18xf32, #tpu.memory_space<vmem>>, vector<32x18xf32>
    %get3A_95 = arith.constant 0 : index
    %get3A_96 = arith.constant 0 : index
    %get3A_97 = vector.load %arg32[%get3A_95, %get3A_96] : memref<18x38xf32, #tpu.memory_space<vmem>>, vector<18x38xf32>
    %get3A_98 = arith.constant 0 : index
    %get3A_99 = arith.constant 0 : index
    %get3A_100 = vector.load %arg33[%get3A_98, %get3A_99] : memref<38x121xf32, #tpu.memory_space<vmem>>, vector<38x121xf32>
    %get3A_101 = arith.constant 0 : index
    %get3A_102 = arith.constant 0 : index
    %get3A_103 = vector.load %arg34[%get3A_101, %get3A_102] : memref<121x18xf32, #tpu.memory_space<vmem>>, vector<121x18xf32>
    %get3A_104 = arith.constant 0 : index
    %get3A_105 = arith.constant 0 : index
    %get3A_106 = vector.load %arg35[%get3A_104, %get3A_105] : memref<18x75xf32, #tpu.memory_space<vmem>>, vector<18x75xf32>
    %get3A_107 = arith.constant 0 : index
    %get3A_108 = arith.constant 0 : index
    %get3A_109 = vector.load %arg36[%get3A_107, %get3A_108] : memref<75x32xf32, #tpu.memory_space<vmem>>, vector<75x32xf32>
    %get3A_110 = arith.constant 0 : index
    %get3A_111 = arith.constant 0 : index
    %get3A_112 = vector.load %arg37[%get3A_110, %get3A_111] : memref<32x56xf32, #tpu.memory_space<vmem>>, vector<32x56xf32>
    %get3A_113 = arith.constant 0 : index
    %get3A_114 = arith.constant 0 : index
    %get3A_115 = vector.load %arg38[%get3A_113, %get3A_114] : memref<56x64xf32, #tpu.memory_space<vmem>>, vector<56x64xf32>
    %get3A_116 = arith.constant 0 : index
    %get3A_117 = arith.constant 0 : index
    %get3A_118 = vector.load %arg39[%get3A_116, %get3A_117] : memref<1x18xf32, #tpu.memory_space<vmem>>, vector<1x18xf32>
    %get3A_119 = arith.constant 0 : index
    %get3A_120 = arith.constant 0 : index
    %get3A_121 = vector.load %arg40[%get3A_119, %get3A_120] : memref<1x38xf32, #tpu.memory_space<vmem>>, vector<1x38xf32>
    %get3A_122 = arith.constant 0 : index
    %get3A_123 = arith.constant 0 : index
    %get3A_124 = vector.load %arg41[%get3A_122, %get3A_123] : memref<1x121xf32, #tpu.memory_space<vmem>>, vector<1x121xf32>
    %get3A_125 = arith.constant 0 : index
    %get3A_126 = arith.constant 0 : index
    %get3A_127 = vector.load %arg42[%get3A_125, %get3A_126] : memref<1x18xf32, #tpu.memory_space<vmem>>, vector<1x18xf32>
    %get3A_128 = arith.constant 0 : index
    %get3A_129 = arith.constant 0 : index
    %get3A_130 = vector.load %arg43[%get3A_128, %get3A_129] : memref<1x75xf32, #tpu.memory_space<vmem>>, vector<1x75xf32>
    %get3A_131 = arith.constant 0 : index
    %get3A_132 = arith.constant 0 : index
    %get3A_133 = vector.load %arg44[%get3A_131, %get3A_132] : memref<1x32xf32, #tpu.memory_space<vmem>>, vector<1x32xf32>
    %get3A_134 = arith.constant 0 : index
    %get3A_135 = arith.constant 0 : index
    %get3A_136 = vector.load %arg45[%get3A_134, %get3A_135] : memref<1x56xf32, #tpu.memory_space<vmem>>, vector<1x56xf32>
    %get3A_137 = arith.constant 0 : index
    %get3A_138 = arith.constant 0 : index
    %get3A_139 = vector.load %arg46[%get3A_137, %get3A_138] : memref<1x64xf32, #tpu.memory_space<vmem>>, vector<1x64xf32>
    %get3A_140 = arith.constant 0 : index
    %get3A_141 = arith.constant 0 : index
    %get3A_142 = vector.load %arg47[%get3A_140, %get3A_141] : memref<1x18xf32, #tpu.memory_space<vmem>>, vector<1x18xf32>
    %get3A_143 = arith.constant 0 : index
    %get3A_144 = arith.constant 0 : index
    %get3A_145 = vector.load %arg48[%get3A_143, %get3A_144] : memref<1x38xf32, #tpu.memory_space<vmem>>, vector<1x38xf32>
    %get3A_146 = arith.constant 0 : index
    %get3A_147 = arith.constant 0 : index
    %get3A_148 = vector.load %arg49[%get3A_146, %get3A_147] : memref<1x121xf32, #tpu.memory_space<vmem>>, vector<1x121xf32>
    %get3A_149 = arith.constant 0 : index
    %get3A_150 = arith.constant 0 : index
    %get3A_151 = vector.load %arg50[%get3A_149, %get3A_150] : memref<1x18xf32, #tpu.memory_space<vmem>>, vector<1x18xf32>
    %get3A_152 = arith.constant 0 : index
    %get3A_153 = arith.constant 0 : index
    %get3A_154 = vector.load %arg51[%get3A_152, %get3A_153] : memref<1x75xf32, #tpu.memory_space<vmem>>, vector<1x75xf32>
    %get3A_155 = arith.constant 0 : index
    %get3A_156 = arith.constant 0 : index
    %get3A_157 = vector.load %arg52[%get3A_155, %get3A_156] : memref<1x32xf32, #tpu.memory_space<vmem>>, vector<1x32xf32>
    %get3A_158 = arith.constant 0 : index
    %get3A_159 = arith.constant 0 : index
    %get3A_160 = vector.load %arg53[%get3A_158, %get3A_159] : memref<1x56xf32, #tpu.memory_space<vmem>>, vector<1x56xf32>
    %get3A_161 = arith.constant 0 : index
    %get3A_162 = arith.constant 0 : index
    %get3A_163 = vector.load %arg54[%get3A_161, %get3A_162] : memref<1x18xf32, #tpu.memory_space<vmem>>, vector<1x18xf32>
    %get3A_164 = arith.constant 0 : index
    %get3A_165 = arith.constant 0 : index
    %get3A_166 = vector.load %arg55[%get3A_164, %get3A_165] : memref<1x38xf32, #tpu.memory_space<vmem>>, vector<1x38xf32>
    %get3A_167 = arith.constant 0 : index
    %get3A_168 = arith.constant 0 : index
    %get3A_169 = vector.load %arg56[%get3A_167, %get3A_168] : memref<1x121xf32, #tpu.memory_space<vmem>>, vector<1x121xf32>
    %get3A_170 = arith.constant 0 : index
    %get3A_171 = arith.constant 0 : index
    %get3A_172 = vector.load %arg57[%get3A_170, %get3A_171] : memref<1x18xf32, #tpu.memory_space<vmem>>, vector<1x18xf32>
    %get3A_173 = arith.constant 0 : index
    %get3A_174 = arith.constant 0 : index
    %get3A_175 = vector.load %arg58[%get3A_173, %get3A_174] : memref<1x75xf32, #tpu.memory_space<vmem>>, vector<1x75xf32>
    %get3A_176 = arith.constant 0 : index
    %get3A_177 = arith.constant 0 : index
    %get3A_178 = vector.load %arg59[%get3A_176, %get3A_177] : memref<1x32xf32, #tpu.memory_space<vmem>>, vector<1x32xf32>
    %get3A_179 = arith.constant 0 : index
    %get3A_180 = arith.constant 0 : index
    %get3A_181 = vector.load %arg60[%get3A_179, %get3A_180] : memref<1x56xf32, #tpu.memory_space<vmem>>, vector<1x56xf32>
    %get3A_182 = arith.constant 0 : index
    %get3A_183 = arith.constant 0 : index
    %get3A_184 = vector.load %arg61[%get3A_182, %get3A_183] : memref<64x64xf32, #tpu.memory_space<vmem>>, vector<64x64xf32>
    %dot_general3A = arith.constant dense<0.000000e+00> : vector<64x18xf32>
    %dot_general3A_185 = tpu.matmul %get3A_1, %get3A_4, %dot_general3A {dimension_numbers = #tpu.dot_dimension_numbers<[1], [0], [0], [1], [0, 0, 1, 1], [], []>, transpose_lhs_hint = false} : vector<64x32xf32>, vector<32x18xf32>, vector<64x18xf32> -> vector<64x18xf32>
    %add3A = vector.broadcast %get3A_28 : vector<1x18xf32> to vector<64x18xf32>
    %add3A_186 = arith.addf %dot_general3A_185, %add3A : vector<64x18xf32>
    %reduce_sum3A = arith.constant dense<0.000000e+00> : vector<18xf32>
    %reduce_sum3A_187 = vector.multi_reduction <add>, %add3A_186, %reduce_sum3A [0] : vector<64x18xf32> to vector<18xf32>
    %broadcast_in_dim3A = vector.shape_cast %reduce_sum3A_187 : vector<18xf32> to vector<1x18xf32>
    %div3A = arith.constant 6.400000e+01 : f32
    %div3A_188 = vector.broadcast %div3A : f32 to vector<1x18xf32>
    %div3A_189 = arith.divf %broadcast_in_dim3A, %div3A_188 : vector<1x18xf32>
    %sub3A = vector.broadcast %div3A_189 : vector<1x18xf32> to vector<64x18xf32>
    %sub3A_190 = arith.subf %add3A_186, %sub3A : vector<64x18xf32>
    %integer_pow3A = arith.mulf %sub3A_190, %sub3A_190 : vector<64x18xf32>
    %reduce_sum3A_191 = arith.constant dense<0.000000e+00> : vector<18xf32>
    %reduce_sum3A_192 = vector.multi_reduction <add>, %integer_pow3A, %reduce_sum3A_191 [0] : vector<64x18xf32> to vector<18xf32>
    %broadcast_in_dim3A_193 = vector.shape_cast %reduce_sum3A_192 : vector<18xf32> to vector<1x18xf32>
    %div3A_194 = arith.constant 6.400000e+01 : f32
    %div3A_195 = vector.broadcast %div3A_194 : f32 to vector<1x18xf32>
    %div3A_196 = arith.divf %broadcast_in_dim3A_193, %div3A_195 : vector<1x18xf32>
    %sub3A_197 = vector.broadcast %div3A_189 : vector<1x18xf32> to vector<64x18xf32>
    %sub3A_198 = arith.subf %add3A_186, %sub3A_197 : vector<64x18xf32>
    %add3A_199 = arith.constant 9.99999974E-6 : f32
    %add3A_200 = vector.broadcast %add3A_199 : f32 to vector<1x18xf32>
    %add3A_201 = arith.addf %div3A_196, %add3A_200 : vector<1x18xf32>
    %rsqrt3A = math.rsqrt %add3A_201 : vector<1x18xf32>
    %mul3A = vector.broadcast %rsqrt3A : vector<1x18xf32> to vector<64x18xf32>
    %mul3A_202 = arith.mulf %sub3A_198, %mul3A : vector<64x18xf32>
    %mul3A_203 = vector.broadcast %get3A_52 : vector<1x18xf32> to vector<64x18xf32>
    %mul3A_204 = arith.mulf %mul3A_202, %mul3A_203 : vector<64x18xf32>
    %add3A_205 = vector.broadcast %get3A_73 : vector<1x18xf32> to vector<64x18xf32>
    %add3A_206 = arith.addf %mul3A_204, %add3A_205 : vector<64x18xf32>
    %max3A = arith.constant 0.000000e+00 : f32
    %max3A_207 = vector.broadcast %max3A : f32 to vector<64x18xf32>
    %max3A_208 = arith.maximumf %add3A_206, %max3A_207 : vector<64x18xf32>
    %dot_general3A_209 = arith.constant dense<0.000000e+00> : vector<64x38xf32>
    %dot_general3A_210 = tpu.matmul %max3A_208, %get3A_7, %dot_general3A_209 {dimension_numbers = #tpu.dot_dimension_numbers<[1], [0], [0], [1], [0, 0, 1, 1], [], []>, transpose_lhs_hint = false} : vector<64x18xf32>, vector<18x38xf32>, vector<64x38xf32> -> vector<64x38xf32>
    %add3A_211 = vector.broadcast %get3A_31 : vector<1x38xf32> to vector<64x38xf32>
    %add3A_212 = arith.addf %dot_general3A_210, %add3A_211 : vector<64x38xf32>
    %reduce_sum3A_213 = arith.constant dense<0.000000e+00> : vector<38xf32>
    %reduce_sum3A_214 = vector.multi_reduction <add>, %add3A_212, %reduce_sum3A_213 [0] : vector<64x38xf32> to vector<38xf32>
    %broadcast_in_dim3A_215 = vector.shape_cast %reduce_sum3A_214 : vector<38xf32> to vector<1x38xf32>
    %div3A_216 = arith.constant 6.400000e+01 : f32
    %div3A_217 = vector.broadcast %div3A_216 : f32 to vector<1x38xf32>
    %div3A_218 = arith.divf %broadcast_in_dim3A_215, %div3A_217 : vector<1x38xf32>
    %sub3A_219 = vector.broadcast %div3A_218 : vector<1x38xf32> to vector<64x38xf32>
    %sub3A_220 = arith.subf %add3A_212, %sub3A_219 : vector<64x38xf32>
    %integer_pow3A_221 = arith.mulf %sub3A_220, %sub3A_220 : vector<64x38xf32>
    %reduce_sum3A_222 = arith.constant dense<0.000000e+00> : vector<38xf32>
    %reduce_sum3A_223 = vector.multi_reduction <add>, %integer_pow3A_221, %reduce_sum3A_222 [0] : vector<64x38xf32> to vector<38xf32>
    %broadcast_in_dim3A_224 = vector.shape_cast %reduce_sum3A_223 : vector<38xf32> to vector<1x38xf32>
    %div3A_225 = arith.constant 6.400000e+01 : f32
    %div3A_226 = vector.broadcast %div3A_225 : f32 to vector<1x38xf32>
    %div3A_227 = arith.divf %broadcast_in_dim3A_224, %div3A_226 : vector<1x38xf32>
    %sub3A_228 = vector.broadcast %div3A_218 : vector<1x38xf32> to vector<64x38xf32>
    %sub3A_229 = arith.subf %add3A_212, %sub3A_228 : vector<64x38xf32>
    %add3A_230 = arith.constant 9.99999974E-6 : f32
    %add3A_231 = vector.broadcast %add3A_230 : f32 to vector<1x38xf32>
    %add3A_232 = arith.addf %div3A_227, %add3A_231 : vector<1x38xf32>
    %rsqrt3A_233 = math.rsqrt %add3A_232 : vector<1x38xf32>
    %mul3A_234 = vector.broadcast %rsqrt3A_233 : vector<1x38xf32> to vector<64x38xf32>
    %mul3A_235 = arith.mulf %sub3A_229, %mul3A_234 : vector<64x38xf32>
    %mul3A_236 = vector.broadcast %get3A_55 : vector<1x38xf32> to vector<64x38xf32>
    %mul3A_237 = arith.mulf %mul3A_235, %mul3A_236 : vector<64x38xf32>
    %add3A_238 = vector.broadcast %get3A_76 : vector<1x38xf32> to vector<64x38xf32>
    %add3A_239 = arith.addf %mul3A_237, %add3A_238 : vector<64x38xf32>
    %max3A_240 = arith.constant 0.000000e+00 : f32
    %max3A_241 = vector.broadcast %max3A_240 : f32 to vector<64x38xf32>
    %max3A_242 = arith.maximumf %add3A_239, %max3A_241 : vector<64x38xf32>
    %dot_general3A_243 = arith.constant dense<0.000000e+00> : vector<64x121xf32>
    %dot_general3A_244 = tpu.matmul %max3A_242, %get3A_10, %dot_general3A_243 {dimension_numbers = #tpu.dot_dimension_numbers<[1], [0], [0], [1], [0, 0, 1, 1], [], []>, transpose_lhs_hint = false} : vector<64x38xf32>, vector<38x121xf32>, vector<64x121xf32> -> vector<64x121xf32>
    %add3A_245 = vector.broadcast %get3A_34 : vector<1x121xf32> to vector<64x121xf32>
    %add3A_246 = arith.addf %dot_general3A_244, %add3A_245 : vector<64x121xf32>
    %reduce_sum3A_247 = arith.constant dense<0.000000e+00> : vector<121xf32>
    %reduce_sum3A_248 = vector.multi_reduction <add>, %add3A_246, %reduce_sum3A_247 [0] : vector<64x121xf32> to vector<121xf32>
    %broadcast_in_dim3A_249 = vector.shape_cast %reduce_sum3A_248 : vector<121xf32> to vector<1x121xf32>
    %div3A_250 = arith.constant 6.400000e+01 : f32
    %div3A_251 = vector.broadcast %div3A_250 : f32 to vector<1x121xf32>
    %div3A_252 = arith.divf %broadcast_in_dim3A_249, %div3A_251 : vector<1x121xf32>
    %sub3A_253 = vector.broadcast %div3A_252 : vector<1x121xf32> to vector<64x121xf32>
    %sub3A_254 = arith.subf %add3A_246, %sub3A_253 : vector<64x121xf32>
    %integer_pow3A_255 = arith.mulf %sub3A_254, %sub3A_254 : vector<64x121xf32>
    %reduce_sum3A_256 = arith.constant dense<0.000000e+00> : vector<121xf32>
    %reduce_sum3A_257 = vector.multi_reduction <add>, %integer_pow3A_255, %reduce_sum3A_256 [0] : vector<64x121xf32> to vector<121xf32>
    %broadcast_in_dim3A_258 = vector.shape_cast %reduce_sum3A_257 : vector<121xf32> to vector<1x121xf32>
    %div3A_259 = arith.constant 6.400000e+01 : f32
    %div3A_260 = vector.broadcast %div3A_259 : f32 to vector<1x121xf32>
    %div3A_261 = arith.divf %broadcast_in_dim3A_258, %div3A_260 : vector<1x121xf32>
    %sub3A_262 = vector.broadcast %div3A_252 : vector<1x121xf32> to vector<64x121xf32>
    %sub3A_263 = arith.subf %add3A_246, %sub3A_262 : vector<64x121xf32>
    %add3A_264 = arith.constant 9.99999974E-6 : f32
    %add3A_265 = vector.broadcast %add3A_264 : f32 to vector<1x121xf32>
    %add3A_266 = arith.addf %div3A_261, %add3A_265 : vector<1x121xf32>
    %rsqrt3A_267 = math.rsqrt %add3A_266 : vector<1x121xf32>
    %mul3A_268 = vector.broadcast %rsqrt3A_267 : vector<1x121xf32> to vector<64x121xf32>
    %mul3A_269 = arith.mulf %sub3A_263, %mul3A_268 : vector<64x121xf32>
    %mul3A_270 = vector.broadcast %get3A_58 : vector<1x121xf32> to vector<64x121xf32>
    %mul3A_271 = arith.mulf %mul3A_269, %mul3A_270 : vector<64x121xf32>
    %add3A_272 = vector.broadcast %get3A_79 : vector<1x121xf32> to vector<64x121xf32>
    %add3A_273 = arith.addf %mul3A_271, %add3A_272 : vector<64x121xf32>
    %max3A_274 = arith.constant 0.000000e+00 : f32
    %max3A_275 = vector.broadcast %max3A_274 : f32 to vector<64x121xf32>
    %max3A_276 = arith.maximumf %add3A_273, %max3A_275 : vector<64x121xf32>
    %dot_general3A_277 = arith.constant dense<0.000000e+00> : vector<64x18xf32>
    %dot_general3A_278 = tpu.matmul %max3A_276, %get3A_13, %dot_general3A_277 {dimension_numbers = #tpu.dot_dimension_numbers<[1], [0], [0], [1], [0, 0, 1, 1], [], []>, transpose_lhs_hint = false} : vector<64x121xf32>, vector<121x18xf32>, vector<64x18xf32> -> vector<64x18xf32>
    %add3A_279 = vector.broadcast %get3A_37 : vector<1x18xf32> to vector<64x18xf32>
    %add3A_280 = arith.addf %dot_general3A_278, %add3A_279 : vector<64x18xf32>
    %reduce_sum3A_281 = arith.constant dense<0.000000e+00> : vector<18xf32>
    %reduce_sum3A_282 = vector.multi_reduction <add>, %add3A_280, %reduce_sum3A_281 [0] : vector<64x18xf32> to vector<18xf32>
    %broadcast_in_dim3A_283 = vector.shape_cast %reduce_sum3A_282 : vector<18xf32> to vector<1x18xf32>
    %div3A_284 = arith.constant 6.400000e+01 : f32
    %div3A_285 = vector.broadcast %div3A_284 : f32 to vector<1x18xf32>
    %div3A_286 = arith.divf %broadcast_in_dim3A_283, %div3A_285 : vector<1x18xf32>
    %sub3A_287 = vector.broadcast %div3A_286 : vector<1x18xf32> to vector<64x18xf32>
    %sub3A_288 = arith.subf %add3A_280, %sub3A_287 : vector<64x18xf32>
    %integer_pow3A_289 = arith.mulf %sub3A_288, %sub3A_288 : vector<64x18xf32>
    %reduce_sum3A_290 = arith.constant dense<0.000000e+00> : vector<18xf32>
    %reduce_sum3A_291 = vector.multi_reduction <add>, %integer_pow3A_289, %reduce_sum3A_290 [0] : vector<64x18xf32> to vector<18xf32>
    %broadcast_in_dim3A_292 = vector.shape_cast %reduce_sum3A_291 : vector<18xf32> to vector<1x18xf32>
    %div3A_293 = arith.constant 6.400000e+01 : f32
    %div3A_294 = vector.broadcast %div3A_293 : f32 to vector<1x18xf32>
    %div3A_295 = arith.divf %broadcast_in_dim3A_292, %div3A_294 : vector<1x18xf32>
    %sub3A_296 = vector.broadcast %div3A_286 : vector<1x18xf32> to vector<64x18xf32>
    %sub3A_297 = arith.subf %add3A_280, %sub3A_296 : vector<64x18xf32>
    %add3A_298 = arith.constant 9.99999974E-6 : f32
    %add3A_299 = vector.broadcast %add3A_298 : f32 to vector<1x18xf32>
    %add3A_300 = arith.addf %div3A_295, %add3A_299 : vector<1x18xf32>
    %rsqrt3A_301 = math.rsqrt %add3A_300 : vector<1x18xf32>
    %mul3A_302 = vector.broadcast %rsqrt3A_301 : vector<1x18xf32> to vector<64x18xf32>
    %mul3A_303 = arith.mulf %sub3A_297, %mul3A_302 : vector<64x18xf32>
    %mul3A_304 = vector.broadcast %get3A_61 : vector<1x18xf32> to vector<64x18xf32>
    %mul3A_305 = arith.mulf %mul3A_303, %mul3A_304 : vector<64x18xf32>
    %add3A_306 = vector.broadcast %get3A_82 : vector<1x18xf32> to vector<64x18xf32>
    %add3A_307 = arith.addf %mul3A_305, %add3A_306 : vector<64x18xf32>
    %max3A_308 = arith.constant 0.000000e+00 : f32
    %max3A_309 = vector.broadcast %max3A_308 : f32 to vector<64x18xf32>
    %max3A_310 = arith.maximumf %add3A_307, %max3A_309 : vector<64x18xf32>
    %dot_general3A_311 = arith.constant dense<0.000000e+00> : vector<64x75xf32>
    %dot_general3A_312 = tpu.matmul %max3A_310, %get3A_16, %dot_general3A_311 {dimension_numbers = #tpu.dot_dimension_numbers<[1], [0], [0], [1], [0, 0, 1, 1], [], []>, transpose_lhs_hint = false} : vector<64x18xf32>, vector<18x75xf32>, vector<64x75xf32> -> vector<64x75xf32>
    %add3A_313 = vector.broadcast %get3A_40 : vector<1x75xf32> to vector<64x75xf32>
    %add3A_314 = arith.addf %dot_general3A_312, %add3A_313 : vector<64x75xf32>
    %reduce_sum3A_315 = arith.constant dense<0.000000e+00> : vector<75xf32>
    %reduce_sum3A_316 = vector.multi_reduction <add>, %add3A_314, %reduce_sum3A_315 [0] : vector<64x75xf32> to vector<75xf32>
    %broadcast_in_dim3A_317 = vector.shape_cast %reduce_sum3A_316 : vector<75xf32> to vector<1x75xf32>
    %div3A_318 = arith.constant 6.400000e+01 : f32
    %div3A_319 = vector.broadcast %div3A_318 : f32 to vector<1x75xf32>
    %div3A_320 = arith.divf %broadcast_in_dim3A_317, %div3A_319 : vector<1x75xf32>
    %sub3A_321 = vector.broadcast %div3A_320 : vector<1x75xf32> to vector<64x75xf32>
    %sub3A_322 = arith.subf %add3A_314, %sub3A_321 : vector<64x75xf32>
    %integer_pow3A_323 = arith.mulf %sub3A_322, %sub3A_322 : vector<64x75xf32>
    %reduce_sum3A_324 = arith.constant dense<0.000000e+00> : vector<75xf32>
    %reduce_sum3A_325 = vector.multi_reduction <add>, %integer_pow3A_323, %reduce_sum3A_324 [0] : vector<64x75xf32> to vector<75xf32>
    %broadcast_in_dim3A_326 = vector.shape_cast %reduce_sum3A_325 : vector<75xf32> to vector<1x75xf32>
    %div3A_327 = arith.constant 6.400000e+01 : f32
    %div3A_328 = vector.broadcast %div3A_327 : f32 to vector<1x75xf32>
    %div3A_329 = arith.divf %broadcast_in_dim3A_326, %div3A_328 : vector<1x75xf32>
    %sub3A_330 = vector.broadcast %div3A_320 : vector<1x75xf32> to vector<64x75xf32>
    %sub3A_331 = arith.subf %add3A_314, %sub3A_330 : vector<64x75xf32>
    %add3A_332 = arith.constant 9.99999974E-6 : f32
    %add3A_333 = vector.broadcast %add3A_332 : f32 to vector<1x75xf32>
    %add3A_334 = arith.addf %div3A_329, %add3A_333 : vector<1x75xf32>
    %rsqrt3A_335 = math.rsqrt %add3A_334 : vector<1x75xf32>
    %mul3A_336 = vector.broadcast %rsqrt3A_335 : vector<1x75xf32> to vector<64x75xf32>
    %mul3A_337 = arith.mulf %sub3A_331, %mul3A_336 : vector<64x75xf32>
    %mul3A_338 = vector.broadcast %get3A_64 : vector<1x75xf32> to vector<64x75xf32>
    %mul3A_339 = arith.mulf %mul3A_337, %mul3A_338 : vector<64x75xf32>
    %add3A_340 = vector.broadcast %get3A_85 : vector<1x75xf32> to vector<64x75xf32>
    %add3A_341 = arith.addf %mul3A_339, %add3A_340 : vector<64x75xf32>
    %max3A_342 = arith.constant 0.000000e+00 : f32
    %max3A_343 = vector.broadcast %max3A_342 : f32 to vector<64x75xf32>
    %max3A_344 = arith.maximumf %add3A_341, %max3A_343 : vector<64x75xf32>
    %dot_general3A_345 = arith.constant dense<0.000000e+00> : vector<64x32xf32>
    %dot_general3A_346 = tpu.matmul %max3A_344, %get3A_19, %dot_general3A_345 {dimension_numbers = #tpu.dot_dimension_numbers<[1], [0], [0], [1], [0, 0, 1, 1], [], []>, transpose_lhs_hint = false} : vector<64x75xf32>, vector<75x32xf32>, vector<64x32xf32> -> vector<64x32xf32>
    %add3A_347 = vector.broadcast %get3A_43 : vector<1x32xf32> to vector<64x32xf32>
    %add3A_348 = arith.addf %dot_general3A_346, %add3A_347 : vector<64x32xf32>
    %reduce_sum3A_349 = arith.constant dense<0.000000e+00> : vector<32xf32>
    %reduce_sum3A_350 = vector.multi_reduction <add>, %add3A_348, %reduce_sum3A_349 [0] : vector<64x32xf32> to vector<32xf32>
    %broadcast_in_dim3A_351 = vector.shape_cast %reduce_sum3A_350 : vector<32xf32> to vector<1x32xf32>
    %div3A_352 = arith.constant 6.400000e+01 : f32
    %div3A_353 = vector.broadcast %div3A_352 : f32 to vector<1x32xf32>
    %div3A_354 = arith.divf %broadcast_in_dim3A_351, %div3A_353 : vector<1x32xf32>
    %sub3A_355 = vector.broadcast %div3A_354 : vector<1x32xf32> to vector<64x32xf32>
    %sub3A_356 = arith.subf %add3A_348, %sub3A_355 : vector<64x32xf32>
    %integer_pow3A_357 = arith.mulf %sub3A_356, %sub3A_356 : vector<64x32xf32>
    %reduce_sum3A_358 = arith.constant dense<0.000000e+00> : vector<32xf32>
    %reduce_sum3A_359 = vector.multi_reduction <add>, %integer_pow3A_357, %reduce_sum3A_358 [0] : vector<64x32xf32> to vector<32xf32>
    %broadcast_in_dim3A_360 = vector.shape_cast %reduce_sum3A_359 : vector<32xf32> to vector<1x32xf32>
    %div3A_361 = arith.constant 6.400000e+01 : f32
    %div3A_362 = vector.broadcast %div3A_361 : f32 to vector<1x32xf32>
    %div3A_363 = arith.divf %broadcast_in_dim3A_360, %div3A_362 : vector<1x32xf32>
    %sub3A_364 = vector.broadcast %div3A_354 : vector<1x32xf32> to vector<64x32xf32>
    %sub3A_365 = arith.subf %add3A_348, %sub3A_364 : vector<64x32xf32>
    %add3A_366 = arith.constant 9.99999974E-6 : f32
    %add3A_367 = vector.broadcast %add3A_366 : f32 to vector<1x32xf32>
    %add3A_368 = arith.addf %div3A_363, %add3A_367 : vector<1x32xf32>
    %rsqrt3A_369 = math.rsqrt %add3A_368 : vector<1x32xf32>
    %mul3A_370 = vector.broadcast %rsqrt3A_369 : vector<1x32xf32> to vector<64x32xf32>
    %mul3A_371 = arith.mulf %sub3A_365, %mul3A_370 : vector<64x32xf32>
    %mul3A_372 = vector.broadcast %get3A_67 : vector<1x32xf32> to vector<64x32xf32>
    %mul3A_373 = arith.mulf %mul3A_371, %mul3A_372 : vector<64x32xf32>
    %add3A_374 = vector.broadcast %get3A_88 : vector<1x32xf32> to vector<64x32xf32>
    %add3A_375 = arith.addf %mul3A_373, %add3A_374 : vector<64x32xf32>
    %max3A_376 = arith.constant 0.000000e+00 : f32
    %max3A_377 = vector.broadcast %max3A_376 : f32 to vector<64x32xf32>
    %max3A_378 = arith.maximumf %add3A_375, %max3A_377 : vector<64x32xf32>
    %dot_general3A_379 = arith.constant dense<0.000000e+00> : vector<64x56xf32>
    %dot_general3A_380 = tpu.matmul %max3A_378, %get3A_22, %dot_general3A_379 {dimension_numbers = #tpu.dot_dimension_numbers<[1], [0], [0], [1], [0, 0, 1, 1], [], []>, transpose_lhs_hint = false} : vector<64x32xf32>, vector<32x56xf32>, vector<64x56xf32> -> vector<64x56xf32>
    %add3A_381 = vector.broadcast %get3A_46 : vector<1x56xf32> to vector<64x56xf32>
    %add3A_382 = arith.addf %dot_general3A_380, %add3A_381 : vector<64x56xf32>
    %reduce_sum3A_383 = arith.constant dense<0.000000e+00> : vector<56xf32>
    %reduce_sum3A_384 = vector.multi_reduction <add>, %add3A_382, %reduce_sum3A_383 [0] : vector<64x56xf32> to vector<56xf32>
    %broadcast_in_dim3A_385 = vector.shape_cast %reduce_sum3A_384 : vector<56xf32> to vector<1x56xf32>
    %div3A_386 = arith.constant 6.400000e+01 : f32
    %div3A_387 = vector.broadcast %div3A_386 : f32 to vector<1x56xf32>
    %div3A_388 = arith.divf %broadcast_in_dim3A_385, %div3A_387 : vector<1x56xf32>
    %sub3A_389 = vector.broadcast %div3A_388 : vector<1x56xf32> to vector<64x56xf32>
    %sub3A_390 = arith.subf %add3A_382, %sub3A_389 : vector<64x56xf32>
    %integer_pow3A_391 = arith.mulf %sub3A_390, %sub3A_390 : vector<64x56xf32>
    %reduce_sum3A_392 = arith.constant dense<0.000000e+00> : vector<56xf32>
    %reduce_sum3A_393 = vector.multi_reduction <add>, %integer_pow3A_391, %reduce_sum3A_392 [0] : vector<64x56xf32> to vector<56xf32>
    %broadcast_in_dim3A_394 = vector.shape_cast %reduce_sum3A_393 : vector<56xf32> to vector<1x56xf32>
    %div3A_395 = arith.constant 6.400000e+01 : f32
    %div3A_396 = vector.broadcast %div3A_395 : f32 to vector<1x56xf32>
    %div3A_397 = arith.divf %broadcast_in_dim3A_394, %div3A_396 : vector<1x56xf32>
    %sub3A_398 = vector.broadcast %div3A_388 : vector<1x56xf32> to vector<64x56xf32>
    %sub3A_399 = arith.subf %add3A_382, %sub3A_398 : vector<64x56xf32>
    %add3A_400 = arith.constant 9.99999974E-6 : f32
    %add3A_401 = vector.broadcast %add3A_400 : f32 to vector<1x56xf32>
    %add3A_402 = arith.addf %div3A_397, %add3A_401 : vector<1x56xf32>
    %rsqrt3A_403 = math.rsqrt %add3A_402 : vector<1x56xf32>
    %mul3A_404 = vector.broadcast %rsqrt3A_403 : vector<1x56xf32> to vector<64x56xf32>
    %mul3A_405 = arith.mulf %sub3A_399, %mul3A_404 : vector<64x56xf32>
    %mul3A_406 = vector.broadcast %get3A_70 : vector<1x56xf32> to vector<64x56xf32>
    %mul3A_407 = arith.mulf %mul3A_405, %mul3A_406 : vector<64x56xf32>
    %add3A_408 = vector.broadcast %get3A_91 : vector<1x56xf32> to vector<64x56xf32>
    %add3A_409 = arith.addf %mul3A_407, %add3A_408 : vector<64x56xf32>
    %max3A_410 = arith.constant 0.000000e+00 : f32
    %max3A_411 = vector.broadcast %max3A_410 : f32 to vector<64x56xf32>
    %max3A_412 = arith.maximumf %add3A_409, %max3A_411 : vector<64x56xf32>
    %dot_general3A_413 = arith.constant dense<0.000000e+00> : vector<64x64xf32>
    %dot_general3A_414 = tpu.matmul %max3A_412, %get3A_25, %dot_general3A_413 {dimension_numbers = #tpu.dot_dimension_numbers<[1], [0], [0], [1], [0, 0, 1, 1], [], []>, transpose_lhs_hint = false} : vector<64x56xf32>, vector<56x64xf32>, vector<64x64xf32> -> vector<64x64xf32>
    %add3A_415 = vector.broadcast %get3A_49 : vector<1x64xf32> to vector<64x64xf32>
    %add3A_416 = arith.addf %dot_general3A_414, %add3A_415 : vector<64x64xf32>
    %dot_general3A_417 = arith.constant dense<0.000000e+00> : vector<64x18xf32>
    %dot_general3A_418 = tpu.matmul %get3A_1, %get3A_94, %dot_general3A_417 {dimension_numbers = #tpu.dot_dimension_numbers<[1], [0], [0], [1], [0, 0, 1, 1], [], []>, transpose_lhs_hint = false} : vector<64x32xf32>, vector<32x18xf32>, vector<64x18xf32> -> vector<64x18xf32>
    %add3A_419 = vector.broadcast %get3A_118 : vector<1x18xf32> to vector<64x18xf32>
    %add3A_420 = arith.addf %dot_general3A_418, %add3A_419 : vector<64x18xf32>
    %reduce_sum3A_421 = arith.constant dense<0.000000e+00> : vector<18xf32>
    %reduce_sum3A_422 = vector.multi_reduction <add>, %add3A_420, %reduce_sum3A_421 [0] : vector<64x18xf32> to vector<18xf32>
    %broadcast_in_dim3A_423 = vector.shape_cast %reduce_sum3A_422 : vector<18xf32> to vector<1x18xf32>
    %div3A_424 = arith.constant 6.400000e+01 : f32
    %div3A_425 = vector.broadcast %div3A_424 : f32 to vector<1x18xf32>
    %div3A_426 = arith.divf %broadcast_in_dim3A_423, %div3A_425 : vector<1x18xf32>
    %sub3A_427 = vector.broadcast %div3A_426 : vector<1x18xf32> to vector<64x18xf32>
    %sub3A_428 = arith.subf %add3A_420, %sub3A_427 : vector<64x18xf32>
    %integer_pow3A_429 = arith.mulf %sub3A_428, %sub3A_428 : vector<64x18xf32>
    %reduce_sum3A_430 = arith.constant dense<0.000000e+00> : vector<18xf32>
    %reduce_sum3A_431 = vector.multi_reduction <add>, %integer_pow3A_429, %reduce_sum3A_430 [0] : vector<64x18xf32> to vector<18xf32>
    %broadcast_in_dim3A_432 = vector.shape_cast %reduce_sum3A_431 : vector<18xf32> to vector<1x18xf32>
    %div3A_433 = arith.constant 6.400000e+01 : f32
    %div3A_434 = vector.broadcast %div3A_433 : f32 to vector<1x18xf32>
    %div3A_435 = arith.divf %broadcast_in_dim3A_432, %div3A_434 : vector<1x18xf32>
    %sub3A_436 = vector.broadcast %div3A_426 : vector<1x18xf32> to vector<64x18xf32>
    %sub3A_437 = arith.subf %add3A_420, %sub3A_436 : vector<64x18xf32>
    %add3A_438 = arith.constant 9.99999974E-6 : f32
    %add3A_439 = vector.broadcast %add3A_438 : f32 to vector<1x18xf32>
    %add3A_440 = arith.addf %div3A_435, %add3A_439 : vector<1x18xf32>
    %rsqrt3A_441 = math.rsqrt %add3A_440 : vector<1x18xf32>
    %mul3A_442 = vector.broadcast %rsqrt3A_441 : vector<1x18xf32> to vector<64x18xf32>
    %mul3A_443 = arith.mulf %sub3A_437, %mul3A_442 : vector<64x18xf32>
    %mul3A_444 = vector.broadcast %get3A_142 : vector<1x18xf32> to vector<64x18xf32>
    %mul3A_445 = arith.mulf %mul3A_443, %mul3A_444 : vector<64x18xf32>
    %add3A_446 = vector.broadcast %get3A_163 : vector<1x18xf32> to vector<64x18xf32>
    %add3A_447 = arith.addf %mul3A_445, %add3A_446 : vector<64x18xf32>
    %max3A_448 = arith.constant 0.000000e+00 : f32
    %max3A_449 = vector.broadcast %max3A_448 : f32 to vector<64x18xf32>
    %max3A_450 = arith.maximumf %add3A_447, %max3A_449 : vector<64x18xf32>
    %dot_general3A_451 = arith.constant dense<0.000000e+00> : vector<64x38xf32>
    %dot_general3A_452 = tpu.matmul %max3A_450, %get3A_97, %dot_general3A_451 {dimension_numbers = #tpu.dot_dimension_numbers<[1], [0], [0], [1], [0, 0, 1, 1], [], []>, transpose_lhs_hint = false} : vector<64x18xf32>, vector<18x38xf32>, vector<64x38xf32> -> vector<64x38xf32>
    %add3A_453 = vector.broadcast %get3A_121 : vector<1x38xf32> to vector<64x38xf32>
    %add3A_454 = arith.addf %dot_general3A_452, %add3A_453 : vector<64x38xf32>
    %reduce_sum3A_455 = arith.constant dense<0.000000e+00> : vector<38xf32>
    %reduce_sum3A_456 = vector.multi_reduction <add>, %add3A_454, %reduce_sum3A_455 [0] : vector<64x38xf32> to vector<38xf32>
    %broadcast_in_dim3A_457 = vector.shape_cast %reduce_sum3A_456 : vector<38xf32> to vector<1x38xf32>
    %div3A_458 = arith.constant 6.400000e+01 : f32
    %div3A_459 = vector.broadcast %div3A_458 : f32 to vector<1x38xf32>
    %div3A_460 = arith.divf %broadcast_in_dim3A_457, %div3A_459 : vector<1x38xf32>
    %sub3A_461 = vector.broadcast %div3A_460 : vector<1x38xf32> to vector<64x38xf32>
    %sub3A_462 = arith.subf %add3A_454, %sub3A_461 : vector<64x38xf32>
    %integer_pow3A_463 = arith.mulf %sub3A_462, %sub3A_462 : vector<64x38xf32>
    %reduce_sum3A_464 = arith.constant dense<0.000000e+00> : vector<38xf32>
    %reduce_sum3A_465 = vector.multi_reduction <add>, %integer_pow3A_463, %reduce_sum3A_464 [0] : vector<64x38xf32> to vector<38xf32>
    %broadcast_in_dim3A_466 = vector.shape_cast %reduce_sum3A_465 : vector<38xf32> to vector<1x38xf32>
    %div3A_467 = arith.constant 6.400000e+01 : f32
    %div3A_468 = vector.broadcast %div3A_467 : f32 to vector<1x38xf32>
    %div3A_469 = arith.divf %broadcast_in_dim3A_466, %div3A_468 : vector<1x38xf32>
    %sub3A_470 = vector.broadcast %div3A_460 : vector<1x38xf32> to vector<64x38xf32>
    %sub3A_471 = arith.subf %add3A_454, %sub3A_470 : vector<64x38xf32>
    %add3A_472 = arith.constant 9.99999974E-6 : f32
    %add3A_473 = vector.broadcast %add3A_472 : f32 to vector<1x38xf32>
    %add3A_474 = arith.addf %div3A_469, %add3A_473 : vector<1x38xf32>
    %rsqrt3A_475 = math.rsqrt %add3A_474 : vector<1x38xf32>
    %mul3A_476 = vector.broadcast %rsqrt3A_475 : vector<1x38xf32> to vector<64x38xf32>
    %mul3A_477 = arith.mulf %sub3A_471, %mul3A_476 : vector<64x38xf32>
    %mul3A_478 = vector.broadcast %get3A_145 : vector<1x38xf32> to vector<64x38xf32>
    %mul3A_479 = arith.mulf %mul3A_477, %mul3A_478 : vector<64x38xf32>
    %add3A_480 = vector.broadcast %get3A_166 : vector<1x38xf32> to vector<64x38xf32>
    %add3A_481 = arith.addf %mul3A_479, %add3A_480 : vector<64x38xf32>
    %max3A_482 = arith.constant 0.000000e+00 : f32
    %max3A_483 = vector.broadcast %max3A_482 : f32 to vector<64x38xf32>
    %max3A_484 = arith.maximumf %add3A_481, %max3A_483 : vector<64x38xf32>
    %dot_general3A_485 = arith.constant dense<0.000000e+00> : vector<64x121xf32>
    %dot_general3A_486 = tpu.matmul %max3A_484, %get3A_100, %dot_general3A_485 {dimension_numbers = #tpu.dot_dimension_numbers<[1], [0], [0], [1], [0, 0, 1, 1], [], []>, transpose_lhs_hint = false} : vector<64x38xf32>, vector<38x121xf32>, vector<64x121xf32> -> vector<64x121xf32>
    %add3A_487 = vector.broadcast %get3A_124 : vector<1x121xf32> to vector<64x121xf32>
    %add3A_488 = arith.addf %dot_general3A_486, %add3A_487 : vector<64x121xf32>
    %reduce_sum3A_489 = arith.constant dense<0.000000e+00> : vector<121xf32>
    %reduce_sum3A_490 = vector.multi_reduction <add>, %add3A_488, %reduce_sum3A_489 [0] : vector<64x121xf32> to vector<121xf32>
    %broadcast_in_dim3A_491 = vector.shape_cast %reduce_sum3A_490 : vector<121xf32> to vector<1x121xf32>
    %div3A_492 = arith.constant 6.400000e+01 : f32
    %div3A_493 = vector.broadcast %div3A_492 : f32 to vector<1x121xf32>
    %div3A_494 = arith.divf %broadcast_in_dim3A_491, %div3A_493 : vector<1x121xf32>
    %sub3A_495 = vector.broadcast %div3A_494 : vector<1x121xf32> to vector<64x121xf32>
    %sub3A_496 = arith.subf %add3A_488, %sub3A_495 : vector<64x121xf32>
    %integer_pow3A_497 = arith.mulf %sub3A_496, %sub3A_496 : vector<64x121xf32>
    %reduce_sum3A_498 = arith.constant dense<0.000000e+00> : vector<121xf32>
    %reduce_sum3A_499 = vector.multi_reduction <add>, %integer_pow3A_497, %reduce_sum3A_498 [0] : vector<64x121xf32> to vector<121xf32>
    %broadcast_in_dim3A_500 = vector.shape_cast %reduce_sum3A_499 : vector<121xf32> to vector<1x121xf32>
    %div3A_501 = arith.constant 6.400000e+01 : f32
    %div3A_502 = vector.broadcast %div3A_501 : f32 to vector<1x121xf32>
    %div3A_503 = arith.divf %broadcast_in_dim3A_500, %div3A_502 : vector<1x121xf32>
    %sub3A_504 = vector.broadcast %div3A_494 : vector<1x121xf32> to vector<64x121xf32>
    %sub3A_505 = arith.subf %add3A_488, %sub3A_504 : vector<64x121xf32>
    %add3A_506 = arith.constant 9.99999974E-6 : f32
    %add3A_507 = vector.broadcast %add3A_506 : f32 to vector<1x121xf32>
    %add3A_508 = arith.addf %div3A_503, %add3A_507 : vector<1x121xf32>
    %rsqrt3A_509 = math.rsqrt %add3A_508 : vector<1x121xf32>
    %mul3A_510 = vector.broadcast %rsqrt3A_509 : vector<1x121xf32> to vector<64x121xf32>
    %mul3A_511 = arith.mulf %sub3A_505, %mul3A_510 : vector<64x121xf32>
    %mul3A_512 = vector.broadcast %get3A_148 : vector<1x121xf32> to vector<64x121xf32>
    %mul3A_513 = arith.mulf %mul3A_511, %mul3A_512 : vector<64x121xf32>
    %add3A_514 = vector.broadcast %get3A_169 : vector<1x121xf32> to vector<64x121xf32>
    %add3A_515 = arith.addf %mul3A_513, %add3A_514 : vector<64x121xf32>
    %max3A_516 = arith.constant 0.000000e+00 : f32
    %max3A_517 = vector.broadcast %max3A_516 : f32 to vector<64x121xf32>
    %max3A_518 = arith.maximumf %add3A_515, %max3A_517 : vector<64x121xf32>
    %dot_general3A_519 = arith.constant dense<0.000000e+00> : vector<64x18xf32>
    %dot_general3A_520 = tpu.matmul %max3A_518, %get3A_103, %dot_general3A_519 {dimension_numbers = #tpu.dot_dimension_numbers<[1], [0], [0], [1], [0, 0, 1, 1], [], []>, transpose_lhs_hint = false} : vector<64x121xf32>, vector<121x18xf32>, vector<64x18xf32> -> vector<64x18xf32>
    %add3A_521 = vector.broadcast %get3A_127 : vector<1x18xf32> to vector<64x18xf32>
    %add3A_522 = arith.addf %dot_general3A_520, %add3A_521 : vector<64x18xf32>
    %reduce_sum3A_523 = arith.constant dense<0.000000e+00> : vector<18xf32>
    %reduce_sum3A_524 = vector.multi_reduction <add>, %add3A_522, %reduce_sum3A_523 [0] : vector<64x18xf32> to vector<18xf32>
    %broadcast_in_dim3A_525 = vector.shape_cast %reduce_sum3A_524 : vector<18xf32> to vector<1x18xf32>
    %div3A_526 = arith.constant 6.400000e+01 : f32
    %div3A_527 = vector.broadcast %div3A_526 : f32 to vector<1x18xf32>
    %div3A_528 = arith.divf %broadcast_in_dim3A_525, %div3A_527 : vector<1x18xf32>
    %sub3A_529 = vector.broadcast %div3A_528 : vector<1x18xf32> to vector<64x18xf32>
    %sub3A_530 = arith.subf %add3A_522, %sub3A_529 : vector<64x18xf32>
    %integer_pow3A_531 = arith.mulf %sub3A_530, %sub3A_530 : vector<64x18xf32>
    %reduce_sum3A_532 = arith.constant dense<0.000000e+00> : vector<18xf32>
    %reduce_sum3A_533 = vector.multi_reduction <add>, %integer_pow3A_531, %reduce_sum3A_532 [0] : vector<64x18xf32> to vector<18xf32>
    %broadcast_in_dim3A_534 = vector.shape_cast %reduce_sum3A_533 : vector<18xf32> to vector<1x18xf32>
    %div3A_535 = arith.constant 6.400000e+01 : f32
    %div3A_536 = vector.broadcast %div3A_535 : f32 to vector<1x18xf32>
    %div3A_537 = arith.divf %broadcast_in_dim3A_534, %div3A_536 : vector<1x18xf32>
    %sub3A_538 = vector.broadcast %div3A_528 : vector<1x18xf32> to vector<64x18xf32>
    %sub3A_539 = arith.subf %add3A_522, %sub3A_538 : vector<64x18xf32>
    %add3A_540 = arith.constant 9.99999974E-6 : f32
    %add3A_541 = vector.broadcast %add3A_540 : f32 to vector<1x18xf32>
    %add3A_542 = arith.addf %div3A_537, %add3A_541 : vector<1x18xf32>
    %rsqrt3A_543 = math.rsqrt %add3A_542 : vector<1x18xf32>
    %mul3A_544 = vector.broadcast %rsqrt3A_543 : vector<1x18xf32> to vector<64x18xf32>
    %mul3A_545 = arith.mulf %sub3A_539, %mul3A_544 : vector<64x18xf32>
    %mul3A_546 = vector.broadcast %get3A_151 : vector<1x18xf32> to vector<64x18xf32>
    %mul3A_547 = arith.mulf %mul3A_545, %mul3A_546 : vector<64x18xf32>
    %add3A_548 = vector.broadcast %get3A_172 : vector<1x18xf32> to vector<64x18xf32>
    %add3A_549 = arith.addf %mul3A_547, %add3A_548 : vector<64x18xf32>
    %max3A_550 = arith.constant 0.000000e+00 : f32
    %max3A_551 = vector.broadcast %max3A_550 : f32 to vector<64x18xf32>
    %max3A_552 = arith.maximumf %add3A_549, %max3A_551 : vector<64x18xf32>
    %dot_general3A_553 = arith.constant dense<0.000000e+00> : vector<64x75xf32>
    %dot_general3A_554 = tpu.matmul %max3A_552, %get3A_106, %dot_general3A_553 {dimension_numbers = #tpu.dot_dimension_numbers<[1], [0], [0], [1], [0, 0, 1, 1], [], []>, transpose_lhs_hint = false} : vector<64x18xf32>, vector<18x75xf32>, vector<64x75xf32> -> vector<64x75xf32>
    %add3A_555 = vector.broadcast %get3A_130 : vector<1x75xf32> to vector<64x75xf32>
    %add3A_556 = arith.addf %dot_general3A_554, %add3A_555 : vector<64x75xf32>
    %reduce_sum3A_557 = arith.constant dense<0.000000e+00> : vector<75xf32>
    %reduce_sum3A_558 = vector.multi_reduction <add>, %add3A_556, %reduce_sum3A_557 [0] : vector<64x75xf32> to vector<75xf32>
    %broadcast_in_dim3A_559 = vector.shape_cast %reduce_sum3A_558 : vector<75xf32> to vector<1x75xf32>
    %div3A_560 = arith.constant 6.400000e+01 : f32
    %div3A_561 = vector.broadcast %div3A_560 : f32 to vector<1x75xf32>
    %div3A_562 = arith.divf %broadcast_in_dim3A_559, %div3A_561 : vector<1x75xf32>
    %sub3A_563 = vector.broadcast %div3A_562 : vector<1x75xf32> to vector<64x75xf32>
    %sub3A_564 = arith.subf %add3A_556, %sub3A_563 : vector<64x75xf32>
    %integer_pow3A_565 = arith.mulf %sub3A_564, %sub3A_564 : vector<64x75xf32>
    %reduce_sum3A_566 = arith.constant dense<0.000000e+00> : vector<75xf32>
    %reduce_sum3A_567 = vector.multi_reduction <add>, %integer_pow3A_565, %reduce_sum3A_566 [0] : vector<64x75xf32> to vector<75xf32>
    %broadcast_in_dim3A_568 = vector.shape_cast %reduce_sum3A_567 : vector<75xf32> to vector<1x75xf32>
    %div3A_569 = arith.constant 6.400000e+01 : f32
    %div3A_570 = vector.broadcast %div3A_569 : f32 to vector<1x75xf32>
    %div3A_571 = arith.divf %broadcast_in_dim3A_568, %div3A_570 : vector<1x75xf32>
    %sub3A_572 = vector.broadcast %div3A_562 : vector<1x75xf32> to vector<64x75xf32>
    %sub3A_573 = arith.subf %add3A_556, %sub3A_572 : vector<64x75xf32>
    %add3A_574 = arith.constant 9.99999974E-6 : f32
    %add3A_575 = vector.broadcast %add3A_574 : f32 to vector<1x75xf32>
    %add3A_576 = arith.addf %div3A_571, %add3A_575 : vector<1x75xf32>
    %rsqrt3A_577 = math.rsqrt %add3A_576 : vector<1x75xf32>
    %mul3A_578 = vector.broadcast %rsqrt3A_577 : vector<1x75xf32> to vector<64x75xf32>
    %mul3A_579 = arith.mulf %sub3A_573, %mul3A_578 : vector<64x75xf32>
    %mul3A_580 = vector.broadcast %get3A_154 : vector<1x75xf32> to vector<64x75xf32>
    %mul3A_581 = arith.mulf %mul3A_579, %mul3A_580 : vector<64x75xf32>
    %add3A_582 = vector.broadcast %get3A_175 : vector<1x75xf32> to vector<64x75xf32>
    %add3A_583 = arith.addf %mul3A_581, %add3A_582 : vector<64x75xf32>
    %max3A_584 = arith.constant 0.000000e+00 : f32
    %max3A_585 = vector.broadcast %max3A_584 : f32 to vector<64x75xf32>
    %max3A_586 = arith.maximumf %add3A_583, %max3A_585 : vector<64x75xf32>
    %dot_general3A_587 = arith.constant dense<0.000000e+00> : vector<64x32xf32>
    %dot_general3A_588 = tpu.matmul %max3A_586, %get3A_109, %dot_general3A_587 {dimension_numbers = #tpu.dot_dimension_numbers<[1], [0], [0], [1], [0, 0, 1, 1], [], []>, transpose_lhs_hint = false} : vector<64x75xf32>, vector<75x32xf32>, vector<64x32xf32> -> vector<64x32xf32>
    %add3A_589 = vector.broadcast %get3A_133 : vector<1x32xf32> to vector<64x32xf32>
    %add3A_590 = arith.addf %dot_general3A_588, %add3A_589 : vector<64x32xf32>
    %reduce_sum3A_591 = arith.constant dense<0.000000e+00> : vector<32xf32>
    %reduce_sum3A_592 = vector.multi_reduction <add>, %add3A_590, %reduce_sum3A_591 [0] : vector<64x32xf32> to vector<32xf32>
    %broadcast_in_dim3A_593 = vector.shape_cast %reduce_sum3A_592 : vector<32xf32> to vector<1x32xf32>
    %div3A_594 = arith.constant 6.400000e+01 : f32
    %div3A_595 = vector.broadcast %div3A_594 : f32 to vector<1x32xf32>
    %div3A_596 = arith.divf %broadcast_in_dim3A_593, %div3A_595 : vector<1x32xf32>
    %sub3A_597 = vector.broadcast %div3A_596 : vector<1x32xf32> to vector<64x32xf32>
    %sub3A_598 = arith.subf %add3A_590, %sub3A_597 : vector<64x32xf32>
    %integer_pow3A_599 = arith.mulf %sub3A_598, %sub3A_598 : vector<64x32xf32>
    %reduce_sum3A_600 = arith.constant dense<0.000000e+00> : vector<32xf32>
    %reduce_sum3A_601 = vector.multi_reduction <add>, %integer_pow3A_599, %reduce_sum3A_600 [0] : vector<64x32xf32> to vector<32xf32>
    %broadcast_in_dim3A_602 = vector.shape_cast %reduce_sum3A_601 : vector<32xf32> to vector<1x32xf32>
    %div3A_603 = arith.constant 6.400000e+01 : f32
    %div3A_604 = vector.broadcast %div3A_603 : f32 to vector<1x32xf32>
    %div3A_605 = arith.divf %broadcast_in_dim3A_602, %div3A_604 : vector<1x32xf32>
    %sub3A_606 = vector.broadcast %div3A_596 : vector<1x32xf32> to vector<64x32xf32>
    %sub3A_607 = arith.subf %add3A_590, %sub3A_606 : vector<64x32xf32>
    %add3A_608 = arith.constant 9.99999974E-6 : f32
    %add3A_609 = vector.broadcast %add3A_608 : f32 to vector<1x32xf32>
    %add3A_610 = arith.addf %div3A_605, %add3A_609 : vector<1x32xf32>
    %rsqrt3A_611 = math.rsqrt %add3A_610 : vector<1x32xf32>
    %mul3A_612 = vector.broadcast %rsqrt3A_611 : vector<1x32xf32> to vector<64x32xf32>
    %mul3A_613 = arith.mulf %sub3A_607, %mul3A_612 : vector<64x32xf32>
    %mul3A_614 = vector.broadcast %get3A_157 : vector<1x32xf32> to vector<64x32xf32>
    %mul3A_615 = arith.mulf %mul3A_613, %mul3A_614 : vector<64x32xf32>
    %add3A_616 = vector.broadcast %get3A_178 : vector<1x32xf32> to vector<64x32xf32>
    %add3A_617 = arith.addf %mul3A_615, %add3A_616 : vector<64x32xf32>
    %max3A_618 = arith.constant 0.000000e+00 : f32
    %max3A_619 = vector.broadcast %max3A_618 : f32 to vector<64x32xf32>
    %max3A_620 = arith.maximumf %add3A_617, %max3A_619 : vector<64x32xf32>
    %dot_general3A_621 = arith.constant dense<0.000000e+00> : vector<64x56xf32>
    %dot_general3A_622 = tpu.matmul %max3A_620, %get3A_112, %dot_general3A_621 {dimension_numbers = #tpu.dot_dimension_numbers<[1], [0], [0], [1], [0, 0, 1, 1], [], []>, transpose_lhs_hint = false} : vector<64x32xf32>, vector<32x56xf32>, vector<64x56xf32> -> vector<64x56xf32>
    %add3A_623 = vector.broadcast %get3A_136 : vector<1x56xf32> to vector<64x56xf32>
    %add3A_624 = arith.addf %dot_general3A_622, %add3A_623 : vector<64x56xf32>
    %reduce_sum3A_625 = arith.constant dense<0.000000e+00> : vector<56xf32>
    %reduce_sum3A_626 = vector.multi_reduction <add>, %add3A_624, %reduce_sum3A_625 [0] : vector<64x56xf32> to vector<56xf32>
    %broadcast_in_dim3A_627 = vector.shape_cast %reduce_sum3A_626 : vector<56xf32> to vector<1x56xf32>
    %div3A_628 = arith.constant 6.400000e+01 : f32
    %div3A_629 = vector.broadcast %div3A_628 : f32 to vector<1x56xf32>
    %div3A_630 = arith.divf %broadcast_in_dim3A_627, %div3A_629 : vector<1x56xf32>
    %sub3A_631 = vector.broadcast %div3A_630 : vector<1x56xf32> to vector<64x56xf32>
    %sub3A_632 = arith.subf %add3A_624, %sub3A_631 : vector<64x56xf32>
    %integer_pow3A_633 = arith.mulf %sub3A_632, %sub3A_632 : vector<64x56xf32>
    %reduce_sum3A_634 = arith.constant dense<0.000000e+00> : vector<56xf32>
    %reduce_sum3A_635 = vector.multi_reduction <add>, %integer_pow3A_633, %reduce_sum3A_634 [0] : vector<64x56xf32> to vector<56xf32>
    %broadcast_in_dim3A_636 = vector.shape_cast %reduce_sum3A_635 : vector<56xf32> to vector<1x56xf32>
    %div3A_637 = arith.constant 6.400000e+01 : f32
    %div3A_638 = vector.broadcast %div3A_637 : f32 to vector<1x56xf32>
    %div3A_639 = arith.divf %broadcast_in_dim3A_636, %div3A_638 : vector<1x56xf32>
    %sub3A_640 = vector.broadcast %div3A_630 : vector<1x56xf32> to vector<64x56xf32>
    %sub3A_641 = arith.subf %add3A_624, %sub3A_640 : vector<64x56xf32>
    %add3A_642 = arith.constant 9.99999974E-6 : f32
    %add3A_643 = vector.broadcast %add3A_642 : f32 to vector<1x56xf32>
    %add3A_644 = arith.addf %div3A_639, %add3A_643 : vector<1x56xf32>
    %rsqrt3A_645 = math.rsqrt %add3A_644 : vector<1x56xf32>
    %mul3A_646 = vector.broadcast %rsqrt3A_645 : vector<1x56xf32> to vector<64x56xf32>
    %mul3A_647 = arith.mulf %sub3A_641, %mul3A_646 : vector<64x56xf32>
    %mul3A_648 = vector.broadcast %get3A_160 : vector<1x56xf32> to vector<64x56xf32>
    %mul3A_649 = arith.mulf %mul3A_647, %mul3A_648 : vector<64x56xf32>
    %add3A_650 = vector.broadcast %get3A_181 : vector<1x56xf32> to vector<64x56xf32>
    %add3A_651 = arith.addf %mul3A_649, %add3A_650 : vector<64x56xf32>
    %max3A_652 = arith.constant 0.000000e+00 : f32
    %max3A_653 = vector.broadcast %max3A_652 : f32 to vector<64x56xf32>
    %max3A_654 = arith.maximumf %add3A_651, %max3A_653 : vector<64x56xf32>
    %dot_general3A_655 = arith.constant dense<0.000000e+00> : vector<64x64xf32>
    %dot_general3A_656 = tpu.matmul %max3A_654, %get3A_115, %dot_general3A_655 {dimension_numbers = #tpu.dot_dimension_numbers<[1], [0], [0], [1], [0, 0, 1, 1], [], []>, transpose_lhs_hint = false} : vector<64x56xf32>, vector<56x64xf32>, vector<64x64xf32> -> vector<64x64xf32>
    %add3A_657 = vector.broadcast %get3A_139 : vector<1x64xf32> to vector<64x64xf32>
    %add3A_658 = arith.addf %dot_general3A_656, %add3A_657 : vector<64x64xf32>
    %min3A = arith.constant 1.000000e+01 : f32
    %min3A_659 = vector.broadcast %min3A : f32 to vector<64x64xf32>
    %min3A_660 = arith.minimumf %add3A_658, %min3A_659 : vector<64x64xf32>
    %exp3A = math.exp %min3A_660 : vector<64x64xf32>
    %mul3A_661 = arith.mulf %get3A_184, %exp3A : vector<64x64xf32>
    %add3A_662 = arith.addf %add3A_416, %mul3A_661 : vector<64x64xf32>
    %swap3A = arith.constant 0 : index
    %swap3A_663 = arith.constant 0 : index
    %swap3A_664 = vector.load %arg62[%swap3A, %swap3A_663] : memref<64x64xf32, #tpu.memory_space<vmem>>, vector<64x64xf32>
    tpu.vector_store %arg62[%swap3A, %swap3A_663], %add3A_662 {strides = array<i32>} : memref<64x64xf32, #tpu.memory_space<vmem>>, vector<64x64xf32>,
    return
  }
}

</mosaic_0001>

<sc_bundles>
// kernel: kernel.16.cloned.1.call-start
scs
__scs_entry_jumppad:
0x0: {  	(pc) =	sbr.rel $0x88, $3  }
0x1: {  	(tag) =	ssettag $0x0;
	lr =	simm.s32 $0x1  }
0x2: {  	[smem:$0x3F4E] =	sst lr;
	_ =	strace $0xD0000000  }
0x3: {  	_ = 	snop  }
0x4: {  	_ = 	snop  }
0x5: {  	_ = 	snop  }
0x6: {  	_ = 	snop  }
0x7: {  	_ = 	snop  }
__scs_overlays_trampoline_lowered:
0x8: {  	[smem:$0x3F5D] =	sst s0  }
0x9: {  	[smem:$0x3F5E] =	sst s1  }
0xa: {  	[smem:$0x3F5F] =	sst s2  }
0xb: {  	[smem:$0x3F60] =	sst s3  }
0xc: {  	[smem:$0x3F61] =	sst s4  }
0xd: {  	[smem:$0x3F62] =	sst s5  }
0xe: {  	[smem:$0x3F63] =	sst s6  }
0xf: {  	[smem:$0x3F64] =	sst s7  }
0x10: {  	[smem:$0x3F65] =	sst s8  }
0x11: {  	[smem:$0x3F66] =	sst s9;
	s0 =	simm.s32 @!p0 $0x0  }
0x12: {  	s1 =	sld [smem:$0x3F4C];
	s0 =	simm.s32 @p0 $0x1  }
0x13: {  	[smem:$0x3F67] =	sst s0;
	s0 =	simm.s32 @!p1 $0x0  }
0x14: {  	s2 =	sld [smem:$0x3F4B];
	s0 =	simm.s32 @p1 $0x1  }
0x15: {  	[smem:$0x3F68] =	sst s0;
	s0 =	simm.s32 @!p2 $0x0  }
0x16: {  	s3 =	sld [smem:$0x3FDB];
	s0 =	simm.s32 @p2 $0x1  }
0x17: {  	s4 =	simm.s32 $0x1BF5;
	[smem:$0x3F6A] =	sst s0  }
0x18: {  	s0 =	sld [smem:$0x3F4D];
	_ =	swait.ge [sflag:s4], $0x0  }
0x19: {  	s7 =	sld [smem:$0x3F4E]  }
0x1a: {  	s8 =	sadd.s32 $0xFFFFE003, lr  }
0x1b: {  	s9 =	sadd.s32 $0xFFFFFEF7, lr;
	s5 =	simm.s32 $0xFFFFFFFF;
	p2 =	slt.u32 s8, $0xFFFFF086  }
0x1c: {  	p1 =	slt.u32 s9, $0xF7A;
	s5 =	simm.s32 @!p2 $0x0  }
0x1d: {  	s5 =	simm.s32 @p1 $0x1;
	p0 =	seq.s32 s7, s2  }
0x1e: {  	s7 =	smul.u32 @!p0 $0xF7A, s2;
	p2 =	seq.s32 @!p0 s5, $0x0  }
0x1f: {  	s9 =	smul.u32 $0xF7A, s1;
	s8 =	simm.s32 @!p0 $0x1BF5;
	p2 =	por !p2, p0  }
0x20: {  	[sflag:s8] =	ssyncset.s32 @!p0 $0xFFFFF086;
	s6 =	sadd.s32 @!p0 s3, s7;
	s7 =	simm.s32 @!p0 $0x108  }
0x21: {  	s3 =	sadd.s32 s3, s9;
	s6 =	sadd.s32 @!p0 $0x88, s6;
	s7 =	simm.s32 @p2 $0x1082  }
0x22: {  	[simem:s7], [sflag:s8] =	dma.local @!p0 [hbm:s6], $0xF7A  }
0x23: {  	s9 =	sor.u32 $0xD0000000, s2;
	s6 =	simm.s32 $0x108;
	_ =	swait.ge @!p0 [sflag:s8], $0x0  }
0x24: {  	s3 =	sadd.s32 $0x88, s3;
	s6 =	simm.s32 @!p1 $0x1082;
	[sflag:s4] =	ssyncset.s32 $0xFFFFF086  }
0x25: {  	[simem:s6], [sflag:s4] =	dma.local [hbm:s3], $0xF7A  }
0x26: {  	[smem:$0x3F4E] =	sst s1;
	(tag) =	ssettag s2;
	_ =	strace s9  }
0x27: {  	s1 =	sld [smem:$0x3F5E]  }
0x28: {  	s2 =	sld [smem:$0x3F5F]  }
0x29: {  	s4 =	sld [smem:$0x3F61]  }
0x2a: {  	p0 =	seq.s32 s5, $0x0;
	s5 =	sld [smem:$0x3F62]  }
0x2b: {  	s6 =	sld [smem:$0x3F63]  }
0x2c: {  	s7 =	sld [smem:$0x3F64]  }
0x2d: {  	s3 =	simm.s32 $0x108;
	s8 =	sld [smem:$0x3F65]  }
0x2e: {  	s3 =	simm.s32 @!p0 $0x1082;
	s9 =	sld [smem:$0x3F66]  }
0x2f: {  	lr =	sadd.s32 s0, s3;
	s0 =	sld [smem:$0x3F5D]  }
0x30: {  	s3 =	sld [smem:$0x3F60]  }
0x31: {  	[smem:$0x3F69] =	sst s10  }
0x32: {  	s10 =	sld [smem:$0x3F67];
	_ =	sdelay $0x3  }
0x33: {  	p0 =	seq.s32 s10, $0x1;
	s10 =	sld [smem:$0x3F69];
	_ =	sdelay $0x3  }
0x34: {  	[smem:$0x3F69] =	sst s10  }
0x35: {  	s10 =	sld [smem:$0x3F68];
	_ =	sdelay $0x3  }
0x36: {  	p1 =	seq.s32 s10, $0x1;
	s10 =	sld [smem:$0x3F69];
	_ =	sdelay $0x3  }
0x37: {  	[smem:$0x3F69] =	sst s10  }
0x38: {  	s10 =	sld [smem:$0x3F6A]  }
0x39: {  	_ = 	snop;
	(pc) =	sbr.ind lr, $3  }
0x3a: {  	_ = 	snop  }
0x3b: {  	_ = 	snop  }
0x3c: {  	p2 =	seq.s32 s10, $0x1;
	s10 =	sld [smem:$0x3F69]  }
0x3d: {  	_ =	shalt  }
0x3e: {  	_ =	shalt  }
0x3f: {  	_ =	shalt  }
0x40: {  	_ =	shalt  }
0x41: {  	_ =	shalt  }
0x42: {  	_ =	shalt  }
0x43: {  	_ =	shalt  }
0x44: {  	_ =	shalt  }
0x45: {  	_ =	shalt  }
0x46: {  	_ =	shalt  }
0x47: {  	_ =	shalt  }
0x48: {  	_ =	shalt  }
0x49: {  	_ =	shalt  }
0x4a: {  	_ =	shalt  }
0x4b: {  	_ =	shalt  }
0x4c: {  	_ =	shalt  }
0x4d: {  	_ =	shalt  }
0x4e: {  	_ =	shalt  }
0x4f: {  	_ =	shalt  }
0x50: {  	_ =	shalt  }
0x51: {  	_ =	shalt  }
0x52: {  	_ =	shalt  }
0x53: {  	_ =	shalt  }
0x54: {  	_ =	shalt  }
0x55: {  	_ =	shalt  }
0x56: {  	_ =	shalt  }
0x57: {  	_ =	shalt  }
0x58: {  	_ =	shalt  }
0x59: {  	_ =	shalt  }
0x5a: {  	_ =	shalt  }
0x5b: {  	_ =	shalt  }
0x5c: {  	_ =	shalt  }
0x5d: {  	_ =	shalt  }
0x5e: {  	_ =	shalt  }
0x5f: {  	_ =	shalt  }
0x60: {  	_ =	shalt  }
0x61: {  	_ =	shalt  }
0x62: {  	_ =	shalt  }
0x63: {  	_ =	shalt  }
0x64: {  	_ =	shalt  }
0x65: {  	_ =	shalt  }
0x66: {  	_ =	shalt  }
0x67: {  	_ =	shalt  }
0x68: {  	_ =	shalt  }
0x69: {  	_ =	shalt  }
0x6a: {  	_ =	shalt  }
0x6b: {  	_ =	shalt  }
0x6c: {  	_ =	shalt  }
0x6d: {  	_ =	shalt  }
0x6e: {  	_ =	shalt  }
0x6f: {  	_ =	shalt  }
0x70: {  	_ =	shalt  }
0x71: {  	_ =	shalt  }
0x72: {  	_ =	shalt  }
0x73: {  	_ =	shalt  }
0x74: {  	_ =	shalt  }
0x75: {  	_ =	shalt  }
0x76: {  	_ =	shalt  }
0x77: {  	_ =	shalt  }
0x78: {  	_ =	shalt  }
0x79: {  	_ =	shalt  }
0x7a: {  	_ =	shalt  }
0x7b: {  	_ =	shalt  }
0x7c: {  	_ =	shalt  }
0x7d: {  	_ =	shalt  }
0x7e: {  	_ =	shalt  }
0x7f: {  	_ =	shalt  }
0x80: {  	_ =	shalt  }
0x81: {  	_ =	shalt  }
0x82: {  	_ =	shalt  }
0x83: {  	_ =	shalt  }
0x84: {  	_ =	shalt  }
0x85: {  	_ =	shalt  }
0x86: {  	_ =	shalt  }
0x87: {  	_ =	shalt  }
.Lfunc_end0:
.L_simem_size_0:
called_computation_lowered:
.L_overlay_start_0:
0x88: {  	s2 =	sld [smem:$0x3FD9]  }
0x89: {  	s3 =	sld [smem:$0x3FFE];
	_ =	sdelay $0x1  }
0x8a: {  	s1 =	srdreg.scid  }
0x8b: {  	s0 =	sand.u32 $0x1, s1  }
0x8c: {  	s16 =	sshll.u32 s0, $0xA;
	s2 =	sadd.s32 s3, s2  }
0x8d: {  	s2 =	sadd.s32 s2, s16  }
0x8e: {  	[smem:$0x3F75] =	sst s2  }
0x8f: {  	_ = 	snop  }
0x90: {  	(tm) =	ssettm $0x1  }
0x91: {  	s17 =	sld [smem:$0x3FFB];
	_ =	sdelay $0x3  }
0x92: {  	_ =	strace s17  }
0x93: {  	s2 =	sld [smem:$0x3FFC];
	_ =	sdelay $0x3  }
0x94: {  	_ =	strace s2  }
0x95: {  	s2 =	sld [smem:$0x3FFD];
	_ =	sdelay $0x3  }
0x96: {  	_ =	strace s2  }
0x97: {  	_ =	strace $0x8FFFFFFF  }
0x98: {  	s18 =	sld [smem:$0x3FDB];
	_ =	sdelay $0x1  }
0x99: {  	s19 =	simm.s32 $_scs_section_size  }
0x9a: {  	s4 =	simm.s32 $_size__tile_overlayer_lowered;
	s5 =	simm.s32 $_tile_overlayer_lowered  }
0x9b: {  	s22 =	simm.s32 $0x1BFF;
	s21 =	sshll.u32 s5, $0x1;
	s2 =	sadd.s32 s19, s18  }
0x9c: {  	s6 =	simm.s32 $0x0;
	s20 =	sshll.u32 s4, $0x1;
	s4 =	sadd.s32 s21, s2  }
0x9d: {  	[timem:s6], [sflag:s22] =	dma.local [hbm:s4], s20  }
0x9e: {  	_ =	swait.ge [sflag:s22], s20  }
0x9f: {  	s3 =	ssub.s32 $0x0, s20;
	[sflag:s22] =	ssyncset.done $0x0  }
0xa0: {  	[sflag:s22] =	ssyncadd.s32 s3;
	_ =	sdelay $0x1  }
0xa1: {  	s23 =	simm.s32 $0x1B8B  }
0xa2: {  	_ =	swait.ge [sflag:s23], $0x1  }
0xa3: {  	[sflag:s23] =	ssyncset.done $0x0  }
0xa4: {  	s25 =	simm.s32 $0x1B8E;
	s24 =	sld [smem:$0x3FFE];
	[sflag:s23] =	ssyncadd.s32 $0xFFFFFFFF  }
0xa5: {  	s26 =	simm.s32 $execute0_lowered;
	[smem:$0x3FD2] =	sst s25  }
0xa6: {  	s4 =	sshll.u32 s26, $0x1;
	_ =	strace $0x80000046;
	[dreg:$0x1] =	wrdreg $0xFFFFFFFF  }
0xa7: {  	s28 =	simm.s32 $_size_execute0_lowered;
	s2 =	sadd.s32 s2, s4;
	[dreg:$0x0] =	wrdreg $0x0  }
0xa8: {  	s4 =	sshll.u32 s28, $0x1;
	[dreg:$0x2] =	wrdreg s2  }
0xa9: {  	[dreg:$0x3] =	wrdreg s4  }
0xaa: {  	[dreg:$0x4] =	wrdreg $0xC0  }
0xab: {  	_ =	task [dreg:s6], $0x5FFFF  }
0xac: {  	[dreg:$0x1] =	wrdreg $0xFFFFFFFF  }
0xad: {  	[dreg:$0x0] =	wrdreg $0x60  }
0xae: {  	[dreg:$0x2] =	wrdreg s24  }
0xaf: {  	[dreg:$0x3] =	wrdreg $0x2B000  }
0xb0: {  	[dreg:$0x4] =	wrdreg $0x9  }
0xb1: {  	_ =	task.clear_ibuf [dreg:s6], $0x5FFFF;
	_ =	strace $0x90000046  }
0xb2: {  	s29 =	simm.s32 $0x9;
	_ =	strace $0x80000048  }
0xb3: {  	_ =	swait.ge [sflag:s29], $0x1  }
0xb4: {  	[sflag:s29] =	ssyncadd.s32 $0xFFFFFFFF  }
0xb5: {  	_ =	strace $0x90000048  }
0xb6: {  	_ =	sfence  }
0xb7: {  	s30 =	sld [smem:$0x0];
	_ =	sdelay $0x2  }
0xb8: {  	s31 =	sshll.u32 s1, $0xD;
	s1 =	sshrl.u32 s1, $0x2  }
0xb9: {  	s3 =	sand.u32 $0x4000, s31;
	s1 =	sadd.s32 s1, s30  }
0xba: {  	s0 =	sor.u32 s3, s0;
	s1 =	sshll.u32 s1, $0x11  }
0xbb: {  	s0 =	sor.u32 s1, s0  }
0xbc: {  	s0 =	sadd.s32 $0x8F2B, s0  }
0xbd: {  	[sflag:s0] =	ssyncadd.remote.s32 $0x1  }
0xbe: {  	_ =	sfence.sel $0xFFFF  }
0xbf: {  	[dreg:$0x0] =	wrdreg $0xFFFFFFFF;
	(pc) =	sbr.abs _section_cstart, $3  }
0xc0: {  	[dreg:$0x1] =	wrdreg $0xFFFFFFFF  }
0xc1: {  	_ =	task.clear_ibuf [dreg:s6], $0x2FFFF;
	_ =	strace $0x9FFFFFFF  }
0xc2: {  	(tm) =	ssettm $0x7FFFFFFF  }
0xc3: {  	_ =	shalt  }
tec
execute0_lowered:
.L_overlay_start_1:
0x0: {  	(tag) =	ssettag $0x1  }
0x1: {  	s4 =	rddreg [dreg:$0x0];
	s0 =	srdreg.scid  }
0x2: {  	s2 =	rddreg [dreg:$0x1];
	s1 =	stileid.u32  }
0x3: {  	s3 =	simm.s32 $0x0;
	s10 =	simm.s32 $0x80;
	s11 =	simm.s32 $0x2800  }
0x4: {  	s14 =	simm.s32 $0x20;
	s15 =	simm.s32 $0x10;
	s16 =	simm.s32 $0x0  }
0x5: {  	s5 =	sand.u32 $0x1, s0;
	s0 =	rddreg [dreg:$0x2];
	s7 =	smul.u32 $0x500, s1  }
0x6: {  	[smem:$0x7FF] =	sst s3;
	s30 =	smul.u32 $0xA00, s1;
	s12 =	sshll.u32 s1, $0x6  }
0x7: {  	s6 =	sshll.u32 s5, $0x4;
	s8 =	sshll.u32 s5, $0x7;
	_ =	strace $0x80000047  }
0x8: {  	s5 =	ssub.s32 $0x2, s5;
	s12 =	sor.u32 $0x1C01, s12;
	s6 =	sor.u32 s1, s6  }
0x9: {  	s7 =	sor.u32 s8, s7;
	s31 =	sshrl.u32 s5, $0x1;
	s6 =	smul.u32 $0x500, s6  }
0xa: {  	s8 =	sshrl.u32 s30, $0x2;
	s7 =	sshrl.u32 s7, $0x3;
	s9 =	ssub.s32 s5, s31  }
0xb: {  	s7 =	sadd.s32 s7, s4;
	s6 =	sadd.s32 s6, s4;
	s4 =	sadd.s32 s8, s2  }
0xc: {  	s8 =	simm.s32 $0x2880;
	s5 =	sadd.s32 $0x16200, s6;
	s6 =	sadd.s32 $0x20200, s7  }
0xd: {  	v0 =	vimm.f32 $1.000000000e+00;
	v1 =	vimm.f32 $0.0e+00;
	s7 =	smax.u32 s9, $0x1;
	s9 =	simm.s32 $0x1;
	s13 =	sshrl.u32 s4, $0x3  }
.LBB2_1:
0xe: {  	[tilespmem:$0x2800] =	vst v0  }
0xf: {  	[tilespmem:$0x2810] =	vst v0  }
0x10: {  	[tilespmem:$0x2820] =	vst v0  }
0x11: {  	[tilespmem:$0x2830] =	vst v0  }
0x12: {  	[tilespmem:$0x2840] =	vst v0  }
0x13: {  	[tilespmem:$0x2850] =	vst v0  }
0x14: {  	[tilespmem:$0x2860] =	vst v0  }
0x15: {  	[tilespmem:$0x2870] =	vst v0  }
0x16: {  	[tilespmem:$0x2880] =	vst v1  }
0x17: {  	[tilespmem:$0x2890] =	vst v1  }
0x18: {  	[tilespmem:$0x28A0] =	vst v1  }
0x19: {  	[tilespmem:$0x28B0] =	vst v1  }
0x1a: {  	[tilespmem:$0x28C0] =	vst v1  }
0x1b: {  	[tilespmem:$0x28D0] =	vst v1  }
0x1c: {  	[tilespmem:$0x28E0] =	vst v1  }
0x1d: {  	[tilespmem:$0x28F0] =	vst v1  }
0x1e: {  	[tilespmem:$0x2900] =	vst v1  }
0x1f: {  	[tilespmem:$0x2910] =	vst v1  }
0x20: {  	[tilespmem:$0x2920] =	vst v1  }
0x21: {  	[tilespmem:$0x2930] =	vst v1  }
0x22: {  	[tilespmem:$0x2940] =	vst v1  }
0x23: {  	[tilespmem:$0x2950] =	vst v1  }
0x24: {  	[tilespmem:$0x2960] =	vst v1  }
0x25: {  	[tilespmem:$0x2970] =	vst v1  }
0x26: {  	[tilespmem:$0x2980] =	vst v1  }
0x27: {  	[tilespmem:$0x2990] =	vst v1  }
0x28: {  	[tilespmem:$0x29A0] =	vst v1  }
0x29: {  	[tilespmem:$0x29B0] =	vst v1  }
0x2a: {  	[tilespmem:$0x29C0] =	vst v1  }
0x2b: {  	[tilespmem:$0x29D0] =	vst v1  }
0x2c: {  	[tilespmem:$0x29E0] =	vst v1  }
0x2d: {  	[tilespmem:$0x29F0] =	vst v1  }
0x2e: {  	[tilespmem:$0x2A00] =	vst v1  }
0x2f: {  	[tilespmem:$0x2A10] =	vst v1  }
0x30: {  	[tilespmem:$0x2A20] =	vst v1  }
0x31: {  	[tilespmem:$0x2A30] =	vst v1  }
0x32: {  	[tilespmem:$0x2A40] =	vst v1  }
0x33: {  	[tilespmem:$0x2A50] =	vst v1  }
0x34: {  	[tilespmem:$0x2A60] =	vst v1  }
0x35: {  	[tilespmem:$0x2A70] =	vst v1  }
0x36: {  	[tilespmem:$0x2A80] =	vst v1  }
0x37: {  	[tilespmem:$0x2A90] =	vst v1  }
0x38: {  	[tilespmem:$0x2AA0] =	vst v1  }
0x39: {  	[tilespmem:$0x2AB0] =	vst v1  }
0x3a: {  	[tilespmem:$0x2AC0] =	vst v1  }
0x3b: {  	[tilespmem:$0x2AD0] =	vst v1  }
0x3c: {  	[tilespmem:$0x2AE0] =	vst v1  }
0x3d: {  	[tilespmem:$0x2AF0] =	vst v1  }
0x3e: {  	[spmem:s4] =	stream.linear.scatter [tilespmem:s8], [sflag:$0x1], $0x280, $0x38;
	[tilespmem:$0x2D80] =	vst v63  }
0x3f: {  	_ =	swait.ge [sflag:s9], $0x280  }
0x40: {  	[sflag:s9] =	ssyncset.done $0x0  }
0x41: {  	[sflag:s9] =	ssyncadd.s32 $0xFFFFFD80  }
0x42: {  	[bflag:$0x0] =	sbarrier.arrive $0xFFFF  }
0x43: {  	[tilespmem:s3], [sflag:$0x1] =	stream.linear.gather [hbm4b:s5+s3], $0x2780, $0x38;
	[tilespmem:$0x2D80] =	vst v63  }
0x44: {  	_ =	swait.ge [sflag:s9], $0x2780  }
0x45: {  	[sflag:s9] =	ssyncset.done $0x0  }
0x46: {  	s17 =	simm.s32 $0x0;
	[sflag:s9] =	ssyncadd.s32 $0xFFFFD880  }
0x47: {  	[spmem:s2] =	stream.indirect.scatter.add.f32 [tilespmem:s11], [sflag:$0x1], $0x1, s17, s10, $0xb8;
	[tilespmem:$0x2D80] =	vst v63  }
0x48: {  	_ =	swait.ge [sflag:s9], $0x80  }
0x49: {  	s17 =	simm.s32 $0x200;
	[sflag:s9] =	ssyncset.done $0x0  }
.LBB2_2:
0x4a: {  	s18 =	sshra.s32 s17, $0x2;
	[sflag:s9] =	ssyncadd.s32 $0xFFFFFF80;
	p0 =	sne.s32 s17, $0x9C00  }
0x4b: {  	[spmem:s2] =	stream.indirect.scatter.add.f32 [tilespmem:s11], [sflag:$0x1], $0x1, s18, s10, $0xb8;
	[tilespmem:$0x2D80] =	vst v63  }
.Ltmp0:
0x4c: {  	_ = 	snop;
	(pc) =	sbr.rel @p0 .LBB2_2-.Ltmp0, $4  }
0x4d: {  	_ = 	snop  }
0x4e: {  	s17 =	sadd.s32 $0x200, s17  }
0x4f: {  	_ =	swait.ge [sflag:s9], $0x80  }
0x50: {  	[sflag:s9] =	ssyncset.done $0x0  }
0x51: {  	s16 =	sadd.s32 $0x1, s16  }
0x52: {  	[sflag:s9] =	ssyncadd.s32 $0xFFFFFF80;
	p0 =	sne.s32 s16, s7  }
.Ltmp1:
0x53: {  	[bflag:$0x0] =	sbarrier.arrive $0xFFFF;
	(pc) =	sbr.rel @p0 .LBB2_1-.Ltmp1, $4  }
0x54: {  	[hbm:s6@s14], [sflag:s12] =	dma.strided [spmem:s13@s15], $0x50, s9, $0x10   }
0x55: {  	_ =	swait.ge [sflag:s9], $0x50  }
0x56: {  	[sflag:s9] =	ssyncset.done $0x0  }
0x57: {  	[sflag:s9] =	ssyncadd.s32 $0xFFFFFFB0  }
0x58: {  	_ =	sfence.sel $0x180000  }
0x59: {  	[bflag:$0x0] =	sbarrier.arrive $0xFFFF  }
0x5a: {  	p0 =	sne.s32 s1, $0x0;
	_ =	strace $0x90000047  }
0x5b: {  	s0 =	sadd.s32 @!p0 $0x100000, s0;
	[bflag:$0x2] =	sbarrier.arrive $0xFFFF  }
0x5c: {  	[sflag:s0] =	ssyncadd.tile.s32 @!p0 $0x1;
	_ =	shalt  }
.Lfunc_end2:
_tile_overlayer_lowered:
.L_overlay_start_2:
0x5d: {  	(tag) =	ssettag $0x2  }
0x5e: {  	s0 =	rddreg [dreg:$0x0];
	s2 =	stileid.u32  }
0x5f: {  	s1 =	rddreg [dreg:$0x1];
	p0 =	sne.s32 s2, $0x0  }
0x60: {  	s3 =	rddreg [dreg:$0x2];
	[bflag:$0x3] =	sbarrier.arrive $0xFFFF;
	s2 =	simm.s32 @!p0 $0x1C01  }
0x61: {  	[timem:s3], [sflag:s2] =	dma.local @!p0 [hbm:s0], s1  }
0x62: {  	s0 =	simm.s32 @!p0 $0x1  }
0x63: {  	_ =	swait.ge @!p0 [sflag:s0], s1  }
0x64: {  	s1 =	ssub.s32 @!p0 $0x0, s1;
	[sflag:s0] =	ssyncset.done @!p0 $0x0  }
0x65: {  	[sflag:s0] =	ssyncadd.s32 @!p0 s1  }
0x66: {  	[bflag:$0x3] =	sbarrier.arrive $0xFFFF  }
0x67: {  	_ =	shalt  }

// kernel: kernel.19.cloned.1.call-start
scs
__scs_entry_jumppad:
0x0: {  	(pc) =	sbr.rel $0x88, $3  }
0x1: {  	(tag) =	ssettag $0x0;
	lr =	simm.s32 $0x1  }
0x2: {  	[smem:$0x3F4E] =	sst lr;
	_ =	strace $0xD0000000  }
0x3: {  	_ = 	snop  }
0x4: {  	_ = 	snop  }
0x5: {  	_ = 	snop  }
0x6: {  	_ = 	snop  }
0x7: {  	_ = 	snop  }
__scs_overlays_trampoline_lowered:
0x8: {  	[smem:$0x3F5D] =	sst s0  }
0x9: {  	[smem:$0x3F5E] =	sst s1  }
0xa: {  	[smem:$0x3F5F] =	sst s2  }
0xb: {  	[smem:$0x3F60] =	sst s3  }
0xc: {  	[smem:$0x3F61] =	sst s4  }
0xd: {  	[smem:$0x3F62] =	sst s5  }
0xe: {  	[smem:$0x3F63] =	sst s6  }
0xf: {  	[smem:$0x3F64] =	sst s7  }
0x10: {  	[smem:$0x3F65] =	sst s8  }
0x11: {  	[smem:$0x3F66] =	sst s9;
	s0 =	simm.s32 @!p0 $0x0  }
0x12: {  	s1 =	sld [smem:$0x3F4C];
	s0 =	simm.s32 @p0 $0x1  }
0x13: {  	[smem:$0x3F67] =	sst s0;
	s0 =	simm.s32 @!p1 $0x0  }
0x14: {  	s2 =	sld [smem:$0x3F4B];
	s0 =	simm.s32 @p1 $0x1  }
0x15: {  	[smem:$0x3F68] =	sst s0;
	s0 =	simm.s32 @!p2 $0x0  }
0x16: {  	s3 =	sld [smem:$0x3FDB];
	s0 =	simm.s32 @p2 $0x1  }
0x17: {  	s4 =	simm.s32 $0x1BF5;
	[smem:$0x3F6A] =	sst s0  }
0x18: {  	s0 =	sld [smem:$0x3F4D];
	_ =	swait.ge [sflag:s4], $0x0  }
0x19: {  	s7 =	sld [smem:$0x3F4E]  }
0x1a: {  	s8 =	sadd.s32 $0xFFFFE003, lr  }
0x1b: {  	s9 =	sadd.s32 $0xFFFFFEF7, lr;
	s5 =	simm.s32 $0xFFFFFFFF;
	p2 =	slt.u32 s8, $0xFFFFF086  }
0x1c: {  	p1 =	slt.u32 s9, $0xF7A;
	s5 =	simm.s32 @!p2 $0x0  }
0x1d: {  	s5 =	simm.s32 @p1 $0x1;
	p0 =	seq.s32 s7, s2  }
0x1e: {  	s7 =	smul.u32 @!p0 $0xF7A, s2;
	p2 =	seq.s32 @!p0 s5, $0x0  }
0x1f: {  	s9 =	smul.u32 $0xF7A, s1;
	s8 =	simm.s32 @!p0 $0x1BF5;
	p2 =	por !p2, p0  }
0x20: {  	[sflag:s8] =	ssyncset.s32 @!p0 $0xFFFFF086;
	s6 =	sadd.s32 @!p0 s3, s7;
	s7 =	simm.s32 @!p0 $0x108  }
0x21: {  	s3 =	sadd.s32 s3, s9;
	s6 =	sadd.s32 @!p0 $0x88, s6;
	s7 =	simm.s32 @p2 $0x1082  }
0x22: {  	[simem:s7], [sflag:s8] =	dma.local @!p0 [hbm:s6], $0xF7A  }
0x23: {  	s9 =	sor.u32 $0xD0000000, s2;
	s6 =	simm.s32 $0x108;
	_ =	swait.ge @!p0 [sflag:s8], $0x0  }
0x24: {  	s3 =	sadd.s32 $0x88, s3;
	s6 =	simm.s32 @!p1 $0x1082;
	[sflag:s4] =	ssyncset.s32 $0xFFFFF086  }
0x25: {  	[simem:s6], [sflag:s4] =	dma.local [hbm:s3], $0xF7A  }
0x26: {  	[smem:$0x3F4E] =	sst s1;
	(tag) =	ssettag s2;
	_ =	strace s9  }
0x27: {  	s1 =	sld [smem:$0x3F5E]  }
0x28: {  	s2 =	sld [smem:$0x3F5F]  }
0x29: {  	s4 =	sld [smem:$0x3F61]  }
0x2a: {  	p0 =	seq.s32 s5, $0x0;
	s5 =	sld [smem:$0x3F62]  }
0x2b: {  	s6 =	sld [smem:$0x3F63]  }
0x2c: {  	s7 =	sld [smem:$0x3F64]  }
0x2d: {  	s3 =	simm.s32 $0x108;
	s8 =	sld [smem:$0x3F65]  }
0x2e: {  	s3 =	simm.s32 @!p0 $0x1082;
	s9 =	sld [smem:$0x3F66]  }
0x2f: {  	lr =	sadd.s32 s0, s3;
	s0 =	sld [smem:$0x3F5D]  }
0x30: {  	s3 =	sld [smem:$0x3F60]  }
0x31: {  	[smem:$0x3F69] =	sst s10  }
0x32: {  	s10 =	sld [smem:$0x3F67];
	_ =	sdelay $0x3  }
0x33: {  	p0 =	seq.s32 s10, $0x1;
	s10 =	sld [smem:$0x3F69];
	_ =	sdelay $0x3  }
0x34: {  	[smem:$0x3F69] =	sst s10  }
0x35: {  	s10 =	sld [smem:$0x3F68];
	_ =	sdelay $0x3  }
0x36: {  	p1 =	seq.s32 s10, $0x1;
	s10 =	sld [smem:$0x3F69];
	_ =	sdelay $0x3  }
0x37: {  	[smem:$0x3F69] =	sst s10  }
0x38: {  	s10 =	sld [smem:$0x3F6A]  }
0x39: {  	_ = 	snop;
	(pc) =	sbr.ind lr, $3  }
0x3a: {  	_ = 	snop  }
0x3b: {  	_ = 	snop  }
0x3c: {  	p2 =	seq.s32 s10, $0x1;
	s10 =	sld [smem:$0x3F69]  }
0x3d: {  	_ =	shalt  }
0x3e: {  	_ =	shalt  }
0x3f: {  	_ =	shalt  }
0x40: {  	_ =	shalt  }
0x41: {  	_ =	shalt  }
0x42: {  	_ =	shalt  }
0x43: {  	_ =	shalt  }
0x44: {  	_ =	shalt  }
0x45: {  	_ =	shalt  }
0x46: {  	_ =	shalt  }
0x47: {  	_ =	shalt  }
0x48: {  	_ =	shalt  }
0x49: {  	_ =	shalt  }
0x4a: {  	_ =	shalt  }
0x4b: {  	_ =	shalt  }
0x4c: {  	_ =	shalt  }
0x4d: {  	_ =	shalt  }
0x4e: {  	_ =	shalt  }
0x4f: {  	_ =	shalt  }
0x50: {  	_ =	shalt  }
0x51: {  	_ =	shalt  }
0x52: {  	_ =	shalt  }
0x53: {  	_ =	shalt  }
0x54: {  	_ =	shalt  }
0x55: {  	_ =	shalt  }
0x56: {  	_ =	shalt  }
0x57: {  	_ =	shalt  }
0x58: {  	_ =	shalt  }
0x59: {  	_ =	shalt  }
0x5a: {  	_ =	shalt  }
0x5b: {  	_ =	shalt  }
0x5c: {  	_ =	shalt  }
0x5d: {  	_ =	shalt  }
0x5e: {  	_ =	shalt  }
0x5f: {  	_ =	shalt  }
0x60: {  	_ =	shalt  }
0x61: {  	_ =	shalt  }
0x62: {  	_ =	shalt  }
0x63: {  	_ =	shalt  }
0x64: {  	_ =	shalt  }
0x65: {  	_ =	shalt  }
0x66: {  	_ =	shalt  }
0x67: {  	_ =	shalt  }
0x68: {  	_ =	shalt  }
0x69: {  	_ =	shalt  }
0x6a: {  	_ =	shalt  }
0x6b: {  	_ =	shalt  }
0x6c: {  	_ =	shalt  }
0x6d: {  	_ =	shalt  }
0x6e: {  	_ =	shalt  }
0x6f: {  	_ =	shalt  }
0x70: {  	_ =	shalt  }
0x71: {  	_ =	shalt  }
0x72: {  	_ =	shalt  }
0x73: {  	_ =	shalt  }
0x74: {  	_ =	shalt  }
0x75: {  	_ =	shalt  }
0x76: {  	_ =	shalt  }
0x77: {  	_ =	shalt  }
0x78: {  	_ =	shalt  }
0x79: {  	_ =	shalt  }
0x7a: {  	_ =	shalt  }
0x7b: {  	_ =	shalt  }
0x7c: {  	_ =	shalt  }
0x7d: {  	_ =	shalt  }
0x7e: {  	_ =	shalt  }
0x7f: {  	_ =	shalt  }
0x80: {  	_ =	shalt  }
0x81: {  	_ =	shalt  }
0x82: {  	_ =	shalt  }
0x83: {  	_ =	shalt  }
0x84: {  	_ =	shalt  }
0x85: {  	_ =	shalt  }
0x86: {  	_ =	shalt  }
0x87: {  	_ =	shalt  }
.Lfunc_end0:
.L_simem_size_0:
called_computation.1_lowered:
.L_overlay_start_0:
0x88: {  	s2 =	sld [smem:$0x3FD9]  }
0x89: {  	s3 =	sld [smem:$0x3FFE];
	_ =	sdelay $0x1  }
0x8a: {  	s1 =	srdreg.scid  }
0x8b: {  	s0 =	sand.u32 $0x1, s1  }
0x8c: {  	s16 =	sshll.u32 s0, $0xA;
	s2 =	sadd.s32 s3, s2  }
0x8d: {  	s2 =	sadd.s32 s2, s16  }
0x8e: {  	[smem:$0x3F75] =	sst s2  }
0x8f: {  	_ = 	snop  }
0x90: {  	(tm) =	ssettm $0x1  }
0x91: {  	s17 =	sld [smem:$0x3FFB];
	_ =	sdelay $0x3  }
0x92: {  	_ =	strace s17  }
0x93: {  	s2 =	sld [smem:$0x3FFC];
	_ =	sdelay $0x3  }
0x94: {  	_ =	strace s2  }
0x95: {  	s2 =	sld [smem:$0x3FFD];
	_ =	sdelay $0x3  }
0x96: {  	_ =	strace s2  }
0x97: {  	_ =	strace $0x8FFFFFFF  }
0x98: {  	s18 =	sld [smem:$0x3FDB];
	_ =	sdelay $0x1  }
0x99: {  	s19 =	simm.s32 $_scs_section_size  }
0x9a: {  	s4 =	simm.s32 $_size__tile_overlayer_lowered;
	s5 =	simm.s32 $_tile_overlayer_lowered  }
0x9b: {  	s22 =	simm.s32 $0x1BFF;
	s21 =	sshll.u32 s5, $0x1;
	s2 =	sadd.s32 s19, s18  }
0x9c: {  	s6 =	simm.s32 $0x0;
	s20 =	sshll.u32 s4, $0x1;
	s4 =	sadd.s32 s21, s2  }
0x9d: {  	[timem:s6], [sflag:s22] =	dma.local [hbm:s4], s20  }
0x9e: {  	_ =	swait.ge [sflag:s22], s20  }
0x9f: {  	s3 =	ssub.s32 $0x0, s20;
	[sflag:s22] =	ssyncset.done $0x0  }
0xa0: {  	[sflag:s22] =	ssyncadd.s32 s3;
	_ =	sdelay $0x1  }
0xa1: {  	s23 =	simm.s32 $0x1B8B  }
0xa2: {  	_ =	swait.ge [sflag:s23], $0x1  }
0xa3: {  	[sflag:s23] =	ssyncset.done $0x0  }
0xa4: {  	s25 =	simm.s32 $0x1B8E;
	s24 =	sld [smem:$0x3FFE];
	[sflag:s23] =	ssyncadd.s32 $0xFFFFFFFF  }
0xa5: {  	s26 =	simm.s32 $execute0_lowered;
	[smem:$0x3FD2] =	sst s25  }
0xa6: {  	s4 =	sshll.u32 s26, $0x1;
	_ =	strace $0x80000049;
	[dreg:$0x1] =	wrdreg $0xFFFFFFFF  }
0xa7: {  	s28 =	simm.s32 $_size_execute0_lowered;
	s2 =	sadd.s32 s2, s4;
	[dreg:$0x0] =	wrdreg $0x0  }
0xa8: {  	s4 =	sshll.u32 s28, $0x1;
	[dreg:$0x2] =	wrdreg s2  }
0xa9: {  	[dreg:$0x3] =	wrdreg s4  }
0xaa: {  	[dreg:$0x4] =	wrdreg $0xC0  }
0xab: {  	_ =	task [dreg:s6], $0x5FFFF  }
0xac: {  	[dreg:$0x1] =	wrdreg $0xFFFFFFFF  }
0xad: {  	[dreg:$0x0] =	wrdreg $0x60  }
0xae: {  	[dreg:$0x2] =	wrdreg s24  }
0xaf: {  	[dreg:$0x3] =	wrdreg $0x8F000  }
0xb0: {  	[dreg:$0x4] =	wrdreg $0x9  }
0xb1: {  	_ =	task.clear_ibuf [dreg:s6], $0x5FFFF;
	_ =	strace $0x90000049  }
0xb2: {  	s29 =	simm.s32 $0x9;
	_ =	strace $0x8000004B  }
0xb3: {  	_ =	swait.ge [sflag:s29], $0x1  }
0xb4: {  	[sflag:s29] =	ssyncadd.s32 $0xFFFFFFFF  }
0xb5: {  	_ =	strace $0x9000004B  }
0xb6: {  	_ =	sfence  }
0xb7: {  	s30 =	sld [smem:$0x0];
	_ =	sdelay $0x2  }
0xb8: {  	s31 =	sshll.u32 s1, $0xD;
	s1 =	sshrl.u32 s1, $0x2  }
0xb9: {  	s3 =	sand.u32 $0x4000, s31;
	s1 =	sadd.s32 s1, s30  }
0xba: {  	s0 =	sor.u32 s3, s0;
	s1 =	sshll.u32 s1, $0x11  }
0xbb: {  	s0 =	sor.u32 s1, s0  }
0xbc: {  	s0 =	sadd.s32 $0x8F2B, s0  }
0xbd: {  	[sflag:s0] =	ssyncadd.remote.s32 $0x1  }
0xbe: {  	_ =	sfence.sel $0xFFFF  }
0xbf: {  	[dreg:$0x0] =	wrdreg $0xFFFFFFFF;
	(pc) =	sbr.abs _section_cstart, $3  }
0xc0: {  	[dreg:$0x1] =	wrdreg $0xFFFFFFFF  }
0xc1: {  	_ =	task.clear_ibuf [dreg:s6], $0x2FFFF;
	_ =	strace $0x9FFFFFFF  }
0xc2: {  	(tm) =	ssettm $0x7FFFFFFF  }
0xc3: {  	_ =	shalt  }
tec
execute0_lowered:
.L_overlay_start_1:
0x0: {  	(tag) =	ssettag $0x1  }
0x1: {  	s0 =	srdreg.scid;
	s5 =	rddreg [dreg:$0x0]  }
0x2: {  	s21 =	stileid.u32;
	s2 =	rddreg [dreg:$0x1]  }
0x3: {  	s28 =	simm.s32 $0x1;
	s29 =	simm.s32 $0x0;
	s7 =	smul.u32 $0x50000, s21  }
0x4: {  	s1 =	sand.u32 $0x1, s0;
	s15 =	smul.u32 $0x14000, s21;
	s17 =	sadd.s32 $0x52A00, s5  }
0x5: {  	s3 =	sshll.u32 s1, $0x4;
	s16 =	smul.u32 $0x140000, s1;
	s1 =	ssub.s32 $0x2, s1  }
0x6: {  	s4 =	sor.u32 s21, s3;
	s3 =	simm.s32 $0x0;
	s22 =	sshrl.u32 s1, $0x1  }
0x7: {  	s23 =	sshrl.u32 s7, $0x2;
	s25 =	sadd.s32 $0x4000, s15;
	s21 =	sadd.s32 s15, s2  }
0x8: {  	s18 =	sadd.s32 $0x8000, s15;
	s20 =	sadd.s32 $0xC000, s15;
	s6 =	smul.u32 $0x4F0, s4  }
0x9: {  	[smem:$0x7FF] =	sst s3;
	s4 =	sadd.s32 $0x2AA00, s5;
	s1 =	ssub.s32 s1, s22  }
0xa: {  	s24 =	sadd.s32 s16, s15;
	s14 =	sadd.s32 s16, s25;
	s19 =	sadd.s32 s16, s18  }
0xb: {  	s22 =	sadd.s32 $0x10000, s15;
	s26 =	sadd.s32 s16, s20;
	s21 =	sshrl.u32 s21, $0x3  }
0xc: {  	_ =	strace $0x8000004A;
	s9 =	sshrl.u32 s24, $0x3;
	s14 =	sshrl.u32 s14, $0x3  }
0xd: {  	s19 =	sshrl.u32 s19, $0x3;
	s16 =	sadd.s32 s16, s22;
	s30 =	sshrl.u32 s26, $0x3  }
0xe: {  	s24 =	sadd.s32 s20, s2;
	s20 =	simm.s32 $0x2780;
	s26 =	simm.s32 $0x80  }
0xf: {  	s8 =	sadd.s32 s6, s5;
	s5 =	sadd.s32 s23, s2;
	s14 =	sadd.s32 s17, s14  }
0x10: {  	s15 =	sadd.s32 s17, s19;
	s23 =	sadd.s32 s18, s2;
	s31 =	sshrl.u32 s16, $0x3  }
0x11: {  	s16 =	sadd.s32 s17, s30;
	s18 =	simm.s32 $0x4F00;
	s19 =	simm.s32 $0x2  }
0x12: {  	s24 =	sshrl.u32 s24, $0x3;
	s6 =	sadd.s32 $0x20C00, s8;
	s7 =	sadd.s32 $0xC400, s8  }
0x13: {  	s8 =	sadd.s32 s17, s9;
	s9 =	smax.u32 s1, $0x1;
	s10 =	sadd.s32 $0x4000, s5  }
0x14: {  	s11 =	sadd.s32 $0x8000, s5;
	s12 =	sadd.s32 $0xC000, s5;
	s13 =	sadd.s32 $0x10000, s5  }
0x15: {  	s1 =	sadd.s32 s25, s2;
	s17 =	sadd.s32 s17, s31;
	s25 =	sadd.s32 s22, s2  }
0x16: {  	v0 =	vimm.f32 $0.0e+00;
	s23 =	sshrl.u32 s23, $0x3;
	s22 =	sshrl.u32 s1, $0x3;
	s25 =	sshrl.u32 s25, $0x3  }
.LBB2_1:
0x17: {  	s1 =	sand.u32 $0xFE00, s3  }
0x18: {  	s31 =	sand.u32 $0x70, s3;
	s1 =	sshrl.u32 s1, $0x2  }
0x19: {  	s30 =	simm.s32 $0x40;
	s1 =	sor.u32 s31, s1;
	s31 =	simm.s32 $0x0  }
.LBB2_2:
0x1a: {  	p0 =	sne.s32 s30, $0xFFC0  }
0x1b: {  	[tilespmem:s1+$0x4F00] =	vst v0;
	s31 =	sadd.s32 $0x10, s31;
	s1 =	smov.u32 s30;
	s30 =	sadd.s32 $0x40, s30  }
.Ltmp0:
0x1c: {  	(pc) =	sbr.rel @p0 .LBB2_2-.Ltmp0, $4  }
0x1d: {  	_ = 	snop  }
0x1e: {  	s1 =	sand.u32 $0xFE00, s1  }
0x1f: {  	s0 =	sand.u32 $0x70, s31;
	s1 =	sshrl.u32 s1, $0x2  }
0x20: {  	s1 =	sor.u32 s0, s1  }
0x21: {  	[tilespmem:s1+$0x4F00] =	vst v0  }
0x22: {  	[spmem:s5] =	stream.linear.scatter [tilespmem:s18], [sflag:$0x2], $0x4000, $0x38;
	[tilespmem:$0x1CF00] =	vst v63  }
0x23: {  	_ =	swait.ge [sflag:s19], $0x4000  }
0x24: {  	[sflag:s19] =	ssyncset.done $0x0  }
0x25: {  	[sflag:s19] =	ssyncadd.s32 $0xFFFFC000  }
0x26: {  	[spmem:s10] =	stream.linear.scatter [tilespmem:s18], [sflag:$0x2], $0x4000, $0x38;
	[tilespmem:$0x1CF00] =	vst v63  }
0x27: {  	_ =	swait.ge [sflag:s19], $0x4000  }
0x28: {  	[sflag:s19] =	ssyncset.done $0x0  }
0x29: {  	[sflag:s19] =	ssyncadd.s32 $0xFFFFC000  }
0x2a: {  	[spmem:s11] =	stream.linear.scatter [tilespmem:s18], [sflag:$0x2], $0x4000, $0x38;
	[tilespmem:$0x1CF00] =	vst v63  }
0x2b: {  	_ =	swait.ge [sflag:s19], $0x4000  }
0x2c: {  	[sflag:s19] =	ssyncset.done $0x0  }
0x2d: {  	[sflag:s19] =	ssyncadd.s32 $0xFFFFC000  }
0x2e: {  	[spmem:s12] =	stream.linear.scatter [tilespmem:s18], [sflag:$0x2], $0x4000, $0x38;
	[tilespmem:$0x1CF00] =	vst v63  }
0x2f: {  	_ =	swait.ge [sflag:s19], $0x4000  }
0x30: {  	[sflag:s19] =	ssyncset.done $0x0  }
0x31: {  	[sflag:s19] =	ssyncadd.s32 $0xFFFFC000  }
0x32: {  	[spmem:s13] =	stream.linear.scatter [tilespmem:s18], [sflag:$0x2], $0x4000, $0x38;
	[tilespmem:$0x1CF00] =	vst v63  }
0x33: {  	_ =	swait.ge [sflag:s19], $0x4000  }
0x34: {  	[sflag:s19] =	ssyncset.done $0x0  }
0x35: {  	[sflag:s19] =	ssyncadd.s32 $0xFFFFC000  }
0x36: {  	s0 =	simm.s32 $0x0;
	[bflag:$0x0] =	sbarrier.arrive $0xFFFF  }
0x37: {  	[tilespmem:s0], [sflag:$0x2] =	stream.linear.gather [hbm4b:s6+s0], $0x2780, $0x38;
	[tilespmem:$0x1CF00] =	vst v63  }
0x38: {  	_ =	swait.ge [sflag:s19], $0x2780  }
0x39: {  	[sflag:s19] =	ssyncset.done $0x0  }
0x3a: {  	[sflag:s19] =	ssyncadd.s32 $0xFFFFD880  }
0x3b: {  	[tilespmem:s20], [sflag:$0x2] =	stream.linear.gather [hbm4b:s7+s0], $0x2780, $0x38;
	[tilespmem:$0x1CF00] =	vst v63  }
0x3c: {  	_ =	swait.ge [sflag:s19], $0x2780  }
0x3d: {  	[sflag:s19] =	ssyncset.done $0x0  }
0x3e: {  	s1 =	simm.s32 $0x0;
	[sflag:s19] =	ssyncadd.s32 $0xFFFFD880  }
0x3f: {  	[tilespmem:s18], [sflag:$0x1] =	stream.indirect.gather [hbm4b:s4+s26], $0x80, s1, s26, $0xb8;
	[tilespmem:$0x1CF00] =	vst v63  }
0x40: {  	_ =	swait.ge [sflag:s28], $0x4000  }
0x41: {  	[sflag:s28] =	ssyncset.done $0x0  }
0x42: {  	s1 =	simm.s32 $0x2780;
	[sflag:s28] =	ssyncadd.s32 $0xFFFFC000  }
0x43: {  	[spmem:s2] =	stream.indirect.scatter.add.f32 [tilespmem:s18], [sflag:$0x2], $0x80, s1, s26, $0xb8;
	[tilespmem:$0x1CF00] =	vst v63  }
0x44: {  	_ =	swait.ge [sflag:s19], $0x4000  }
0x45: {  	s30 =	simm.s32 $0x200;
	s31 =	simm.s32 $0x400;
	[sflag:s19] =	ssyncset.done $0x0  }
.LBB2_4:
0x46: {  	s0 =	sshra.s32 s30, $0x2  }
0x47: {  	[sflag:s19] =	ssyncadd.s32 $0xFFFFC000;
	s30 =	smov.u32 s31;
	s1 =	sadd.s32 $0x200, s31  }
0x48: {  	[tilespmem:s18], [sflag:$0x1] =	stream.indirect.gather [hbm4b:s4+s26], $0x80, s0, s26, $0xb8;
	[tilespmem:$0x1CF00] =	vst v63  }
0x49: {  	p0 =	sne.s32 s31, $0x9C00;
	_ =	swait.ge [sflag:s28], $0x4000  }
.Ltmp1:
0x4a: {  	[sflag:s28] =	ssyncset.done $0x0;
	(pc) =	sbr.rel @p0 .LBB2_4-.Ltmp1, $4  }
0x4b: {  	s0 =	sadd.s32 $0x2780, s0;
	[sflag:s28] =	ssyncadd.s32 $0xFFFFC000  }
0x4c: {  	[spmem:s2] =	stream.indirect.scatter.add.f32 [tilespmem:s18], [sflag:$0x2], $0x80, s0, s26, $0xb8;
	[tilespmem:$0x1CF00] =	vst v63  }
0x4d: {  	_ =	swait.ge [sflag:s19], $0x4000  }
0x4e: {  	s31 =	smov.u32 s1;
	[sflag:s19] =	ssyncset.done $0x0  }
0x4f: {  	s0 =	sshra.s32 s30, $0x2;
	[sflag:s19] =	ssyncadd.s32 $0xFFFFC000  }
0x50: {  	[tilespmem:s18], [sflag:$0x1] =	stream.indirect.gather [hbm4b:s4+s26], $0x80, s0, s26, $0xb8;
	[tilespmem:$0x1CF00] =	vst v63  }
0x51: {  	_ =	swait.ge [sflag:s28], $0x4000  }
0x52: {  	[sflag:s28] =	ssyncset.done $0x0  }
0x53: {  	s0 =	sadd.s32 $0x2780, s0;
	[sflag:s28] =	ssyncadd.s32 $0xFFFFC000  }
0x54: {  	[spmem:s2] =	stream.indirect.scatter.add.f32 [tilespmem:s18], [sflag:$0x2], $0x80, s0, s26, $0xb8;
	[tilespmem:$0x1CF00] =	vst v63  }
0x55: {  	_ =	swait.ge [sflag:s19], $0x4000  }
0x56: {  	s31 =	stileid.u32;
	[sflag:s19] =	ssyncset.done $0x0  }
0x57: {  	s0 =	sshll.u32 s31, $0x6;
	[sflag:s19] =	ssyncadd.s32 $0xFFFFC000  }
0x58: {  	s0 =	sor.u32 $0x1C02, s0;
	[bflag:$0x0] =	sbarrier.arrive $0xFFFF  }
0x59: {  	[hbm:s8], [sflag:s0] =	dma.local [spmem:s21], $0x800  }
0x5a: {  	_ =	swait.ge [sflag:s19], $0x800  }
0x5b: {  	[sflag:s19] =	ssyncset.done $0x0  }
0x5c: {  	[sflag:s19] =	ssyncadd.s32 $0xFFFFF800  }
0x5d: {  	[hbm:s14], [sflag:s0] =	dma.local [spmem:s22], $0x800  }
0x5e: {  	_ =	swait.ge [sflag:s19], $0x800  }
0x5f: {  	[sflag:s19] =	ssyncset.done $0x0  }
0x60: {  	[sflag:s19] =	ssyncadd.s32 $0xFFFFF800  }
0x61: {  	[hbm:s15], [sflag:s0] =	dma.local [spmem:s23], $0x800  }
0x62: {  	_ =	swait.ge [sflag:s19], $0x800  }
0x63: {  	[sflag:s19] =	ssyncset.done $0x0  }
0x64: {  	[sflag:s19] =	ssyncadd.s32 $0xFFFFF800  }
0x65: {  	[hbm:s16], [sflag:s0] =	dma.local [spmem:s24], $0x800  }
0x66: {  	s29 =	sadd.s32 $0x1, s29;
	_ =	swait.ge [sflag:s19], $0x800  }
0x67: {  	p0 =	sne.s32 s29, s9;
	[sflag:s19] =	ssyncset.done $0x0  }
.Ltmp2:
0x68: {  	[sflag:s19] =	ssyncadd.s32 $0xFFFFF800;
	(pc) =	sbr.rel @p0 .LBB2_1-.Ltmp2, $4  }
0x69: {  	[hbm:s17], [sflag:s0] =	dma.local [spmem:s25], $0x800  }
0x6a: {  	_ =	swait.ge [sflag:s19], $0x800  }
0x6b: {  	[sflag:s19] =	ssyncset.done $0x0  }
0x6c: {  	[sflag:s19] =	ssyncadd.s32 $0xFFFFF800  }
0x6d: {  	_ =	sfence.sel $0x180000  }
0x6e: {  	[bflag:$0x0] =	sbarrier.arrive $0xFFFF  }
0x6f: {  	_ =	strace $0x9000004A  }
0x70: {  	s0 =	stileid.u32;
	[bflag:$0x2] =	sbarrier.arrive $0xFFFF  }
0x71: {  	p0 =	sne.s32 s0, $0x0;
	s0 =	rddreg [dreg:$0x2]  }
0x72: {  	s0 =	sadd.s32 @!p0 $0x100000, s0  }
0x73: {  	[sflag:s0] =	ssyncadd.tile.s32 @!p0 $0x1;
	_ =	shalt  }
.Lfunc_end2:
_tile_overlayer_lowered:
.L_overlay_start_2:
0x74: {  	(tag) =	ssettag $0x2  }
0x75: {  	s0 =	rddreg [dreg:$0x0];
	s2 =	stileid.u32  }
0x76: {  	s1 =	rddreg [dreg:$0x1];
	p0 =	sne.s32 s2, $0x0  }
0x77: {  	s3 =	rddreg [dreg:$0x2];
	[bflag:$0x3] =	sbarrier.arrive $0xFFFF;
	s2 =	simm.s32 @!p0 $0x1C02  }
0x78: {  	[timem:s3], [sflag:s2] =	dma.local @!p0 [hbm:s0], s1  }
0x79: {  	s0 =	simm.s32 @!p0 $0x2  }
0x7a: {  	_ =	swait.ge @!p0 [sflag:s0], s1  }
0x7b: {  	s1 =	ssub.s32 @!p0 $0x0, s1;
	[sflag:s0] =	ssyncset.done @!p0 $0x0  }
0x7c: {  	[sflag:s0] =	ssyncadd.s32 @!p0 s1  }
0x7d: {  	[bflag:$0x3] =	sbarrier.arrive $0xFFFF  }
0x7e: {  	_ =	shalt  }

// kernel: kernel.22.cloned.1.call-start
scs
__scs_entry_jumppad:
0x0: {  	(pc) =	sbr.rel $0x88, $3  }
0x1: {  	(tag) =	ssettag $0x0;
	lr =	simm.s32 $0x1  }
0x2: {  	[smem:$0x3F4E] =	sst lr;
	_ =	strace $0xD0000000  }
0x3: {  	_ = 	snop  }
0x4: {  	_ = 	snop  }
0x5: {  	_ = 	snop  }
0x6: {  	_ = 	snop  }
0x7: {  	_ = 	snop  }
__scs_overlays_trampoline_lowered:
0x8: {  	[smem:$0x3F5D] =	sst s0  }
0x9: {  	[smem:$0x3F5E] =	sst s1  }
0xa: {  	[smem:$0x3F5F] =	sst s2  }
0xb: {  	[smem:$0x3F60] =	sst s3  }
0xc: {  	[smem:$0x3F61] =	sst s4  }
0xd: {  	[smem:$0x3F62] =	sst s5  }
0xe: {  	[smem:$0x3F63] =	sst s6  }
0xf: {  	[smem:$0x3F64] =	sst s7  }
0x10: {  	[smem:$0x3F65] =	sst s8  }
0x11: {  	[smem:$0x3F66] =	sst s9;
	s0 =	simm.s32 @!p0 $0x0  }
0x12: {  	s1 =	sld [smem:$0x3F4C];
	s0 =	simm.s32 @p0 $0x1  }
0x13: {  	[smem:$0x3F67] =	sst s0;
	s0 =	simm.s32 @!p1 $0x0  }
0x14: {  	s2 =	sld [smem:$0x3F4B];
	s0 =	simm.s32 @p1 $0x1  }
0x15: {  	[smem:$0x3F68] =	sst s0;
	s0 =	simm.s32 @!p2 $0x0  }
0x16: {  	s3 =	sld [smem:$0x3FDB];
	s0 =	simm.s32 @p2 $0x1  }
0x17: {  	s4 =	simm.s32 $0x1BF5;
	[smem:$0x3F6A] =	sst s0  }
0x18: {  	s0 =	sld [smem:$0x3F4D];
	_ =	swait.ge [sflag:s4], $0x0  }
0x19: {  	s7 =	sld [smem:$0x3F4E]  }
0x1a: {  	s8 =	sadd.s32 $0xFFFFE003, lr  }
0x1b: {  	s9 =	sadd.s32 $0xFFFFFEF7, lr;
	s5 =	simm.s32 $0xFFFFFFFF;
	p2 =	slt.u32 s8, $0xFFFFF086  }
0x1c: {  	p1 =	slt.u32 s9, $0xF7A;
	s5 =	simm.s32 @!p2 $0x0  }
0x1d: {  	s5 =	simm.s32 @p1 $0x1;
	p0 =	seq.s32 s7, s2  }
0x1e: {  	s7 =	smul.u32 @!p0 $0xF7A, s2;
	p2 =	seq.s32 @!p0 s5, $0x0  }
0x1f: {  	s9 =	smul.u32 $0xF7A, s1;
	s8 =	simm.s32 @!p0 $0x1BF5;
	p2 =	por !p2, p0  }
0x20: {  	[sflag:s8] =	ssyncset.s32 @!p0 $0xFFFFF086;
	s6 =	sadd.s32 @!p0 s3, s7;
	s7 =	simm.s32 @!p0 $0x108  }
0x21: {  	s3 =	sadd.s32 s3, s9;
	s6 =	sadd.s32 @!p0 $0x88, s6;
	s7 =	simm.s32 @p2 $0x1082  }
0x22: {  	[simem:s7], [sflag:s8] =	dma.local @!p0 [hbm:s6], $0xF7A  }
0x23: {  	s9 =	sor.u32 $0xD0000000, s2;
	s6 =	simm.s32 $0x108;
	_ =	swait.ge @!p0 [sflag:s8], $0x0  }
0x24: {  	s3 =	sadd.s32 $0x88, s3;
	s6 =	simm.s32 @!p1 $0x1082;
	[sflag:s4] =	ssyncset.s32 $0xFFFFF086  }
0x25: {  	[simem:s6], [sflag:s4] =	dma.local [hbm:s3], $0xF7A  }
0x26: {  	[smem:$0x3F4E] =	sst s1;
	(tag) =	ssettag s2;
	_ =	strace s9  }
0x27: {  	s1 =	sld [smem:$0x3F5E]  }
0x28: {  	s2 =	sld [smem:$0x3F5F]  }
0x29: {  	s4 =	sld [smem:$0x3F61]  }
0x2a: {  	p0 =	seq.s32 s5, $0x0;
	s5 =	sld [smem:$0x3F62]  }
0x2b: {  	s6 =	sld [smem:$0x3F63]  }
0x2c: {  	s7 =	sld [smem:$0x3F64]  }
0x2d: {  	s3 =	simm.s32 $0x108;
	s8 =	sld [smem:$0x3F65]  }
0x2e: {  	s3 =	simm.s32 @!p0 $0x1082;
	s9 =	sld [smem:$0x3F66]  }
0x2f: {  	lr =	sadd.s32 s0, s3;
	s0 =	sld [smem:$0x3F5D]  }
0x30: {  	s3 =	sld [smem:$0x3F60]  }
0x31: {  	[smem:$0x3F69] =	sst s10  }
0x32: {  	s10 =	sld [smem:$0x3F67];
	_ =	sdelay $0x3  }
0x33: {  	p0 =	seq.s32 s10, $0x1;
	s10 =	sld [smem:$0x3F69];
	_ =	sdelay $0x3  }
0x34: {  	[smem:$0x3F69] =	sst s10  }
0x35: {  	s10 =	sld [smem:$0x3F68];
	_ =	sdelay $0x3  }
0x36: {  	p1 =	seq.s32 s10, $0x1;
	s10 =	sld [smem:$0x3F69];
	_ =	sdelay $0x3  }
0x37: {  	[smem:$0x3F69] =	sst s10  }
0x38: {  	s10 =	sld [smem:$0x3F6A]  }
0x39: {  	_ = 	snop;
	(pc) =	sbr.ind lr, $3  }
0x3a: {  	_ = 	snop  }
0x3b: {  	_ = 	snop  }
0x3c: {  	p2 =	seq.s32 s10, $0x1;
	s10 =	sld [smem:$0x3F69]  }
0x3d: {  	_ =	shalt  }
0x3e: {  	_ =	shalt  }
0x3f: {  	_ =	shalt  }
0x40: {  	_ =	shalt  }
0x41: {  	_ =	shalt  }
0x42: {  	_ =	shalt  }
0x43: {  	_ =	shalt  }
0x44: {  	_ =	shalt  }
0x45: {  	_ =	shalt  }
0x46: {  	_ =	shalt  }
0x47: {  	_ =	shalt  }
0x48: {  	_ =	shalt  }
0x49: {  	_ =	shalt  }
0x4a: {  	_ =	shalt  }
0x4b: {  	_ =	shalt  }
0x4c: {  	_ =	shalt  }
0x4d: {  	_ =	shalt  }
0x4e: {  	_ =	shalt  }
0x4f: {  	_ =	shalt  }
0x50: {  	_ =	shalt  }
0x51: {  	_ =	shalt  }
0x52: {  	_ =	shalt  }
0x53: {  	_ =	shalt  }
0x54: {  	_ =	shalt  }
0x55: {  	_ =	shalt  }
0x56: {  	_ =	shalt  }
0x57: {  	_ =	shalt  }
0x58: {  	_ =	shalt  }
0x59: {  	_ =	shalt  }
0x5a: {  	_ =	shalt  }
0x5b: {  	_ =	shalt  }
0x5c: {  	_ =	shalt  }
0x5d: {  	_ =	shalt  }
0x5e: {  	_ =	shalt  }
0x5f: {  	_ =	shalt  }
0x60: {  	_ =	shalt  }
0x61: {  	_ =	shalt  }
0x62: {  	_ =	shalt  }
0x63: {  	_ =	shalt  }
0x64: {  	_ =	shalt  }
0x65: {  	_ =	shalt  }
0x66: {  	_ =	shalt  }
0x67: {  	_ =	shalt  }
0x68: {  	_ =	shalt  }
0x69: {  	_ =	shalt  }
0x6a: {  	_ =	shalt  }
0x6b: {  	_ =	shalt  }
0x6c: {  	_ =	shalt  }
0x6d: {  	_ =	shalt  }
0x6e: {  	_ =	shalt  }
0x6f: {  	_ =	shalt  }
0x70: {  	_ =	shalt  }
0x71: {  	_ =	shalt  }
0x72: {  	_ =	shalt  }
0x73: {  	_ =	shalt  }
0x74: {  	_ =	shalt  }
0x75: {  	_ =	shalt  }
0x76: {  	_ =	shalt  }
0x77: {  	_ =	shalt  }
0x78: {  	_ =	shalt  }
0x79: {  	_ =	shalt  }
0x7a: {  	_ =	shalt  }
0x7b: {  	_ =	shalt  }
0x7c: {  	_ =	shalt  }
0x7d: {  	_ =	shalt  }
0x7e: {  	_ =	shalt  }
0x7f: {  	_ =	shalt  }
0x80: {  	_ =	shalt  }
0x81: {  	_ =	shalt  }
0x82: {  	_ =	shalt  }
0x83: {  	_ =	shalt  }
0x84: {  	_ =	shalt  }
0x85: {  	_ =	shalt  }
0x86: {  	_ =	shalt  }
0x87: {  	_ =	shalt  }
.Lfunc_end0:
.L_simem_size_0:
called_computation.2_lowered:
.L_overlay_start_0:
0x88: {  	s2 =	sld [smem:$0x3FD9]  }
0x89: {  	s3 =	sld [smem:$0x3FFE];
	_ =	sdelay $0x1  }
0x8a: {  	s1 =	srdreg.scid  }
0x8b: {  	s0 =	sand.u32 $0x1, s1  }
0x8c: {  	s16 =	sshll.u32 s0, $0xA;
	s2 =	sadd.s32 s3, s2  }
0x8d: {  	s2 =	sadd.s32 s2, s16  }
0x8e: {  	[smem:$0x3F75] =	sst s2  }
0x8f: {  	_ = 	snop  }
0x90: {  	(tm) =	ssettm $0x1  }
0x91: {  	s17 =	sld [smem:$0x3FFB];
	_ =	sdelay $0x3  }
0x92: {  	_ =	strace s17  }
0x93: {  	s2 =	sld [smem:$0x3FFC];
	_ =	sdelay $0x3  }
0x94: {  	_ =	strace s2  }
0x95: {  	s2 =	sld [smem:$0x3FFD];
	_ =	sdelay $0x3  }
0x96: {  	_ =	strace s2  }
0x97: {  	_ =	strace $0x8FFFFFFF  }
0x98: {  	s18 =	sld [smem:$0x3FDB];
	_ =	sdelay $0x1  }
0x99: {  	s19 =	simm.s32 $_scs_section_size  }
0x9a: {  	s4 =	simm.s32 $_size__tile_overlayer_lowered;
	s5 =	simm.s32 $_tile_overlayer_lowered  }
0x9b: {  	s22 =	simm.s32 $0x1BFF;
	s21 =	sshll.u32 s5, $0x1;
	s2 =	sadd.s32 s19, s18  }
0x9c: {  	s6 =	simm.s32 $0x0;
	s20 =	sshll.u32 s4, $0x1;
	s4 =	sadd.s32 s21, s2  }
0x9d: {  	[timem:s6], [sflag:s22] =	dma.local [hbm:s4], s20  }
0x9e: {  	_ =	swait.ge [sflag:s22], s20  }
0x9f: {  	s3 =	ssub.s32 $0x0, s20;
	[sflag:s22] =	ssyncset.done $0x0  }
0xa0: {  	[sflag:s22] =	ssyncadd.s32 s3;
	_ =	sdelay $0x1  }
0xa1: {  	s23 =	simm.s32 $0x1B8B  }
0xa2: {  	_ =	swait.ge [sflag:s23], $0x1  }
0xa3: {  	[sflag:s23] =	ssyncset.done $0x0  }
0xa4: {  	s25 =	simm.s32 $0x1B8E;
	s24 =	sld [smem:$0x3FFE];
	[sflag:s23] =	ssyncadd.s32 $0xFFFFFFFF  }
0xa5: {  	s26 =	simm.s32 $execute0_lowered;
	[smem:$0x3FD2] =	sst s25  }
0xa6: {  	s4 =	sshll.u32 s26, $0x1;
	_ =	strace $0x8000004C;
	[dreg:$0x1] =	wrdreg $0xFFFFFFFF  }
0xa7: {  	s28 =	simm.s32 $_size_execute0_lowered;
	s2 =	sadd.s32 s2, s4;
	[dreg:$0x0] =	wrdreg $0x0  }
0xa8: {  	s4 =	sshll.u32 s28, $0x1;
	[dreg:$0x2] =	wrdreg s2  }
0xa9: {  	[dreg:$0x3] =	wrdreg s4  }
0xaa: {  	[dreg:$0x4] =	wrdreg $0xC0  }
0xab: {  	_ =	task [dreg:s6], $0x5FFFF  }
0xac: {  	[dreg:$0x1] =	wrdreg $0xFFFFFFFF  }
0xad: {  	[dreg:$0x0] =	wrdreg $0x60  }
0xae: {  	[dreg:$0x2] =	wrdreg s24  }
0xaf: {  	[dreg:$0x3] =	wrdreg $0x57000  }
0xb0: {  	[dreg:$0x4] =	wrdreg $0x9  }
0xb1: {  	_ =	task.clear_ibuf [dreg:s6], $0x5FFFF;
	_ =	strace $0x9000004C  }
0xb2: {  	s29 =	simm.s32 $0x9;
	_ =	strace $0x8000004E  }
0xb3: {  	_ =	swait.ge [sflag:s29], $0x1  }
0xb4: {  	[sflag:s29] =	ssyncadd.s32 $0xFFFFFFFF  }
0xb5: {  	_ =	strace $0x9000004E  }
0xb6: {  	_ =	sfence  }
0xb7: {  	s30 =	sld [smem:$0x0];
	_ =	sdelay $0x2  }
0xb8: {  	s31 =	sshll.u32 s1, $0xD;
	s1 =	sshrl.u32 s1, $0x2  }
0xb9: {  	s3 =	sand.u32 $0x4000, s31;
	s1 =	sadd.s32 s1, s30  }
0xba: {  	s0 =	sor.u32 s3, s0;
	s1 =	sshll.u32 s1, $0x11  }
0xbb: {  	s0 =	sor.u32 s1, s0  }
0xbc: {  	s0 =	sadd.s32 $0x8F2B, s0  }
0xbd: {  	[sflag:s0] =	ssyncadd.remote.s32 $0x1  }
0xbe: {  	_ =	sfence.sel $0xFFFF  }
0xbf: {  	[dreg:$0x0] =	wrdreg $0xFFFFFFFF;
	(pc) =	sbr.abs _section_cstart, $3  }
0xc0: {  	[dreg:$0x1] =	wrdreg $0xFFFFFFFF  }
0xc1: {  	_ =	task.clear_ibuf [dreg:s6], $0x2FFFF;
	_ =	strace $0x9FFFFFFF  }
0xc2: {  	(tm) =	ssettm $0x7FFFFFFF  }
0xc3: {  	_ =	shalt  }
tec
execute0_lowered:
.L_overlay_start_1:
0x0: {  	(tag) =	ssettag $0x1  }
0x1: {  	s6 =	rddreg [dreg:$0x0]  }
0x2: {  	s0 =	srdreg.scid;
	s2 =	rddreg [dreg:$0x1]  }
0x3: {  	s3 =	simm.s32 $0x0;
	s5 =	sand.u32 $0x1, s0;
	s0 =	stileid.u32  }
0x4: {  	[smem:$0x7FF] =	sst s3;
	s4 =	sadd.s32 $0x16200, s6;
	s8 =	smul.u32 $0xA000, s0  }
0x5: {  	s18 =	sadd.s32 $0x2AA00, s6;
	s1 =	sshll.u32 s5, $0x4;
	s16 =	smul.u32 $0x28000, s5  }
0x6: {  	s17 =	smul.u32 $0x2800, s0;
	s5 =	ssub.s32 $0x2, s5;
	s1 =	sor.u32 s0, s1  }
0x7: {  	_ =	strace $0x8000004D;
	s23 =	sshrl.u32 s5, $0x1;
	s7 =	smul.u32 $0x4F0, s1  }
0x8: {  	s8 =	sshrl.u32 s8, $0x2;
	s9 =	sadd.s32 s16, s17;
	s10 =	ssub.s32 s5, s23  }
0x9: {  	s15 =	sadd.s32 $0x800, s17;
	s19 =	sadd.s32 $0x1000, s17;
	s21 =	sadd.s32 s17, s2  }
0xa: {  	s26 =	sadd.s32 $0x1800, s17;
	s5 =	sadd.s32 s8, s2;
	s24 =	sshrl.u32 s9, $0x3  }
0xb: {  	s9 =	smax.u32 s10, $0x1;
	s14 =	sadd.s32 s16, s15;
	s20 =	sadd.s32 s16, s19  }
0xc: {  	s22 =	sadd.s32 s15, s2;
	s23 =	sadd.s32 s16, s26;
	s26 =	sadd.s32 s26, s2  }
0xd: {  	s21 =	sshrl.u32 s21, $0x3;
	s7 =	sadd.s32 s7, s6;
	s8 =	sadd.s32 s18, s24  }
0xe: {  	s10 =	sadd.s32 $0x800, s5;
	s11 =	sadd.s32 $0x1000, s5;
	s12 =	sadd.s32 $0x1800, s5  }
0xf: {  	s13 =	sadd.s32 $0x2000, s5;
	s14 =	sshrl.u32 s14, $0x3;
	s25 =	sshrl.u32 s20, $0x3  }
0x10: {  	s24 =	sadd.s32 $0x2000, s17;
	s29 =	sshrl.u32 s23, $0x3;
	s20 =	simm.s32 $0x2780  }
0x11: {  	s22 =	sshrl.u32 s22, $0x3;
	s6 =	sadd.s32 $0x20C00, s7;
	s7 =	sadd.s32 $0xC400, s7  }
0x12: {  	s14 =	sadd.s32 s18, s14;
	s15 =	sadd.s32 s18, s25;
	s25 =	sadd.s32 s19, s2  }
0x13: {  	s30 =	sadd.s32 s16, s24;
	s16 =	sadd.s32 s18, s29;
	s28 =	sadd.s32 s24, s2  }
0x14: {  	s19 =	simm.s32 $0x2;
	s24 =	sshrl.u32 s26, $0x3;
	s26 =	simm.s32 $0x80  }
0x15: {  	s31 =	sshrl.u32 s30, $0x3;
	s23 =	sshrl.u32 s25, $0x3;
	s25 =	sshrl.u32 s28, $0x3  }
0x16: {  	v0 =	vimm.f32 $0.0e+00;
	s28 =	simm.s32 $0x1;
	s17 =	sadd.s32 s18, s31;
	s18 =	simm.s32 $0x4F00  }
.LBB2_1:
0x17: {  	s29 =	simm.s32 $0x40;
	s30 =	simm.s32 $0x0  }
.LBB2_2:
0x18: {  	p0 =	sne.s32 s29, $0x1FC0;
	[tilespmem:s30+$0x4F00] =	vst v0;
	s30 =	smov.u32 s29;
	s29 =	sadd.s32 $0x40, s29  }
.Ltmp0:
0x19: {  	(pc) =	sbr.rel @p0 .LBB2_2-.Ltmp0, $2  }
0x1a: {  	_ =	sdelay $0x2  }
0x1b: {  	s30 =	sshra.s32 s30, $0x2  }
0x1c: {  	[tilespmem:s30+$0x4F00] =	vst v0  }
0x1d: {  	[spmem:s5] =	stream.linear.scatter [tilespmem:s18], [sflag:$0x2], $0x800, $0x38;
	[tilespmem:$0x7F00] =	vst v63  }
0x1e: {  	_ =	swait.ge [sflag:s19], $0x800  }
0x1f: {  	[sflag:s19] =	ssyncset.done $0x0  }
0x20: {  	[sflag:s19] =	ssyncadd.s32 $0xFFFFF800  }
0x21: {  	[spmem:s10] =	stream.linear.scatter [tilespmem:s18], [sflag:$0x2], $0x800, $0x38;
	[tilespmem:$0x7F00] =	vst v63  }
0x22: {  	_ =	swait.ge [sflag:s19], $0x800  }
0x23: {  	[sflag:s19] =	ssyncset.done $0x0  }
0x24: {  	[sflag:s19] =	ssyncadd.s32 $0xFFFFF800  }
0x25: {  	[spmem:s11] =	stream.linear.scatter [tilespmem:s18], [sflag:$0x2], $0x800, $0x38;
	[tilespmem:$0x7F00] =	vst v63  }
0x26: {  	_ =	swait.ge [sflag:s19], $0x800  }
0x27: {  	[sflag:s19] =	ssyncset.done $0x0  }
0x28: {  	[sflag:s19] =	ssyncadd.s32 $0xFFFFF800  }
0x29: {  	[spmem:s12] =	stream.linear.scatter [tilespmem:s18], [sflag:$0x2], $0x800, $0x38;
	[tilespmem:$0x7F00] =	vst v63  }
0x2a: {  	_ =	swait.ge [sflag:s19], $0x800  }
0x2b: {  	[sflag:s19] =	ssyncset.done $0x0  }
0x2c: {  	[sflag:s19] =	ssyncadd.s32 $0xFFFFF800  }
0x2d: {  	[spmem:s13] =	stream.linear.scatter [tilespmem:s18], [sflag:$0x2], $0x800, $0x38;
	[tilespmem:$0x7F00] =	vst v63  }
0x2e: {  	_ =	swait.ge [sflag:s19], $0x800  }
0x2f: {  	[sflag:s19] =	ssyncset.done $0x0  }
0x30: {  	[sflag:s19] =	ssyncadd.s32 $0xFFFFF800  }
0x31: {  	s29 =	simm.s32 $0x0;
	[bflag:$0x0] =	sbarrier.arrive $0xFFFF  }
0x32: {  	[tilespmem:s29], [sflag:$0x2] =	stream.linear.gather [hbm4b:s6+s29], $0x2780, $0x38;
	[tilespmem:$0x7F00] =	vst v63  }
0x33: {  	_ =	swait.ge [sflag:s19], $0x2780  }
0x34: {  	[sflag:s19] =	ssyncset.done $0x0  }
0x35: {  	[sflag:s19] =	ssyncadd.s32 $0xFFFFD880  }
0x36: {  	[tilespmem:s20], [sflag:$0x2] =	stream.linear.gather [hbm4b:s7+s29], $0x2780, $0x38;
	[tilespmem:$0x7F00] =	vst v63  }
0x37: {  	_ =	swait.ge [sflag:s19], $0x2780  }
0x38: {  	[sflag:s19] =	ssyncset.done $0x0  }
0x39: {  	s29 =	simm.s32 $0x0;
	[sflag:s19] =	ssyncadd.s32 $0xFFFFD880  }
0x3a: {  	[tilespmem:s18], [sflag:$0x1] =	stream.indirect.gather [hbm4b:s4+s26], $0x10, s29, s26, $0xb8;
	[tilespmem:$0x7F00] =	vst v63  }
0x3b: {  	_ =	swait.ge [sflag:s28], $0x800  }
0x3c: {  	[sflag:s28] =	ssyncset.done $0x0  }
0x3d: {  	s29 =	simm.s32 $0x2780;
	[sflag:s28] =	ssyncadd.s32 $0xFFFFF800  }
0x3e: {  	[spmem:s2] =	stream.indirect.scatter.add.f32 [tilespmem:s18], [sflag:$0x2], $0x10, s29, s26, $0xb8;
	[tilespmem:$0x7F00] =	vst v63  }
0x3f: {  	_ =	swait.ge [sflag:s19], $0x800  }
0x40: {  	s30 =	simm.s32 $0x400;
	s29 =	simm.s32 $0x200;
	[sflag:s19] =	ssyncset.done $0x0  }
.LBB2_4:
0x41: {  	s31 =	sshra.s32 s29, $0x2  }
0x42: {  	[sflag:s19] =	ssyncadd.s32 $0xFFFFF800;
	s29 =	smov.u32 s30;
	s1 =	sadd.s32 $0x200, s30  }
0x43: {  	[tilespmem:s18], [sflag:$0x1] =	stream.indirect.gather [hbm4b:s4+s26], $0x10, s31, s26, $0xb8;
	[tilespmem:$0x7F00] =	vst v63  }
0x44: {  	p0 =	sne.s32 s30, $0x9C00;
	_ =	swait.ge [sflag:s28], $0x800  }
.Ltmp1:
0x45: {  	[sflag:s28] =	ssyncset.done $0x0;
	(pc) =	sbr.rel @p0 .LBB2_4-.Ltmp1, $4  }
0x46: {  	s30 =	sadd.s32 $0x2780, s31;
	[sflag:s28] =	ssyncadd.s32 $0xFFFFF800  }
0x47: {  	[spmem:s2] =	stream.indirect.scatter.add.f32 [tilespmem:s18], [sflag:$0x2], $0x10, s30, s26, $0xb8;
	[tilespmem:$0x7F00] =	vst v63  }
0x48: {  	_ =	swait.ge [sflag:s19], $0x800  }
0x49: {  	s30 =	smov.u32 s1;
	[sflag:s19] =	ssyncset.done $0x0  }
0x4a: {  	s1 =	sshra.s32 s29, $0x2;
	[sflag:s19] =	ssyncadd.s32 $0xFFFFF800  }
0x4b: {  	[tilespmem:s18], [sflag:$0x1] =	stream.indirect.gather [hbm4b:s4+s26], $0x10, s1, s26, $0xb8;
	[tilespmem:$0x7F00] =	vst v63  }
0x4c: {  	_ =	swait.ge [sflag:s28], $0x800  }
0x4d: {  	[sflag:s28] =	ssyncset.done $0x0  }
0x4e: {  	s1 =	sadd.s32 $0x2780, s1;
	[sflag:s28] =	ssyncadd.s32 $0xFFFFF800  }
0x4f: {  	[spmem:s2] =	stream.indirect.scatter.add.f32 [tilespmem:s18], [sflag:$0x2], $0x10, s1, s26, $0xb8;
	[tilespmem:$0x7F00] =	vst v63  }
0x50: {  	_ =	swait.ge [sflag:s19], $0x800  }
0x51: {  	[sflag:s19] =	ssyncset.done $0x0  }
0x52: {  	s31 =	sshll.u32 s0, $0x6;
	[sflag:s19] =	ssyncadd.s32 $0xFFFFF800  }
0x53: {  	s1 =	sor.u32 $0x1C02, s31;
	[bflag:$0x0] =	sbarrier.arrive $0xFFFF  }
0x54: {  	[hbm:s8], [sflag:s1] =	dma.local [spmem:s21], $0x100  }
0x55: {  	_ =	swait.ge [sflag:s19], $0x100  }
0x56: {  	[sflag:s19] =	ssyncset.done $0x0  }
0x57: {  	[sflag:s19] =	ssyncadd.s32 $0xFFFFFF00  }
0x58: {  	[hbm:s14], [sflag:s1] =	dma.local [spmem:s22], $0x100  }
0x59: {  	_ =	swait.ge [sflag:s19], $0x100  }
0x5a: {  	[sflag:s19] =	ssyncset.done $0x0  }
0x5b: {  	[sflag:s19] =	ssyncadd.s32 $0xFFFFFF00  }
0x5c: {  	[hbm:s15], [sflag:s1] =	dma.local [spmem:s23], $0x100  }
0x5d: {  	_ =	swait.ge [sflag:s19], $0x100  }
0x5e: {  	[sflag:s19] =	ssyncset.done $0x0  }
0x5f: {  	[sflag:s19] =	ssyncadd.s32 $0xFFFFFF00  }
0x60: {  	[hbm:s16], [sflag:s1] =	dma.local [spmem:s24], $0x100  }
0x61: {  	s3 =	sadd.s32 $0x1, s3;
	_ =	swait.ge [sflag:s19], $0x100  }
0x62: {  	p0 =	sne.s32 s3, s9;
	[sflag:s19] =	ssyncset.done $0x0  }
.Ltmp2:
0x63: {  	[sflag:s19] =	ssyncadd.s32 $0xFFFFFF00;
	(pc) =	sbr.rel @p0 .LBB2_1-.Ltmp2, $4  }
0x64: {  	[hbm:s17], [sflag:s1] =	dma.local [spmem:s25], $0x100  }
0x65: {  	_ =	swait.ge [sflag:s19], $0x100  }
0x66: {  	[sflag:s19] =	ssyncset.done $0x0  }
0x67: {  	[sflag:s19] =	ssyncadd.s32 $0xFFFFFF00  }
0x68: {  	_ =	sfence.sel $0x180000  }
0x69: {  	[bflag:$0x0] =	sbarrier.arrive $0xFFFF  }
0x6a: {  	_ =	strace $0x9000004D  }
0x6b: {  	[bflag:$0x2] =	sbarrier.arrive $0xFFFF  }
0x6c: {  	p0 =	sne.s32 s0, $0x0;
	s0 =	rddreg [dreg:$0x2]  }
0x6d: {  	s0 =	sadd.s32 @!p0 $0x100000, s0  }
0x6e: {  	[sflag:s0] =	ssyncadd.tile.s32 @!p0 $0x1;
	_ =	shalt  }
.Lfunc_end2:
_tile_overlayer_lowered:
.L_overlay_start_2:
0x6f: {  	(tag) =	ssettag $0x2  }
0x70: {  	s0 =	rddreg [dreg:$0x0];
	s2 =	stileid.u32  }
0x71: {  	s1 =	rddreg [dreg:$0x1];
	p0 =	sne.s32 s2, $0x0  }
0x72: {  	s3 =	rddreg [dreg:$0x2];
	[bflag:$0x3] =	sbarrier.arrive $0xFFFF;
	s2 =	simm.s32 @!p0 $0x1C02  }
0x73: {  	[timem:s3], [sflag:s2] =	dma.local @!p0 [hbm:s0], s1  }
0x74: {  	s0 =	simm.s32 @!p0 $0x2  }
0x75: {  	_ =	swait.ge @!p0 [sflag:s0], s1  }
0x76: {  	s1 =	ssub.s32 @!p0 $0x0, s1;
	[sflag:s0] =	ssyncset.done @!p0 $0x0  }
0x77: {  	[sflag:s0] =	ssyncadd.s32 @!p0 s1  }
0x78: {  	[bflag:$0x3] =	sbarrier.arrive $0xFFFF  }
0x79: {  	_ =	shalt  }

// kernel: kernel.25.cloned.1.call-start
scs
__scs_entry_jumppad:
0x0: {  	(pc) =	sbr.rel $0x88, $3  }
0x1: {  	(tag) =	ssettag $0x0;
	lr =	simm.s32 $0x1  }
0x2: {  	[smem:$0x3F4E] =	sst lr;
	_ =	strace $0xD0000000  }
0x3: {  	_ = 	snop  }
0x4: {  	_ = 	snop  }
0x5: {  	_ = 	snop  }
0x6: {  	_ = 	snop  }
0x7: {  	_ = 	snop  }
__scs_overlays_trampoline_lowered:
0x8: {  	[smem:$0x3F5D] =	sst s0  }
0x9: {  	[smem:$0x3F5E] =	sst s1  }
0xa: {  	[smem:$0x3F5F] =	sst s2  }
0xb: {  	[smem:$0x3F60] =	sst s3  }
0xc: {  	[smem:$0x3F61] =	sst s4  }
0xd: {  	[smem:$0x3F62] =	sst s5  }
0xe: {  	[smem:$0x3F63] =	sst s6  }
0xf: {  	[smem:$0x3F64] =	sst s7  }
0x10: {  	[smem:$0x3F65] =	sst s8  }
0x11: {  	[smem:$0x3F66] =	sst s9;
	s0 =	simm.s32 @!p0 $0x0  }
0x12: {  	s1 =	sld [smem:$0x3F4C];
	s0 =	simm.s32 @p0 $0x1  }
0x13: {  	[smem:$0x3F67] =	sst s0;
	s0 =	simm.s32 @!p1 $0x0  }
0x14: {  	s2 =	sld [smem:$0x3F4B];
	s0 =	simm.s32 @p1 $0x1  }
0x15: {  	[smem:$0x3F68] =	sst s0;
	s0 =	simm.s32 @!p2 $0x0  }
0x16: {  	s3 =	sld [smem:$0x3FDB];
	s0 =	simm.s32 @p2 $0x1  }
0x17: {  	s4 =	simm.s32 $0x1BF5;
	[smem:$0x3F6A] =	sst s0  }
0x18: {  	s0 =	sld [smem:$0x3F4D];
	_ =	swait.ge [sflag:s4], $0x0  }
0x19: {  	s7 =	sld [smem:$0x3F4E]  }
0x1a: {  	s8 =	sadd.s32 $0xFFFFE003, lr  }
0x1b: {  	s9 =	sadd.s32 $0xFFFFFEF7, lr;
	s5 =	simm.s32 $0xFFFFFFFF;
	p2 =	slt.u32 s8, $0xFFFFF086  }
0x1c: {  	p1 =	slt.u32 s9, $0xF7A;
	s5 =	simm.s32 @!p2 $0x0  }
0x1d: {  	s5 =	simm.s32 @p1 $0x1;
	p0 =	seq.s32 s7, s2  }
0x1e: {  	s7 =	smul.u32 @!p0 $0xF7A, s2;
	p2 =	seq.s32 @!p0 s5, $0x0  }
0x1f: {  	s9 =	smul.u32 $0xF7A, s1;
	s8 =	simm.s32 @!p0 $0x1BF5;
	p2 =	por !p2, p0  }
0x20: {  	[sflag:s8] =	ssyncset.s32 @!p0 $0xFFFFF086;
	s6 =	sadd.s32 @!p0 s3, s7;
	s7 =	simm.s32 @!p0 $0x108  }
0x21: {  	s3 =	sadd.s32 s3, s9;
	s6 =	sadd.s32 @!p0 $0x88, s6;
	s7 =	simm.s32 @p2 $0x1082  }
0x22: {  	[simem:s7], [sflag:s8] =	dma.local @!p0 [hbm:s6], $0xF7A  }
0x23: {  	s9 =	sor.u32 $0xD0000000, s2;
	s6 =	simm.s32 $0x108;
	_ =	swait.ge @!p0 [sflag:s8], $0x0  }
0x24: {  	s3 =	sadd.s32 $0x88, s3;
	s6 =	simm.s32 @!p1 $0x1082;
	[sflag:s4] =	ssyncset.s32 $0xFFFFF086  }
0x25: {  	[simem:s6], [sflag:s4] =	dma.local [hbm:s3], $0xF7A  }
0x26: {  	[smem:$0x3F4E] =	sst s1;
	(tag) =	ssettag s2;
	_ =	strace s9  }
0x27: {  	s1 =	sld [smem:$0x3F5E]  }
0x28: {  	s2 =	sld [smem:$0x3F5F]  }
0x29: {  	s4 =	sld [smem:$0x3F61]  }
0x2a: {  	p0 =	seq.s32 s5, $0x0;
	s5 =	sld [smem:$0x3F62]  }
0x2b: {  	s6 =	sld [smem:$0x3F63]  }
0x2c: {  	s7 =	sld [smem:$0x3F64]  }
0x2d: {  	s3 =	simm.s32 $0x108;
	s8 =	sld [smem:$0x3F65]  }
0x2e: {  	s3 =	simm.s32 @!p0 $0x1082;
	s9 =	sld [smem:$0x3F66]  }
0x2f: {  	lr =	sadd.s32 s0, s3;
	s0 =	sld [smem:$0x3F5D]  }
0x30: {  	s3 =	sld [smem:$0x3F60]  }
0x31: {  	[smem:$0x3F69] =	sst s10  }
0x32: {  	s10 =	sld [smem:$0x3F67];
	_ =	sdelay $0x3  }
0x33: {  	p0 =	seq.s32 s10, $0x1;
	s10 =	sld [smem:$0x3F69];
	_ =	sdelay $0x3  }
0x34: {  	[smem:$0x3F69] =	sst s10  }
0x35: {  	s10 =	sld [smem:$0x3F68];
	_ =	sdelay $0x3  }
0x36: {  	p1 =	seq.s32 s10, $0x1;
	s10 =	sld [smem:$0x3F69];
	_ =	sdelay $0x3  }
0x37: {  	[smem:$0x3F69] =	sst s10  }
0x38: {  	s10 =	sld [smem:$0x3F6A]  }
0x39: {  	_ = 	snop;
	(pc) =	sbr.ind lr, $3  }
0x3a: {  	_ = 	snop  }
0x3b: {  	_ = 	snop  }
0x3c: {  	p2 =	seq.s32 s10, $0x1;
	s10 =	sld [smem:$0x3F69]  }
0x3d: {  	_ =	shalt  }
0x3e: {  	_ =	shalt  }
0x3f: {  	_ =	shalt  }
0x40: {  	_ =	shalt  }
0x41: {  	_ =	shalt  }
0x42: {  	_ =	shalt  }
0x43: {  	_ =	shalt  }
0x44: {  	_ =	shalt  }
0x45: {  	_ =	shalt  }
0x46: {  	_ =	shalt  }
0x47: {  	_ =	shalt  }
0x48: {  	_ =	shalt  }
0x49: {  	_ =	shalt  }
0x4a: {  	_ =	shalt  }
0x4b: {  	_ =	shalt  }
0x4c: {  	_ =	shalt  }
0x4d: {  	_ =	shalt  }
0x4e: {  	_ =	shalt  }
0x4f: {  	_ =	shalt  }
0x50: {  	_ =	shalt  }
0x51: {  	_ =	shalt  }
0x52: {  	_ =	shalt  }
0x53: {  	_ =	shalt  }
0x54: {  	_ =	shalt  }
0x55: {  	_ =	shalt  }
0x56: {  	_ =	shalt  }
0x57: {  	_ =	shalt  }
0x58: {  	_ =	shalt  }
0x59: {  	_ =	shalt  }
0x5a: {  	_ =	shalt  }
0x5b: {  	_ =	shalt  }
0x5c: {  	_ =	shalt  }
0x5d: {  	_ =	shalt  }
0x5e: {  	_ =	shalt  }
0x5f: {  	_ =	shalt  }
0x60: {  	_ =	shalt  }
0x61: {  	_ =	shalt  }
0x62: {  	_ =	shalt  }
0x63: {  	_ =	shalt  }
0x64: {  	_ =	shalt  }
0x65: {  	_ =	shalt  }
0x66: {  	_ =	shalt  }
0x67: {  	_ =	shalt  }
0x68: {  	_ =	shalt  }
0x69: {  	_ =	shalt  }
0x6a: {  	_ =	shalt  }
0x6b: {  	_ =	shalt  }
0x6c: {  	_ =	shalt  }
0x6d: {  	_ =	shalt  }
0x6e: {  	_ =	shalt  }
0x6f: {  	_ =	shalt  }
0x70: {  	_ =	shalt  }
0x71: {  	_ =	shalt  }
0x72: {  	_ =	shalt  }
0x73: {  	_ =	shalt  }
0x74: {  	_ =	shalt  }
0x75: {  	_ =	shalt  }
0x76: {  	_ =	shalt  }
0x77: {  	_ =	shalt  }
0x78: {  	_ =	shalt  }
0x79: {  	_ =	shalt  }
0x7a: {  	_ =	shalt  }
0x7b: {  	_ =	shalt  }
0x7c: {  	_ =	shalt  }
0x7d: {  	_ =	shalt  }
0x7e: {  	_ =	shalt  }
0x7f: {  	_ =	shalt  }
0x80: {  	_ =	shalt  }
0x81: {  	_ =	shalt  }
0x82: {  	_ =	shalt  }
0x83: {  	_ =	shalt  }
0x84: {  	_ =	shalt  }
0x85: {  	_ =	shalt  }
0x86: {  	_ =	shalt  }
0x87: {  	_ =	shalt  }
.Lfunc_end0:
.L_simem_size_0:
called_computation.3_lowered:
.L_overlay_start_0:
0x88: {  	s2 =	sld [smem:$0x3FD9]  }
0x89: {  	s3 =	sld [smem:$0x3FFE];
	_ =	sdelay $0x1  }
0x8a: {  	s1 =	srdreg.scid  }
0x8b: {  	s0 =	sand.u32 $0x1, s1  }
0x8c: {  	s16 =	sshll.u32 s0, $0xA;
	s2 =	sadd.s32 s3, s2  }
0x8d: {  	s2 =	sadd.s32 s2, s16  }
0x8e: {  	[smem:$0x3F75] =	sst s2  }
0x8f: {  	_ = 	snop  }
0x90: {  	(tm) =	ssettm $0x1  }
0x91: {  	s17 =	sld [smem:$0x3FFB];
	_ =	sdelay $0x3  }
0x92: {  	_ =	strace s17  }
0x93: {  	s2 =	sld [smem:$0x3FFC];
	_ =	sdelay $0x3  }
0x94: {  	_ =	strace s2  }
0x95: {  	s2 =	sld [smem:$0x3FFD];
	_ =	sdelay $0x3  }
0x96: {  	_ =	strace s2  }
0x97: {  	_ =	strace $0x8FFFFFFF  }
0x98: {  	s18 =	sld [smem:$0x3FDB];
	_ =	sdelay $0x1  }
0x99: {  	s19 =	simm.s32 $_scs_section_size  }
0x9a: {  	s4 =	simm.s32 $_size__tile_overlayer_lowered;
	s5 =	simm.s32 $_tile_overlayer_lowered  }
0x9b: {  	s22 =	simm.s32 $0x1BFF;
	s21 =	sshll.u32 s5, $0x1;
	s2 =	sadd.s32 s19, s18  }
0x9c: {  	s6 =	simm.s32 $0x0;
	s20 =	sshll.u32 s4, $0x1;
	s4 =	sadd.s32 s21, s2  }
0x9d: {  	[timem:s6], [sflag:s22] =	dma.local [hbm:s4], s20  }
0x9e: {  	_ =	swait.ge [sflag:s22], s20  }
0x9f: {  	s3 =	ssub.s32 $0x0, s20;
	[sflag:s22] =	ssyncset.done $0x0  }
0xa0: {  	[sflag:s22] =	ssyncadd.s32 s3;
	_ =	sdelay $0x1  }
0xa1: {  	s23 =	simm.s32 $0x1B8B  }
0xa2: {  	_ =	swait.ge [sflag:s23], $0x1  }
0xa3: {  	[sflag:s23] =	ssyncset.done $0x0  }
0xa4: {  	s25 =	simm.s32 $0x1B8E;
	s24 =	sld [smem:$0x3FFE];
	[sflag:s23] =	ssyncadd.s32 $0xFFFFFFFF  }
0xa5: {  	s26 =	simm.s32 $execute0_lowered;
	[smem:$0x3FD2] =	sst s25  }
0xa6: {  	s4 =	sshll.u32 s26, $0x1;
	_ =	strace $0x8000004F;
	[dreg:$0x1] =	wrdreg $0xFFFFFFFF  }
0xa7: {  	s28 =	simm.s32 $_size_execute0_lowered;
	s2 =	sadd.s32 s2, s4;
	[dreg:$0x0] =	wrdreg $0x0  }
0xa8: {  	s4 =	sshll.u32 s28, $0x1;
	[dreg:$0x2] =	wrdreg s2  }
0xa9: {  	[dreg:$0x3] =	wrdreg s4  }
0xaa: {  	[dreg:$0x4] =	wrdreg $0xC0  }
0xab: {  	_ =	task [dreg:s6], $0x5FFFF  }
0xac: {  	[dreg:$0x1] =	wrdreg $0xFFFFFFFF  }
0xad: {  	[dreg:$0x0] =	wrdreg $0x60  }
0xae: {  	[dreg:$0x2] =	wrdreg s24  }
0xaf: {  	[dreg:$0x3] =	wrdreg $0x5F000  }
0xb0: {  	[dreg:$0x4] =	wrdreg $0x9  }
0xb1: {  	_ =	task.clear_ibuf [dreg:s6], $0x5FFFF;
	_ =	strace $0x9000004F  }
0xb2: {  	s29 =	simm.s32 $0x9;
	_ =	strace $0x80000051  }
0xb3: {  	_ =	swait.ge [sflag:s29], $0x1  }
0xb4: {  	[sflag:s29] =	ssyncadd.s32 $0xFFFFFFFF  }
0xb5: {  	_ =	strace $0x90000051  }
0xb6: {  	_ =	sfence  }
0xb7: {  	s30 =	sld [smem:$0x0];
	_ =	sdelay $0x2  }
0xb8: {  	s31 =	sshll.u32 s1, $0xD;
	s1 =	sshrl.u32 s1, $0x2  }
0xb9: {  	s3 =	sand.u32 $0x4000, s31;
	s1 =	sadd.s32 s1, s30  }
0xba: {  	s0 =	sor.u32 s3, s0;
	s1 =	sshll.u32 s1, $0x11  }
0xbb: {  	s0 =	sor.u32 s1, s0  }
0xbc: {  	s0 =	sadd.s32 $0x8F2B, s0  }
0xbd: {  	[sflag:s0] =	ssyncadd.remote.s32 $0x1  }
0xbe: {  	_ =	sfence.sel $0xFFFF  }
0xbf: {  	[dreg:$0x0] =	wrdreg $0xFFFFFFFF;
	(pc) =	sbr.abs _section_cstart, $3  }
0xc0: {  	[dreg:$0x1] =	wrdreg $0xFFFFFFFF  }
0xc1: {  	_ =	task.clear_ibuf [dreg:s6], $0x2FFFF;
	_ =	strace $0x9FFFFFFF  }
0xc2: {  	(tm) =	ssettm $0x7FFFFFFF  }
0xc3: {  	_ =	shalt  }
tec
execute0_lowered:
.L_overlay_start_1:
0x0: {  	(tag) =	ssettag $0x1  }
0x1: {  	s0 =	srdreg.scid;
	s5 =	rddreg [dreg:$0x0]  }
0x2: {  	s21 =	stileid.u32;
	s2 =	rddreg [dreg:$0x1]  }
0x3: {  	s28 =	simm.s32 $0x1;
	s29 =	simm.s32 $0x0;
	s7 =	smul.u32 $0x14000, s21  }
0x4: {  	s1 =	sand.u32 $0x1, s0;
	s15 =	smul.u32 $0x5000, s21;
	s17 =	sadd.s32 $0x2AA00, s5  }
0x5: {  	s3 =	sshll.u32 s1, $0x4;
	s16 =	smul.u32 $0x50000, s1;
	s1 =	ssub.s32 $0x2, s1  }
0x6: {  	s4 =	sor.u32 s21, s3;
	s3 =	simm.s32 $0x0;
	s22 =	sshrl.u32 s1, $0x1  }
0x7: {  	s23 =	sshrl.u32 s7, $0x2;
	s25 =	sadd.s32 $0x1000, s15;
	s21 =	sadd.s32 s15, s2  }
0x8: {  	s18 =	sadd.s32 $0x2000, s15;
	s20 =	sadd.s32 $0x3000, s15;
	s6 =	smul.u32 $0x4F0, s4  }
0x9: {  	[smem:$0x7FF] =	sst s3;
	s4 =	sadd.s32 $0x16200, s5;
	s1 =	ssub.s32 s1, s22  }
0xa: {  	s24 =	sadd.s32 s16, s15;
	s14 =	sadd.s32 s16, s25;
	s19 =	sadd.s32 s16, s18  }
0xb: {  	s22 =	sadd.s32 $0x4000, s15;
	s26 =	sadd.s32 s16, s20;
	s21 =	sshrl.u32 s21, $0x3  }
0xc: {  	_ =	strace $0x80000050;
	s9 =	sshrl.u32 s24, $0x3;
	s14 =	sshrl.u32 s14, $0x3  }
0xd: {  	s19 =	sshrl.u32 s19, $0x3;
	s16 =	sadd.s32 s16, s22;
	s30 =	sshrl.u32 s26, $0x3  }
0xe: {  	s24 =	sadd.s32 s20, s2;
	s20 =	simm.s32 $0x2780;
	s26 =	simm.s32 $0x80  }
0xf: {  	s8 =	sadd.s32 s6, s5;
	s5 =	sadd.s32 s23, s2;
	s14 =	sadd.s32 s17, s14  }
0x10: {  	s15 =	sadd.s32 s17, s19;
	s23 =	sadd.s32 s18, s2;
	s31 =	sshrl.u32 s16, $0x3  }
0x11: {  	s16 =	sadd.s32 s17, s30;
	s18 =	simm.s32 $0x4F00;
	s19 =	simm.s32 $0x2  }
0x12: {  	s24 =	sshrl.u32 s24, $0x3;
	s6 =	sadd.s32 $0x20C00, s8;
	s7 =	sadd.s32 $0xC400, s8  }
0x13: {  	s8 =	sadd.s32 s17, s9;
	s9 =	smax.u32 s1, $0x1;
	s10 =	sadd.s32 $0x1000, s5  }
0x14: {  	s11 =	sadd.s32 $0x2000, s5;
	s12 =	sadd.s32 $0x3000, s5;
	s13 =	sadd.s32 $0x4000, s5  }
0x15: {  	s1 =	sadd.s32 s25, s2;
	s17 =	sadd.s32 s17, s31;
	s25 =	sadd.s32 s22, s2  }
0x16: {  	v0 =	vimm.f32 $0.0e+00;
	s23 =	sshrl.u32 s23, $0x3;
	s22 =	sshrl.u32 s1, $0x3;
	s25 =	sshrl.u32 s25, $0x3  }
.LBB2_1:
0x17: {  	s1 =	sand.u32 $0x3F80, s3  }
0x18: {  	s31 =	sand.u32 $0x10, s3;
	s1 =	sshrl.u32 s1, $0x2  }
0x19: {  	s30 =	simm.s32 $0x40;
	s1 =	sor.u32 s31, s1;
	s31 =	simm.s32 $0x0  }
.LBB2_2:
0x1a: {  	p0 =	sne.s32 s30, $0x3FC0  }
0x1b: {  	[tilespmem:s1+$0x4F00] =	vst v0;
	s31 =	sadd.s32 $0x10, s31;
	s1 =	smov.u32 s30;
	s30 =	sadd.s32 $0x40, s30  }
.Ltmp0:
0x1c: {  	(pc) =	sbr.rel @p0 .LBB2_2-.Ltmp0, $4  }
0x1d: {  	_ = 	snop  }
0x1e: {  	s1 =	sand.u32 $0x3F80, s1  }
0x1f: {  	s0 =	sand.u32 $0x10, s31;
	s1 =	sshrl.u32 s1, $0x2  }
0x20: {  	s1 =	sor.u32 s0, s1  }
0x21: {  	[tilespmem:s1+$0x4F00] =	vst v0  }
0x22: {  	[spmem:s5] =	stream.linear.scatter [tilespmem:s18], [sflag:$0x2], $0x1000, $0x38;
	[tilespmem:$0xAF00] =	vst v63  }
0x23: {  	_ =	swait.ge [sflag:s19], $0x1000  }
0x24: {  	[sflag:s19] =	ssyncset.done $0x0  }
0x25: {  	[sflag:s19] =	ssyncadd.s32 $0xFFFFF000  }
0x26: {  	[spmem:s10] =	stream.linear.scatter [tilespmem:s18], [sflag:$0x2], $0x1000, $0x38;
	[tilespmem:$0xAF00] =	vst v63  }
0x27: {  	_ =	swait.ge [sflag:s19], $0x1000  }
0x28: {  	[sflag:s19] =	ssyncset.done $0x0  }
0x29: {  	[sflag:s19] =	ssyncadd.s32 $0xFFFFF000  }
0x2a: {  	[spmem:s11] =	stream.linear.scatter [tilespmem:s18], [sflag:$0x2], $0x1000, $0x38;
	[tilespmem:$0xAF00] =	vst v63  }
0x2b: {  	_ =	swait.ge [sflag:s19], $0x1000  }
0x2c: {  	[sflag:s19] =	ssyncset.done $0x0  }
0x2d: {  	[sflag:s19] =	ssyncadd.s32 $0xFFFFF000  }
0x2e: {  	[spmem:s12] =	stream.linear.scatter [tilespmem:s18], [sflag:$0x2], $0x1000, $0x38;
	[tilespmem:$0xAF00] =	vst v63  }
0x2f: {  	_ =	swait.ge [sflag:s19], $0x1000  }
0x30: {  	[sflag:s19] =	ssyncset.done $0x0  }
0x31: {  	[sflag:s19] =	ssyncadd.s32 $0xFFFFF000  }
0x32: {  	[spmem:s13] =	stream.linear.scatter [tilespmem:s18], [sflag:$0x2], $0x1000, $0x38;
	[tilespmem:$0xAF00] =	vst v63  }
0x33: {  	_ =	swait.ge [sflag:s19], $0x1000  }
0x34: {  	[sflag:s19] =	ssyncset.done $0x0  }
0x35: {  	[sflag:s19] =	ssyncadd.s32 $0xFFFFF000  }
0x36: {  	s0 =	simm.s32 $0x0;
	[bflag:$0x0] =	sbarrier.arrive $0xFFFF  }
0x37: {  	[tilespmem:s0], [sflag:$0x2] =	stream.linear.gather [hbm4b:s6+s0], $0x2780, $0x38;
	[tilespmem:$0xAF00] =	vst v63  }
0x38: {  	_ =	swait.ge [sflag:s19], $0x2780  }
0x39: {  	[sflag:s19] =	ssyncset.done $0x0  }
0x3a: {  	[sflag:s19] =	ssyncadd.s32 $0xFFFFD880  }
0x3b: {  	[tilespmem:s20], [sflag:$0x2] =	stream.linear.gather [hbm4b:s7+s0], $0x2780, $0x38;
	[tilespmem:$0xAF00] =	vst v63  }
0x3c: {  	_ =	swait.ge [sflag:s19], $0x2780  }
0x3d: {  	[sflag:s19] =	ssyncset.done $0x0  }
0x3e: {  	s1 =	simm.s32 $0x0;
	[sflag:s19] =	ssyncadd.s32 $0xFFFFD880  }
0x3f: {  	[tilespmem:s18], [sflag:$0x1] =	stream.indirect.gather [hbm4b:s4+s26], $0x20, s1, s26, $0xb8;
	[tilespmem:$0xAF00] =	vst v63  }
0x40: {  	_ =	swait.ge [sflag:s28], $0x1000  }
0x41: {  	[sflag:s28] =	ssyncset.done $0x0  }
0x42: {  	s1 =	simm.s32 $0x2780;
	[sflag:s28] =	ssyncadd.s32 $0xFFFFF000  }
0x43: {  	[spmem:s2] =	stream.indirect.scatter.add.f32 [tilespmem:s18], [sflag:$0x2], $0x20, s1, s26, $0xb8;
	[tilespmem:$0xAF00] =	vst v63  }
0x44: {  	_ =	swait.ge [sflag:s19], $0x1000  }
0x45: {  	s30 =	simm.s32 $0x200;
	s31 =	simm.s32 $0x400;
	[sflag:s19] =	ssyncset.done $0x0  }
.LBB2_4:
0x46: {  	s0 =	sshra.s32 s30, $0x2  }
0x47: {  	[sflag:s19] =	ssyncadd.s32 $0xFFFFF000;
	s30 =	smov.u32 s31;
	s1 =	sadd.s32 $0x200, s31  }
0x48: {  	[tilespmem:s18], [sflag:$0x1] =	stream.indirect.gather [hbm4b:s4+s26], $0x20, s0, s26, $0xb8;
	[tilespmem:$0xAF00] =	vst v63  }
0x49: {  	p0 =	sne.s32 s31, $0x9C00;
	_ =	swait.ge [sflag:s28], $0x1000  }
.Ltmp1:
0x4a: {  	[sflag:s28] =	ssyncset.done $0x0;
	(pc) =	sbr.rel @p0 .LBB2_4-.Ltmp1, $4  }
0x4b: {  	s0 =	sadd.s32 $0x2780, s0;
	[sflag:s28] =	ssyncadd.s32 $0xFFFFF000  }
0x4c: {  	[spmem:s2] =	stream.indirect.scatter.add.f32 [tilespmem:s18], [sflag:$0x2], $0x20, s0, s26, $0xb8;
	[tilespmem:$0xAF00] =	vst v63  }
0x4d: {  	_ =	swait.ge [sflag:s19], $0x1000  }
0x4e: {  	s31 =	smov.u32 s1;
	[sflag:s19] =	ssyncset.done $0x0  }
0x4f: {  	s0 =	sshra.s32 s30, $0x2;
	[sflag:s19] =	ssyncadd.s32 $0xFFFFF000  }
0x50: {  	[tilespmem:s18], [sflag:$0x1] =	stream.indirect.gather [hbm4b:s4+s26], $0x20, s0, s26, $0xb8;
	[tilespmem:$0xAF00] =	vst v63  }
0x51: {  	_ =	swait.ge [sflag:s28], $0x1000  }
0x52: {  	[sflag:s28] =	ssyncset.done $0x0  }
0x53: {  	s0 =	sadd.s32 $0x2780, s0;
	[sflag:s28] =	ssyncadd.s32 $0xFFFFF000  }
0x54: {  	[spmem:s2] =	stream.indirect.scatter.add.f32 [tilespmem:s18], [sflag:$0x2], $0x20, s0, s26, $0xb8;
	[tilespmem:$0xAF00] =	vst v63  }
0x55: {  	_ =	swait.ge [sflag:s19], $0x1000  }
0x56: {  	s31 =	stileid.u32;
	[sflag:s19] =	ssyncset.done $0x0  }
0x57: {  	s0 =	sshll.u32 s31, $0x6;
	[sflag:s19] =	ssyncadd.s32 $0xFFFFF000  }
0x58: {  	s0 =	sor.u32 $0x1C02, s0;
	[bflag:$0x0] =	sbarrier.arrive $0xFFFF  }
0x59: {  	[hbm:s8], [sflag:s0] =	dma.local [spmem:s21], $0x200  }
0x5a: {  	_ =	swait.ge [sflag:s19], $0x200  }
0x5b: {  	[sflag:s19] =	ssyncset.done $0x0  }
0x5c: {  	[sflag:s19] =	ssyncadd.s32 $0xFFFFFE00  }
0x5d: {  	[hbm:s14], [sflag:s0] =	dma.local [spmem:s22], $0x200  }
0x5e: {  	_ =	swait.ge [sflag:s19], $0x200  }
0x5f: {  	[sflag:s19] =	ssyncset.done $0x0  }
0x60: {  	[sflag:s19] =	ssyncadd.s32 $0xFFFFFE00  }
0x61: {  	[hbm:s15], [sflag:s0] =	dma.local [spmem:s23], $0x200  }
0x62: {  	_ =	swait.ge [sflag:s19], $0x200  }
0x63: {  	[sflag:s19] =	ssyncset.done $0x0  }
0x64: {  	[sflag:s19] =	ssyncadd.s32 $0xFFFFFE00  }
0x65: {  	[hbm:s16], [sflag:s0] =	dma.local [spmem:s24], $0x200  }
0x66: {  	s29 =	sadd.s32 $0x1, s29;
	_ =	swait.ge [sflag:s19], $0x200  }
0x67: {  	p0 =	sne.s32 s29, s9;
	[sflag:s19] =	ssyncset.done $0x0  }
.Ltmp2:
0x68: {  	[sflag:s19] =	ssyncadd.s32 $0xFFFFFE00;
	(pc) =	sbr.rel @p0 .LBB2_1-.Ltmp2, $4  }
0x69: {  	[hbm:s17], [sflag:s0] =	dma.local [spmem:s25], $0x200  }
0x6a: {  	_ =	swait.ge [sflag:s19], $0x200  }
0x6b: {  	[sflag:s19] =	ssyncset.done $0x0  }
0x6c: {  	[sflag:s19] =	ssyncadd.s32 $0xFFFFFE00  }
0x6d: {  	_ =	sfence.sel $0x180000  }
0x6e: {  	[bflag:$0x0] =	sbarrier.arrive $0xFFFF  }
0x6f: {  	_ =	strace $0x90000050  }
0x70: {  	s0 =	stileid.u32;
	[bflag:$0x2] =	sbarrier.arrive $0xFFFF  }
0x71: {  	p0 =	sne.s32 s0, $0x0;
	s0 =	rddreg [dreg:$0x2]  }
0x72: {  	s0 =	sadd.s32 @!p0 $0x100000, s0  }
0x73: {  	[sflag:s0] =	ssyncadd.tile.s32 @!p0 $0x1;
	_ =	shalt  }
.Lfunc_end2:
_tile_overlayer_lowered:
.L_overlay_start_2:
0x74: {  	(tag) =	ssettag $0x2  }
0x75: {  	s0 =	rddreg [dreg:$0x0];
	s2 =	stileid.u32  }
0x76: {  	s1 =	rddreg [dreg:$0x1];
	p0 =	sne.s32 s2, $0x0  }
0x77: {  	s3 =	rddreg [dreg:$0x2];
	[bflag:$0x3] =	sbarrier.arrive $0xFFFF;
	s2 =	simm.s32 @!p0 $0x1C02  }
0x78: {  	[timem:s3], [sflag:s2] =	dma.local @!p0 [hbm:s0], s1  }
0x79: {  	s0 =	simm.s32 @!p0 $0x2  }
0x7a: {  	_ =	swait.ge @!p0 [sflag:s0], s1  }
0x7b: {  	s1 =	ssub.s32 @!p0 $0x0, s1;
	[sflag:s0] =	ssyncset.done @!p0 $0x0  }
0x7c: {  	[sflag:s0] =	ssyncadd.s32 @!p0 s1  }
0x7d: {  	[bflag:$0x3] =	sbarrier.arrive $0xFFFF  }
0x7e: {  	_ =	shalt  }

// kernel: kernel.28.cloned.1.call-start
scs
__scs_entry_jumppad:
0x0: {  	(pc) =	sbr.rel $0x88, $3  }
0x1: {  	(tag) =	ssettag $0x0;
	lr =	simm.s32 $0x1  }
0x2: {  	[smem:$0x3F4E] =	sst lr;
	_ =	strace $0xD0000000  }
0x3: {  	_ = 	snop  }
0x4: {  	_ = 	snop  }
0x5: {  	_ = 	snop  }
0x6: {  	_ = 	snop  }
0x7: {  	_ = 	snop  }
__scs_overlays_trampoline_lowered:
0x8: {  	[smem:$0x3F5D] =	sst s0  }
0x9: {  	[smem:$0x3F5E] =	sst s1  }
0xa: {  	[smem:$0x3F5F] =	sst s2  }
0xb: {  	[smem:$0x3F60] =	sst s3  }
0xc: {  	[smem:$0x3F61] =	sst s4  }
0xd: {  	[smem:$0x3F62] =	sst s5  }
0xe: {  	[smem:$0x3F63] =	sst s6  }
0xf: {  	[smem:$0x3F64] =	sst s7  }
0x10: {  	[smem:$0x3F65] =	sst s8  }
0x11: {  	[smem:$0x3F66] =	sst s9;
	s0 =	simm.s32 @!p0 $0x0  }
0x12: {  	s1 =	sld [smem:$0x3F4C];
	s0 =	simm.s32 @p0 $0x1  }
0x13: {  	[smem:$0x3F67] =	sst s0;
	s0 =	simm.s32 @!p1 $0x0  }
0x14: {  	s2 =	sld [smem:$0x3F4B];
	s0 =	simm.s32 @p1 $0x1  }
0x15: {  	[smem:$0x3F68] =	sst s0;
	s0 =	simm.s32 @!p2 $0x0  }
0x16: {  	s3 =	sld [smem:$0x3FDB];
	s0 =	simm.s32 @p2 $0x1  }
0x17: {  	s4 =	simm.s32 $0x1BF5;
	[smem:$0x3F6A] =	sst s0  }
0x18: {  	s0 =	sld [smem:$0x3F4D];
	_ =	swait.ge [sflag:s4], $0x0  }
0x19: {  	s7 =	sld [smem:$0x3F4E]  }
0x1a: {  	s8 =	sadd.s32 $0xFFFFE003, lr  }
0x1b: {  	s9 =	sadd.s32 $0xFFFFFEF7, lr;
	s5 =	simm.s32 $0xFFFFFFFF;
	p2 =	slt.u32 s8, $0xFFFFF086  }
0x1c: {  	p1 =	slt.u32 s9, $0xF7A;
	s5 =	simm.s32 @!p2 $0x0  }
0x1d: {  	s5 =	simm.s32 @p1 $0x1;
	p0 =	seq.s32 s7, s2  }
0x1e: {  	s7 =	smul.u32 @!p0 $0xF7A, s2;
	p2 =	seq.s32 @!p0 s5, $0x0  }
0x1f: {  	s9 =	smul.u32 $0xF7A, s1;
	s8 =	simm.s32 @!p0 $0x1BF5;
	p2 =	por !p2, p0  }
0x20: {  	[sflag:s8] =	ssyncset.s32 @!p0 $0xFFFFF086;
	s6 =	sadd.s32 @!p0 s3, s7;
	s7 =	simm.s32 @!p0 $0x108  }
0x21: {  	s3 =	sadd.s32 s3, s9;
	s6 =	sadd.s32 @!p0 $0x88, s6;
	s7 =	simm.s32 @p2 $0x1082  }
0x22: {  	[simem:s7], [sflag:s8] =	dma.local @!p0 [hbm:s6], $0xF7A  }
0x23: {  	s9 =	sor.u32 $0xD0000000, s2;
	s6 =	simm.s32 $0x108;
	_ =	swait.ge @!p0 [sflag:s8], $0x0  }
0x24: {  	s3 =	sadd.s32 $0x88, s3;
	s6 =	simm.s32 @!p1 $0x1082;
	[sflag:s4] =	ssyncset.s32 $0xFFFFF086  }
0x25: {  	[simem:s6], [sflag:s4] =	dma.local [hbm:s3], $0xF7A  }
0x26: {  	[smem:$0x3F4E] =	sst s1;
	(tag) =	ssettag s2;
	_ =	strace s9  }
0x27: {  	s1 =	sld [smem:$0x3F5E]  }
0x28: {  	s2 =	sld [smem:$0x3F5F]  }
0x29: {  	s4 =	sld [smem:$0x3F61]  }
0x2a: {  	p0 =	seq.s32 s5, $0x0;
	s5 =	sld [smem:$0x3F62]  }
0x2b: {  	s6 =	sld [smem:$0x3F63]  }
0x2c: {  	s7 =	sld [smem:$0x3F64]  }
0x2d: {  	s3 =	simm.s32 $0x108;
	s8 =	sld [smem:$0x3F65]  }
0x2e: {  	s3 =	simm.s32 @!p0 $0x1082;
	s9 =	sld [smem:$0x3F66]  }
0x2f: {  	lr =	sadd.s32 s0, s3;
	s0 =	sld [smem:$0x3F5D]  }
0x30: {  	s3 =	sld [smem:$0x3F60]  }
0x31: {  	[smem:$0x3F69] =	sst s10  }
0x32: {  	s10 =	sld [smem:$0x3F67];
	_ =	sdelay $0x3  }
0x33: {  	p0 =	seq.s32 s10, $0x1;
	s10 =	sld [smem:$0x3F69];
	_ =	sdelay $0x3  }
0x34: {  	[smem:$0x3F69] =	sst s10  }
0x35: {  	s10 =	sld [smem:$0x3F68];
	_ =	sdelay $0x3  }
0x36: {  	p1 =	seq.s32 s10, $0x1;
	s10 =	sld [smem:$0x3F69];
	_ =	sdelay $0x3  }
0x37: {  	[smem:$0x3F69] =	sst s10  }
0x38: {  	s10 =	sld [smem:$0x3F6A]  }
0x39: {  	_ = 	snop;
	(pc) =	sbr.ind lr, $3  }
0x3a: {  	_ = 	snop  }
0x3b: {  	_ = 	snop  }
0x3c: {  	p2 =	seq.s32 s10, $0x1;
	s10 =	sld [smem:$0x3F69]  }
0x3d: {  	_ =	shalt  }
0x3e: {  	_ =	shalt  }
0x3f: {  	_ =	shalt  }
0x40: {  	_ =	shalt  }
0x41: {  	_ =	shalt  }
0x42: {  	_ =	shalt  }
0x43: {  	_ =	shalt  }
0x44: {  	_ =	shalt  }
0x45: {  	_ =	shalt  }
0x46: {  	_ =	shalt  }
0x47: {  	_ =	shalt  }
0x48: {  	_ =	shalt  }
0x49: {  	_ =	shalt  }
0x4a: {  	_ =	shalt  }
0x4b: {  	_ =	shalt  }
0x4c: {  	_ =	shalt  }
0x4d: {  	_ =	shalt  }
0x4e: {  	_ =	shalt  }
0x4f: {  	_ =	shalt  }
0x50: {  	_ =	shalt  }
0x51: {  	_ =	shalt  }
0x52: {  	_ =	shalt  }
0x53: {  	_ =	shalt  }
0x54: {  	_ =	shalt  }
0x55: {  	_ =	shalt  }
0x56: {  	_ =	shalt  }
0x57: {  	_ =	shalt  }
0x58: {  	_ =	shalt  }
0x59: {  	_ =	shalt  }
0x5a: {  	_ =	shalt  }
0x5b: {  	_ =	shalt  }
0x5c: {  	_ =	shalt  }
0x5d: {  	_ =	shalt  }
0x5e: {  	_ =	shalt  }
0x5f: {  	_ =	shalt  }
0x60: {  	_ =	shalt  }
0x61: {  	_ =	shalt  }
0x62: {  	_ =	shalt  }
0x63: {  	_ =	shalt  }
0x64: {  	_ =	shalt  }
0x65: {  	_ =	shalt  }
0x66: {  	_ =	shalt  }
0x67: {  	_ =	shalt  }
0x68: {  	_ =	shalt  }
0x69: {  	_ =	shalt  }
0x6a: {  	_ =	shalt  }
0x6b: {  	_ =	shalt  }
0x6c: {  	_ =	shalt  }
0x6d: {  	_ =	shalt  }
0x6e: {  	_ =	shalt  }
0x6f: {  	_ =	shalt  }
0x70: {  	_ =	shalt  }
0x71: {  	_ =	shalt  }
0x72: {  	_ =	shalt  }
0x73: {  	_ =	shalt  }
0x74: {  	_ =	shalt  }
0x75: {  	_ =	shalt  }
0x76: {  	_ =	shalt  }
0x77: {  	_ =	shalt  }
0x78: {  	_ =	shalt  }
0x79: {  	_ =	shalt  }
0x7a: {  	_ =	shalt  }
0x7b: {  	_ =	shalt  }
0x7c: {  	_ =	shalt  }
0x7d: {  	_ =	shalt  }
0x7e: {  	_ =	shalt  }
0x7f: {  	_ =	shalt  }
0x80: {  	_ =	shalt  }
0x81: {  	_ =	shalt  }
0x82: {  	_ =	shalt  }
0x83: {  	_ =	shalt  }
0x84: {  	_ =	shalt  }
0x85: {  	_ =	shalt  }
0x86: {  	_ =	shalt  }
0x87: {  	_ =	shalt  }
.Lfunc_end0:
.L_simem_size_0:
called_computation.4_lowered:
.L_overlay_start_0:
0x88: {  	s2 =	sld [smem:$0x3FD9]  }
0x89: {  	s3 =	sld [smem:$0x3FFE];
	_ =	sdelay $0x1  }
0x8a: {  	s1 =	srdreg.scid  }
0x8b: {  	s0 =	sand.u32 $0x1, s1  }
0x8c: {  	s16 =	sshll.u32 s0, $0xA;
	s2 =	sadd.s32 s3, s2  }
0x8d: {  	s2 =	sadd.s32 s2, s16  }
0x8e: {  	[smem:$0x3F75] =	sst s2  }
0x8f: {  	_ = 	snop  }
0x90: {  	(tm) =	ssettm $0x1  }
0x91: {  	s17 =	sld [smem:$0x3FFB];
	_ =	sdelay $0x3  }
0x92: {  	_ =	strace s17  }
0x93: {  	s2 =	sld [smem:$0x3FFC];
	_ =	sdelay $0x3  }
0x94: {  	_ =	strace s2  }
0x95: {  	s2 =	sld [smem:$0x3FFD];
	_ =	sdelay $0x3  }
0x96: {  	_ =	strace s2  }
0x97: {  	_ =	strace $0x8FFFFFFF  }
0x98: {  	s18 =	sld [smem:$0x3FDB];
	_ =	sdelay $0x1  }
0x99: {  	s19 =	simm.s32 $_scs_section_size  }
0x9a: {  	s4 =	simm.s32 $_size__tile_overlayer_lowered;
	s5 =	simm.s32 $_tile_overlayer_lowered  }
0x9b: {  	s22 =	simm.s32 $0x1BFF;
	s21 =	sshll.u32 s5, $0x1;
	s2 =	sadd.s32 s19, s18  }
0x9c: {  	s6 =	simm.s32 $0x0;
	s20 =	sshll.u32 s4, $0x1;
	s4 =	sadd.s32 s21, s2  }
0x9d: {  	[timem:s6], [sflag:s22] =	dma.local [hbm:s4], s20  }
0x9e: {  	_ =	swait.ge [sflag:s22], s20  }
0x9f: {  	s3 =	ssub.s32 $0x0, s20;
	[sflag:s22] =	ssyncset.done $0x0  }
0xa0: {  	[sflag:s22] =	ssyncadd.s32 s3;
	_ =	sdelay $0x1  }
0xa1: {  	s23 =	simm.s32 $0x1B8B  }
0xa2: {  	_ =	swait.ge [sflag:s23], $0x1  }
0xa3: {  	[sflag:s23] =	ssyncset.done $0x0  }
0xa4: {  	s25 =	simm.s32 $0x1B8E;
	s24 =	sld [smem:$0x3FFE];
	[sflag:s23] =	ssyncadd.s32 $0xFFFFFFFF  }
0xa5: {  	s26 =	simm.s32 $execute0_lowered;
	[smem:$0x3FD2] =	sst s25  }
0xa6: {  	s4 =	sshll.u32 s26, $0x1;
	_ =	strace $0x80000052;
	[dreg:$0x1] =	wrdreg $0xFFFFFFFF  }
0xa7: {  	s28 =	simm.s32 $_size_execute0_lowered;
	s2 =	sadd.s32 s2, s4;
	[dreg:$0x0] =	wrdreg $0x0  }
0xa8: {  	s4 =	sshll.u32 s28, $0x1;
	[dreg:$0x2] =	wrdreg s2  }
0xa9: {  	[dreg:$0x3] =	wrdreg s4  }
0xaa: {  	[dreg:$0x4] =	wrdreg $0xC0  }
0xab: {  	_ =	task [dreg:s6], $0x5FFFF  }
0xac: {  	[dreg:$0x1] =	wrdreg $0xFFFFFFFF  }
0xad: {  	[dreg:$0x0] =	wrdreg $0x60  }
0xae: {  	[dreg:$0x2] =	wrdreg s24  }
0xaf: {  	[dreg:$0x3] =	wrdreg $0x6F000  }
0xb0: {  	[dreg:$0x4] =	wrdreg $0x9  }
0xb1: {  	_ =	task.clear_ibuf [dreg:s6], $0x5FFFF;
	_ =	strace $0x90000052  }
0xb2: {  	s29 =	simm.s32 $0x9;
	_ =	strace $0x80000054  }
0xb3: {  	_ =	swait.ge [sflag:s29], $0x1  }
0xb4: {  	[sflag:s29] =	ssyncadd.s32 $0xFFFFFFFF  }
0xb5: {  	_ =	strace $0x90000054  }
0xb6: {  	_ =	sfence  }
0xb7: {  	s30 =	sld [smem:$0x0];
	_ =	sdelay $0x2  }
0xb8: {  	s31 =	sshll.u32 s1, $0xD;
	s1 =	sshrl.u32 s1, $0x2  }
0xb9: {  	s3 =	sand.u32 $0x4000, s31;
	s1 =	sadd.s32 s1, s30  }
0xba: {  	s0 =	sor.u32 s3, s0;
	s1 =	sshll.u32 s1, $0x11  }
0xbb: {  	s0 =	sor.u32 s1, s0  }
0xbc: {  	s0 =	sadd.s32 $0x8F2B, s0  }
0xbd: {  	[sflag:s0] =	ssyncadd.remote.s32 $0x1  }
0xbe: {  	_ =	sfence.sel $0xFFFF  }
0xbf: {  	[dreg:$0x0] =	wrdreg $0xFFFFFFFF;
	(pc) =	sbr.abs _section_cstart, $3  }
0xc0: {  	[dreg:$0x1] =	wrdreg $0xFFFFFFFF  }
0xc1: {  	_ =	task.clear_ibuf [dreg:s6], $0x2FFFF;
	_ =	strace $0x9FFFFFFF  }
0xc2: {  	(tm) =	ssettm $0x7FFFFFFF  }
0xc3: {  	_ =	shalt  }
tec
execute0_lowered:
.L_overlay_start_1:
0x0: {  	(tag) =	ssettag $0x1  }
0x1: {  	s0 =	srdreg.scid;
	s5 =	rddreg [dreg:$0x0]  }
0x2: {  	s21 =	stileid.u32;
	s2 =	rddreg [dreg:$0x1]  }
0x3: {  	s28 =	simm.s32 $0x1;
	s29 =	simm.s32 $0x0;
	s7 =	smul.u32 $0x28000, s21  }
0x4: {  	s1 =	sand.u32 $0x1, s0;
	s15 =	smul.u32 $0xA000, s21;
	s17 =	sadd.s32 $0x3EA00, s5  }
0x5: {  	s3 =	sshll.u32 s1, $0x4;
	s16 =	smul.u32 $0xA0000, s1;
	s1 =	ssub.s32 $0x2, s1  }
0x6: {  	s4 =	sor.u32 s21, s3;
	s3 =	simm.s32 $0x0;
	s22 =	sshrl.u32 s1, $0x1  }
0x7: {  	s23 =	sshrl.u32 s7, $0x2;
	s25 =	sadd.s32 $0x2000, s15;
	s21 =	sadd.s32 s15, s2  }
0x8: {  	s18 =	sadd.s32 $0x4000, s15;
	s20 =	sadd.s32 $0x6000, s15;
	s6 =	smul.u32 $0x4F0, s4  }
0x9: {  	[smem:$0x7FF] =	sst s3;
	s4 =	sadd.s32 $0x2AA00, s5;
	s1 =	ssub.s32 s1, s22  }
0xa: {  	s24 =	sadd.s32 s16, s15;
	s14 =	sadd.s32 s16, s25;
	s19 =	sadd.s32 s16, s18  }
0xb: {  	s22 =	sadd.s32 $0x8000, s15;
	s26 =	sadd.s32 s16, s20;
	s21 =	sshrl.u32 s21, $0x3  }
0xc: {  	_ =	strace $0x80000053;
	s9 =	sshrl.u32 s24, $0x3;
	s14 =	sshrl.u32 s14, $0x3  }
0xd: {  	s19 =	sshrl.u32 s19, $0x3;
	s16 =	sadd.s32 s16, s22;
	s30 =	sshrl.u32 s26, $0x3  }
0xe: {  	s24 =	sadd.s32 s20, s2;
	s20 =	simm.s32 $0x2780;
	s26 =	simm.s32 $0x80  }
0xf: {  	s8 =	sadd.s32 s6, s5;
	s5 =	sadd.s32 s23, s2;
	s14 =	sadd.s32 s17, s14  }
0x10: {  	s15 =	sadd.s32 s17, s19;
	s23 =	sadd.s32 s18, s2;
	s31 =	sshrl.u32 s16, $0x3  }
0x11: {  	s16 =	sadd.s32 s17, s30;
	s18 =	simm.s32 $0x4F00;
	s19 =	simm.s32 $0x2  }
0x12: {  	s24 =	sshrl.u32 s24, $0x3;
	s6 =	sadd.s32 $0x20C00, s8;
	s7 =	sadd.s32 $0xC400, s8  }
0x13: {  	s8 =	sadd.s32 s17, s9;
	s9 =	smax.u32 s1, $0x1;
	s10 =	sadd.s32 $0x2000, s5  }
0x14: {  	s11 =	sadd.s32 $0x4000, s5;
	s12 =	sadd.s32 $0x6000, s5;
	s13 =	sadd.s32 $0x8000, s5  }
0x15: {  	s1 =	sadd.s32 s25, s2;
	s17 =	sadd.s32 s17, s31;
	s25 =	sadd.s32 s22, s2  }
0x16: {  	v0 =	vimm.f32 $0.0e+00;
	s23 =	sshrl.u32 s23, $0x3;
	s22 =	sshrl.u32 s1, $0x3;
	s25 =	sshrl.u32 s25, $0x3  }
.LBB2_1:
0x17: {  	s1 =	sand.u32 $0x7F00, s3  }
0x18: {  	s31 =	sand.u32 $0x30, s3;
	s1 =	sshrl.u32 s1, $0x2  }
0x19: {  	s30 =	simm.s32 $0x40;
	s1 =	sor.u32 s31, s1;
	s31 =	simm.s32 $0x0  }
.LBB2_2:
0x1a: {  	p0 =	sne.s32 s30, $0x7FC0  }
0x1b: {  	[tilespmem:s1+$0x4F00] =	vst v0;
	s31 =	sadd.s32 $0x10, s31;
	s1 =	smov.u32 s30;
	s30 =	sadd.s32 $0x40, s30  }
.Ltmp0:
0x1c: {  	(pc) =	sbr.rel @p0 .LBB2_2-.Ltmp0, $4  }
0x1d: {  	_ = 	snop  }
0x1e: {  	s1 =	sand.u32 $0x7F00, s1  }
0x1f: {  	s0 =	sand.u32 $0x30, s31;
	s1 =	sshrl.u32 s1, $0x2  }
0x20: {  	s1 =	sor.u32 s0, s1  }
0x21: {  	[tilespmem:s1+$0x4F00] =	vst v0  }
0x22: {  	[spmem:s5] =	stream.linear.scatter [tilespmem:s18], [sflag:$0x2], $0x2000, $0x38;
	[tilespmem:$0x10F00] =	vst v63  }
0x23: {  	_ =	swait.ge [sflag:s19], $0x2000  }
0x24: {  	[sflag:s19] =	ssyncset.done $0x0  }
0x25: {  	[sflag:s19] =	ssyncadd.s32 $0xFFFFE000  }
0x26: {  	[spmem:s10] =	stream.linear.scatter [tilespmem:s18], [sflag:$0x2], $0x2000, $0x38;
	[tilespmem:$0x10F00] =	vst v63  }
0x27: {  	_ =	swait.ge [sflag:s19], $0x2000  }
0x28: {  	[sflag:s19] =	ssyncset.done $0x0  }
0x29: {  	[sflag:s19] =	ssyncadd.s32 $0xFFFFE000  }
0x2a: {  	[spmem:s11] =	stream.linear.scatter [tilespmem:s18], [sflag:$0x2], $0x2000, $0x38;
	[tilespmem:$0x10F00] =	vst v63  }
0x2b: {  	_ =	swait.ge [sflag:s19], $0x2000  }
0x2c: {  	[sflag:s19] =	ssyncset.done $0x0  }
0x2d: {  	[sflag:s19] =	ssyncadd.s32 $0xFFFFE000  }
0x2e: {  	[spmem:s12] =	stream.linear.scatter [tilespmem:s18], [sflag:$0x2], $0x2000, $0x38;
	[tilespmem:$0x10F00] =	vst v63  }
0x2f: {  	_ =	swait.ge [sflag:s19], $0x2000  }
0x30: {  	[sflag:s19] =	ssyncset.done $0x0  }
0x31: {  	[sflag:s19] =	ssyncadd.s32 $0xFFFFE000  }
0x32: {  	[spmem:s13] =	stream.linear.scatter [tilespmem:s18], [sflag:$0x2], $0x2000, $0x38;
	[tilespmem:$0x10F00] =	vst v63  }
0x33: {  	_ =	swait.ge [sflag:s19], $0x2000  }
0x34: {  	[sflag:s19] =	ssyncset.done $0x0  }
0x35: {  	[sflag:s19] =	ssyncadd.s32 $0xFFFFE000  }
0x36: {  	s0 =	simm.s32 $0x0;
	[bflag:$0x0] =	sbarrier.arrive $0xFFFF  }
0x37: {  	[tilespmem:s0], [sflag:$0x2] =	stream.linear.gather [hbm4b:s6+s0], $0x2780, $0x38;
	[tilespmem:$0x10F00] =	vst v63  }
0x38: {  	_ =	swait.ge [sflag:s19], $0x2780  }
0x39: {  	[sflag:s19] =	ssyncset.done $0x0  }
0x3a: {  	[sflag:s19] =	ssyncadd.s32 $0xFFFFD880  }
0x3b: {  	[tilespmem:s20], [sflag:$0x2] =	stream.linear.gather [hbm4b:s7+s0], $0x2780, $0x38;
	[tilespmem:$0x10F00] =	vst v63  }
0x3c: {  	_ =	swait.ge [sflag:s19], $0x2780  }
0x3d: {  	[sflag:s19] =	ssyncset.done $0x0  }
0x3e: {  	s1 =	simm.s32 $0x0;
	[sflag:s19] =	ssyncadd.s32 $0xFFFFD880  }
0x3f: {  	[tilespmem:s18], [sflag:$0x1] =	stream.indirect.gather [hbm4b:s4+s26], $0x40, s1, s26, $0xb8;
	[tilespmem:$0x10F00] =	vst v63  }
0x40: {  	_ =	swait.ge [sflag:s28], $0x2000  }
0x41: {  	[sflag:s28] =	ssyncset.done $0x0  }
0x42: {  	s1 =	simm.s32 $0x2780;
	[sflag:s28] =	ssyncadd.s32 $0xFFFFE000  }
0x43: {  	[spmem:s2] =	stream.indirect.scatter.add.f32 [tilespmem:s18], [sflag:$0x2], $0x40, s1, s26, $0xb8;
	[tilespmem:$0x10F00] =	vst v63  }
0x44: {  	_ =	swait.ge [sflag:s19], $0x2000  }
0x45: {  	s30 =	simm.s32 $0x200;
	s31 =	simm.s32 $0x400;
	[sflag:s19] =	ssyncset.done $0x0  }
.LBB2_4:
0x46: {  	s0 =	sshra.s32 s30, $0x2  }
0x47: {  	[sflag:s19] =	ssyncadd.s32 $0xFFFFE000;
	s30 =	smov.u32 s31;
	s1 =	sadd.s32 $0x200, s31  }
0x48: {  	[tilespmem:s18], [sflag:$0x1] =	stream.indirect.gather [hbm4b:s4+s26], $0x40, s0, s26, $0xb8;
	[tilespmem:$0x10F00] =	vst v63  }
0x49: {  	p0 =	sne.s32 s31, $0x9C00;
	_ =	swait.ge [sflag:s28], $0x2000  }
.Ltmp1:
0x4a: {  	[sflag:s28] =	ssyncset.done $0x0;
	(pc) =	sbr.rel @p0 .LBB2_4-.Ltmp1, $4  }
0x4b: {  	s0 =	sadd.s32 $0x2780, s0;
	[sflag:s28] =	ssyncadd.s32 $0xFFFFE000  }
0x4c: {  	[spmem:s2] =	stream.indirect.scatter.add.f32 [tilespmem:s18], [sflag:$0x2], $0x40, s0, s26, $0xb8;
	[tilespmem:$0x10F00] =	vst v63  }
0x4d: {  	_ =	swait.ge [sflag:s19], $0x2000  }
0x4e: {  	s31 =	smov.u32 s1;
	[sflag:s19] =	ssyncset.done $0x0  }
0x4f: {  	s0 =	sshra.s32 s30, $0x2;
	[sflag:s19] =	ssyncadd.s32 $0xFFFFE000  }
0x50: {  	[tilespmem:s18], [sflag:$0x1] =	stream.indirect.gather [hbm4b:s4+s26], $0x40, s0, s26, $0xb8;
	[tilespmem:$0x10F00] =	vst v63  }
0x51: {  	_ =	swait.ge [sflag:s28], $0x2000  }
0x52: {  	[sflag:s28] =	ssyncset.done $0x0  }
0x53: {  	s0 =	sadd.s32 $0x2780, s0;
	[sflag:s28] =	ssyncadd.s32 $0xFFFFE000  }
0x54: {  	[spmem:s2] =	stream.indirect.scatter.add.f32 [tilespmem:s18], [sflag:$0x2], $0x40, s0, s26, $0xb8;
	[tilespmem:$0x10F00] =	vst v63  }
0x55: {  	_ =	swait.ge [sflag:s19], $0x2000  }
0x56: {  	s31 =	stileid.u32;
	[sflag:s19] =	ssyncset.done $0x0  }
0x57: {  	s0 =	sshll.u32 s31, $0x6;
	[sflag:s19] =	ssyncadd.s32 $0xFFFFE000  }
0x58: {  	s0 =	sor.u32 $0x1C02, s0;
	[bflag:$0x0] =	sbarrier.arrive $0xFFFF  }
0x59: {  	[hbm:s8], [sflag:s0] =	dma.local [spmem:s21], $0x400  }
0x5a: {  	_ =	swait.ge [sflag:s19], $0x400  }
0x5b: {  	[sflag:s19] =	ssyncset.done $0x0  }
0x5c: {  	[sflag:s19] =	ssyncadd.s32 $0xFFFFFC00  }
0x5d: {  	[hbm:s14], [sflag:s0] =	dma.local [spmem:s22], $0x400  }
0x5e: {  	_ =	swait.ge [sflag:s19], $0x400  }
0x5f: {  	[sflag:s19] =	ssyncset.done $0x0  }
0x60: {  	[sflag:s19] =	ssyncadd.s32 $0xFFFFFC00  }
0x61: {  	[hbm:s15], [sflag:s0] =	dma.local [spmem:s23], $0x400  }
0x62: {  	_ =	swait.ge [sflag:s19], $0x400  }
0x63: {  	[sflag:s19] =	ssyncset.done $0x0  }
0x64: {  	[sflag:s19] =	ssyncadd.s32 $0xFFFFFC00  }
0x65: {  	[hbm:s16], [sflag:s0] =	dma.local [spmem:s24], $0x400  }
0x66: {  	s29 =	sadd.s32 $0x1, s29;
	_ =	swait.ge [sflag:s19], $0x400  }
0x67: {  	p0 =	sne.s32 s29, s9;
	[sflag:s19] =	ssyncset.done $0x0  }
.Ltmp2:
0x68: {  	[sflag:s19] =	ssyncadd.s32 $0xFFFFFC00;
	(pc) =	sbr.rel @p0 .LBB2_1-.Ltmp2, $4  }
0x69: {  	[hbm:s17], [sflag:s0] =	dma.local [spmem:s25], $0x400  }
0x6a: {  	_ =	swait.ge [sflag:s19], $0x400  }
0x6b: {  	[sflag:s19] =	ssyncset.done $0x0  }
0x6c: {  	[sflag:s19] =	ssyncadd.s32 $0xFFFFFC00  }
0x6d: {  	_ =	sfence.sel $0x180000  }
0x6e: {  	[bflag:$0x0] =	sbarrier.arrive $0xFFFF  }
0x6f: {  	_ =	strace $0x90000053  }
0x70: {  	s0 =	stileid.u32;
	[bflag:$0x2] =	sbarrier.arrive $0xFFFF  }
0x71: {  	p0 =	sne.s32 s0, $0x0;
	s0 =	rddreg [dreg:$0x2]  }
0x72: {  	s0 =	sadd.s32 @!p0 $0x100000, s0  }
0x73: {  	[sflag:s0] =	ssyncadd.tile.s32 @!p0 $0x1;
	_ =	shalt  }
.Lfunc_end2:
_tile_overlayer_lowered:
.L_overlay_start_2:
0x74: {  	(tag) =	ssettag $0x2  }
0x75: {  	s0 =	rddreg [dreg:$0x0];
	s2 =	stileid.u32  }
0x76: {  	s1 =	rddreg [dreg:$0x1];
	p0 =	sne.s32 s2, $0x0  }
0x77: {  	s3 =	rddreg [dreg:$0x2];
	[bflag:$0x3] =	sbarrier.arrive $0xFFFF;
	s2 =	simm.s32 @!p0 $0x1C02  }
0x78: {  	[timem:s3], [sflag:s2] =	dma.local @!p0 [hbm:s0], s1  }
0x79: {  	s0 =	simm.s32 @!p0 $0x2  }
0x7a: {  	_ =	swait.ge @!p0 [sflag:s0], s1  }
0x7b: {  	s1 =	ssub.s32 @!p0 $0x0, s1;
	[sflag:s0] =	ssyncset.done @!p0 $0x0  }
0x7c: {  	[sflag:s0] =	ssyncadd.s32 @!p0 s1  }
0x7d: {  	[bflag:$0x3] =	sbarrier.arrive $0xFFFF  }
0x7e: {  	_ =	shalt  }

// kernel: kernel.31.cloned.1.call-start
scs
__scs_entry_jumppad:
0x0: {  	(pc) =	sbr.rel $0x88, $3  }
0x1: {  	(tag) =	ssettag $0x0;
	lr =	simm.s32 $0x1  }
0x2: {  	[smem:$0x3F4E] =	sst lr;
	_ =	strace $0xD0000000  }
0x3: {  	_ = 	snop  }
0x4: {  	_ = 	snop  }
0x5: {  	_ = 	snop  }
0x6: {  	_ = 	snop  }
0x7: {  	_ = 	snop  }
__scs_overlays_trampoline_lowered:
0x8: {  	[smem:$0x3F5D] =	sst s0  }
0x9: {  	[smem:$0x3F5E] =	sst s1  }
0xa: {  	[smem:$0x3F5F] =	sst s2  }
0xb: {  	[smem:$0x3F60] =	sst s3  }
0xc: {  	[smem:$0x3F61] =	sst s4  }
0xd: {  	[smem:$0x3F62] =	sst s5  }
0xe: {  	[smem:$0x3F63] =	sst s6  }
0xf: {  	[smem:$0x3F64] =	sst s7  }
0x10: {  	[smem:$0x3F65] =	sst s8  }
0x11: {  	[smem:$0x3F66] =	sst s9;
	s0 =	simm.s32 @!p0 $0x0  }
0x12: {  	s1 =	sld [smem:$0x3F4C];
	s0 =	simm.s32 @p0 $0x1  }
0x13: {  	[smem:$0x3F67] =	sst s0;
	s0 =	simm.s32 @!p1 $0x0  }
0x14: {  	s2 =	sld [smem:$0x3F4B];
	s0 =	simm.s32 @p1 $0x1  }
0x15: {  	[smem:$0x3F68] =	sst s0;
	s0 =	simm.s32 @!p2 $0x0  }
0x16: {  	s3 =	sld [smem:$0x3FDB];
	s0 =	simm.s32 @p2 $0x1  }
0x17: {  	s4 =	simm.s32 $0x1BF5;
	[smem:$0x3F6A] =	sst s0  }
0x18: {  	s0 =	sld [smem:$0x3F4D];
	_ =	swait.ge [sflag:s4], $0x0  }
0x19: {  	s7 =	sld [smem:$0x3F4E]  }
0x1a: {  	s8 =	sadd.s32 $0xFFFFE003, lr  }
0x1b: {  	s9 =	sadd.s32 $0xFFFFFEF7, lr;
	s5 =	simm.s32 $0xFFFFFFFF;
	p2 =	slt.u32 s8, $0xFFFFF086  }
0x1c: {  	p1 =	slt.u32 s9, $0xF7A;
	s5 =	simm.s32 @!p2 $0x0  }
0x1d: {  	s5 =	simm.s32 @p1 $0x1;
	p0 =	seq.s32 s7, s2  }
0x1e: {  	s7 =	smul.u32 @!p0 $0xF7A, s2;
	p2 =	seq.s32 @!p0 s5, $0x0  }
0x1f: {  	s9 =	smul.u32 $0xF7A, s1;
	s8 =	simm.s32 @!p0 $0x1BF5;
	p2 =	por !p2, p0  }
0x20: {  	[sflag:s8] =	ssyncset.s32 @!p0 $0xFFFFF086;
	s6 =	sadd.s32 @!p0 s3, s7;
	s7 =	simm.s32 @!p0 $0x108  }
0x21: {  	s3 =	sadd.s32 s3, s9;
	s6 =	sadd.s32 @!p0 $0x88, s6;
	s7 =	simm.s32 @p2 $0x1082  }
0x22: {  	[simem:s7], [sflag:s8] =	dma.local @!p0 [hbm:s6], $0xF7A  }
0x23: {  	s9 =	sor.u32 $0xD0000000, s2;
	s6 =	simm.s32 $0x108;
	_ =	swait.ge @!p0 [sflag:s8], $0x0  }
0x24: {  	s3 =	sadd.s32 $0x88, s3;
	s6 =	simm.s32 @!p1 $0x1082;
	[sflag:s4] =	ssyncset.s32 $0xFFFFF086  }
0x25: {  	[simem:s6], [sflag:s4] =	dma.local [hbm:s3], $0xF7A  }
0x26: {  	[smem:$0x3F4E] =	sst s1;
	(tag) =	ssettag s2;
	_ =	strace s9  }
0x27: {  	s1 =	sld [smem:$0x3F5E]  }
0x28: {  	s2 =	sld [smem:$0x3F5F]  }
0x29: {  	s4 =	sld [smem:$0x3F61]  }
0x2a: {  	p0 =	seq.s32 s5, $0x0;
	s5 =	sld [smem:$0x3F62]  }
0x2b: {  	s6 =	sld [smem:$0x3F63]  }
0x2c: {  	s7 =	sld [smem:$0x3F64]  }
0x2d: {  	s3 =	simm.s32 $0x108;
	s8 =	sld [smem:$0x3F65]  }
0x2e: {  	s3 =	simm.s32 @!p0 $0x1082;
	s9 =	sld [smem:$0x3F66]  }
0x2f: {  	lr =	sadd.s32 s0, s3;
	s0 =	sld [smem:$0x3F5D]  }
0x30: {  	s3 =	sld [smem:$0x3F60]  }
0x31: {  	[smem:$0x3F69] =	sst s10  }
0x32: {  	s10 =	sld [smem:$0x3F67];
	_ =	sdelay $0x3  }
0x33: {  	p0 =	seq.s32 s10, $0x1;
	s10 =	sld [smem:$0x3F69];
	_ =	sdelay $0x3  }
0x34: {  	[smem:$0x3F69] =	sst s10  }
0x35: {  	s10 =	sld [smem:$0x3F68];
	_ =	sdelay $0x3  }
0x36: {  	p1 =	seq.s32 s10, $0x1;
	s10 =	sld [smem:$0x3F69];
	_ =	sdelay $0x3  }
0x37: {  	[smem:$0x3F69] =	sst s10  }
0x38: {  	s10 =	sld [smem:$0x3F6A]  }
0x39: {  	_ = 	snop;
	(pc) =	sbr.ind lr, $3  }
0x3a: {  	_ = 	snop  }
0x3b: {  	_ = 	snop  }
0x3c: {  	p2 =	seq.s32 s10, $0x1;
	s10 =	sld [smem:$0x3F69]  }
0x3d: {  	_ =	shalt  }
0x3e: {  	_ =	shalt  }
0x3f: {  	_ =	shalt  }
0x40: {  	_ =	shalt  }
0x41: {  	_ =	shalt  }
0x42: {  	_ =	shalt  }
0x43: {  	_ =	shalt  }
0x44: {  	_ =	shalt  }
0x45: {  	_ =	shalt  }
0x46: {  	_ =	shalt  }
0x47: {  	_ =	shalt  }
0x48: {  	_ =	shalt  }
0x49: {  	_ =	shalt  }
0x4a: {  	_ =	shalt  }
0x4b: {  	_ =	shalt  }
0x4c: {  	_ =	shalt  }
0x4d: {  	_ =	shalt  }
0x4e: {  	_ =	shalt  }
0x4f: {  	_ =	shalt  }
0x50: {  	_ =	shalt  }
0x51: {  	_ =	shalt  }
0x52: {  	_ =	shalt  }
0x53: {  	_ =	shalt  }
0x54: {  	_ =	shalt  }
0x55: {  	_ =	shalt  }
0x56: {  	_ =	shalt  }
0x57: {  	_ =	shalt  }
0x58: {  	_ =	shalt  }
0x59: {  	_ =	shalt  }
0x5a: {  	_ =	shalt  }
0x5b: {  	_ =	shalt  }
0x5c: {  	_ =	shalt  }
0x5d: {  	_ =	shalt  }
0x5e: {  	_ =	shalt  }
0x5f: {  	_ =	shalt  }
0x60: {  	_ =	shalt  }
0x61: {  	_ =	shalt  }
0x62: {  	_ =	shalt  }
0x63: {  	_ =	shalt  }
0x64: {  	_ =	shalt  }
0x65: {  	_ =	shalt  }
0x66: {  	_ =	shalt  }
0x67: {  	_ =	shalt  }
0x68: {  	_ =	shalt  }
0x69: {  	_ =	shalt  }
0x6a: {  	_ =	shalt  }
0x6b: {  	_ =	shalt  }
0x6c: {  	_ =	shalt  }
0x6d: {  	_ =	shalt  }
0x6e: {  	_ =	shalt  }
0x6f: {  	_ =	shalt  }
0x70: {  	_ =	shalt  }
0x71: {  	_ =	shalt  }
0x72: {  	_ =	shalt  }
0x73: {  	_ =	shalt  }
0x74: {  	_ =	shalt  }
0x75: {  	_ =	shalt  }
0x76: {  	_ =	shalt  }
0x77: {  	_ =	shalt  }
0x78: {  	_ =	shalt  }
0x79: {  	_ =	shalt  }
0x7a: {  	_ =	shalt  }
0x7b: {  	_ =	shalt  }
0x7c: {  	_ =	shalt  }
0x7d: {  	_ =	shalt  }
0x7e: {  	_ =	shalt  }
0x7f: {  	_ =	shalt  }
0x80: {  	_ =	shalt  }
0x81: {  	_ =	shalt  }
0x82: {  	_ =	shalt  }
0x83: {  	_ =	shalt  }
0x84: {  	_ =	shalt  }
0x85: {  	_ =	shalt  }
0x86: {  	_ =	shalt  }
0x87: {  	_ =	shalt  }
.Lfunc_end0:
.L_simem_size_0:
called_computation.5_lowered:
.L_overlay_start_0:
0x88: {  	s2 =	sld [smem:$0x3FD9]  }
0x89: {  	s3 =	sld [smem:$0x3FFE];
	_ =	sdelay $0x1  }
0x8a: {  	s1 =	srdreg.scid  }
0x8b: {  	s0 =	sand.u32 $0x1, s1  }
0x8c: {  	s16 =	sshll.u32 s0, $0xA;
	s2 =	sadd.s32 s3, s2  }
0x8d: {  	s2 =	sadd.s32 s2, s16  }
0x8e: {  	[smem:$0x3F75] =	sst s2  }
0x8f: {  	_ = 	snop  }
0x90: {  	(tm) =	ssettm $0x1  }
0x91: {  	s17 =	sld [smem:$0x3FFB];
	_ =	sdelay $0x3  }
0x92: {  	_ =	strace s17  }
0x93: {  	s2 =	sld [smem:$0x3FFC];
	_ =	sdelay $0x3  }
0x94: {  	_ =	strace s2  }
0x95: {  	s2 =	sld [smem:$0x3FFD];
	_ =	sdelay $0x3  }
0x96: {  	_ =	strace s2  }
0x97: {  	_ =	strace $0x8FFFFFFF  }
0x98: {  	s18 =	sld [smem:$0x3FDB];
	_ =	sdelay $0x1  }
0x99: {  	s19 =	simm.s32 $_scs_section_size  }
0x9a: {  	s4 =	simm.s32 $_size__tile_overlayer_lowered;
	s5 =	simm.s32 $_tile_overlayer_lowered  }
0x9b: {  	s22 =	simm.s32 $0x1BFF;
	s21 =	sshll.u32 s5, $0x1;
	s2 =	sadd.s32 s19, s18  }
0x9c: {  	s6 =	simm.s32 $0x0;
	s20 =	sshll.u32 s4, $0x1;
	s4 =	sadd.s32 s21, s2  }
0x9d: {  	[timem:s6], [sflag:s22] =	dma.local [hbm:s4], s20  }
0x9e: {  	_ =	swait.ge [sflag:s22], s20  }
0x9f: {  	s3 =	ssub.s32 $0x0, s20;
	[sflag:s22] =	ssyncset.done $0x0  }
0xa0: {  	[sflag:s22] =	ssyncadd.s32 s3;
	_ =	sdelay $0x1  }
0xa1: {  	s23 =	simm.s32 $0x1B8B  }
0xa2: {  	_ =	swait.ge [sflag:s23], $0x1  }
0xa3: {  	[sflag:s23] =	ssyncset.done $0x0  }
0xa4: {  	s25 =	simm.s32 $0x1B8E;
	s24 =	sld [smem:$0x3FFE];
	[sflag:s23] =	ssyncadd.s32 $0xFFFFFFFF  }
0xa5: {  	s26 =	simm.s32 $execute0_lowered;
	[smem:$0x3FD2] =	sst s25  }
0xa6: {  	s4 =	sshll.u32 s26, $0x1;
	_ =	strace $0x80000055;
	[dreg:$0x1] =	wrdreg $0xFFFFFFFF  }
0xa7: {  	s28 =	simm.s32 $_size_execute0_lowered;
	s2 =	sadd.s32 s2, s4;
	[dreg:$0x0] =	wrdreg $0x0  }
0xa8: {  	s4 =	sshll.u32 s28, $0x1;
	[dreg:$0x2] =	wrdreg s2  }
0xa9: {  	[dreg:$0x3] =	wrdreg s4  }
0xaa: {  	[dreg:$0x4] =	wrdreg $0xC0  }
0xab: {  	_ =	task [dreg:s6], $0x5FFFF  }
0xac: {  	[dreg:$0x1] =	wrdreg $0xFFFFFFFF  }
0xad: {  	[dreg:$0x0] =	wrdreg $0x60  }
0xae: {  	[dreg:$0x2] =	wrdreg s24  }
0xaf: {  	[dreg:$0x3] =	wrdreg $0x5F000  }
0xb0: {  	[dreg:$0x4] =	wrdreg $0x9  }
0xb1: {  	_ =	task.clear_ibuf [dreg:s6], $0x5FFFF;
	_ =	strace $0x90000055  }
0xb2: {  	s29 =	simm.s32 $0x9;
	_ =	strace $0x80000057  }
0xb3: {  	_ =	swait.ge [sflag:s29], $0x1  }
0xb4: {  	[sflag:s29] =	ssyncadd.s32 $0xFFFFFFFF  }
0xb5: {  	_ =	strace $0x90000057  }
0xb6: {  	_ =	sfence  }
0xb7: {  	s30 =	sld [smem:$0x0];
	_ =	sdelay $0x2  }
0xb8: {  	s31 =	sshll.u32 s1, $0xD;
	s1 =	sshrl.u32 s1, $0x2  }
0xb9: {  	s3 =	sand.u32 $0x4000, s31;
	s1 =	sadd.s32 s1, s30  }
0xba: {  	s0 =	sor.u32 s3, s0;
	s1 =	sshll.u32 s1, $0x11  }
0xbb: {  	s0 =	sor.u32 s1, s0  }
0xbc: {  	s0 =	sadd.s32 $0x8F2B, s0  }
0xbd: {  	[sflag:s0] =	ssyncadd.remote.s32 $0x1  }
0xbe: {  	_ =	sfence.sel $0xFFFF  }
0xbf: {  	[dreg:$0x0] =	wrdreg $0xFFFFFFFF;
	(pc) =	sbr.abs _section_cstart, $3  }
0xc0: {  	[dreg:$0x1] =	wrdreg $0xFFFFFFFF  }
0xc1: {  	_ =	task.clear_ibuf [dreg:s6], $0x2FFFF;
	_ =	strace $0x9FFFFFFF  }
0xc2: {  	(tm) =	ssettm $0x7FFFFFFF  }
0xc3: {  	_ =	shalt  }
tec
execute0_lowered:
.L_overlay_start_1:
0x0: {  	(tag) =	ssettag $0x1  }
0x1: {  	s0 =	srdreg.scid;
	s5 =	rddreg [dreg:$0x0]  }
0x2: {  	s21 =	stileid.u32;
	s2 =	rddreg [dreg:$0x1]  }
0x3: {  	s28 =	simm.s32 $0x1;
	s29 =	simm.s32 $0x0;
	s7 =	smul.u32 $0x14000, s21  }
0x4: {  	s1 =	sand.u32 $0x1, s0;
	s15 =	smul.u32 $0x5000, s21;
	s17 =	sadd.s32 $0x2AA00, s5  }
0x5: {  	s3 =	sshll.u32 s1, $0x4;
	s16 =	smul.u32 $0x50000, s1;
	s1 =	ssub.s32 $0x2, s1  }
0x6: {  	s4 =	sor.u32 s21, s3;
	s3 =	simm.s32 $0x0;
	s22 =	sshrl.u32 s1, $0x1  }
0x7: {  	s23 =	sshrl.u32 s7, $0x2;
	s25 =	sadd.s32 $0x1000, s15;
	s21 =	sadd.s32 s15, s2  }
0x8: {  	s18 =	sadd.s32 $0x2000, s15;
	s20 =	sadd.s32 $0x3000, s15;
	s6 =	smul.u32 $0x4F0, s4  }
0x9: {  	[smem:$0x7FF] =	sst s3;
	s4 =	sadd.s32 $0x16200, s5;
	s1 =	ssub.s32 s1, s22  }
0xa: {  	s24 =	sadd.s32 s16, s15;
	s14 =	sadd.s32 s16, s25;
	s19 =	sadd.s32 s16, s18  }
0xb: {  	s22 =	sadd.s32 $0x4000, s15;
	s26 =	sadd.s32 s16, s20;
	s21 =	sshrl.u32 s21, $0x3  }
0xc: {  	_ =	strace $0x80000056;
	s9 =	sshrl.u32 s24, $0x3;
	s14 =	sshrl.u32 s14, $0x3  }
0xd: {  	s19 =	sshrl.u32 s19, $0x3;
	s16 =	sadd.s32 s16, s22;
	s30 =	sshrl.u32 s26, $0x3  }
0xe: {  	s24 =	sadd.s32 s20, s2;
	s20 =	simm.s32 $0x2780;
	s26 =	simm.s32 $0x80  }
0xf: {  	s8 =	sadd.s32 s6, s5;
	s5 =	sadd.s32 s23, s2;
	s14 =	sadd.s32 s17, s14  }
0x10: {  	s15 =	sadd.s32 s17, s19;
	s23 =	sadd.s32 s18, s2;
	s31 =	sshrl.u32 s16, $0x3  }
0x11: {  	s16 =	sadd.s32 s17, s30;
	s18 =	simm.s32 $0x4F00;
	s19 =	simm.s32 $0x2  }
0x12: {  	s24 =	sshrl.u32 s24, $0x3;
	s6 =	sadd.s32 $0x20C00, s8;
	s7 =	sadd.s32 $0xC400, s8  }
0x13: {  	s8 =	sadd.s32 s17, s9;
	s9 =	smax.u32 s1, $0x1;
	s10 =	sadd.s32 $0x1000, s5  }
0x14: {  	s11 =	sadd.s32 $0x2000, s5;
	s12 =	sadd.s32 $0x3000, s5;
	s13 =	sadd.s32 $0x4000, s5  }
0x15: {  	s1 =	sadd.s32 s25, s2;
	s17 =	sadd.s32 s17, s31;
	s25 =	sadd.s32 s22, s2  }
0x16: {  	v0 =	vimm.f32 $0.0e+00;
	s23 =	sshrl.u32 s23, $0x3;
	s22 =	sshrl.u32 s1, $0x3;
	s25 =	sshrl.u32 s25, $0x3  }
.LBB2_1:
0x17: {  	s1 =	sand.u32 $0x3F80, s3  }
0x18: {  	s31 =	sand.u32 $0x10, s3;
	s1 =	sshrl.u32 s1, $0x2  }
0x19: {  	s30 =	simm.s32 $0x40;
	s1 =	sor.u32 s31, s1;
	s31 =	simm.s32 $0x0  }
.LBB2_2:
0x1a: {  	p0 =	sne.s32 s30, $0x3FC0  }
0x1b: {  	[tilespmem:s1+$0x4F00] =	vst v0;
	s31 =	sadd.s32 $0x10, s31;
	s1 =	smov.u32 s30;
	s30 =	sadd.s32 $0x40, s30  }
.Ltmp0:
0x1c: {  	(pc) =	sbr.rel @p0 .LBB2_2-.Ltmp0, $4  }
0x1d: {  	_ = 	snop  }
0x1e: {  	s1 =	sand.u32 $0x3F80, s1  }
0x1f: {  	s0 =	sand.u32 $0x10, s31;
	s1 =	sshrl.u32 s1, $0x2  }
0x20: {  	s1 =	sor.u32 s0, s1  }
0x21: {  	[tilespmem:s1+$0x4F00] =	vst v0  }
0x22: {  	[spmem:s5] =	stream.linear.scatter [tilespmem:s18], [sflag:$0x2], $0x1000, $0x38;
	[tilespmem:$0xAF00] =	vst v63  }
0x23: {  	_ =	swait.ge [sflag:s19], $0x1000  }
0x24: {  	[sflag:s19] =	ssyncset.done $0x0  }
0x25: {  	[sflag:s19] =	ssyncadd.s32 $0xFFFFF000  }
0x26: {  	[spmem:s10] =	stream.linear.scatter [tilespmem:s18], [sflag:$0x2], $0x1000, $0x38;
	[tilespmem:$0xAF00] =	vst v63  }
0x27: {  	_ =	swait.ge [sflag:s19], $0x1000  }
0x28: {  	[sflag:s19] =	ssyncset.done $0x0  }
0x29: {  	[sflag:s19] =	ssyncadd.s32 $0xFFFFF000  }
0x2a: {  	[spmem:s11] =	stream.linear.scatter [tilespmem:s18], [sflag:$0x2], $0x1000, $0x38;
	[tilespmem:$0xAF00] =	vst v63  }
0x2b: {  	_ =	swait.ge [sflag:s19], $0x1000  }
0x2c: {  	[sflag:s19] =	ssyncset.done $0x0  }
0x2d: {  	[sflag:s19] =	ssyncadd.s32 $0xFFFFF000  }
0x2e: {  	[spmem:s12] =	stream.linear.scatter [tilespmem:s18], [sflag:$0x2], $0x1000, $0x38;
	[tilespmem:$0xAF00] =	vst v63  }
0x2f: {  	_ =	swait.ge [sflag:s19], $0x1000  }
0x30: {  	[sflag:s19] =	ssyncset.done $0x0  }
0x31: {  	[sflag:s19] =	ssyncadd.s32 $0xFFFFF000  }
0x32: {  	[spmem:s13] =	stream.linear.scatter [tilespmem:s18], [sflag:$0x2], $0x1000, $0x38;
	[tilespmem:$0xAF00] =	vst v63  }
0x33: {  	_ =	swait.ge [sflag:s19], $0x1000  }
0x34: {  	[sflag:s19] =	ssyncset.done $0x0  }
0x35: {  	[sflag:s19] =	ssyncadd.s32 $0xFFFFF000  }
0x36: {  	s0 =	simm.s32 $0x0;
	[bflag:$0x0] =	sbarrier.arrive $0xFFFF  }
0x37: {  	[tilespmem:s0], [sflag:$0x2] =	stream.linear.gather [hbm4b:s6+s0], $0x2780, $0x38;
	[tilespmem:$0xAF00] =	vst v63  }
0x38: {  	_ =	swait.ge [sflag:s19], $0x2780  }
0x39: {  	[sflag:s19] =	ssyncset.done $0x0  }
0x3a: {  	[sflag:s19] =	ssyncadd.s32 $0xFFFFD880  }
0x3b: {  	[tilespmem:s20], [sflag:$0x2] =	stream.linear.gather [hbm4b:s7+s0], $0x2780, $0x38;
	[tilespmem:$0xAF00] =	vst v63  }
0x3c: {  	_ =	swait.ge [sflag:s19], $0x2780  }
0x3d: {  	[sflag:s19] =	ssyncset.done $0x0  }
0x3e: {  	s1 =	simm.s32 $0x0;
	[sflag:s19] =	ssyncadd.s32 $0xFFFFD880  }
0x3f: {  	[tilespmem:s18], [sflag:$0x1] =	stream.indirect.gather [hbm4b:s4+s26], $0x20, s1, s26, $0xb8;
	[tilespmem:$0xAF00] =	vst v63  }
0x40: {  	_ =	swait.ge [sflag:s28], $0x1000  }
0x41: {  	[sflag:s28] =	ssyncset.done $0x0  }
0x42: {  	s1 =	simm.s32 $0x2780;
	[sflag:s28] =	ssyncadd.s32 $0xFFFFF000  }
0x43: {  	[spmem:s2] =	stream.indirect.scatter.add.f32 [tilespmem:s18], [sflag:$0x2], $0x20, s1, s26, $0xb8;
	[tilespmem:$0xAF00] =	vst v63  }
0x44: {  	_ =	swait.ge [sflag:s19], $0x1000  }
0x45: {  	s30 =	simm.s32 $0x200;
	s31 =	simm.s32 $0x400;
	[sflag:s19] =	ssyncset.done $0x0  }
.LBB2_4:
0x46: {  	s0 =	sshra.s32 s30, $0x2  }
0x47: {  	[sflag:s19] =	ssyncadd.s32 $0xFFFFF000;
	s30 =	smov.u32 s31;
	s1 =	sadd.s32 $0x200, s31  }
0x48: {  	[tilespmem:s18], [sflag:$0x1] =	stream.indirect.gather [hbm4b:s4+s26], $0x20, s0, s26, $0xb8;
	[tilespmem:$0xAF00] =	vst v63  }
0x49: {  	p0 =	sne.s32 s31, $0x9C00;
	_ =	swait.ge [sflag:s28], $0x1000  }
.Ltmp1:
0x4a: {  	[sflag:s28] =	ssyncset.done $0x0;
	(pc) =	sbr.rel @p0 .LBB2_4-.Ltmp1, $4  }
0x4b: {  	s0 =	sadd.s32 $0x2780, s0;
	[sflag:s28] =	ssyncadd.s32 $0xFFFFF000  }
0x4c: {  	[spmem:s2] =	stream.indirect.scatter.add.f32 [tilespmem:s18], [sflag:$0x2], $0x20, s0, s26, $0xb8;
	[tilespmem:$0xAF00] =	vst v63  }
0x4d: {  	_ =	swait.ge [sflag:s19], $0x1000  }
0x4e: {  	s31 =	smov.u32 s1;
	[sflag:s19] =	ssyncset.done $0x0  }
0x4f: {  	s0 =	sshra.s32 s30, $0x2;
	[sflag:s19] =	ssyncadd.s32 $0xFFFFF000  }
0x50: {  	[tilespmem:s18], [sflag:$0x1] =	stream.indirect.gather [hbm4b:s4+s26], $0x20, s0, s26, $0xb8;
	[tilespmem:$0xAF00] =	vst v63  }
0x51: {  	_ =	swait.ge [sflag:s28], $0x1000  }
0x52: {  	[sflag:s28] =	ssyncset.done $0x0  }
0x53: {  	s0 =	sadd.s32 $0x2780, s0;
	[sflag:s28] =	ssyncadd.s32 $0xFFFFF000  }
0x54: {  	[spmem:s2] =	stream.indirect.scatter.add.f32 [tilespmem:s18], [sflag:$0x2], $0x20, s0, s26, $0xb8;
	[tilespmem:$0xAF00] =	vst v63  }
0x55: {  	_ =	swait.ge [sflag:s19], $0x1000  }
0x56: {  	s31 =	stileid.u32;
	[sflag:s19] =	ssyncset.done $0x0  }
0x57: {  	s0 =	sshll.u32 s31, $0x6;
	[sflag:s19] =	ssyncadd.s32 $0xFFFFF000  }
0x58: {  	s0 =	sor.u32 $0x1C02, s0;
	[bflag:$0x0] =	sbarrier.arrive $0xFFFF  }
0x59: {  	[hbm:s8], [sflag:s0] =	dma.local [spmem:s21], $0x200  }
0x5a: {  	_ =	swait.ge [sflag:s19], $0x200  }
0x5b: {  	[sflag:s19] =	ssyncset.done $0x0  }
0x5c: {  	[sflag:s19] =	ssyncadd.s32 $0xFFFFFE00  }
0x5d: {  	[hbm:s14], [sflag:s0] =	dma.local [spmem:s22], $0x200  }
0x5e: {  	_ =	swait.ge [sflag:s19], $0x200  }
0x5f: {  	[sflag:s19] =	ssyncset.done $0x0  }
0x60: {  	[sflag:s19] =	ssyncadd.s32 $0xFFFFFE00  }
0x61: {  	[hbm:s15], [sflag:s0] =	dma.local [spmem:s23], $0x200  }
0x62: {  	_ =	swait.ge [sflag:s19], $0x200  }
0x63: {  	[sflag:s19] =	ssyncset.done $0x0  }
0x64: {  	[sflag:s19] =	ssyncadd.s32 $0xFFFFFE00  }
0x65: {  	[hbm:s16], [sflag:s0] =	dma.local [spmem:s24], $0x200  }
0x66: {  	s29 =	sadd.s32 $0x1, s29;
	_ =	swait.ge [sflag:s19], $0x200  }
0x67: {  	p0 =	sne.s32 s29, s9;
	[sflag:s19] =	ssyncset.done $0x0  }
.Ltmp2:
0x68: {  	[sflag:s19] =	ssyncadd.s32 $0xFFFFFE00;
	(pc) =	sbr.rel @p0 .LBB2_1-.Ltmp2, $4  }
0x69: {  	[hbm:s17], [sflag:s0] =	dma.local [spmem:s25], $0x200  }
0x6a: {  	_ =	swait.ge [sflag:s19], $0x200  }
0x6b: {  	[sflag:s19] =	ssyncset.done $0x0  }
0x6c: {  	[sflag:s19] =	ssyncadd.s32 $0xFFFFFE00  }
0x6d: {  	_ =	sfence.sel $0x180000  }
0x6e: {  	[bflag:$0x0] =	sbarrier.arrive $0xFFFF  }
0x6f: {  	_ =	strace $0x90000056  }
0x70: {  	s0 =	stileid.u32;
	[bflag:$0x2] =	sbarrier.arrive $0xFFFF  }
0x71: {  	p0 =	sne.s32 s0, $0x0;
	s0 =	rddreg [dreg:$0x2]  }
0x72: {  	s0 =	sadd.s32 @!p0 $0x100000, s0  }
0x73: {  	[sflag:s0] =	ssyncadd.tile.s32 @!p0 $0x1;
	_ =	shalt  }
.Lfunc_end2:
_tile_overlayer_lowered:
.L_overlay_start_2:
0x74: {  	(tag) =	ssettag $0x2  }
0x75: {  	s0 =	rddreg [dreg:$0x0];
	s2 =	stileid.u32  }
0x76: {  	s1 =	rddreg [dreg:$0x1];
	p0 =	sne.s32 s2, $0x0  }
0x77: {  	s3 =	rddreg [dreg:$0x2];
	[bflag:$0x3] =	sbarrier.arrive $0xFFFF;
	s2 =	simm.s32 @!p0 $0x1C02  }
0x78: {  	[timem:s3], [sflag:s2] =	dma.local @!p0 [hbm:s0], s1  }
0x79: {  	s0 =	simm.s32 @!p0 $0x2  }
0x7a: {  	_ =	swait.ge @!p0 [sflag:s0], s1  }
0x7b: {  	s1 =	ssub.s32 @!p0 $0x0, s1;
	[sflag:s0] =	ssyncset.done @!p0 $0x0  }
0x7c: {  	[sflag:s0] =	ssyncadd.s32 @!p0 s1  }
0x7d: {  	[bflag:$0x3] =	sbarrier.arrive $0xFFFF  }
0x7e: {  	_ =	shalt  }

</sc_bundles>
